<compile_context>
chip_gen: v7x
topology: tpu7x:2x2x1
jax: 0.10.2.dev20260603
libtpu: 0.0.44.dev20260713+nightly
codegen_flags: <defaults>
</compile_context>

<pallas_src>
import functools

import jax
import jax.numpy as jnp
from jax import lax
from jax.experimental import pallas as pl
from jax.experimental.pallas import tpu as pltpu
from jax.experimental.pallas import tpu_sc as plsc

N = 10000
E = 320000
D = 128

NC = 2
NS = 16
NW = NC * NS
NPAD = 10240
SPT = NPAD // NS
EPW = E // NW
SUB = 80
RPW = EPW // SUB


def _mesh():
    return plsc.VectorSubcoreMesh(
        core_axis_name="c", subcore_axis_name="s", num_cores=NC, num_subcores=NS
    )


def _sc_degrees(ei):

    @functools.partial(
        pl.kernel,
        mesh=_mesh(),
        out_type=(
            jax.ShapeDtypeStruct((NC * NPAD,), jnp.float32),
            jax.ShapeDtypeStruct((NC * NPAD,), jnp.float32),
        ),
        scratch_types=[
            pltpu.VMEM_SHARED((NPAD,), jnp.float32),
            pltpu.VMEM_SHARED((NPAD,), jnp.float32),
            pltpu.VMEM((SUB,), jnp.float32),
            pltpu.VMEM((SUB,), jnp.float32),
            pltpu.VMEM((4 * SUB,), jnp.int32),
            pltpu.VMEM((4 * SUB,), jnp.int32),
            pltpu.VMEM((SPT,), jnp.float32),
            pltpu.SemaphoreType.DMA,
            pltpu.SemaphoreType.DMA,
        ],
    )
    def k(ei_h, dego_h, degi_h, ho_sh, hi_sh, ones_v, zo_v, sq, dq,
          zv, ld_sem, sc_sem):
        c = lax.axis_index("c")
        s = lax.axis_index("s")
        wid = s * NC + c
        ebase = wid * EPW

        def fill1(i, carry):
            ones_v[pl.ds(i * 16, 16)] = jnp.ones((16,), jnp.float32)
            zo_v[pl.ds(i * 16, 16)] = jnp.zeros((16,), jnp.float32)
            return carry

        lax.fori_loop(0, SUB // 16, fill1, 0)

        def fillq(i, carry):
            sq[pl.ds(i * 16, 16)] = jnp.zeros((16,), jnp.int32)
            dq[pl.ds(i * 16, 16)] = jnp.zeros((16,), jnp.int32)
            return carry

        lax.fori_loop(0, (4 * SUB) // 16, fillq, 0)

        def fill0(i, carry):
            zv[pl.ds(i * 16, 16)] = jnp.zeros((16,), jnp.float32)
            return carry

        lax.fori_loop(0, SPT // 16, fill0, 0)

        pltpu.sync_copy(zv, ho_sh.at[pl.ds(s * SPT, SPT)])
        pltpu.sync_copy(zv, hi_sh.at[pl.ds(s * SPT, SPT)])
        plsc.subcore_barrier()

        def q4(t):
            return lax.rem(t, 4) * SUB

        def lbase(t):
            return ebase + jnp.minimum(t, RPW - 1) * SUB

        def issue_loads(t):
            pltpu.async_copy(ei_h.at[pl.ds(lbase(t), SUB)],
                             sq.at[pl.ds(q4(t), SUB)], ld_sem)
            pltpu.async_copy(ei_h.at[pl.ds(E + lbase(t), SUB)],
                             dq.at[pl.ds(q4(t), SUB)], ld_sem)

        def wait_loads(t):
            pltpu.make_async_copy(ei_h.at[pl.ds(lbase(t), SUB)],
                                  sq.at[pl.ds(q4(t), SUB)], ld_sem).wait()
            pltpu.make_async_copy(ei_h.at[pl.ds(E + lbase(t), SUB)],
                                  dq.at[pl.ds(q4(t), SUB)], ld_sem).wait()

        def drain_scatter(t):
            pltpu.make_async_copy(
                ones_v, ho_sh.at[sq.at[pl.ds(q4(t), SUB)]], sc_sem).wait()
            pltpu.make_async_copy(
                ones_v, hi_sh.at[dq.at[pl.ds(q4(t), SUB)]], sc_sem).wait()

        for slot in (2, 3):
            pltpu.async_copy(zo_v, ho_sh.at[sq.at[pl.ds(slot * SUB, SUB)]],
                             sc_sem, add=True)
            pltpu.async_copy(zo_v, hi_sh.at[dq.at[pl.ds(slot * SUB, SUB)]],
                             sc_sem, add=True)
        issue_loads(0)
        issue_loads(1)

        def hbody(bi, carry):
            drain_scatter(bi + 2)
            issue_loads(bi + 2)
            wait_loads(bi)
            qb = q4(bi)
            pltpu.async_copy(ones_v, ho_sh.at[sq.at[pl.ds(qb, SUB)]],
                             sc_sem, add=True)
            pltpu.async_copy(ones_v, hi_sh.at[dq.at[pl.ds(qb, SUB)]],
                             sc_sem, add=True)
            return carry

        lax.fori_loop(0, RPW, hbody, 0)

        for t in (RPW - 2, RPW - 1):
            drain_scatter(t)
        for t in (RPW, RPW + 1):
            wait_loads(t)
        plsc.subcore_barrier()

        for sh, outh in ((ho_sh, dego_h), (hi_sh, degi_h)):
            pltpu.sync_copy(sh.at[pl.ds(s * SPT, SPT)], zv)
            pltpu.sync_copy(zv, outh.at[pl.ds(c * NPAD + s * SPT, SPT)])

    return k(ei)


def _tc_scales(dego_raw, degi_raw):

    def body(a_ref, b_ref, so_ref, si_ref):
        po = a_ref[pl.ds(0, NPAD)] + a_ref[pl.ds(NPAD, NPAD)]
        pi = b_ref[pl.ds(0, NPAD)] + b_ref[pl.ds(NPAD, NPAD)]
        so = lax.rsqrt(jnp.maximum(po, 1.0))
        si = lax.rsqrt(jnp.maximum(pi, 1.0))
        so_ref[...] = jnp.broadcast_to(so[:, None], (NPAD, D))
        si_ref[...] = jnp.broadcast_to(si[:, None], (NPAD, D))

    return pl.pallas_call(
        body,
        out_shape=(
            jax.ShapeDtypeStruct((NPAD, D), jnp.float32),
            jax.ShapeDtypeStruct((NPAD, D), jnp.float32),
        ),
    )(dego_raw, degi_raw)


def _tc_hscale(h, so2d):
    BR = 1000

    def body(h_ref, s_ref, o_ref):
        o_ref[...] = h_ref[...] * s_ref[...]

    return pl.pallas_call(
        body,
        grid=(N // BR,),
        in_specs=[
            pl.BlockSpec((BR, D), lambda i: (i, 0)),
            pl.BlockSpec((BR, D), lambda i: (i, 0)),
        ],
        out_specs=pl.BlockSpec((BR, D), lambda i: (i, 0)),
        out_shape=jax.ShapeDtypeStruct((N, D), jnp.float32),
    )(h, so2d)


def _tc_matmul(x, W):
    BR = 1000

    def body(x_ref, w_ref, h_ref):
        h_ref[...] = jnp.dot(
            x_ref[...], w_ref[...], preferred_element_type=jnp.float32
        )

    return pl.pallas_call(
        body,
        grid=(N // BR,),
        in_specs=[
            pl.BlockSpec((BR, D), lambda i: (i, 0)),
            pl.BlockSpec((D, D), lambda i: (0, 0)),
        ],
        out_specs=pl.BlockSpec((BR, D), lambda i: (i, 0)),
        out_shape=jax.ShapeDtypeStruct((N, D), jnp.float32),
    )(x, W)


def _sc_gather_scatter(h, ei, w):

    @functools.partial(
        pl.kernel,
        mesh=_mesh(),
        out_type=jax.ShapeDtypeStruct((NC, NPAD, D), jnp.float32),
        scratch_types=[
            pltpu.VMEM_SHARED((NPAD, D), jnp.float32),
            pltpu.VMEM((3 * SUB, D), jnp.float32),
            pltpu.VMEM((4 * SUB,), jnp.int32),
            pltpu.VMEM((4 * SUB,), jnp.int32),
            pltpu.VMEM((4 * SUB,), jnp.float32),
            pltpu.VMEM((SUB, D), jnp.float32),
            pltpu.SemaphoreType.DMA,
            pltpu.SemaphoreType.DMA,
            pltpu.SemaphoreType.DMA,
        ],
    )
    def k(h_h, ei_h, w_h, out_h,
          acc_sh, rows_v, sq, dq, wq, zv, ld_sem, g_sem, sc_sem):
        c = lax.axis_index("c")
        s = lax.axis_index("s")
        wid = s * NC + c
        ebase = wid * EPW

        def fillz(i, carry):
            for cc in range(8):
                zv[i, pl.ds(cc * 16, 16)] = jnp.zeros((16,), jnp.float32)
            return carry

        lax.fori_loop(0, SUB, fillz, 0)

        def fillq(i, carry):
            sq[pl.ds(i * 16, 16)] = jnp.zeros((16,), jnp.int32)
            dq[pl.ds(i * 16, 16)] = jnp.zeros((16,), jnp.int32)
            return carry

        lax.fori_loop(0, (4 * SUB) // 16, fillq, 0)

        zs = [
            pltpu.async_copy(zv, acc_sh.at[pl.ds(s * SPT + j * SUB, SUB)],
                             ld_sem)
            for j in range(SPT // SUB)
        ]
        for z in zs:
            z.wait()
        plsc.subcore_barrier()

        def q4(t):
            return lax.rem(t, 4) * SUB

        def r3(t):
            return lax.rem(t, 3) * SUB

        def lbase(t):
            return ebase + jnp.minimum(t, RPW - 1) * SUB

        def issue_loads(t):
            pltpu.async_copy(ei_h.at[pl.ds(lbase(t), SUB)],
                             sq.at[pl.ds(q4(t), SUB)], ld_sem)
            pltpu.async_copy(ei_h.at[pl.ds(E + lbase(t), SUB)],
                             dq.at[pl.ds(q4(t), SUB)], ld_sem)
            pltpu.async_copy(w_h.at[pl.ds(lbase(t), SUB)],
                             wq.at[pl.ds(q4(t), SUB)], ld_sem)

        def wait_loads(t):
            pltpu.make_async_copy(ei_h.at[pl.ds(lbase(t), SUB)],
                                  sq.at[pl.ds(q4(t), SUB)], ld_sem).wait()
            pltpu.make_async_copy(ei_h.at[pl.ds(E + lbase(t), SUB)],
                                  dq.at[pl.ds(q4(t), SUB)], ld_sem).wait()
            pltpu.make_async_copy(w_h.at[pl.ds(lbase(t), SUB)],
                                  wq.at[pl.ds(q4(t), SUB)], ld_sem).wait()

        def issue_gather(t):
            pltpu.async_copy(h_h.at[sq.at[pl.ds(q4(t), SUB)]],
                             rows_v.at[pl.ds(r3(t), SUB)], g_sem)

        def wait_gather(t):
            pltpu.make_async_copy(h_h.at[sq.at[pl.ds(q4(t), SUB)]],
                                  rows_v.at[pl.ds(r3(t), SUB)], g_sem).wait()

        def wait_scatter(t):
            pltpu.make_async_copy(
                rows_v.at[pl.ds(r3(t), SUB)],
                acc_sh.at[dq.at[pl.ds(q4(t), SUB)]], sc_sem).wait()

        for slot in (2, 3):
            pltpu.async_copy(zv, acc_sh.at[dq.at[pl.ds(slot * SUB, SUB)]],
                             sc_sem, add=True)
        issue_loads(0)
        issue_loads(1)
        wait_loads(0)
        issue_gather(0)

        dnums = lax.GatherDimensionNumbers(
            offset_dims=(), collapsed_slice_dims=(0,), start_index_map=(0,)
        )

        def body(bi, carry):
            pltpu.make_async_copy(
                rows_v.at[pl.ds(r3(bi + 1), SUB)],
                acc_sh.at[dq.at[pl.ds(q4(bi + 2), SUB)]],
                sc_sem).wait()
            wait_loads(bi + 1)
            issue_gather(bi + 1)
            issue_loads(bi + 2)
            wait_gather(bi)
            rb = r3(bi)
            qb = q4(bi)

            def mul(g, carry2):
                wchunk = wq[pl.ds(qb + g * 16, 16)]
                for lane in range(16):
                    wv = lax.gather(
                        wchunk,
                        jnp.full((16, 1), lane, jnp.int32),
                        dnums,
                        (1,),
                        mode=lax.GatherScatterMode.PROMISE_IN_BOUNDS,
                    )
                    jj = rb + g * 16 + lane
                    for cc in range(8):
                        sl = pl.ds(cc * 16, 16)
                        rows_v[jj, sl] = rows_v[jj, sl] * wv
                return carry2

            lax.fori_loop(0, SUB // 16, mul, 0)

            pltpu.async_copy(rows_v.at[pl.ds(rb, SUB)],
                             acc_sh.at[dq.at[pl.ds(qb, SUB)]],
                             sc_sem, add=True)
            return carry

        lax.fori_loop(0, RPW, body, 0)

        for t in (RPW - 2, RPW - 1):
            wait_scatter(t)
        wait_gather(RPW)
        wait_loads(RPW + 1)
        plsc.subcore_barrier()
        for j in range(SPT // 160):
            pltpu.sync_copy(
                acc_sh.at[pl.ds(s * SPT + j * 160, 160)],
                rows_v.at[pl.ds(0, 160)],
            )
            pltpu.sync_copy(
                rows_v.at[pl.ds(0, 160)],
                out_h.at[c, pl.ds(s * SPT + j * 160, 160)],
            )

    return k(h, ei, w)


def _tc_combine(p, si2d, b2):
    BR = 1000

    def body(p_ref, s_ref, b_ref, o_ref):
        o_ref[...] = (p_ref[0] + p_ref[1]) * s_ref[...] + b_ref[...]

    return pl.pallas_call(
        body,
        grid=(N // BR,),
        in_specs=[
            pl.BlockSpec((2, BR, D), lambda i: (0, i, 0)),
            pl.BlockSpec((BR, D), lambda i: (i, 0)),
            pl.BlockSpec((1, D), lambda i: (0, 0)),
        ],
        out_specs=pl.BlockSpec((BR, D), lambda i: (i, 0)),
        out_shape=jax.ShapeDtypeStruct((N, D), jnp.float32),
    )(p, si2d, b2)


def kernel(x, edge_index, edge_weight, W, b):
    ei = edge_index.astype(jnp.int32).reshape(2 * E)
    w = edge_weight.astype(jnp.float32)

    h0 = _tc_matmul(x, W)
    dego_raw, degi_raw = _sc_degrees(ei)
    so2d, si2d = _tc_scales(dego_raw, degi_raw)
    h = _tc_hscale(h0, so2d)
    partials = _sc_gather_scatter(h, ei, w)
    out = _tc_combine(partials, si2d, b.reshape(1, D))
    return out

# --- scband reference (transcript-rebuilt; emitter-appended) ---
"""Pipeline reference for scband-egatnode-conv-66383014527134 (READ-ONLY COPY).

The authoritative reference and input builder live on the scoring server;
editing this copy changes nothing except your own understanding.
"""

import jax, jax.numpy as jnp
import numpy as np

N = 10000
E = 320000
D_IN = 128
D_OUT = 128


def setup_inputs(seed: int = 0) -> dict:
    key = jax.random.key(seed)
    k1, k2, k3, k4 = jax.random.split(key, 4)
    x = jax.random.normal(k1, (N, D_IN), dtype=jnp.float32)
    edge_index = jax.random.randint(k2, (2, E), 0, N).astype(jnp.int64)
    edge_weight = jax.random.uniform(k3, (E,), dtype=jnp.float32)
    # GraphConv learned parameters (weight + bias)
    W = jax.random.normal(k4, (D_IN, D_OUT), dtype=jnp.float32) / np.sqrt(D_IN)
    b = jnp.zeros((D_OUT,), dtype=jnp.float32)
    return {"x": x, "edge_index": edge_index, "edge_weight": edge_weight, "W": W, "b": b}


def reference(x, edge_index, edge_weight, W, b):
    # DGL GraphConv with norm='both', weight=True, bias=True, edge_weight provided.
    src = edge_index[0]
    dst = edge_index[1]
    # symmetric normalization: scale sources by out-degree^-0.5 (clamped to >=1)
    deg_out = jnp.maximum(jnp.bincount(src, length=N).astype(x.dtype), 1.0)
    x_n = x * (deg_out ** -0.5)[:, None]
    # in_feats <= out_feats: multiply by W first, then aggregate
    h = x_n @ W
    # message: u_mul_e (source feature times per-edge scalar weight)
    m = h[src] * edge_weight[:, None]
    # scatter-add into destination nodes
    agg = jnp.zeros((N, D_OUT), dtype=h.dtype).at[dst].add(m)
    # scale destinations by in-degree^-0.5 (clamped to >=1)
    deg_in = jnp.maximum(jnp.bincount(dst, length=N).astype(x.dtype), 1.0)
    out = agg * (deg_in ** -0.5)[:, None] + b
    return out

if __name__ == "__main__":
    import jax
    _d = setup_inputs()
    print(jax.jit(kernel)(*tuple(_d.values())))

</pallas_src>

<mosaic_0001>
#map = affine_map<(d0, d1) -> (0, 0)>
#map1 = affine_map<(d0, d1) -> (0)>
#map2 = affine_map<(d0, d1) -> (0, 0, 0)>
module attributes {stable_mosaic.version = 14 : i64} {
  func.func @k(%arg0: i32, %arg1: i32, %arg2: memref<10000x128xf32, #tpu.memory_space<hbm>>, %arg3: memref<640000xi32, #tpu.memory_space<hbm>>, %arg4: memref<320000xf32, #tpu.memory_space<hbm>>, %arg5: memref<2x10240x128xf32, #tpu.memory_space<hbm>>, %arg6: memref<10240x128xf32, #tpu.memory_space<vmem_shared>>, %arg7: memref<240x128xf32, #tpu.memory_space<vmem>>, %arg8: memref<320xi32, #tpu.memory_space<vmem>>, %arg9: memref<320xi32, #tpu.memory_space<vmem>>, %arg10: memref<320xf32, #tpu.memory_space<vmem>>, %arg11: memref<80x128xf32, #tpu.memory_space<vmem>>, %arg12: memref<!tpu.dma_semaphore, #tpu.memory_space<semaphore_mem>>, %arg13: memref<!tpu.dma_semaphore, #tpu.memory_space<semaphore_mem>>, %arg14: memref<!tpu.dma_semaphore, #tpu.memory_space<semaphore_mem>>) attributes {dimension_semantics = [#tpu.dimension_semantics<core_parallel>, #tpu.dimension_semantics<subcore_parallel>], iteration_bounds = array<i64: 2, 16>, scalar_prefetch = 0 : i64, scratch_operands = 9 : i64, tpu.core_type = #tpu.core_type<sc_vector_subcore>, window_params = [{transform_indices = #map}, {transform_indices = #map1}, {transform_indices = #map1}, {transform_indices = #map2}]} {
    %mul3A = arith.constant 2 : i32
    %mul3A_0 = arith.muli %arg1, %mul3A : i32
    %add3A = arith.addi %mul3A_0, %arg0 : i32
    %mul3A_1 = arith.constant 10000 : i32
    %mul3A_2 = arith.muli %add3A, %mul3A_1 : i32
    %scan3A = arith.constant 0 : i32
    %scan3A_3 = arith.constant 0 : i32
    %scan3A_4 = arith.constant 80 : i32
    %scan3A_5 = arith.addi %scan3A_3, %scan3A_4 : i32
    %scan3A_6 = arith.constant 1 : i32
    scf.for %scan3A_407 = %scan3A_3 to %scan3A_5 step %scan3A_6  : i32 {
      %broadcast_in_dim3A = arith.constant 0.000000e+00 : f32
      %broadcast_in_dim3A_408 = vector.broadcast %broadcast_in_dim3A : f32 to vector<16xf32>
      %swap3A = arith.index_cast %scan3A_407 : i32 to index
      %swap3A_409 = arith.constant 0 : index
      %swap3A_410 = tpu.vector_load %arg11[%swap3A, %swap3A_409] {strides = array<i32>} : memref<80x128xf32, #tpu.memory_space<vmem>>, vector<1x16xf32>,
      %swap3A_411 = vector.shape_cast %swap3A_410 : vector<1x16xf32> to vector<16xf32>
      %swap3A_412 = vector.shape_cast %broadcast_in_dim3A_408 : vector<16xf32> to vector<1x16xf32>
      tpu.vector_store %arg11[%swap3A, %swap3A_409], %swap3A_412 {strides = array<i32>} : memref<80x128xf32, #tpu.memory_space<vmem>>, vector<1x16xf32>,
      %broadcast_in_dim3A_413 = arith.constant 0.000000e+00 : f32
      %broadcast_in_dim3A_414 = vector.broadcast %broadcast_in_dim3A_413 : f32 to vector<16xf32>
      %swap3A_415 = arith.index_cast %scan3A_407 : i32 to index
      %swap3A_416 = arith.constant 16 : index
      %swap3A_417 = tpu.vector_load %arg11[%swap3A_415, %swap3A_416] {strides = array<i32>} : memref<80x128xf32, #tpu.memory_space<vmem>>, vector<1x16xf32>,
      %swap3A_418 = vector.shape_cast %swap3A_417 : vector<1x16xf32> to vector<16xf32>
      %swap3A_419 = vector.shape_cast %broadcast_in_dim3A_414 : vector<16xf32> to vector<1x16xf32>
      tpu.vector_store %arg11[%swap3A_415, %swap3A_416], %swap3A_419 {strides = array<i32>} : memref<80x128xf32, #tpu.memory_space<vmem>>, vector<1x16xf32>,
      %broadcast_in_dim3A_420 = arith.constant 0.000000e+00 : f32
      %broadcast_in_dim3A_421 = vector.broadcast %broadcast_in_dim3A_420 : f32 to vector<16xf32>
      %swap3A_422 = arith.index_cast %scan3A_407 : i32 to index
      %swap3A_423 = arith.constant 32 : index
      %swap3A_424 = tpu.vector_load %arg11[%swap3A_422, %swap3A_423] {strides = array<i32>} : memref<80x128xf32, #tpu.memory_space<vmem>>, vector<1x16xf32>,
      %swap3A_425 = vector.shape_cast %swap3A_424 : vector<1x16xf32> to vector<16xf32>
      %swap3A_426 = vector.shape_cast %broadcast_in_dim3A_421 : vector<16xf32> to vector<1x16xf32>
      tpu.vector_store %arg11[%swap3A_422, %swap3A_423], %swap3A_426 {strides = array<i32>} : memref<80x128xf32, #tpu.memory_space<vmem>>, vector<1x16xf32>,
      %broadcast_in_dim3A_427 = arith.constant 0.000000e+00 : f32
      %broadcast_in_dim3A_428 = vector.broadcast %broadcast_in_dim3A_427 : f32 to vector<16xf32>
      %swap3A_429 = arith.index_cast %scan3A_407 : i32 to index
      %swap3A_430 = arith.constant 48 : index
      %swap3A_431 = tpu.vector_load %arg11[%swap3A_429, %swap3A_430] {strides = array<i32>} : memref<80x128xf32, #tpu.memory_space<vmem>>, vector<1x16xf32>,
      %swap3A_432 = vector.shape_cast %swap3A_431 : vector<1x16xf32> to vector<16xf32>
      %swap3A_433 = vector.shape_cast %broadcast_in_dim3A_428 : vector<16xf32> to vector<1x16xf32>
      tpu.vector_store %arg11[%swap3A_429, %swap3A_430], %swap3A_433 {strides = array<i32>} : memref<80x128xf32, #tpu.memory_space<vmem>>, vector<1x16xf32>,
      %broadcast_in_dim3A_434 = arith.constant 0.000000e+00 : f32
      %broadcast_in_dim3A_435 = vector.broadcast %broadcast_in_dim3A_434 : f32 to vector<16xf32>
      %swap3A_436 = arith.index_cast %scan3A_407 : i32 to index
      %swap3A_437 = arith.constant 64 : index
      %swap3A_438 = tpu.vector_load %arg11[%swap3A_436, %swap3A_437] {strides = array<i32>} : memref<80x128xf32, #tpu.memory_space<vmem>>, vector<1x16xf32>,
      %swap3A_439 = vector.shape_cast %swap3A_438 : vector<1x16xf32> to vector<16xf32>
      %swap3A_440 = vector.shape_cast %broadcast_in_dim3A_435 : vector<16xf32> to vector<1x16xf32>
      tpu.vector_store %arg11[%swap3A_436, %swap3A_437], %swap3A_440 {strides = array<i32>} : memref<80x128xf32, #tpu.memory_space<vmem>>, vector<1x16xf32>,
      %broadcast_in_dim3A_441 = arith.constant 0.000000e+00 : f32
      %broadcast_in_dim3A_442 = vector.broadcast %broadcast_in_dim3A_441 : f32 to vector<16xf32>
      %swap3A_443 = arith.index_cast %scan3A_407 : i32 to index
      %swap3A_444 = arith.constant 80 : index
      %swap3A_445 = tpu.vector_load %arg11[%swap3A_443, %swap3A_444] {strides = array<i32>} : memref<80x128xf32, #tpu.memory_space<vmem>>, vector<1x16xf32>,
      %swap3A_446 = vector.shape_cast %swap3A_445 : vector<1x16xf32> to vector<16xf32>
      %swap3A_447 = vector.shape_cast %broadcast_in_dim3A_442 : vector<16xf32> to vector<1x16xf32>
      tpu.vector_store %arg11[%swap3A_443, %swap3A_444], %swap3A_447 {strides = array<i32>} : memref<80x128xf32, #tpu.memory_space<vmem>>, vector<1x16xf32>,
      %broadcast_in_dim3A_448 = arith.constant 0.000000e+00 : f32
      %broadcast_in_dim3A_449 = vector.broadcast %broadcast_in_dim3A_448 : f32 to vector<16xf32>
      %swap3A_450 = arith.index_cast %scan3A_407 : i32 to index
      %swap3A_451 = arith.constant 96 : index
      %swap3A_452 = tpu.vector_load %arg11[%swap3A_450, %swap3A_451] {strides = array<i32>} : memref<80x128xf32, #tpu.memory_space<vmem>>, vector<1x16xf32>,
      %swap3A_453 = vector.shape_cast %swap3A_452 : vector<1x16xf32> to vector<16xf32>
      %swap3A_454 = vector.shape_cast %broadcast_in_dim3A_449 : vector<16xf32> to vector<1x16xf32>
      tpu.vector_store %arg11[%swap3A_450, %swap3A_451], %swap3A_454 {strides = array<i32>} : memref<80x128xf32, #tpu.memory_space<vmem>>, vector<1x16xf32>,
      %broadcast_in_dim3A_455 = arith.constant 0.000000e+00 : f32
      %broadcast_in_dim3A_456 = vector.broadcast %broadcast_in_dim3A_455 : f32 to vector<16xf32>
      %swap3A_457 = arith.index_cast %scan3A_407 : i32 to index
      %swap3A_458 = arith.constant 112 : index
      %swap3A_459 = tpu.vector_load %arg11[%swap3A_457, %swap3A_458] {strides = array<i32>} : memref<80x128xf32, #tpu.memory_space<vmem>>, vector<1x16xf32>,
      %swap3A_460 = vector.shape_cast %swap3A_459 : vector<1x16xf32> to vector<16xf32>
      %swap3A_461 = vector.shape_cast %broadcast_in_dim3A_456 : vector<16xf32> to vector<1x16xf32>
      tpu.vector_store %arg11[%swap3A_457, %swap3A_458], %swap3A_461 {strides = array<i32>} : memref<80x128xf32, #tpu.memory_space<vmem>>, vector<1x16xf32>,
    }
    %scan3A_7 = arith.constant 80 : i32
    %scan3A_8 = arith.constant 0 : i32
    %scan3A_9 = arith.constant 0 : i32
    %scan3A_10 = arith.constant 20 : i32
    %scan3A_11 = arith.addi %scan3A_9, %scan3A_10 : i32
    %scan3A_12 = arith.constant 1 : i32
    scf.for %scan3A_407 = %scan3A_9 to %scan3A_11 step %scan3A_12  : i32 {
      %broadcast_in_dim3A = arith.constant 0 : i32
      %broadcast_in_dim3A_408 = vector.broadcast %broadcast_in_dim3A : i32 to vector<16xi32>
      %mul3A_409 = arith.constant 16 : i32
      %mul3A_410 = arith.muli %scan3A_407, %mul3A_409 : i32
      %swap3A = arith.index_cast %mul3A_410 : i32 to index
      %swap3A_411 = tpu.vector_load %arg8[%swap3A] {strides = array<i32>} : memref<320xi32, #tpu.memory_space<vmem>>, vector<16xi32>,
      %swap3A_412 = vector.shape_cast %swap3A_411 : vector<16xi32> to vector<16xi32>
      %swap3A_413 = vector.shape_cast %broadcast_in_dim3A_408 : vector<16xi32> to vector<16xi32>
      tpu.vector_store %arg8[%swap3A], %swap3A_413 {strides = array<i32>} : memref<320xi32, #tpu.memory_space<vmem>>, vector<16xi32>,
      %broadcast_in_dim3A_414 = arith.constant 0 : i32
      %broadcast_in_dim3A_415 = vector.broadcast %broadcast_in_dim3A_414 : i32 to vector<16xi32>
      %mul3A_416 = arith.constant 16 : i32
      %mul3A_417 = arith.muli %scan3A_407, %mul3A_416 : i32
      %swap3A_418 = arith.index_cast %mul3A_417 : i32 to index
      %swap3A_419 = tpu.vector_load %arg9[%swap3A_418] {strides = array<i32>} : memref<320xi32, #tpu.memory_space<vmem>>, vector<16xi32>,
      %swap3A_420 = vector.shape_cast %swap3A_419 : vector<16xi32> to vector<16xi32>
      %swap3A_421 = vector.shape_cast %broadcast_in_dim3A_415 : vector<16xi32> to vector<16xi32>
      tpu.vector_store %arg9[%swap3A_418], %swap3A_421 {strides = array<i32>} : memref<320xi32, #tpu.memory_space<vmem>>, vector<16xi32>,
    }
    %scan3A_13 = arith.constant 20 : i32
    %mul3A_14 = arith.constant 640 : i32
    %mul3A_15 = arith.muli %arg1, %mul3A_14 : i32
    %add3A_16 = arith.constant 0 : i32
    %add3A_17 = arith.addi %mul3A_15, %add3A_16 : i32
    %dma_start3A = arith.constant 0 : i32
    %dma_start3A_18 = tpu.memref_slice %arg6[%add3A_17, %dma_start3A] : memref<10240x128xf32, #tpu.memory_space<vmem_shared>> -> memref<80x128xf32, #tpu.memory_space<vmem_shared>>
    %dma_start3A_19 = arith.constant 0 : i32
    %dma_start3A_20 = tpu.memref_slice %arg6[%add3A_17, %dma_start3A_19] : memref<10240x128xf32, #tpu.memory_space<vmem_shared>> -> memref<80x128xf32, #tpu.memory_space<vmem_shared>>
    tpu.enqueue_dma source(%arg11 : memref<80x128xf32, #tpu.memory_space<vmem>>) target(%dma_start3A_20 : memref<80x128xf32, #tpu.memory_space<vmem_shared>>) target_semaphore(%arg12 : memref<!tpu.dma_semaphore, #tpu.memory_space<semaphore_mem>>)
    %mul3A_21 = arith.constant 640 : i32
    %mul3A_22 = arith.muli %arg1, %mul3A_21 : i32
    %add3A_23 = arith.constant 80 : i32
    %add3A_24 = arith.addi %mul3A_22, %add3A_23 : i32
    %dma_start3A_25 = arith.constant 0 : i32
    %dma_start3A_26 = tpu.memref_slice %arg6[%add3A_24, %dma_start3A_25] : memref<10240x128xf32, #tpu.memory_space<vmem_shared>> -> memref<80x128xf32, #tpu.memory_space<vmem_shared>>
    %dma_start3A_27 = arith.constant 0 : i32
    %dma_start3A_28 = tpu.memref_slice %arg6[%add3A_24, %dma_start3A_27] : memref<10240x128xf32, #tpu.memory_space<vmem_shared>> -> memref<80x128xf32, #tpu.memory_space<vmem_shared>>
    tpu.enqueue_dma source(%arg11 : memref<80x128xf32, #tpu.memory_space<vmem>>) target(%dma_start3A_28 : memref<80x128xf32, #tpu.memory_space<vmem_shared>>) target_semaphore(%arg12 : memref<!tpu.dma_semaphore, #tpu.memory_space<semaphore_mem>>)
    %mul3A_29 = arith.constant 640 : i32
    %mul3A_30 = arith.muli %arg1, %mul3A_29 : i32
    %add3A_31 = arith.constant 160 : i32
    %add3A_32 = arith.addi %mul3A_30, %add3A_31 : i32
    %dma_start3A_33 = arith.constant 0 : i32
    %dma_start3A_34 = tpu.memref_slice %arg6[%add3A_32, %dma_start3A_33] : memref<10240x128xf32, #tpu.memory_space<vmem_shared>> -> memref<80x128xf32, #tpu.memory_space<vmem_shared>>
    %dma_start3A_35 = arith.constant 0 : i32
    %dma_start3A_36 = tpu.memref_slice %arg6[%add3A_32, %dma_start3A_35] : memref<10240x128xf32, #tpu.memory_space<vmem_shared>> -> memref<80x128xf32, #tpu.memory_space<vmem_shared>>
    tpu.enqueue_dma source(%arg11 : memref<80x128xf32, #tpu.memory_space<vmem>>) target(%dma_start3A_36 : memref<80x128xf32, #tpu.memory_space<vmem_shared>>) target_semaphore(%arg12 : memref<!tpu.dma_semaphore, #tpu.memory_space<semaphore_mem>>)
    %mul3A_37 = arith.constant 640 : i32
    %mul3A_38 = arith.muli %arg1, %mul3A_37 : i32
    %add3A_39 = arith.constant 240 : i32
    %add3A_40 = arith.addi %mul3A_38, %add3A_39 : i32
    %dma_start3A_41 = arith.constant 0 : i32
    %dma_start3A_42 = tpu.memref_slice %arg6[%add3A_40, %dma_start3A_41] : memref<10240x128xf32, #tpu.memory_space<vmem_shared>> -> memref<80x128xf32, #tpu.memory_space<vmem_shared>>
    %dma_start3A_43 = arith.constant 0 : i32
    %dma_start3A_44 = tpu.memref_slice %arg6[%add3A_40, %dma_start3A_43] : memref<10240x128xf32, #tpu.memory_space<vmem_shared>> -> memref<80x128xf32, #tpu.memory_space<vmem_shared>>
    tpu.enqueue_dma source(%arg11 : memref<80x128xf32, #tpu.memory_space<vmem>>) target(%dma_start3A_44 : memref<80x128xf32, #tpu.memory_space<vmem_shared>>) target_semaphore(%arg12 : memref<!tpu.dma_semaphore, #tpu.memory_space<semaphore_mem>>)
    %mul3A_45 = arith.constant 640 : i32
    %mul3A_46 = arith.muli %arg1, %mul3A_45 : i32
    %add3A_47 = arith.constant 320 : i32
    %add3A_48 = arith.addi %mul3A_46, %add3A_47 : i32
    %dma_start3A_49 = arith.constant 0 : i32
    %dma_start3A_50 = tpu.memref_slice %arg6[%add3A_48, %dma_start3A_49] : memref<10240x128xf32, #tpu.memory_space<vmem_shared>> -> memref<80x128xf32, #tpu.memory_space<vmem_shared>>
    %dma_start3A_51 = arith.constant 0 : i32
    %dma_start3A_52 = tpu.memref_slice %arg6[%add3A_48, %dma_start3A_51] : memref<10240x128xf32, #tpu.memory_space<vmem_shared>> -> memref<80x128xf32, #tpu.memory_space<vmem_shared>>
    tpu.enqueue_dma source(%arg11 : memref<80x128xf32, #tpu.memory_space<vmem>>) target(%dma_start3A_52 : memref<80x128xf32, #tpu.memory_space<vmem_shared>>) target_semaphore(%arg12 : memref<!tpu.dma_semaphore, #tpu.memory_space<semaphore_mem>>)
    %mul3A_53 = arith.constant 640 : i32
    %mul3A_54 = arith.muli %arg1, %mul3A_53 : i32
    %add3A_55 = arith.constant 400 : i32
    %add3A_56 = arith.addi %mul3A_54, %add3A_55 : i32
    %dma_start3A_57 = arith.constant 0 : i32
    %dma_start3A_58 = tpu.memref_slice %arg6[%add3A_56, %dma_start3A_57] : memref<10240x128xf32, #tpu.memory_space<vmem_shared>> -> memref<80x128xf32, #tpu.memory_space<vmem_shared>>
    %dma_start3A_59 = arith.constant 0 : i32
    %dma_start3A_60 = tpu.memref_slice %arg6[%add3A_56, %dma_start3A_59] : memref<10240x128xf32, #tpu.memory_space<vmem_shared>> -> memref<80x128xf32, #tpu.memory_space<vmem_shared>>
    tpu.enqueue_dma source(%arg11 : memref<80x128xf32, #tpu.memory_space<vmem>>) target(%dma_start3A_60 : memref<80x128xf32, #tpu.memory_space<vmem_shared>>) target_semaphore(%arg12 : memref<!tpu.dma_semaphore, #tpu.memory_space<semaphore_mem>>)
    %mul3A_61 = arith.constant 640 : i32
    %mul3A_62 = arith.muli %arg1, %mul3A_61 : i32
    %add3A_63 = arith.constant 480 : i32
    %add3A_64 = arith.addi %mul3A_62, %add3A_63 : i32
    %dma_start3A_65 = arith.constant 0 : i32
    %dma_start3A_66 = tpu.memref_slice %arg6[%add3A_64, %dma_start3A_65] : memref<10240x128xf32, #tpu.memory_space<vmem_shared>> -> memref<80x128xf32, #tpu.memory_space<vmem_shared>>
    %dma_start3A_67 = arith.constant 0 : i32
    %dma_start3A_68 = tpu.memref_slice %arg6[%add3A_64, %dma_start3A_67] : memref<10240x128xf32, #tpu.memory_space<vmem_shared>> -> memref<80x128xf32, #tpu.memory_space<vmem_shared>>
    tpu.enqueue_dma source(%arg11 : memref<80x128xf32, #tpu.memory_space<vmem>>) target(%dma_start3A_68 : memref<80x128xf32, #tpu.memory_space<vmem_shared>>) target_semaphore(%arg12 : memref<!tpu.dma_semaphore, #tpu.memory_space<semaphore_mem>>)
    %mul3A_69 = arith.constant 640 : i32
    %mul3A_70 = arith.muli %arg1, %mul3A_69 : i32
    %add3A_71 = arith.constant 560 : i32
    %add3A_72 = arith.addi %mul3A_70, %add3A_71 : i32
    %dma_start3A_73 = arith.constant 0 : i32
    %dma_start3A_74 = tpu.memref_slice %arg6[%add3A_72, %dma_start3A_73] : memref<10240x128xf32, #tpu.memory_space<vmem_shared>> -> memref<80x128xf32, #tpu.memory_space<vmem_shared>>
    %dma_start3A_75 = arith.constant 0 : i32
    %dma_start3A_76 = tpu.memref_slice %arg6[%add3A_72, %dma_start3A_75] : memref<10240x128xf32, #tpu.memory_space<vmem_shared>> -> memref<80x128xf32, #tpu.memory_space<vmem_shared>>
    tpu.enqueue_dma source(%arg11 : memref<80x128xf32, #tpu.memory_space<vmem>>) target(%dma_start3A_76 : memref<80x128xf32, #tpu.memory_space<vmem_shared>>) target_semaphore(%arg12 : memref<!tpu.dma_semaphore, #tpu.memory_space<semaphore_mem>>)
    %dma_wait3A = arith.constant 0 : i32
    %dma_wait3A_77 = tpu.memref_slice %arg6[%add3A_17, %dma_wait3A] : memref<10240x128xf32, #tpu.memory_space<vmem_shared>> -> memref<80x128xf32, #tpu.memory_space<vmem_shared>>
    %dma_wait3A_78 = arith.constant 0 : i32
    %dma_wait3A_79 = tpu.memref_slice %arg6[%add3A_17, %dma_wait3A_78] : memref<10240x128xf32, #tpu.memory_space<vmem_shared>> -> memref<80x128xf32, #tpu.memory_space<vmem_shared>>
    tpu.wait_dma2 semaphore(%arg12 : memref<!tpu.dma_semaphore, #tpu.memory_space<semaphore_mem>>) src(%arg11 : memref<80x128xf32, #tpu.memory_space<vmem>>) dst(%dma_wait3A_79 : memref<80x128xf32, #tpu.memory_space<vmem_shared>>)
    %dma_wait3A_80 = arith.constant 0 : i32
    %dma_wait3A_81 = tpu.memref_slice %arg6[%add3A_24, %dma_wait3A_80] : memref<10240x128xf32, #tpu.memory_space<vmem_shared>> -> memref<80x128xf32, #tpu.memory_space<vmem_shared>>
    %dma_wait3A_82 = arith.constant 0 : i32
    %dma_wait3A_83 = tpu.memref_slice %arg6[%add3A_24, %dma_wait3A_82] : memref<10240x128xf32, #tpu.memory_space<vmem_shared>> -> memref<80x128xf32, #tpu.memory_space<vmem_shared>>
    tpu.wait_dma2 semaphore(%arg12 : memref<!tpu.dma_semaphore, #tpu.memory_space<semaphore_mem>>) src(%arg11 : memref<80x128xf32, #tpu.memory_space<vmem>>) dst(%dma_wait3A_83 : memref<80x128xf32, #tpu.memory_space<vmem_shared>>)
    %dma_wait3A_84 = arith.constant 0 : i32
    %dma_wait3A_85 = tpu.memref_slice %arg6[%add3A_32, %dma_wait3A_84] : memref<10240x128xf32, #tpu.memory_space<vmem_shared>> -> memref<80x128xf32, #tpu.memory_space<vmem_shared>>
    %dma_wait3A_86 = arith.constant 0 : i32
    %dma_wait3A_87 = tpu.memref_slice %arg6[%add3A_32, %dma_wait3A_86] : memref<10240x128xf32, #tpu.memory_space<vmem_shared>> -> memref<80x128xf32, #tpu.memory_space<vmem_shared>>
    tpu.wait_dma2 semaphore(%arg12 : memref<!tpu.dma_semaphore, #tpu.memory_space<semaphore_mem>>) src(%arg11 : memref<80x128xf32, #tpu.memory_space<vmem>>) dst(%dma_wait3A_87 : memref<80x128xf32, #tpu.memory_space<vmem_shared>>)
    %dma_wait3A_88 = arith.constant 0 : i32
    %dma_wait3A_89 = tpu.memref_slice %arg6[%add3A_40, %dma_wait3A_88] : memref<10240x128xf32, #tpu.memory_space<vmem_shared>> -> memref<80x128xf32, #tpu.memory_space<vmem_shared>>
    %dma_wait3A_90 = arith.constant 0 : i32
    %dma_wait3A_91 = tpu.memref_slice %arg6[%add3A_40, %dma_wait3A_90] : memref<10240x128xf32, #tpu.memory_space<vmem_shared>> -> memref<80x128xf32, #tpu.memory_space<vmem_shared>>
    tpu.wait_dma2 semaphore(%arg12 : memref<!tpu.dma_semaphore, #tpu.memory_space<semaphore_mem>>) src(%arg11 : memref<80x128xf32, #tpu.memory_space<vmem>>) dst(%dma_wait3A_91 : memref<80x128xf32, #tpu.memory_space<vmem_shared>>)
    %dma_wait3A_92 = arith.constant 0 : i32
    %dma_wait3A_93 = tpu.memref_slice %arg6[%add3A_48, %dma_wait3A_92] : memref<10240x128xf32, #tpu.memory_space<vmem_shared>> -> memref<80x128xf32, #tpu.memory_space<vmem_shared>>
    %dma_wait3A_94 = arith.constant 0 : i32
    %dma_wait3A_95 = tpu.memref_slice %arg6[%add3A_48, %dma_wait3A_94] : memref<10240x128xf32, #tpu.memory_space<vmem_shared>> -> memref<80x128xf32, #tpu.memory_space<vmem_shared>>
    tpu.wait_dma2 semaphore(%arg12 : memref<!tpu.dma_semaphore, #tpu.memory_space<semaphore_mem>>) src(%arg11 : memref<80x128xf32, #tpu.memory_space<vmem>>) dst(%dma_wait3A_95 : memref<80x128xf32, #tpu.memory_space<vmem_shared>>)
    %dma_wait3A_96 = arith.constant 0 : i32
    %dma_wait3A_97 = tpu.memref_slice %arg6[%add3A_56, %dma_wait3A_96] : memref<10240x128xf32, #tpu.memory_space<vmem_shared>> -> memref<80x128xf32, #tpu.memory_space<vmem_shared>>
    %dma_wait3A_98 = arith.constant 0 : i32
    %dma_wait3A_99 = tpu.memref_slice %arg6[%add3A_56, %dma_wait3A_98] : memref<10240x128xf32, #tpu.memory_space<vmem_shared>> -> memref<80x128xf32, #tpu.memory_space<vmem_shared>>
    tpu.wait_dma2 semaphore(%arg12 : memref<!tpu.dma_semaphore, #tpu.memory_space<semaphore_mem>>) src(%arg11 : memref<80x128xf32, #tpu.memory_space<vmem>>) dst(%dma_wait3A_99 : memref<80x128xf32, #tpu.memory_space<vmem_shared>>)
    %dma_wait3A_100 = arith.constant 0 : i32
    %dma_wait3A_101 = tpu.memref_slice %arg6[%add3A_64, %dma_wait3A_100] : memref<10240x128xf32, #tpu.memory_space<vmem_shared>> -> memref<80x128xf32, #tpu.memory_space<vmem_shared>>
    %dma_wait3A_102 = arith.constant 0 : i32
    %dma_wait3A_103 = tpu.memref_slice %arg6[%add3A_64, %dma_wait3A_102] : memref<10240x128xf32, #tpu.memory_space<vmem_shared>> -> memref<80x128xf32, #tpu.memory_space<vmem_shared>>
    tpu.wait_dma2 semaphore(%arg12 : memref<!tpu.dma_semaphore, #tpu.memory_space<semaphore_mem>>) src(%arg11 : memref<80x128xf32, #tpu.memory_space<vmem>>) dst(%dma_wait3A_103 : memref<80x128xf32, #tpu.memory_space<vmem_shared>>)
    %dma_wait3A_104 = arith.constant 0 : i32
    %dma_wait3A_105 = tpu.memref_slice %arg6[%add3A_72, %dma_wait3A_104] : memref<10240x128xf32, #tpu.memory_space<vmem_shared>> -> memref<80x128xf32, #tpu.memory_space<vmem_shared>>
    %dma_wait3A_106 = arith.constant 0 : i32
    %dma_wait3A_107 = tpu.memref_slice %arg6[%add3A_72, %dma_wait3A_106] : memref<10240x128xf32, #tpu.memory_space<vmem_shared>> -> memref<80x128xf32, #tpu.memory_space<vmem_shared>>
    tpu.wait_dma2 semaphore(%arg12 : memref<!tpu.dma_semaphore, #tpu.memory_space<semaphore_mem>>) src(%arg11 : memref<80x128xf32, #tpu.memory_space<vmem>>) dst(%dma_wait3A_107 : memref<80x128xf32, #tpu.memory_space<vmem_shared>>)
    %barrier3A = arith.constant 0 : index
    tpu.barrier barrier_id(%barrier3A)
    %dma_start3A_108 = arith.constant 160 : i32
    %dma_start3A_109 = tpu.memref_slice %arg9[%dma_start3A_108] : memref<320xi32, #tpu.memory_space<vmem>> -> memref<80xi32, #tpu.memory_space<vmem>>
    %dma_start3A_110 = arith.constant 0 : i32
    %dma_start3A_111 = arith.constant 0 : i32
    %dma_start3A_112 = tpu.memref_slice %arg6[%dma_start3A_110, %dma_start3A_111] : memref<10240x128xf32, #tpu.memory_space<vmem_shared>> -> memref<10240x128xf32, #tpu.memory_space<vmem_shared>>
    tpu.enqueue_indirect_dma source(%arg11 : memref<80x128xf32, #tpu.memory_space<vmem>>) target(%dma_start3A_112 : memref<10240x128xf32, #tpu.memory_space<vmem_shared>>) offsets(%dma_start3A_109 : memref<80xi32, #tpu.memory_space<vmem>>) semaphore(%arg14 : memref<!tpu.dma_semaphore, #tpu.memory_space<semaphore_mem>>) {add = true}
    %dma_start3A_113 = arith.constant 240 : i32
    %dma_start3A_114 = tpu.memref_slice %arg9[%dma_start3A_113] : memref<320xi32, #tpu.memory_space<vmem>> -> memref<80xi32, #tpu.memory_space<vmem>>
    %dma_start3A_115 = arith.constant 0 : i32
    %dma_start3A_116 = arith.constant 0 : i32
    %dma_start3A_117 = tpu.memref_slice %arg6[%dma_start3A_115, %dma_start3A_116] : memref<10240x128xf32, #tpu.memory_space<vmem_shared>> -> memref<10240x128xf32, #tpu.memory_space<vmem_shared>>
    tpu.enqueue_indirect_dma source(%arg11 : memref<80x128xf32, #tpu.memory_space<vmem>>) target(%dma_start3A_117 : memref<10240x128xf32, #tpu.memory_space<vmem_shared>>) offsets(%dma_start3A_114 : memref<80xi32, #tpu.memory_space<vmem>>) semaphore(%arg14 : memref<!tpu.dma_semaphore, #tpu.memory_space<semaphore_mem>>) {add = true}
    %min3A = arith.constant 0 : i32
    %min3A_118 = arith.constant 124 : i32
    %min3A_119 = arith.minsi %min3A, %min3A_118 : i32
    %mul3A_120 = arith.constant 80 : i32
    %mul3A_121 = arith.muli %min3A_119, %mul3A_120 : i32
    %add3A_122 = arith.addi %mul3A_2, %mul3A_121 : i32
    %rem3A = arith.constant 0 : i32
    %rem3A_123 = arith.constant 4 : i32
    %rem3A_124 = arith.remsi %rem3A, %rem3A_123 : i32
    %mul3A_125 = arith.constant 80 : i32
    %mul3A_126 = arith.muli %rem3A_124, %mul3A_125 : i32
    %dma_start3A_127 = tpu.memref_slice %arg8[%mul3A_126] : memref<320xi32, #tpu.memory_space<vmem>> -> memref<80xi32, #tpu.memory_space<vmem>>
    %dma_start3A_128 = tpu.memref_slice %arg3[%add3A_122] : memref<640000xi32, #tpu.memory_space<hbm>> -> memref<80xi32, #tpu.memory_space<hbm>>
    %dma_start3A_129 = tpu.memref_slice %arg8[%mul3A_126] : memref<320xi32, #tpu.memory_space<vmem>> -> memref<80xi32, #tpu.memory_space<vmem>>
    %dma_start3A_130 = tpu.memref_slice %arg3[%add3A_122] : memref<640000xi32, #tpu.memory_space<hbm>> -> memref<80xi32, #tpu.memory_space<hbm>>
    tpu.enqueue_dma source(%dma_start3A_130 : memref<80xi32, #tpu.memory_space<hbm>>) target(%dma_start3A_129 : memref<80xi32, #tpu.memory_space<vmem>>) target_semaphore(%arg12 : memref<!tpu.dma_semaphore, #tpu.memory_space<semaphore_mem>>)
    %min3A_131 = arith.constant 0 : i32
    %min3A_132 = arith.constant 124 : i32
    %min3A_133 = arith.minsi %min3A_131, %min3A_132 : i32
    %mul3A_134 = arith.constant 80 : i32
    %mul3A_135 = arith.muli %min3A_133, %mul3A_134 : i32
    %add3A_136 = arith.addi %mul3A_2, %mul3A_135 : i32
    %add3A_137 = arith.constant 320000 : i32
    %add3A_138 = arith.addi %add3A_137, %add3A_136 : i32
    %rem3A_139 = arith.constant 0 : i32
    %rem3A_140 = arith.constant 4 : i32
    %rem3A_141 = arith.remsi %rem3A_139, %rem3A_140 : i32
    %mul3A_142 = arith.constant 80 : i32
    %mul3A_143 = arith.muli %rem3A_141, %mul3A_142 : i32
    %dma_start3A_144 = tpu.memref_slice %arg9[%mul3A_143] : memref<320xi32, #tpu.memory_space<vmem>> -> memref<80xi32, #tpu.memory_space<vmem>>
    %dma_start3A_145 = tpu.memref_slice %arg3[%add3A_138] : memref<640000xi32, #tpu.memory_space<hbm>> -> memref<80xi32, #tpu.memory_space<hbm>>
    %dma_start3A_146 = tpu.memref_slice %arg9[%mul3A_143] : memref<320xi32, #tpu.memory_space<vmem>> -> memref<80xi32, #tpu.memory_space<vmem>>
    %dma_start3A_147 = tpu.memref_slice %arg3[%add3A_138] : memref<640000xi32, #tpu.memory_space<hbm>> -> memref<80xi32, #tpu.memory_space<hbm>>
    tpu.enqueue_dma source(%dma_start3A_147 : memref<80xi32, #tpu.memory_space<hbm>>) target(%dma_start3A_146 : memref<80xi32, #tpu.memory_space<vmem>>) target_semaphore(%arg12 : memref<!tpu.dma_semaphore, #tpu.memory_space<semaphore_mem>>)
    %min3A_148 = arith.constant 0 : i32
    %min3A_149 = arith.constant 124 : i32
    %min3A_150 = arith.minsi %min3A_148, %min3A_149 : i32
    %mul3A_151 = arith.constant 80 : i32
    %mul3A_152 = arith.muli %min3A_150, %mul3A_151 : i32
    %add3A_153 = arith.addi %mul3A_2, %mul3A_152 : i32
    %rem3A_154 = arith.constant 0 : i32
    %rem3A_155 = arith.constant 4 : i32
    %rem3A_156 = arith.remsi %rem3A_154, %rem3A_155 : i32
    %mul3A_157 = arith.constant 80 : i32
    %mul3A_158 = arith.muli %rem3A_156, %mul3A_157 : i32
    %dma_start3A_159 = tpu.memref_slice %arg10[%mul3A_158] : memref<320xf32, #tpu.memory_space<vmem>> -> memref<80xf32, #tpu.memory_space<vmem>>
    %dma_start3A_160 = tpu.memref_slice %arg4[%add3A_153] : memref<320000xf32, #tpu.memory_space<hbm>> -> memref<80xf32, #tpu.memory_space<hbm>>
    %dma_start3A_161 = tpu.memref_slice %arg10[%mul3A_158] : memref<320xf32, #tpu.memory_space<vmem>> -> memref<80xf32, #tpu.memory_space<vmem>>
    %dma_start3A_162 = tpu.memref_slice %arg4[%add3A_153] : memref<320000xf32, #tpu.memory_space<hbm>> -> memref<80xf32, #tpu.memory_space<hbm>>
    tpu.enqueue_dma source(%dma_start3A_162 : memref<80xf32, #tpu.memory_space<hbm>>) target(%dma_start3A_161 : memref<80xf32, #tpu.memory_space<vmem>>) target_semaphore(%arg12 : memref<!tpu.dma_semaphore, #tpu.memory_space<semaphore_mem>>)
    %min3A_163 = arith.constant 1 : i32
    %min3A_164 = arith.constant 124 : i32
    %min3A_165 = arith.minsi %min3A_163, %min3A_164 : i32
    %mul3A_166 = arith.constant 80 : i32
    %mul3A_167 = arith.muli %min3A_165, %mul3A_166 : i32
    %add3A_168 = arith.addi %mul3A_2, %mul3A_167 : i32
    %rem3A_169 = arith.constant 1 : i32
    %rem3A_170 = arith.constant 4 : i32
    %rem3A_171 = arith.remsi %rem3A_169, %rem3A_170 : i32
    %mul3A_172 = arith.constant 80 : i32
    %mul3A_173 = arith.muli %rem3A_171, %mul3A_172 : i32
    %dma_start3A_174 = tpu.memref_slice %arg8[%mul3A_173] : memref<320xi32, #tpu.memory_space<vmem>> -> memref<80xi32, #tpu.memory_space<vmem>>
    %dma_start3A_175 = tpu.memref_slice %arg3[%add3A_168] : memref<640000xi32, #tpu.memory_space<hbm>> -> memref<80xi32, #tpu.memory_space<hbm>>
    %dma_start3A_176 = tpu.memref_slice %arg8[%mul3A_173] : memref<320xi32, #tpu.memory_space<vmem>> -> memref<80xi32, #tpu.memory_space<vmem>>
    %dma_start3A_177 = tpu.memref_slice %arg3[%add3A_168] : memref<640000xi32, #tpu.memory_space<hbm>> -> memref<80xi32, #tpu.memory_space<hbm>>
    tpu.enqueue_dma source(%dma_start3A_177 : memref<80xi32, #tpu.memory_space<hbm>>) target(%dma_start3A_176 : memref<80xi32, #tpu.memory_space<vmem>>) target_semaphore(%arg12 : memref<!tpu.dma_semaphore, #tpu.memory_space<semaphore_mem>>)
    %min3A_178 = arith.constant 1 : i32
    %min3A_179 = arith.constant 124 : i32
    %min3A_180 = arith.minsi %min3A_178, %min3A_179 : i32
    %mul3A_181 = arith.constant 80 : i32
    %mul3A_182 = arith.muli %min3A_180, %mul3A_181 : i32
    %add3A_183 = arith.addi %mul3A_2, %mul3A_182 : i32
    %add3A_184 = arith.constant 320000 : i32
    %add3A_185 = arith.addi %add3A_184, %add3A_183 : i32
    %rem3A_186 = arith.constant 1 : i32
    %rem3A_187 = arith.constant 4 : i32
    %rem3A_188 = arith.remsi %rem3A_186, %rem3A_187 : i32
    %mul3A_189 = arith.constant 80 : i32
    %mul3A_190 = arith.muli %rem3A_188, %mul3A_189 : i32
    %dma_start3A_191 = tpu.memref_slice %arg9[%mul3A_190] : memref<320xi32, #tpu.memory_space<vmem>> -> memref<80xi32, #tpu.memory_space<vmem>>
    %dma_start3A_192 = tpu.memref_slice %arg3[%add3A_185] : memref<640000xi32, #tpu.memory_space<hbm>> -> memref<80xi32, #tpu.memory_space<hbm>>
    %dma_start3A_193 = tpu.memref_slice %arg9[%mul3A_190] : memref<320xi32, #tpu.memory_space<vmem>> -> memref<80xi32, #tpu.memory_space<vmem>>
    %dma_start3A_194 = tpu.memref_slice %arg3[%add3A_185] : memref<640000xi32, #tpu.memory_space<hbm>> -> memref<80xi32, #tpu.memory_space<hbm>>
    tpu.enqueue_dma source(%dma_start3A_194 : memref<80xi32, #tpu.memory_space<hbm>>) target(%dma_start3A_193 : memref<80xi32, #tpu.memory_space<vmem>>) target_semaphore(%arg12 : memref<!tpu.dma_semaphore, #tpu.memory_space<semaphore_mem>>)
    %min3A_195 = arith.constant 1 : i32
    %min3A_196 = arith.constant 124 : i32
    %min3A_197 = arith.minsi %min3A_195, %min3A_196 : i32
    %mul3A_198 = arith.constant 80 : i32
    %mul3A_199 = arith.muli %min3A_197, %mul3A_198 : i32
    %add3A_200 = arith.addi %mul3A_2, %mul3A_199 : i32
    %rem3A_201 = arith.constant 1 : i32
    %rem3A_202 = arith.constant 4 : i32
    %rem3A_203 = arith.remsi %rem3A_201, %rem3A_202 : i32
    %mul3A_204 = arith.constant 80 : i32
    %mul3A_205 = arith.muli %rem3A_203, %mul3A_204 : i32
    %dma_start3A_206 = tpu.memref_slice %arg10[%mul3A_205] : memref<320xf32, #tpu.memory_space<vmem>> -> memref<80xf32, #tpu.memory_space<vmem>>
    %dma_start3A_207 = tpu.memref_slice %arg4[%add3A_200] : memref<320000xf32, #tpu.memory_space<hbm>> -> memref<80xf32, #tpu.memory_space<hbm>>
    %dma_start3A_208 = tpu.memref_slice %arg10[%mul3A_205] : memref<320xf32, #tpu.memory_space<vmem>> -> memref<80xf32, #tpu.memory_space<vmem>>
    %dma_start3A_209 = tpu.memref_slice %arg4[%add3A_200] : memref<320000xf32, #tpu.memory_space<hbm>> -> memref<80xf32, #tpu.memory_space<hbm>>
    tpu.enqueue_dma source(%dma_start3A_209 : memref<80xf32, #tpu.memory_space<hbm>>) target(%dma_start3A_208 : memref<80xf32, #tpu.memory_space<vmem>>) target_semaphore(%arg12 : memref<!tpu.dma_semaphore, #tpu.memory_space<semaphore_mem>>)
    %min3A_210 = arith.constant 0 : i32
    %min3A_211 = arith.constant 124 : i32
    %min3A_212 = arith.minsi %min3A_210, %min3A_211 : i32
    %mul3A_213 = arith.constant 80 : i32
    %mul3A_214 = arith.muli %min3A_212, %mul3A_213 : i32
    %add3A_215 = arith.addi %mul3A_2, %mul3A_214 : i32
    %rem3A_216 = arith.constant 0 : i32
    %rem3A_217 = arith.constant 4 : i32
    %rem3A_218 = arith.remsi %rem3A_216, %rem3A_217 : i32
    %mul3A_219 = arith.constant 80 : i32
    %mul3A_220 = arith.muli %rem3A_218, %mul3A_219 : i32
    %dma_wait3A_221 = tpu.memref_slice %arg8[%mul3A_220] : memref<320xi32, #tpu.memory_space<vmem>> -> memref<80xi32, #tpu.memory_space<vmem>>
    %dma_wait3A_222 = tpu.memref_slice %arg3[%add3A_215] : memref<640000xi32, #tpu.memory_space<hbm>> -> memref<80xi32, #tpu.memory_space<hbm>>
    %dma_wait3A_223 = tpu.memref_slice %arg8[%mul3A_220] : memref<320xi32, #tpu.memory_space<vmem>> -> memref<80xi32, #tpu.memory_space<vmem>>
    %dma_wait3A_224 = tpu.memref_slice %arg3[%add3A_215] : memref<640000xi32, #tpu.memory_space<hbm>> -> memref<80xi32, #tpu.memory_space<hbm>>
    tpu.wait_dma2 semaphore(%arg12 : memref<!tpu.dma_semaphore, #tpu.memory_space<semaphore_mem>>) src(%dma_wait3A_224 : memref<80xi32, #tpu.memory_space<hbm>>) dst(%dma_wait3A_223 : memref<80xi32, #tpu.memory_space<vmem>>)
    %min3A_225 = arith.constant 0 : i32
    %min3A_226 = arith.constant 124 : i32
    %min3A_227 = arith.minsi %min3A_225, %min3A_226 : i32
    %mul3A_228 = arith.constant 80 : i32
    %mul3A_229 = arith.muli %min3A_227, %mul3A_228 : i32
    %add3A_230 = arith.addi %mul3A_2, %mul3A_229 : i32
    %add3A_231 = arith.constant 320000 : i32
    %add3A_232 = arith.addi %add3A_231, %add3A_230 : i32
    %rem3A_233 = arith.constant 0 : i32
    %rem3A_234 = arith.constant 4 : i32
    %rem3A_235 = arith.remsi %rem3A_233, %rem3A_234 : i32
    %mul3A_236 = arith.constant 80 : i32
    %mul3A_237 = arith.muli %rem3A_235, %mul3A_236 : i32
    %dma_wait3A_238 = tpu.memref_slice %arg9[%mul3A_237] : memref<320xi32, #tpu.memory_space<vmem>> -> memref<80xi32, #tpu.memory_space<vmem>>
    %dma_wait3A_239 = tpu.memref_slice %arg3[%add3A_232] : memref<640000xi32, #tpu.memory_space<hbm>> -> memref<80xi32, #tpu.memory_space<hbm>>
    %dma_wait3A_240 = tpu.memref_slice %arg9[%mul3A_237] : memref<320xi32, #tpu.memory_space<vmem>> -> memref<80xi32, #tpu.memory_space<vmem>>
    %dma_wait3A_241 = tpu.memref_slice %arg3[%add3A_232] : memref<640000xi32, #tpu.memory_space<hbm>> -> memref<80xi32, #tpu.memory_space<hbm>>
    tpu.wait_dma2 semaphore(%arg12 : memref<!tpu.dma_semaphore, #tpu.memory_space<semaphore_mem>>) src(%dma_wait3A_241 : memref<80xi32, #tpu.memory_space<hbm>>) dst(%dma_wait3A_240 : memref<80xi32, #tpu.memory_space<vmem>>)
    %min3A_242 = arith.constant 0 : i32
    %min3A_243 = arith.constant 124 : i32
    %min3A_244 = arith.minsi %min3A_242, %min3A_243 : i32
    %mul3A_245 = arith.constant 80 : i32
    %mul3A_246 = arith.muli %min3A_244, %mul3A_245 : i32
    %add3A_247 = arith.addi %mul3A_2, %mul3A_246 : i32
    %rem3A_248 = arith.constant 0 : i32
    %rem3A_249 = arith.constant 4 : i32
    %rem3A_250 = arith.remsi %rem3A_248, %rem3A_249 : i32
    %mul3A_251 = arith.constant 80 : i32
    %mul3A_252 = arith.muli %rem3A_250, %mul3A_251 : i32
    %dma_wait3A_253 = tpu.memref_slice %arg10[%mul3A_252] : memref<320xf32, #tpu.memory_space<vmem>> -> memref<80xf32, #tpu.memory_space<vmem>>
    %dma_wait3A_254 = tpu.memref_slice %arg4[%add3A_247] : memref<320000xf32, #tpu.memory_space<hbm>> -> memref<80xf32, #tpu.memory_space<hbm>>
    %dma_wait3A_255 = tpu.memref_slice %arg10[%mul3A_252] : memref<320xf32, #tpu.memory_space<vmem>> -> memref<80xf32, #tpu.memory_space<vmem>>
    %dma_wait3A_256 = tpu.memref_slice %arg4[%add3A_247] : memref<320000xf32, #tpu.memory_space<hbm>> -> memref<80xf32, #tpu.memory_space<hbm>>
    tpu.wait_dma2 semaphore(%arg12 : memref<!tpu.dma_semaphore, #tpu.memory_space<semaphore_mem>>) src(%dma_wait3A_256 : memref<80xf32, #tpu.memory_space<hbm>>) dst(%dma_wait3A_255 : memref<80xf32, #tpu.memory_space<vmem>>)
    %rem3A_257 = arith.constant 0 : i32
    %rem3A_258 = arith.constant 4 : i32
    %rem3A_259 = arith.remsi %rem3A_257, %rem3A_258 : i32
    %mul3A_260 = arith.constant 80 : i32
    %mul3A_261 = arith.muli %rem3A_259, %mul3A_260 : i32
    %rem3A_262 = arith.constant 0 : i32
    %rem3A_263 = arith.constant 3 : i32
    %rem3A_264 = arith.remsi %rem3A_262, %rem3A_263 : i32
    %mul3A_265 = arith.constant 80 : i32
    %mul3A_266 = arith.muli %rem3A_264, %mul3A_265 : i32
    %dma_start3A_267 = arith.constant 0 : i32
    %dma_start3A_268 = tpu.memref_slice %arg7[%mul3A_266, %dma_start3A_267] : memref<240x128xf32, #tpu.memory_space<vmem>> -> memref<80x128xf32, #tpu.memory_space<vmem>>
    %dma_start3A_269 = tpu.memref_slice %arg8[%mul3A_261] : memref<320xi32, #tpu.memory_space<vmem>> -> memref<80xi32, #tpu.memory_space<vmem>>
    %dma_start3A_270 = arith.constant 0 : i32
    %dma_start3A_271 = arith.constant 0 : i32
    %dma_start3A_272 = tpu.memref_slice %arg2[%dma_start3A_270, %dma_start3A_271] : memref<10000x128xf32, #tpu.memory_space<hbm>> -> memref<10000x128xf32, #tpu.memory_space<hbm>>
    tpu.enqueue_indirect_dma source(%dma_start3A_272 : memref<10000x128xf32, #tpu.memory_space<hbm>>) target(%dma_start3A_268 : memref<80x128xf32, #tpu.memory_space<vmem>>) offsets(%dma_start3A_269 : memref<80xi32, #tpu.memory_space<vmem>>) semaphore(%arg13 : memref<!tpu.dma_semaphore, #tpu.memory_space<semaphore_mem>>)
    %scan3A_273 = arith.constant 0 : i32
    %scan3A_274 = arith.constant 0 : i32
    %scan3A_275 = arith.constant 125 : i32
    %scan3A_276 = arith.addi %scan3A_274, %scan3A_275 : i32
    %scan3A_277 = arith.constant 1 : i32
    scf.for %scan3A_407 = %scan3A_274 to %scan3A_276 step %scan3A_277  : i32 {
      %add3A_408 = arith.constant 1 : i32
      %add3A_409 = arith.addi %scan3A_407, %add3A_408 : i32
      %rem3A_410 = arith.constant 3 : i32
      %rem3A_411 = arith.remsi %add3A_409, %rem3A_410 : i32
      %mul3A_412 = arith.constant 80 : i32
      %mul3A_413 = arith.muli %rem3A_411, %mul3A_412 : i32
      %add3A_414 = arith.constant 2 : i32
      %add3A_415 = arith.addi %scan3A_407, %add3A_414 : i32
      %rem3A_416 = arith.constant 4 : i32
      %rem3A_417 = arith.remsi %add3A_415, %rem3A_416 : i32
      %mul3A_418 = arith.constant 80 : i32
      %mul3A_419 = arith.muli %rem3A_417, %mul3A_418 : i32
      %dma_wait3A_420 = arith.constant 0 : i32
      %dma_wait3A_421 = tpu.memref_slice %arg7[%mul3A_413, %dma_wait3A_420] : memref<240x128xf32, #tpu.memory_space<vmem>> -> memref<80x128xf32, #tpu.memory_space<vmem>>
      %dma_wait3A_422 = tpu.memref_slice %arg9[%mul3A_419] : memref<320xi32, #tpu.memory_space<vmem>> -> memref<80xi32, #tpu.memory_space<vmem>>
      %dma_wait3A_423 = arith.constant 0 : i32
      %dma_wait3A_424 = arith.constant 0 : i32
      %dma_wait3A_425 = tpu.memref_slice %arg6[%dma_wait3A_423, %dma_wait3A_424] : memref<10240x128xf32, #tpu.memory_space<vmem_shared>> -> memref<10240x128xf32, #tpu.memory_space<vmem_shared>>
      tpu.wait_indirect_dma semaphore(%arg14 : memref<!tpu.dma_semaphore, #tpu.memory_space<semaphore_mem>>) src(%dma_wait3A_421 : memref<80x128xf32, #tpu.memory_space<vmem>>) dst(%dma_wait3A_425 : memref<10240x128xf32, #tpu.memory_space<vmem_shared>>)
      %add3A_426 = arith.constant 1 : i32
      %add3A_427 = arith.addi %scan3A_407, %add3A_426 : i32
      %min3A_428 = arith.constant 124 : i32
      %min3A_429 = arith.minsi %add3A_427, %min3A_428 : i32
      %mul3A_430 = arith.constant 80 : i32
      %mul3A_431 = arith.muli %min3A_429, %mul3A_430 : i32
      %add3A_432 = arith.addi %mul3A_2, %mul3A_431 : i32
      %rem3A_433 = arith.constant 4 : i32
      %rem3A_434 = arith.remsi %add3A_427, %rem3A_433 : i32
      %mul3A_435 = arith.constant 80 : i32
      %mul3A_436 = arith.muli %rem3A_434, %mul3A_435 : i32
      %dma_wait3A_437 = tpu.memref_slice %arg8[%mul3A_436] : memref<320xi32, #tpu.memory_space<vmem>> -> memref<80xi32, #tpu.memory_space<vmem>>
      %dma_wait3A_438 = tpu.memref_slice %arg3[%add3A_432] : memref<640000xi32, #tpu.memory_space<hbm>> -> memref<80xi32, #tpu.memory_space<hbm>>
      %dma_wait3A_439 = tpu.memref_slice %arg8[%mul3A_436] : memref<320xi32, #tpu.memory_space<vmem>> -> memref<80xi32, #tpu.memory_space<vmem>>
      %dma_wait3A_440 = tpu.memref_slice %arg3[%add3A_432] : memref<640000xi32, #tpu.memory_space<hbm>> -> memref<80xi32, #tpu.memory_space<hbm>>
      tpu.wait_dma2 semaphore(%arg12 : memref<!tpu.dma_semaphore, #tpu.memory_space<semaphore_mem>>) src(%dma_wait3A_440 : memref<80xi32, #tpu.memory_space<hbm>>) dst(%dma_wait3A_439 : memref<80xi32, #tpu.memory_space<vmem>>)
      %min3A_441 = arith.constant 124 : i32
      %min3A_442 = arith.minsi %add3A_427, %min3A_441 : i32
      %mul3A_443 = arith.constant 80 : i32
      %mul3A_444 = arith.muli %min3A_442, %mul3A_443 : i32
      %add3A_445 = arith.addi %mul3A_2, %mul3A_444 : i32
      %add3A_446 = arith.constant 320000 : i32
      %add3A_447 = arith.addi %add3A_446, %add3A_445 : i32
      %rem3A_448 = arith.constant 4 : i32
      %rem3A_449 = arith.remsi %add3A_427, %rem3A_448 : i32
      %mul3A_450 = arith.constant 80 : i32
      %mul3A_451 = arith.muli %rem3A_449, %mul3A_450 : i32
      %dma_wait3A_452 = tpu.memref_slice %arg9[%mul3A_451] : memref<320xi32, #tpu.memory_space<vmem>> -> memref<80xi32, #tpu.memory_space<vmem>>
      %dma_wait3A_453 = tpu.memref_slice %arg3[%add3A_447] : memref<640000xi32, #tpu.memory_space<hbm>> -> memref<80xi32, #tpu.memory_space<hbm>>
      %dma_wait3A_454 = tpu.memref_slice %arg9[%mul3A_451] : memref<320xi32, #tpu.memory_space<vmem>> -> memref<80xi32, #tpu.memory_space<vmem>>
      %dma_wait3A_455 = tpu.memref_slice %arg3[%add3A_447] : memref<640000xi32, #tpu.memory_space<hbm>> -> memref<80xi32, #tpu.memory_space<hbm>>
      tpu.wait_dma2 semaphore(%arg12 : memref<!tpu.dma_semaphore, #tpu.memory_space<semaphore_mem>>) src(%dma_wait3A_455 : memref<80xi32, #tpu.memory_space<hbm>>) dst(%dma_wait3A_454 : memref<80xi32, #tpu.memory_space<vmem>>)
      %min3A_456 = arith.constant 124 : i32
      %min3A_457 = arith.minsi %add3A_427, %min3A_456 : i32
      %mul3A_458 = arith.constant 80 : i32
      %mul3A_459 = arith.muli %min3A_457, %mul3A_458 : i32
      %add3A_460 = arith.addi %mul3A_2, %mul3A_459 : i32
      %rem3A_461 = arith.constant 4 : i32
      %rem3A_462 = arith.remsi %add3A_427, %rem3A_461 : i32
      %mul3A_463 = arith.constant 80 : i32
      %mul3A_464 = arith.muli %rem3A_462, %mul3A_463 : i32
      %dma_wait3A_465 = tpu.memref_slice %arg10[%mul3A_464] : memref<320xf32, #tpu.memory_space<vmem>> -> memref<80xf32, #tpu.memory_space<vmem>>
      %dma_wait3A_466 = tpu.memref_slice %arg4[%add3A_460] : memref<320000xf32, #tpu.memory_space<hbm>> -> memref<80xf32, #tpu.memory_space<hbm>>
      %dma_wait3A_467 = tpu.memref_slice %arg10[%mul3A_464] : memref<320xf32, #tpu.memory_space<vmem>> -> memref<80xf32, #tpu.memory_space<vmem>>
      %dma_wait3A_468 = tpu.memref_slice %arg4[%add3A_460] : memref<320000xf32, #tpu.memory_space<hbm>> -> memref<80xf32, #tpu.memory_space<hbm>>
      tpu.wait_dma2 semaphore(%arg12 : memref<!tpu.dma_semaphore, #tpu.memory_space<semaphore_mem>>) src(%dma_wait3A_468 : memref<80xf32, #tpu.memory_space<hbm>>) dst(%dma_wait3A_467 : memref<80xf32, #tpu.memory_space<vmem>>)
      %add3A_469 = arith.constant 1 : i32
      %add3A_470 = arith.addi %scan3A_407, %add3A_469 : i32
      %rem3A_471 = arith.constant 4 : i32
      %rem3A_472 = arith.remsi %add3A_470, %rem3A_471 : i32
      %mul3A_473 = arith.constant 80 : i32
      %mul3A_474 = arith.muli %rem3A_472, %mul3A_473 : i32
      %rem3A_475 = arith.constant 3 : i32
      %rem3A_476 = arith.remsi %add3A_470, %rem3A_475 : i32
      %mul3A_477 = arith.constant 80 : i32
      %mul3A_478 = arith.muli %rem3A_476, %mul3A_477 : i32
      %dma_start3A_479 = arith.constant 0 : i32
      %dma_start3A_480 = tpu.memref_slice %arg7[%mul3A_478, %dma_start3A_479] : memref<240x128xf32, #tpu.memory_space<vmem>> -> memref<80x128xf32, #tpu.memory_space<vmem>>
      %dma_start3A_481 = tpu.memref_slice %arg8[%mul3A_474] : memref<320xi32, #tpu.memory_space<vmem>> -> memref<80xi32, #tpu.memory_space<vmem>>
      %dma_start3A_482 = arith.constant 0 : i32
      %dma_start3A_483 = arith.constant 0 : i32
      %dma_start3A_484 = tpu.memref_slice %arg2[%dma_start3A_482, %dma_start3A_483] : memref<10000x128xf32, #tpu.memory_space<hbm>> -> memref<10000x128xf32, #tpu.memory_space<hbm>>
      tpu.enqueue_indirect_dma source(%dma_start3A_484 : memref<10000x128xf32, #tpu.memory_space<hbm>>) target(%dma_start3A_480 : memref<80x128xf32, #tpu.memory_space<vmem>>) offsets(%dma_start3A_481 : memref<80xi32, #tpu.memory_space<vmem>>) semaphore(%arg13 : memref<!tpu.dma_semaphore, #tpu.memory_space<semaphore_mem>>)
      %add3A_485 = arith.constant 2 : i32
      %add3A_486 = arith.addi %scan3A_407, %add3A_485 : i32
      %min3A_487 = arith.constant 124 : i32
      %min3A_488 = arith.minsi %add3A_486, %min3A_487 : i32
      %mul3A_489 = arith.constant 80 : i32
      %mul3A_490 = arith.muli %min3A_488, %mul3A_489 : i32
      %add3A_491 = arith.addi %mul3A_2, %mul3A_490 : i32
      %rem3A_492 = arith.constant 4 : i32
      %rem3A_493 = arith.remsi %add3A_486, %rem3A_492 : i32
      %mul3A_494 = arith.constant 80 : i32
      %mul3A_495 = arith.muli %rem3A_493, %mul3A_494 : i32
      %dma_start3A_496 = tpu.memref_slice %arg8[%mul3A_495] : memref<320xi32, #tpu.memory_space<vmem>> -> memref<80xi32, #tpu.memory_space<vmem>>
      %dma_start3A_497 = tpu.memref_slice %arg3[%add3A_491] : memref<640000xi32, #tpu.memory_space<hbm>> -> memref<80xi32, #tpu.memory_space<hbm>>
      %dma_start3A_498 = tpu.memref_slice %arg8[%mul3A_495] : memref<320xi32, #tpu.memory_space<vmem>> -> memref<80xi32, #tpu.memory_space<vmem>>
      %dma_start3A_499 = tpu.memref_slice %arg3[%add3A_491] : memref<640000xi32, #tpu.memory_space<hbm>> -> memref<80xi32, #tpu.memory_space<hbm>>
      tpu.enqueue_dma source(%dma_start3A_499 : memref<80xi32, #tpu.memory_space<hbm>>) target(%dma_start3A_498 : memref<80xi32, #tpu.memory_space<vmem>>) target_semaphore(%arg12 : memref<!tpu.dma_semaphore, #tpu.memory_space<semaphore_mem>>)
      %min3A_500 = arith.constant 124 : i32
      %min3A_501 = arith.minsi %add3A_486, %min3A_500 : i32
      %mul3A_502 = arith.constant 80 : i32
      %mul3A_503 = arith.muli %min3A_501, %mul3A_502 : i32
      %add3A_504 = arith.addi %mul3A_2, %mul3A_503 : i32
      %add3A_505 = arith.constant 320000 : i32
      %add3A_506 = arith.addi %add3A_505, %add3A_504 : i32
      %rem3A_507 = arith.constant 4 : i32
      %rem3A_508 = arith.remsi %add3A_486, %rem3A_507 : i32
      %mul3A_509 = arith.constant 80 : i32
      %mul3A_510 = arith.muli %rem3A_508, %mul3A_509 : i32
      %dma_start3A_511 = tpu.memref_slice %arg9[%mul3A_510] : memref<320xi32, #tpu.memory_space<vmem>> -> memref<80xi32, #tpu.memory_space<vmem>>
      %dma_start3A_512 = tpu.memref_slice %arg3[%add3A_506] : memref<640000xi32, #tpu.memory_space<hbm>> -> memref<80xi32, #tpu.memory_space<hbm>>
      %dma_start3A_513 = tpu.memref_slice %arg9[%mul3A_510] : memref<320xi32, #tpu.memory_space<vmem>> -> memref<80xi32, #tpu.memory_space<vmem>>
      %dma_start3A_514 = tpu.memref_slice %arg3[%add3A_506] : memref<640000xi32, #tpu.memory_space<hbm>> -> memref<80xi32, #tpu.memory_space<hbm>>
      tpu.enqueue_dma source(%dma_start3A_514 : memref<80xi32, #tpu.memory_space<hbm>>) target(%dma_start3A_513 : memref<80xi32, #tpu.memory_space<vmem>>) target_semaphore(%arg12 : memref<!tpu.dma_semaphore, #tpu.memory_space<semaphore_mem>>)
      %min3A_515 = arith.constant 124 : i32
      %min3A_516 = arith.minsi %add3A_486, %min3A_515 : i32
      %mul3A_517 = arith.constant 80 : i32
      %mul3A_518 = arith.muli %min3A_516, %mul3A_517 : i32
      %add3A_519 = arith.addi %mul3A_2, %mul3A_518 : i32
      %rem3A_520 = arith.constant 4 : i32
      %rem3A_521 = arith.remsi %add3A_486, %rem3A_520 : i32
      %mul3A_522 = arith.constant 80 : i32
      %mul3A_523 = arith.muli %rem3A_521, %mul3A_522 : i32
      %dma_start3A_524 = tpu.memref_slice %arg10[%mul3A_523] : memref<320xf32, #tpu.memory_space<vmem>> -> memref<80xf32, #tpu.memory_space<vmem>>
      %dma_start3A_525 = tpu.memref_slice %arg4[%add3A_519] : memref<320000xf32, #tpu.memory_space<hbm>> -> memref<80xf32, #tpu.memory_space<hbm>>
      %dma_start3A_526 = tpu.memref_slice %arg10[%mul3A_523] : memref<320xf32, #tpu.memory_space<vmem>> -> memref<80xf32, #tpu.memory_space<vmem>>
      %dma_start3A_527 = tpu.memref_slice %arg4[%add3A_519] : memref<320000xf32, #tpu.memory_space<hbm>> -> memref<80xf32, #tpu.memory_space<hbm>>
      tpu.enqueue_dma source(%dma_start3A_527 : memref<80xf32, #tpu.memory_space<hbm>>) target(%dma_start3A_526 : memref<80xf32, #tpu.memory_space<vmem>>) target_semaphore(%arg12 : memref<!tpu.dma_semaphore, #tpu.memory_space<semaphore_mem>>)
      %rem3A_528 = arith.constant 4 : i32
      %rem3A_529 = arith.remsi %scan3A_407, %rem3A_528 : i32
      %mul3A_530 = arith.constant 80 : i32
      %mul3A_531 = arith.muli %rem3A_529, %mul3A_530 : i32
      %rem3A_532 = arith.constant 3 : i32
      %rem3A_533 = arith.remsi %scan3A_407, %rem3A_532 : i32
      %mul3A_534 = arith.constant 80 : i32
      %mul3A_535 = arith.muli %rem3A_533, %mul3A_534 : i32
      %dma_wait3A_536 = arith.constant 0 : i32
      %dma_wait3A_537 = tpu.memref_slice %arg7[%mul3A_535, %dma_wait3A_536] : memref<240x128xf32, #tpu.memory_space<vmem>> -> memref<80x128xf32, #tpu.memory_space<vmem>>
      %dma_wait3A_538 = tpu.memref_slice %arg8[%mul3A_531] : memref<320xi32, #tpu.memory_space<vmem>> -> memref<80xi32, #tpu.memory_space<vmem>>
      %dma_wait3A_539 = arith.constant 0 : i32
      %dma_wait3A_540 = arith.constant 0 : i32
      %dma_wait3A_541 = tpu.memref_slice %arg2[%dma_wait3A_539, %dma_wait3A_540] : memref<10000x128xf32, #tpu.memory_space<hbm>> -> memref<10000x128xf32, #tpu.memory_space<hbm>>
      tpu.wait_indirect_dma semaphore(%arg13 : memref<!tpu.dma_semaphore, #tpu.memory_space<semaphore_mem>>) src(%dma_wait3A_541 : memref<10000x128xf32, #tpu.memory_space<hbm>>) dst(%dma_wait3A_537 : memref<80x128xf32, #tpu.memory_space<vmem>>)
      %rem3A_542 = arith.constant 3 : i32
      %rem3A_543 = arith.remsi %scan3A_407, %rem3A_542 : i32
      %mul3A_544 = arith.constant 80 : i32
      %mul3A_545 = arith.muli %rem3A_543, %mul3A_544 : i32
      %rem3A_546 = arith.constant 4 : i32
      %rem3A_547 = arith.remsi %scan3A_407, %rem3A_546 : i32
      %mul3A_548 = arith.constant 80 : i32
      %mul3A_549 = arith.muli %rem3A_547, %mul3A_548 : i32
      %scan3A_550 = arith.constant 0 : i32
      %scan3A_551 = arith.constant 0 : i32
      %scan3A_552 = arith.constant 5 : i32
      %scan3A_553 = arith.addi %scan3A_551, %scan3A_552 : i32
      %scan3A_554 = arith.constant 1 : i32
      scf.for %scan3A_562 = %scan3A_551 to %scan3A_553 step %scan3A_554  : i32 {
        %mul3A_563 = arith.constant 16 : i32
        %mul3A_564 = arith.muli %scan3A_562, %mul3A_563 : i32
        %add3A_565 = arith.addi %mul3A_549, %mul3A_564 : i32
        %get3A = arith.index_cast %add3A_565 : i32 to index
        %get3A_566 = tpu.vector_load %arg10[%get3A] {strides = array<i32>} : memref<320xf32, #tpu.memory_space<vmem>>, vector<16xf32>,
        %get3A_567 = vector.shape_cast %get3A_566 : vector<16xf32> to vector<16xf32>
        %broadcast_in_dim3A = arith.constant 0 : i32
        %broadcast_in_dim3A_568 = vector.broadcast %broadcast_in_dim3A : i32 to vector<16x1xi32>
        %gather3A = vector.shape_cast %broadcast_in_dim3A_568 : vector<16x1xi32> to vector<16xi32>
        %gather3A_569 = tpu.dynamic_gather %get3A_567[%gather3A] in [0] : vector<16xf32>, vector<16xi32> -> vector<16xf32>
        %mul3A_570 = arith.constant 16 : i32
        %mul3A_571 = arith.muli %scan3A_562, %mul3A_570 : i32
        %add3A_572 = arith.addi %mul3A_545, %mul3A_571 : i32
        %add3A_573 = arith.constant 0 : i32
        %add3A_574 = arith.addi %add3A_572, %add3A_573 : i32
        %get3A_575 = arith.index_cast %add3A_574 : i32 to index
        %get3A_576 = arith.constant 0 : index
        %get3A_577 = tpu.vector_load %arg7[%get3A_575, %get3A_576] {strides = array<i32>} : memref<240x128xf32, #tpu.memory_space<vmem>>, vector<1x16xf32>,
        %get3A_578 = vector.shape_cast %get3A_577 : vector<1x16xf32> to vector<16xf32>
        %mul3A_579 = arith.mulf %get3A_578, %gather3A_569 : vector<16xf32>
        %swap3A = arith.index_cast %add3A_574 : i32 to index
        %swap3A_580 = arith.constant 0 : index
        %swap3A_581 = tpu.vector_load %arg7[%swap3A, %swap3A_580] {strides = array<i32>} : memref<240x128xf32, #tpu.memory_space<vmem>>, vector<1x16xf32>,
        %swap3A_582 = vector.shape_cast %swap3A_581 : vector<1x16xf32> to vector<16xf32>
        %swap3A_583 = vector.shape_cast %mul3A_579 : vector<16xf32> to vector<1x16xf32>
        tpu.vector_store %arg7[%swap3A, %swap3A_580], %swap3A_583 {strides = array<i32>} : memref<240x128xf32, #tpu.memory_space<vmem>>, vector<1x16xf32>,
        %get3A_584 = arith.index_cast %add3A_574 : i32 to index
        %get3A_585 = arith.constant 16 : index
        %get3A_586 = tpu.vector_load %arg7[%get3A_584, %get3A_585] {strides = array<i32>} : memref<240x128xf32, #tpu.memory_space<vmem>>, vector<1x16xf32>,
        %get3A_587 = vector.shape_cast %get3A_586 : vector<1x16xf32> to vector<16xf32>
        %mul3A_588 = arith.mulf %get3A_587, %gather3A_569 : vector<16xf32>
        %swap3A_589 = arith.index_cast %add3A_574 : i32 to index
        %swap3A_590 = arith.constant 16 : index
        %swap3A_591 = tpu.vector_load %arg7[%swap3A_589, %swap3A_590] {strides = array<i32>} : memref<240x128xf32, #tpu.memory_space<vmem>>, vector<1x16xf32>,
        %swap3A_592 = vector.shape_cast %swap3A_591 : vector<1x16xf32> to vector<16xf32>
        %swap3A_593 = vector.shape_cast %mul3A_588 : vector<16xf32> to vector<1x16xf32>
        tpu.vector_store %arg7[%swap3A_589, %swap3A_590], %swap3A_593 {strides = array<i32>} : memref<240x128xf32, #tpu.memory_space<vmem>>, vector<1x16xf32>,
        %get3A_594 = arith.index_cast %add3A_574 : i32 to index
        %get3A_595 = arith.constant 32 : index
        %get3A_596 = tpu.vector_load %arg7[%get3A_594, %get3A_595] {strides = array<i32>} : memref<240x128xf32, #tpu.memory_space<vmem>>, vector<1x16xf32>,
        %get3A_597 = vector.shape_cast %get3A_596 : vector<1x16xf32> to vector<16xf32>
        %mul3A_598 = arith.mulf %get3A_597, %gather3A_569 : vector<16xf32>
        %swap3A_599 = arith.index_cast %add3A_574 : i32 to index
        %swap3A_600 = arith.constant 32 : index
        %swap3A_601 = tpu.vector_load %arg7[%swap3A_599, %swap3A_600] {strides = array<i32>} : memref<240x128xf32, #tpu.memory_space<vmem>>, vector<1x16xf32>,
        %swap3A_602 = vector.shape_cast %swap3A_601 : vector<1x16xf32> to vector<16xf32>
        %swap3A_603 = vector.shape_cast %mul3A_598 : vector<16xf32> to vector<1x16xf32>
        tpu.vector_store %arg7[%swap3A_599, %swap3A_600], %swap3A_603 {strides = array<i32>} : memref<240x128xf32, #tpu.memory_space<vmem>>, vector<1x16xf32>,
        %get3A_604 = arith.index_cast %add3A_574 : i32 to index
        %get3A_605 = arith.constant 48 : index
        %get3A_606 = tpu.vector_load %arg7[%get3A_604, %get3A_605] {strides = array<i32>} : memref<240x128xf32, #tpu.memory_space<vmem>>, vector<1x16xf32>,
        %get3A_607 = vector.shape_cast %get3A_606 : vector<1x16xf32> to vector<16xf32>
        %mul3A_608 = arith.mulf %get3A_607, %gather3A_569 : vector<16xf32>
        %swap3A_609 = arith.index_cast %add3A_574 : i32 to index
        %swap3A_610 = arith.constant 48 : index
        %swap3A_611 = tpu.vector_load %arg7[%swap3A_609, %swap3A_610] {strides = array<i32>} : memref<240x128xf32, #tpu.memory_space<vmem>>, vector<1x16xf32>,
        %swap3A_612 = vector.shape_cast %swap3A_611 : vector<1x16xf32> to vector<16xf32>
        %swap3A_613 = vector.shape_cast %mul3A_608 : vector<16xf32> to vector<1x16xf32>
        tpu.vector_store %arg7[%swap3A_609, %swap3A_610], %swap3A_613 {strides = array<i32>} : memref<240x128xf32, #tpu.memory_space<vmem>>, vector<1x16xf32>,
        %get3A_614 = arith.index_cast %add3A_574 : i32 to index
        %get3A_615 = arith.constant 64 : index
        %get3A_616 = tpu.vector_load %arg7[%get3A_614, %get3A_615] {strides = array<i32>} : memref<240x128xf32, #tpu.memory_space<vmem>>, vector<1x16xf32>,
        %get3A_617 = vector.shape_cast %get3A_616 : vector<1x16xf32> to vector<16xf32>
        %mul3A_618 = arith.mulf %get3A_617, %gather3A_569 : vector<16xf32>
        %swap3A_619 = arith.index_cast %add3A_574 : i32 to index
        %swap3A_620 = arith.constant 64 : index
        %swap3A_621 = tpu.vector_load %arg7[%swap3A_619, %swap3A_620] {strides = array<i32>} : memref<240x128xf32, #tpu.memory_space<vmem>>, vector<1x16xf32>,
        %swap3A_622 = vector.shape_cast %swap3A_621 : vector<1x16xf32> to vector<16xf32>
        %swap3A_623 = vector.shape_cast %mul3A_618 : vector<16xf32> to vector<1x16xf32>
        tpu.vector_store %arg7[%swap3A_619, %swap3A_620], %swap3A_623 {strides = array<i32>} : memref<240x128xf32, #tpu.memory_space<vmem>>, vector<1x16xf32>,
        %get3A_624 = arith.index_cast %add3A_574 : i32 to index
        %get3A_625 = arith.constant 80 : index
        %get3A_626 = tpu.vector_load %arg7[%get3A_624, %get3A_625] {strides = array<i32>} : memref<240x128xf32, #tpu.memory_space<vmem>>, vector<1x16xf32>,
        %get3A_627 = vector.shape_cast %get3A_626 : vector<1x16xf32> to vector<16xf32>
        %mul3A_628 = arith.mulf %get3A_627, %gather3A_569 : vector<16xf32>
        %swap3A_629 = arith.index_cast %add3A_574 : i32 to index
        %swap3A_630 = arith.constant 80 : index
        %swap3A_631 = tpu.vector_load %arg7[%swap3A_629, %swap3A_630] {strides = array<i32>} : memref<240x128xf32, #tpu.memory_space<vmem>>, vector<1x16xf32>,
        %swap3A_632 = vector.shape_cast %swap3A_631 : vector<1x16xf32> to vector<16xf32>
        %swap3A_633 = vector.shape_cast %mul3A_628 : vector<16xf32> to vector<1x16xf32>
        tpu.vector_store %arg7[%swap3A_629, %swap3A_630], %swap3A_633 {strides = array<i32>} : memref<240x128xf32, #tpu.memory_space<vmem>>, vector<1x16xf32>,
        %get3A_634 = arith.index_cast %add3A_574 : i32 to index
        %get3A_635 = arith.constant 96 : index
        %get3A_636 = tpu.vector_load %arg7[%get3A_634, %get3A_635] {strides = array<i32>} : memref<240x128xf32, #tpu.memory_space<vmem>>, vector<1x16xf32>,
        %get3A_637 = vector.shape_cast %get3A_636 : vector<1x16xf32> to vector<16xf32>
        %mul3A_638 = arith.mulf %get3A_637, %gather3A_569 : vector<16xf32>
        %swap3A_639 = arith.index_cast %add3A_574 : i32 to index
        %swap3A_640 = arith.constant 96 : index
        %swap3A_641 = tpu.vector_load %arg7[%swap3A_639, %swap3A_640] {strides = array<i32>} : memref<240x128xf32, #tpu.memory_space<vmem>>, vector<1x16xf32>,
        %swap3A_642 = vector.shape_cast %swap3A_641 : vector<1x16xf32> to vector<16xf32>
        %swap3A_643 = vector.shape_cast %mul3A_638 : vector<16xf32> to vector<1x16xf32>
        tpu.vector_store %arg7[%swap3A_639, %swap3A_640], %swap3A_643 {strides = array<i32>} : memref<240x128xf32, #tpu.memory_space<vmem>>, vector<1x16xf32>,
        %get3A_644 = arith.index_cast %add3A_574 : i32 to index
        %get3A_645 = arith.constant 112 : index
        %get3A_646 = tpu.vector_load %arg7[%get3A_644, %get3A_645] {strides = array<i32>} : memref<240x128xf32, #tpu.memory_space<vmem>>, vector<1x16xf32>,
        %get3A_647 = vector.shape_cast %get3A_646 : vector<1x16xf32> to vector<16xf32>
        %mul3A_648 = arith.mulf %get3A_647, %gather3A_569 : vector<16xf32>
        %swap3A_649 = arith.index_cast %add3A_574 : i32 to index
        %swap3A_650 = arith.constant 112 : index
        %swap3A_651 = tpu.vector_load %arg7[%swap3A_649, %swap3A_650] {strides = array<i32>} : memref<240x128xf32, #tpu.memory_space<vmem>>, vector<1x16xf32>,
        %swap3A_652 = vector.shape_cast %swap3A_651 : vector<1x16xf32> to vector<16xf32>
        %swap3A_653 = vector.shape_cast %mul3A_648 : vector<16xf32> to vector<1x16xf32>
        tpu.vector_store %arg7[%swap3A_649, %swap3A_650], %swap3A_653 {strides = array<i32>} : memref<240x128xf32, #tpu.memory_space<vmem>>, vector<1x16xf32>,
        %broadcast_in_dim3A_654 = arith.constant 1 : i32
        %broadcast_in_dim3A_655 = vector.broadcast %broadcast_in_dim3A_654 : i32 to vector<16x1xi32>
        %gather3A_656 = vector.shape_cast %broadcast_in_dim3A_655 : vector<16x1xi32> to vector<16xi32>
        %gather3A_657 = tpu.dynamic_gather %get3A_567[%gather3A_656] in [0] : vector<16xf32>, vector<16xi32> -> vector<16xf32>
        %mul3A_658 = arith.constant 16 : i32
        %mul3A_659 = arith.muli %scan3A_562, %mul3A_658 : i32
        %add3A_660 = arith.addi %mul3A_545, %mul3A_659 : i32
        %add3A_661 = arith.constant 1 : i32
        %add3A_662 = arith.addi %add3A_660, %add3A_661 : i32
        %get3A_663 = arith.index_cast %add3A_662 : i32 to index
        %get3A_664 = arith.constant 0 : index
        %get3A_665 = tpu.vector_load %arg7[%get3A_663, %get3A_664] {strides = array<i32>} : memref<240x128xf32, #tpu.memory_space<vmem>>, vector<1x16xf32>,
        %get3A_666 = vector.shape_cast %get3A_665 : vector<1x16xf32> to vector<16xf32>
        %mul3A_667 = arith.mulf %get3A_666, %gather3A_657 : vector<16xf32>
        %swap3A_668 = arith.index_cast %add3A_662 : i32 to index
        %swap3A_669 = arith.constant 0 : index
        %swap3A_670 = tpu.vector_load %arg7[%swap3A_668, %swap3A_669] {strides = array<i32>} : memref<240x128xf32, #tpu.memory_space<vmem>>, vector<1x16xf32>,
        %swap3A_671 = vector.shape_cast %swap3A_670 : vector<1x16xf32> to vector<16xf32>
        %swap3A_672 = vector.shape_cast %mul3A_667 : vector<16xf32> to vector<1x16xf32>
        tpu.vector_store %arg7[%swap3A_668, %swap3A_669], %swap3A_672 {strides = array<i32>} : memref<240x128xf32, #tpu.memory_space<vmem>>, vector<1x16xf32>,
        %get3A_673 = arith.index_cast %add3A_662 : i32 to index
        %get3A_674 = arith.constant 16 : index
        %get3A_675 = tpu.vector_load %arg7[%get3A_673, %get3A_674] {strides = array<i32>} : memref<240x128xf32, #tpu.memory_space<vmem>>, vector<1x16xf32>,
        %get3A_676 = vector.shape_cast %get3A_675 : vector<1x16xf32> to vector<16xf32>
        %mul3A_677 = arith.mulf %get3A_676, %gather3A_657 : vector<16xf32>
        %swap3A_678 = arith.index_cast %add3A_662 : i32 to index
        %swap3A_679 = arith.constant 16 : index
        %swap3A_680 = tpu.vector_load %arg7[%swap3A_678, %swap3A_679] {strides = array<i32>} : memref<240x128xf32, #tpu.memory_space<vmem>>, vector<1x16xf32>,
        %swap3A_681 = vector.shape_cast %swap3A_680 : vector<1x16xf32> to vector<16xf32>
        %swap3A_682 = vector.shape_cast %mul3A_677 : vector<16xf32> to vector<1x16xf32>
        tpu.vector_store %arg7[%swap3A_678, %swap3A_679], %swap3A_682 {strides = array<i32>} : memref<240x128xf32, #tpu.memory_space<vmem>>, vector<1x16xf32>,
        %get3A_683 = arith.index_cast %add3A_662 : i32 to index
        %get3A_684 = arith.constant 32 : index
        %get3A_685 = tpu.vector_load %arg7[%get3A_683, %get3A_684] {strides = array<i32>} : memref<240x128xf32, #tpu.memory_space<vmem>>, vector<1x16xf32>,
        %get3A_686 = vector.shape_cast %get3A_685 : vector<1x16xf32> to vector<16xf32>
        %mul3A_687 = arith.mulf %get3A_686, %gather3A_657 : vector<16xf32>
        %swap3A_688 = arith.index_cast %add3A_662 : i32 to index
        %swap3A_689 = arith.constant 32 : index
        %swap3A_690 = tpu.vector_load %arg7[%swap3A_688, %swap3A_689] {strides = array<i32>} : memref<240x128xf32, #tpu.memory_space<vmem>>, vector<1x16xf32>,
        %swap3A_691 = vector.shape_cast %swap3A_690 : vector<1x16xf32> to vector<16xf32>
        %swap3A_692 = vector.shape_cast %mul3A_687 : vector<16xf32> to vector<1x16xf32>
        tpu.vector_store %arg7[%swap3A_688, %swap3A_689], %swap3A_692 {strides = array<i32>} : memref<240x128xf32, #tpu.memory_space<vmem>>, vector<1x16xf32>,
        %get3A_693 = arith.index_cast %add3A_662 : i32 to index
        %get3A_694 = arith.constant 48 : index
        %get3A_695 = tpu.vector_load %arg7[%get3A_693, %get3A_694] {strides = array<i32>} : memref<240x128xf32, #tpu.memory_space<vmem>>, vector<1x16xf32>,
        %get3A_696 = vector.shape_cast %get3A_695 : vector<1x16xf32> to vector<16xf32>
        %mul3A_697 = arith.mulf %get3A_696, %gather3A_657 : vector<16xf32>
        %swap3A_698 = arith.index_cast %add3A_662 : i32 to index
        %swap3A_699 = arith.constant 48 : index
        %swap3A_700 = tpu.vector_load %arg7[%swap3A_698, %swap3A_699] {strides = array<i32>} : memref<240x128xf32, #tpu.memory_space<vmem>>, vector<1x16xf32>,
        %swap3A_701 = vector.shape_cast %swap3A_700 : vector<1x16xf32> to vector<16xf32>
        %swap3A_702 = vector.shape_cast %mul3A_697 : vector<16xf32> to vector<1x16xf32>
        tpu.vector_store %arg7[%swap3A_698, %swap3A_699], %swap3A_702 {strides = array<i32>} : memref<240x128xf32, #tpu.memory_space<vmem>>, vector<1x16xf32>,
        %get3A_703 = arith.index_cast %add3A_662 : i32 to index
        %get3A_704 = arith.constant 64 : index
        %get3A_705 = tpu.vector_load %arg7[%get3A_703, %get3A_704] {strides = array<i32>} : memref<240x128xf32, #tpu.memory_space<vmem>>, vector<1x16xf32>,
        %get3A_706 = vector.shape_cast %get3A_705 : vector<1x16xf32> to vector<16xf32>
        %mul3A_707 = arith.mulf %get3A_706, %gather3A_657 : vector<16xf32>
        %swap3A_708 = arith.index_cast %add3A_662 : i32 to index
        %swap3A_709 = arith.constant 64 : index
        %swap3A_710 = tpu.vector_load %arg7[%swap3A_708, %swap3A_709] {strides = array<i32>} : memref<240x128xf32, #tpu.memory_space<vmem>>, vector<1x16xf32>,
        %swap3A_711 = vector.shape_cast %swap3A_710 : vector<1x16xf32> to vector<16xf32>
        %swap3A_712 = vector.shape_cast %mul3A_707 : vector<16xf32> to vector<1x16xf32>
        tpu.vector_store %arg7[%swap3A_708, %swap3A_709], %swap3A_712 {strides = array<i32>} : memref<240x128xf32, #tpu.memory_space<vmem>>, vector<1x16xf32>,
        %get3A_713 = arith.index_cast %add3A_662 : i32 to index
        %get3A_714 = arith.constant 80 : index
        %get3A_715 = tpu.vector_load %arg7[%get3A_713, %get3A_714] {strides = array<i32>} : memref<240x128xf32, #tpu.memory_space<vmem>>, vector<1x16xf32>,
        %get3A_716 = vector.shape_cast %get3A_715 : vector<1x16xf32> to vector<16xf32>
        %mul3A_717 = arith.mulf %get3A_716, %gather3A_657 : vector<16xf32>
        %swap3A_718 = arith.index_cast %add3A_662 : i32 to index
        %swap3A_719 = arith.constant 80 : index
        %swap3A_720 = tpu.vector_load %arg7[%swap3A_718, %swap3A_719] {strides = array<i32>} : memref<240x128xf32, #tpu.memory_space<vmem>>, vector<1x16xf32>,
        %swap3A_721 = vector.shape_cast %swap3A_720 : vector<1x16xf32> to vector<16xf32>
        %swap3A_722 = vector.shape_cast %mul3A_717 : vector<16xf32> to vector<1x16xf32>
        tpu.vector_store %arg7[%swap3A_718, %swap3A_719], %swap3A_722 {strides = array<i32>} : memref<240x128xf32, #tpu.memory_space<vmem>>, vector<1x16xf32>,
        %get3A_723 = arith.index_cast %add3A_662 : i32 to index
        %get3A_724 = arith.constant 96 : index
        %get3A_725 = tpu.vector_load %arg7[%get3A_723, %get3A_724] {strides = array<i32>} : memref<240x128xf32, #tpu.memory_space<vmem>>, vector<1x16xf32>,
        %get3A_726 = vector.shape_cast %get3A_725 : vector<1x16xf32> to vector<16xf32>
        %mul3A_727 = arith.mulf %get3A_726, %gather3A_657 : vector<16xf32>
        %swap3A_728 = arith.index_cast %add3A_662 : i32 to index
        %swap3A_729 = arith.constant 96 : index
        %swap3A_730 = tpu.vector_load %arg7[%swap3A_728, %swap3A_729] {strides = array<i32>} : memref<240x128xf32, #tpu.memory_space<vmem>>, vector<1x16xf32>,
        %swap3A_731 = vector.shape_cast %swap3A_730 : vector<1x16xf32> to vector<16xf32>
        %swap3A_732 = vector.shape_cast %mul3A_727 : vector<16xf32> to vector<1x16xf32>
        tpu.vector_store %arg7[%swap3A_728, %swap3A_729], %swap3A_732 {strides = array<i32>} : memref<240x128xf32, #tpu.memory_space<vmem>>, vector<1x16xf32>,
        %get3A_733 = arith.index_cast %add3A_662 : i32 to index
        %get3A_734 = arith.constant 112 : index
        %get3A_735 = tpu.vector_load %arg7[%get3A_733, %get3A_734] {strides = array<i32>} : memref<240x128xf32, #tpu.memory_space<vmem>>, vector<1x16xf32>,
        %get3A_736 = vector.shape_cast %get3A_735 : vector<1x16xf32> to vector<16xf32>
        %mul3A_737 = arith.mulf %get3A_736, %gather3A_657 : vector<16xf32>
        %swap3A_738 = arith.index_cast %add3A_662 : i32 to index
        %swap3A_739 = arith.constant 112 : index
        %swap3A_740 = tpu.vector_load %arg7[%swap3A_738, %swap3A_739] {strides = array<i32>} : memref<240x128xf32, #tpu.memory_space<vmem>>, vector<1x16xf32>,
        %swap3A_741 = vector.shape_cast %swap3A_740 : vector<1x16xf32> to vector<16xf32>
        %swap3A_742 = vector.shape_cast %mul3A_737 : vector<16xf32> to vector<1x16xf32>
        tpu.vector_store %arg7[%swap3A_738, %swap3A_739], %swap3A_742 {strides = array<i32>} : memref<240x128xf32, #tpu.memory_space<vmem>>, vector<1x16xf32>,
        %broadcast_in_dim3A_743 = arith.constant 2 : i32
        %broadcast_in_dim3A_744 = vector.broadcast %broadcast_in_dim3A_743 : i32 to vector<16x1xi32>
        %gather3A_745 = vector.shape_cast %broadcast_in_dim3A_744 : vector<16x1xi32> to vector<16xi32>
        %gather3A_746 = tpu.dynamic_gather %get3A_567[%gather3A_745] in [0] : vector<16xf32>, vector<16xi32> -> vector<16xf32>
        %mul3A_747 = arith.constant 16 : i32
        %mul3A_748 = arith.muli %scan3A_562, %mul3A_747 : i32
        %add3A_749 = arith.addi %mul3A_545, %mul3A_748 : i32
        %add3A_750 = arith.constant 2 : i32
        %add3A_751 = arith.addi %add3A_749, %add3A_750 : i32
        %get3A_752 = arith.index_cast %add3A_751 : i32 to index
        %get3A_753 = arith.constant 0 : index
        %get3A_754 = tpu.vector_load %arg7[%get3A_752, %get3A_753] {strides = array<i32>} : memref<240x128xf32, #tpu.memory_space<vmem>>, vector<1x16xf32>,
        %get3A_755 = vector.shape_cast %get3A_754 : vector<1x16xf32> to vector<16xf32>
        %mul3A_756 = arith.mulf %get3A_755, %gather3A_746 : vector<16xf32>
        %swap3A_757 = arith.index_cast %add3A_751 : i32 to index
        %swap3A_758 = arith.constant 0 : index
        %swap3A_759 = tpu.vector_load %arg7[%swap3A_757, %swap3A_758] {strides = array<i32>} : memref<240x128xf32, #tpu.memory_space<vmem>>, vector<1x16xf32>,
        %swap3A_760 = vector.shape_cast %swap3A_759 : vector<1x16xf32> to vector<16xf32>
        %swap3A_761 = vector.shape_cast %mul3A_756 : vector<16xf32> to vector<1x16xf32>
        tpu.vector_store %arg7[%swap3A_757, %swap3A_758], %swap3A_761 {strides = array<i32>} : memref<240x128xf32, #tpu.memory_space<vmem>>, vector<1x16xf32>,
        %get3A_762 = arith.index_cast %add3A_751 : i32 to index
        %get3A_763 = arith.constant 16 : index
        %get3A_764 = tpu.vector_load %arg7[%get3A_762, %get3A_763] {strides = array<i32>} : memref<240x128xf32, #tpu.memory_space<vmem>>, vector<1x16xf32>,
        %get3A_765 = vector.shape_cast %get3A_764 : vector<1x16xf32> to vector<16xf32>
        %mul3A_766 = arith.mulf %get3A_765, %gather3A_746 : vector<16xf32>
        %swap3A_767 = arith.index_cast %add3A_751 : i32 to index
        %swap3A_768 = arith.constant 16 : index
        %swap3A_769 = tpu.vector_load %arg7[%swap3A_767, %swap3A_768] {strides = array<i32>} : memref<240x128xf32, #tpu.memory_space<vmem>>, vector<1x16xf32>,
        %swap3A_770 = vector.shape_cast %swap3A_769 : vector<1x16xf32> to vector<16xf32>
        %swap3A_771 = vector.shape_cast %mul3A_766 : vector<16xf32> to vector<1x16xf32>
        tpu.vector_store %arg7[%swap3A_767, %swap3A_768], %swap3A_771 {strides = array<i32>} : memref<240x128xf32, #tpu.memory_space<vmem>>, vector<1x16xf32>,
        %get3A_772 = arith.index_cast %add3A_751 : i32 to index
        %get3A_773 = arith.constant 32 : index
        %get3A_774 = tpu.vector_load %arg7[%get3A_772, %get3A_773] {strides = array<i32>} : memref<240x128xf32, #tpu.memory_space<vmem>>, vector<1x16xf32>,
        %get3A_775 = vector.shape_cast %get3A_774 : vector<1x16xf32> to vector<16xf32>
        %mul3A_776 = arith.mulf %get3A_775, %gather3A_746 : vector<16xf32>
        %swap3A_777 = arith.index_cast %add3A_751 : i32 to index
        %swap3A_778 = arith.constant 32 : index
        %swap3A_779 = tpu.vector_load %arg7[%swap3A_777, %swap3A_778] {strides = array<i32>} : memref<240x128xf32, #tpu.memory_space<vmem>>, vector<1x16xf32>,
        %swap3A_780 = vector.shape_cast %swap3A_779 : vector<1x16xf32> to vector<16xf32>
        %swap3A_781 = vector.shape_cast %mul3A_776 : vector<16xf32> to vector<1x16xf32>
        tpu.vector_store %arg7[%swap3A_777, %swap3A_778], %swap3A_781 {strides = array<i32>} : memref<240x128xf32, #tpu.memory_space<vmem>>, vector<1x16xf32>,
        %get3A_782 = arith.index_cast %add3A_751 : i32 to index
        %get3A_783 = arith.constant 48 : index
        %get3A_784 = tpu.vector_load %arg7[%get3A_782, %get3A_783] {strides = array<i32>} : memref<240x128xf32, #tpu.memory_space<vmem>>, vector<1x16xf32>,
        %get3A_785 = vector.shape_cast %get3A_784 : vector<1x16xf32> to vector<16xf32>
        %mul3A_786 = arith.mulf %get3A_785, %gather3A_746 : vector<16xf32>
        %swap3A_787 = arith.index_cast %add3A_751 : i32 to index
        %swap3A_788 = arith.constant 48 : index
        %swap3A_789 = tpu.vector_load %arg7[%swap3A_787, %swap3A_788] {strides = array<i32>} : memref<240x128xf32, #tpu.memory_space<vmem>>, vector<1x16xf32>,
        %swap3A_790 = vector.shape_cast %swap3A_789 : vector<1x16xf32> to vector<16xf32>
        %swap3A_791 = vector.shape_cast %mul3A_786 : vector<16xf32> to vector<1x16xf32>
        tpu.vector_store %arg7[%swap3A_787, %swap3A_788], %swap3A_791 {strides = array<i32>} : memref<240x128xf32, #tpu.memory_space<vmem>>, vector<1x16xf32>,
        %get3A_792 = arith.index_cast %add3A_751 : i32 to index
        %get3A_793 = arith.constant 64 : index
        %get3A_794 = tpu.vector_load %arg7[%get3A_792, %get3A_793] {strides = array<i32>} : memref<240x128xf32, #tpu.memory_space<vmem>>, vector<1x16xf32>,
        %get3A_795 = vector.shape_cast %get3A_794 : vector<1x16xf32> to vector<16xf32>
        %mul3A_796 = arith.mulf %get3A_795, %gather3A_746 : vector<16xf32>
        %swap3A_797 = arith.index_cast %add3A_751 : i32 to index
        %swap3A_798 = arith.constant 64 : index
        %swap3A_799 = tpu.vector_load %arg7[%swap3A_797, %swap3A_798] {strides = array<i32>} : memref<240x128xf32, #tpu.memory_space<vmem>>, vector<1x16xf32>,
        %swap3A_800 = vector.shape_cast %swap3A_799 : vector<1x16xf32> to vector<16xf32>
        %swap3A_801 = vector.shape_cast %mul3A_796 : vector<16xf32> to vector<1x16xf32>
        tpu.vector_store %arg7[%swap3A_797, %swap3A_798], %swap3A_801 {strides = array<i32>} : memref<240x128xf32, #tpu.memory_space<vmem>>, vector<1x16xf32>,
        %get3A_802 = arith.index_cast %add3A_751 : i32 to index
        %get3A_803 = arith.constant 80 : index
        %get3A_804 = tpu.vector_load %arg7[%get3A_802, %get3A_803] {strides = array<i32>} : memref<240x128xf32, #tpu.memory_space<vmem>>, vector<1x16xf32>,
        %get3A_805 = vector.shape_cast %get3A_804 : vector<1x16xf32> to vector<16xf32>
        %mul3A_806 = arith.mulf %get3A_805, %gather3A_746 : vector<16xf32>
        %swap3A_807 = arith.index_cast %add3A_751 : i32 to index
        %swap3A_808 = arith.constant 80 : index
        %swap3A_809 = tpu.vector_load %arg7[%swap3A_807, %swap3A_808] {strides = array<i32>} : memref<240x128xf32, #tpu.memory_space<vmem>>, vector<1x16xf32>,
        %swap3A_810 = vector.shape_cast %swap3A_809 : vector<1x16xf32> to vector<16xf32>
        %swap3A_811 = vector.shape_cast %mul3A_806 : vector<16xf32> to vector<1x16xf32>
        tpu.vector_store %arg7[%swap3A_807, %swap3A_808], %swap3A_811 {strides = array<i32>} : memref<240x128xf32, #tpu.memory_space<vmem>>, vector<1x16xf32>,
        %get3A_812 = arith.index_cast %add3A_751 : i32 to index
        %get3A_813 = arith.constant 96 : index
        %get3A_814 = tpu.vector_load %arg7[%get3A_812, %get3A_813] {strides = array<i32>} : memref<240x128xf32, #tpu.memory_space<vmem>>, vector<1x16xf32>,
        %get3A_815 = vector.shape_cast %get3A_814 : vector<1x16xf32> to vector<16xf32>
        %mul3A_816 = arith.mulf %get3A_815, %gather3A_746 : vector<16xf32>
        %swap3A_817 = arith.index_cast %add3A_751 : i32 to index
        %swap3A_818 = arith.constant 96 : index
        %swap3A_819 = tpu.vector_load %arg7[%swap3A_817, %swap3A_818] {strides = array<i32>} : memref<240x128xf32, #tpu.memory_space<vmem>>, vector<1x16xf32>,
        %swap3A_820 = vector.shape_cast %swap3A_819 : vector<1x16xf32> to vector<16xf32>
        %swap3A_821 = vector.shape_cast %mul3A_816 : vector<16xf32> to vector<1x16xf32>
        tpu.vector_store %arg7[%swap3A_817, %swap3A_818], %swap3A_821 {strides = array<i32>} : memref<240x128xf32, #tpu.memory_space<vmem>>, vector<1x16xf32>,
        %get3A_822 = arith.index_cast %add3A_751 : i32 to index
        %get3A_823 = arith.constant 112 : index
        %get3A_824 = tpu.vector_load %arg7[%get3A_822, %get3A_823] {strides = array<i32>} : memref<240x128xf32, #tpu.memory_space<vmem>>, vector<1x16xf32>,
        %get3A_825 = vector.shape_cast %get3A_824 : vector<1x16xf32> to vector<16xf32>
        %mul3A_826 = arith.mulf %get3A_825, %gather3A_746 : vector<16xf32>
        %swap3A_827 = arith.index_cast %add3A_751 : i32 to index
        %swap3A_828 = arith.constant 112 : index
        %swap3A_829 = tpu.vector_load %arg7[%swap3A_827, %swap3A_828] {strides = array<i32>} : memref<240x128xf32, #tpu.memory_space<vmem>>, vector<1x16xf32>,
        %swap3A_830 = vector.shape_cast %swap3A_829 : vector<1x16xf32> to vector<16xf32>
        %swap3A_831 = vector.shape_cast %mul3A_826 : vector<16xf32> to vector<1x16xf32>
        tpu.vector_store %arg7[%swap3A_827, %swap3A_828], %swap3A_831 {strides = array<i32>} : memref<240x128xf32, #tpu.memory_space<vmem>>, vector<1x16xf32>,
        %broadcast_in_dim3A_832 = arith.constant 3 : i32
        %broadcast_in_dim3A_833 = vector.broadcast %broadcast_in_dim3A_832 : i32 to vector<16x1xi32>
        %gather3A_834 = vector.shape_cast %broadcast_in_dim3A_833 : vector<16x1xi32> to vector<16xi32>
        %gather3A_835 = tpu.dynamic_gather %get3A_567[%gather3A_834] in [0] : vector<16xf32>, vector<16xi32> -> vector<16xf32>
        %mul3A_836 = arith.constant 16 : i32
        %mul3A_837 = arith.muli %scan3A_562, %mul3A_836 : i32
        %add3A_838 = arith.addi %mul3A_545, %mul3A_837 : i32
        %add3A_839 = arith.constant 3 : i32
        %add3A_840 = arith.addi %add3A_838, %add3A_839 : i32
        %get3A_841 = arith.index_cast %add3A_840 : i32 to index
        %get3A_842 = arith.constant 0 : index
        %get3A_843 = tpu.vector_load %arg7[%get3A_841, %get3A_842] {strides = array<i32>} : memref<240x128xf32, #tpu.memory_space<vmem>>, vector<1x16xf32>,
        %get3A_844 = vector.shape_cast %get3A_843 : vector<1x16xf32> to vector<16xf32>
        %mul3A_845 = arith.mulf %get3A_844, %gather3A_835 : vector<16xf32>
        %swap3A_846 = arith.index_cast %add3A_840 : i32 to index
        %swap3A_847 = arith.constant 0 : index
        %swap3A_848 = tpu.vector_load %arg7[%swap3A_846, %swap3A_847] {strides = array<i32>} : memref<240x128xf32, #tpu.memory_space<vmem>>, vector<1x16xf32>,
        %swap3A_849 = vector.shape_cast %swap3A_848 : vector<1x16xf32> to vector<16xf32>
        %swap3A_850 = vector.shape_cast %mul3A_845 : vector<16xf32> to vector<1x16xf32>
        tpu.vector_store %arg7[%swap3A_846, %swap3A_847], %swap3A_850 {strides = array<i32>} : memref<240x128xf32, #tpu.memory_space<vmem>>, vector<1x16xf32>,
        %get3A_851 = arith.index_cast %add3A_840 : i32 to index
        %get3A_852 = arith.constant 16 : index
        %get3A_853 = tpu.vector_load %arg7[%get3A_851, %get3A_852] {strides = array<i32>} : memref<240x128xf32, #tpu.memory_space<vmem>>, vector<1x16xf32>,
        %get3A_854 = vector.shape_cast %get3A_853 : vector<1x16xf32> to vector<16xf32>
        %mul3A_855 = arith.mulf %get3A_854, %gather3A_835 : vector<16xf32>
        %swap3A_856 = arith.index_cast %add3A_840 : i32 to index
        %swap3A_857 = arith.constant 16 : index
        %swap3A_858 = tpu.vector_load %arg7[%swap3A_856, %swap3A_857] {strides = array<i32>} : memref<240x128xf32, #tpu.memory_space<vmem>>, vector<1x16xf32>,
        %swap3A_859 = vector.shape_cast %swap3A_858 : vector<1x16xf32> to vector<16xf32>
        %swap3A_860 = vector.shape_cast %mul3A_855 : vector<16xf32> to vector<1x16xf32>
        tpu.vector_store %arg7[%swap3A_856, %swap3A_857], %swap3A_860 {strides = array<i32>} : memref<240x128xf32, #tpu.memory_space<vmem>>, vector<1x16xf32>,
        %get3A_861 = arith.index_cast %add3A_840 : i32 to index
        %get3A_862 = arith.constant 32 : index
        %get3A_863 = tpu.vector_load %arg7[%get3A_861, %get3A_862] {strides = array<i32>} : memref<240x128xf32, #tpu.memory_space<vmem>>, vector<1x16xf32>,
        %get3A_864 = vector.shape_cast %get3A_863 : vector<1x16xf32> to vector<16xf32>
        %mul3A_865 = arith.mulf %get3A_864, %gather3A_835 : vector<16xf32>
        %swap3A_866 = arith.index_cast %add3A_840 : i32 to index
        %swap3A_867 = arith.constant 32 : index
        %swap3A_868 = tpu.vector_load %arg7[%swap3A_866, %swap3A_867] {strides = array<i32>} : memref<240x128xf32, #tpu.memory_space<vmem>>, vector<1x16xf32>,
        %swap3A_869 = vector.shape_cast %swap3A_868 : vector<1x16xf32> to vector<16xf32>
        %swap3A_870 = vector.shape_cast %mul3A_865 : vector<16xf32> to vector<1x16xf32>
        tpu.vector_store %arg7[%swap3A_866, %swap3A_867], %swap3A_870 {strides = array<i32>} : memref<240x128xf32, #tpu.memory_space<vmem>>, vector<1x16xf32>,
        %get3A_871 = arith.index_cast %add3A_840 : i32 to index
        %get3A_872 = arith.constant 48 : index
        %get3A_873 = tpu.vector_load %arg7[%get3A_871, %get3A_872] {strides = array<i32>} : memref<240x128xf32, #tpu.memory_space<vmem>>, vector<1x16xf32>,
        %get3A_874 = vector.shape_cast %get3A_873 : vector<1x16xf32> to vector<16xf32>
        %mul3A_875 = arith.mulf %get3A_874, %gather3A_835 : vector<16xf32>
        %swap3A_876 = arith.index_cast %add3A_840 : i32 to index
        %swap3A_877 = arith.constant 48 : index
        %swap3A_878 = tpu.vector_load %arg7[%swap3A_876, %swap3A_877] {strides = array<i32>} : memref<240x128xf32, #tpu.memory_space<vmem>>, vector<1x16xf32>,
        %swap3A_879 = vector.shape_cast %swap3A_878 : vector<1x16xf32> to vector<16xf32>
        %swap3A_880 = vector.shape_cast %mul3A_875 : vector<16xf32> to vector<1x16xf32>
        tpu.vector_store %arg7[%swap3A_876, %swap3A_877], %swap3A_880 {strides = array<i32>} : memref<240x128xf32, #tpu.memory_space<vmem>>, vector<1x16xf32>,
        %get3A_881 = arith.index_cast %add3A_840 : i32 to index
        %get3A_882 = arith.constant 64 : index
        %get3A_883 = tpu.vector_load %arg7[%get3A_881, %get3A_882] {strides = array<i32>} : memref<240x128xf32, #tpu.memory_space<vmem>>, vector<1x16xf32>,
        %get3A_884 = vector.shape_cast %get3A_883 : vector<1x16xf32> to vector<16xf32>
        %mul3A_885 = arith.mulf %get3A_884, %gather3A_835 : vector<16xf32>
        %swap3A_886 = arith.index_cast %add3A_840 : i32 to index
        %swap3A_887 = arith.constant 64 : index
        %swap3A_888 = tpu.vector_load %arg7[%swap3A_886, %swap3A_887] {strides = array<i32>} : memref<240x128xf32, #tpu.memory_space<vmem>>, vector<1x16xf32>,
        %swap3A_889 = vector.shape_cast %swap3A_888 : vector<1x16xf32> to vector<16xf32>
        %swap3A_890 = vector.shape_cast %mul3A_885 : vector<16xf32> to vector<1x16xf32>
        tpu.vector_store %arg7[%swap3A_886, %swap3A_887], %swap3A_890 {strides = array<i32>} : memref<240x128xf32, #tpu.memory_space<vmem>>, vector<1x16xf32>,
        %get3A_891 = arith.index_cast %add3A_840 : i32 to index
        %get3A_892 = arith.constant 80 : index
        %get3A_893 = tpu.vector_load %arg7[%get3A_891, %get3A_892] {strides = array<i32>} : memref<240x128xf32, #tpu.memory_space<vmem>>, vector<1x16xf32>,
        %get3A_894 = vector.shape_cast %get3A_893 : vector<1x16xf32> to vector<16xf32>
        %mul3A_895 = arith.mulf %get3A_894, %gather3A_835 : vector<16xf32>
        %swap3A_896 = arith.index_cast %add3A_840 : i32 to index
        %swap3A_897 = arith.constant 80 : index
        %swap3A_898 = tpu.vector_load %arg7[%swap3A_896, %swap3A_897] {strides = array<i32>} : memref<240x128xf32, #tpu.memory_space<vmem>>, vector<1x16xf32>,
        %swap3A_899 = vector.shape_cast %swap3A_898 : vector<1x16xf32> to vector<16xf32>
        %swap3A_900 = vector.shape_cast %mul3A_895 : vector<16xf32> to vector<1x16xf32>
        tpu.vector_store %arg7[%swap3A_896, %swap3A_897], %swap3A_900 {strides = array<i32>} : memref<240x128xf32, #tpu.memory_space<vmem>>, vector<1x16xf32>,
        %get3A_901 = arith.index_cast %add3A_840 : i32 to index
        %get3A_902 = arith.constant 96 : index
        %get3A_903 = tpu.vector_load %arg7[%get3A_901, %get3A_902] {strides = array<i32>} : memref<240x128xf32, #tpu.memory_space<vmem>>, vector<1x16xf32>,
        %get3A_904 = vector.shape_cast %get3A_903 : vector<1x16xf32> to vector<16xf32>
        %mul3A_905 = arith.mulf %get3A_904, %gather3A_835 : vector<16xf32>
        %swap3A_906 = arith.index_cast %add3A_840 : i32 to index
        %swap3A_907 = arith.constant 96 : index
        %swap3A_908 = tpu.vector_load %arg7[%swap3A_906, %swap3A_907] {strides = array<i32>} : memref<240x128xf32, #tpu.memory_space<vmem>>, vector<1x16xf32>,
        %swap3A_909 = vector.shape_cast %swap3A_908 : vector<1x16xf32> to vector<16xf32>
        %swap3A_910 = vector.shape_cast %mul3A_905 : vector<16xf32> to vector<1x16xf32>
        tpu.vector_store %arg7[%swap3A_906, %swap3A_907], %swap3A_910 {strides = array<i32>} : memref<240x128xf32, #tpu.memory_space<vmem>>, vector<1x16xf32>,
        %get3A_911 = arith.index_cast %add3A_840 : i32 to index
        %get3A_912 = arith.constant 112 : index
        %get3A_913 = tpu.vector_load %arg7[%get3A_911, %get3A_912] {strides = array<i32>} : memref<240x128xf32, #tpu.memory_space<vmem>>, vector<1x16xf32>,
        %get3A_914 = vector.shape_cast %get3A_913 : vector<1x16xf32> to vector<16xf32>
        %mul3A_915 = arith.mulf %get3A_914, %gather3A_835 : vector<16xf32>
        %swap3A_916 = arith.index_cast %add3A_840 : i32 to index
        %swap3A_917 = arith.constant 112 : index
        %swap3A_918 = tpu.vector_load %arg7[%swap3A_916, %swap3A_917] {strides = array<i32>} : memref<240x128xf32, #tpu.memory_space<vmem>>, vector<1x16xf32>,
        %swap3A_919 = vector.shape_cast %swap3A_918 : vector<1x16xf32> to vector<16xf32>
        %swap3A_920 = vector.shape_cast %mul3A_915 : vector<16xf32> to vector<1x16xf32>
        tpu.vector_store %arg7[%swap3A_916, %swap3A_917], %swap3A_920 {strides = array<i32>} : memref<240x128xf32, #tpu.memory_space<vmem>>, vector<1x16xf32>,
        %broadcast_in_dim3A_921 = arith.constant 4 : i32
        %broadcast_in_dim3A_922 = vector.broadcast %broadcast_in_dim3A_921 : i32 to vector<16x1xi32>
        %gather3A_923 = vector.shape_cast %broadcast_in_dim3A_922 : vector<16x1xi32> to vector<16xi32>
        %gather3A_924 = tpu.dynamic_gather %get3A_567[%gather3A_923] in [0] : vector<16xf32>, vector<16xi32> -> vector<16xf32>
        %mul3A_925 = arith.constant 16 : i32
        %mul3A_926 = arith.muli %scan3A_562, %mul3A_925 : i32
        %add3A_927 = arith.addi %mul3A_545, %mul3A_926 : i32
        %add3A_928 = arith.constant 4 : i32
        %add3A_929 = arith.addi %add3A_927, %add3A_928 : i32
        %get3A_930 = arith.index_cast %add3A_929 : i32 to index
        %get3A_931 = arith.constant 0 : index
        %get3A_932 = tpu.vector_load %arg7[%get3A_930, %get3A_931] {strides = array<i32>} : memref<240x128xf32, #tpu.memory_space<vmem>>, vector<1x16xf32>,
        %get3A_933 = vector.shape_cast %get3A_932 : vector<1x16xf32> to vector<16xf32>
        %mul3A_934 = arith.mulf %get3A_933, %gather3A_924 : vector<16xf32>
        %swap3A_935 = arith.index_cast %add3A_929 : i32 to index
        %swap3A_936 = arith.constant 0 : index
        %swap3A_937 = tpu.vector_load %arg7[%swap3A_935, %swap3A_936] {strides = array<i32>} : memref<240x128xf32, #tpu.memory_space<vmem>>, vector<1x16xf32>,
        %swap3A_938 = vector.shape_cast %swap3A_937 : vector<1x16xf32> to vector<16xf32>
        %swap3A_939 = vector.shape_cast %mul3A_934 : vector<16xf32> to vector<1x16xf32>
        tpu.vector_store %arg7[%swap3A_935, %swap3A_936], %swap3A_939 {strides = array<i32>} : memref<240x128xf32, #tpu.memory_space<vmem>>, vector<1x16xf32>,
        %get3A_940 = arith.index_cast %add3A_929 : i32 to index
        %get3A_941 = arith.constant 16 : index
        %get3A_942 = tpu.vector_load %arg7[%get3A_940, %get3A_941] {strides = array<i32>} : memref<240x128xf32, #tpu.memory_space<vmem>>, vector<1x16xf32>,
        %get3A_943 = vector.shape_cast %get3A_942 : vector<1x16xf32> to vector<16xf32>
        %mul3A_944 = arith.mulf %get3A_943, %gather3A_924 : vector<16xf32>
        %swap3A_945 = arith.index_cast %add3A_929 : i32 to index
        %swap3A_946 = arith.constant 16 : index
        %swap3A_947 = tpu.vector_load %arg7[%swap3A_945, %swap3A_946] {strides = array<i32>} : memref<240x128xf32, #tpu.memory_space<vmem>>, vector<1x16xf32>,
        %swap3A_948 = vector.shape_cast %swap3A_947 : vector<1x16xf32> to vector<16xf32>
        %swap3A_949 = vector.shape_cast %mul3A_944 : vector<16xf32> to vector<1x16xf32>
        tpu.vector_store %arg7[%swap3A_945, %swap3A_946], %swap3A_949 {strides = array<i32>} : memref<240x128xf32, #tpu.memory_space<vmem>>, vector<1x16xf32>,
        %get3A_950 = arith.index_cast %add3A_929 : i32 to index
        %get3A_951 = arith.constant 32 : index
        %get3A_952 = tpu.vector_load %arg7[%get3A_950, %get3A_951] {strides = array<i32>} : memref<240x128xf32, #tpu.memory_space<vmem>>, vector<1x16xf32>,
        %get3A_953 = vector.shape_cast %get3A_952 : vector<1x16xf32> to vector<16xf32>
        %mul3A_954 = arith.mulf %get3A_953, %gather3A_924 : vector<16xf32>
        %swap3A_955 = arith.index_cast %add3A_929 : i32 to index
        %swap3A_956 = arith.constant 32 : index
        %swap3A_957 = tpu.vector_load %arg7[%swap3A_955, %swap3A_956] {strides = array<i32>} : memref<240x128xf32, #tpu.memory_space<vmem>>, vector<1x16xf32>,
        %swap3A_958 = vector.shape_cast %swap3A_957 : vector<1x16xf32> to vector<16xf32>
        %swap3A_959 = vector.shape_cast %mul3A_954 : vector<16xf32> to vector<1x16xf32>
        tpu.vector_store %arg7[%swap3A_955, %swap3A_956], %swap3A_959 {strides = array<i32>} : memref<240x128xf32, #tpu.memory_space<vmem>>, vector<1x16xf32>,
        %get3A_960 = arith.index_cast %add3A_929 : i32 to index
        %get3A_961 = arith.constant 48 : index
        %get3A_962 = tpu.vector_load %arg7[%get3A_960, %get3A_961] {strides = array<i32>} : memref<240x128xf32, #tpu.memory_space<vmem>>, vector<1x16xf32>,
        %get3A_963 = vector.shape_cast %get3A_962 : vector<1x16xf32> to vector<16xf32>
        %mul3A_964 = arith.mulf %get3A_963, %gather3A_924 : vector<16xf32>
        %swap3A_965 = arith.index_cast %add3A_929 : i32 to index
        %swap3A_966 = arith.constant 48 : index
        %swap3A_967 = tpu.vector_load %arg7[%swap3A_965, %swap3A_966] {strides = array<i32>} : memref<240x128xf32, #tpu.memory_space<vmem>>, vector<1x16xf32>,
        %swap3A_968 = vector.shape_cast %swap3A_967 : vector<1x16xf32> to vector<16xf32>
        %swap3A_969 = vector.shape_cast %mul3A_964 : vector<16xf32> to vector<1x16xf32>
        tpu.vector_store %arg7[%swap3A_965, %swap3A_966], %swap3A_969 {strides = array<i32>} : memref<240x128xf32, #tpu.memory_space<vmem>>, vector<1x16xf32>,
        %get3A_970 = arith.index_cast %add3A_929 : i32 to index
        %get3A_971 = arith.constant 64 : index
        %get3A_972 = tpu.vector_load %arg7[%get3A_970, %get3A_971] {strides = array<i32>} : memref<240x128xf32, #tpu.memory_space<vmem>>, vector<1x16xf32>,
        %get3A_973 = vector.shape_cast %get3A_972 : vector<1x16xf32> to vector<16xf32>
        %mul3A_974 = arith.mulf %get3A_973, %gather3A_924 : vector<16xf32>
        %swap3A_975 = arith.index_cast %add3A_929 : i32 to index
        %swap3A_976 = arith.constant 64 : index
        %swap3A_977 = tpu.vector_load %arg7[%swap3A_975, %swap3A_976] {strides = array<i32>} : memref<240x128xf32, #tpu.memory_space<vmem>>, vector<1x16xf32>,
        %swap3A_978 = vector.shape_cast %swap3A_977 : vector<1x16xf32> to vector<16xf32>
        %swap3A_979 = vector.shape_cast %mul3A_974 : vector<16xf32> to vector<1x16xf32>
        tpu.vector_store %arg7[%swap3A_975, %swap3A_976], %swap3A_979 {strides = array<i32>} : memref<240x128xf32, #tpu.memory_space<vmem>>, vector<1x16xf32>,
        %get3A_980 = arith.index_cast %add3A_929 : i32 to index
        %get3A_981 = arith.constant 80 : index
        %get3A_982 = tpu.vector_load %arg7[%get3A_980, %get3A_981] {strides = array<i32>} : memref<240x128xf32, #tpu.memory_space<vmem>>, vector<1x16xf32>,
        %get3A_983 = vector.shape_cast %get3A_982 : vector<1x16xf32> to vector<16xf32>
        %mul3A_984 = arith.mulf %get3A_983, %gather3A_924 : vector<16xf32>
        %swap3A_985 = arith.index_cast %add3A_929 : i32 to index
        %swap3A_986 = arith.constant 80 : index
        %swap3A_987 = tpu.vector_load %arg7[%swap3A_985, %swap3A_986] {strides = array<i32>} : memref<240x128xf32, #tpu.memory_space<vmem>>, vector<1x16xf32>,
        %swap3A_988 = vector.shape_cast %swap3A_987 : vector<1x16xf32> to vector<16xf32>
        %swap3A_989 = vector.shape_cast %mul3A_984 : vector<16xf32> to vector<1x16xf32>
        tpu.vector_store %arg7[%swap3A_985, %swap3A_986], %swap3A_989 {strides = array<i32>} : memref<240x128xf32, #tpu.memory_space<vmem>>, vector<1x16xf32>,
        %get3A_990 = arith.index_cast %add3A_929 : i32 to index
        %get3A_991 = arith.constant 96 : index
        %get3A_992 = tpu.vector_load %arg7[%get3A_990, %get3A_991] {strides = array<i32>} : memref<240x128xf32, #tpu.memory_space<vmem>>, vector<1x16xf32>,
        %get3A_993 = vector.shape_cast %get3A_992 : vector<1x16xf32> to vector<16xf32>
        %mul3A_994 = arith.mulf %get3A_993, %gather3A_924 : vector<16xf32>
        %swap3A_995 = arith.index_cast %add3A_929 : i32 to index
        %swap3A_996 = arith.constant 96 : index
        %swap3A_997 = tpu.vector_load %arg7[%swap3A_995, %swap3A_996] {strides = array<i32>} : memref<240x128xf32, #tpu.memory_space<vmem>>, vector<1x16xf32>,
        %swap3A_998 = vector.shape_cast %swap3A_997 : vector<1x16xf32> to vector<16xf32>
        %swap3A_999 = vector.shape_cast %mul3A_994 : vector<16xf32> to vector<1x16xf32>
        tpu.vector_store %arg7[%swap3A_995, %swap3A_996], %swap3A_999 {strides = array<i32>} : memref<240x128xf32, #tpu.memory_space<vmem>>, vector<1x16xf32>,
        %get3A_1000 = arith.index_cast %add3A_929 : i32 to index
        %get3A_1001 = arith.constant 112 : index
        %get3A_1002 = tpu.vector_load %arg7[%get3A_1000, %get3A_1001] {strides = array<i32>} : memref<240x128xf32, #tpu.memory_space<vmem>>, vector<1x16xf32>,
        %get3A_1003 = vector.shape_cast %get3A_1002 : vector<1x16xf32> to vector<16xf32>
        %mul3A_1004 = arith.mulf %get3A_1003, %gather3A_924 : vector<16xf32>
        %swap3A_1005 = arith.index_cast %add3A_929 : i32 to index
        %swap3A_1006 = arith.constant 112 : index
        %swap3A_1007 = tpu.vector_load %arg7[%swap3A_1005, %swap3A_1006] {strides = array<i32>} : memref<240x128xf32, #tpu.memory_space<vmem>>, vector<1x16xf32>,
        %swap3A_1008 = vector.shape_cast %swap3A_1007 : vector<1x16xf32> to vector<16xf32>
        %swap3A_1009 = vector.shape_cast %mul3A_1004 : vector<16xf32> to vector<1x16xf32>
        tpu.vector_store %arg7[%swap3A_1005, %swap3A_1006], %swap3A_1009 {strides = array<i32>} : memref<240x128xf32, #tpu.memory_space<vmem>>, vector<1x16xf32>,
        %broadcast_in_dim3A_1010 = arith.constant 5 : i32
        %broadcast_in_dim3A_1011 = vector.broadcast %broadcast_in_dim3A_1010 : i32 to vector<16x1xi32>
        %gather3A_1012 = vector.shape_cast %broadcast_in_dim3A_1011 : vector<16x1xi32> to vector<16xi32>
        %gather3A_1013 = tpu.dynamic_gather %get3A_567[%gather3A_1012] in [0] : vector<16xf32>, vector<16xi32> -> vector<16xf32>
        %mul3A_1014 = arith.constant 16 : i32
        %mul3A_1015 = arith.muli %scan3A_562, %mul3A_1014 : i32
        %add3A_1016 = arith.addi %mul3A_545, %mul3A_1015 : i32
        %add3A_1017 = arith.constant 5 : i32
        %add3A_1018 = arith.addi %add3A_1016, %add3A_1017 : i32
        %get3A_1019 = arith.index_cast %add3A_1018 : i32 to index
        %get3A_1020 = arith.constant 0 : index
        %get3A_1021 = tpu.vector_load %arg7[%get3A_1019, %get3A_1020] {strides = array<i32>} : memref<240x128xf32, #tpu.memory_space<vmem>>, vector<1x16xf32>,
        %get3A_1022 = vector.shape_cast %get3A_1021 : vector<1x16xf32> to vector<16xf32>
        %mul3A_1023 = arith.mulf %get3A_1022, %gather3A_1013 : vector<16xf32>
        %swap3A_1024 = arith.index_cast %add3A_1018 : i32 to index
        %swap3A_1025 = arith.constant 0 : index
        %swap3A_1026 = tpu.vector_load %arg7[%swap3A_1024, %swap3A_1025] {strides = array<i32>} : memref<240x128xf32, #tpu.memory_space<vmem>>, vector<1x16xf32>,
        %swap3A_1027 = vector.shape_cast %swap3A_1026 : vector<1x16xf32> to vector<16xf32>
        %swap3A_1028 = vector.shape_cast %mul3A_1023 : vector<16xf32> to vector<1x16xf32>
        tpu.vector_store %arg7[%swap3A_1024, %swap3A_1025], %swap3A_1028 {strides = array<i32>} : memref<240x128xf32, #tpu.memory_space<vmem>>, vector<1x16xf32>,
        %get3A_1029 = arith.index_cast %add3A_1018 : i32 to index
        %get3A_1030 = arith.constant 16 : index
        %get3A_1031 = tpu.vector_load %arg7[%get3A_1029, %get3A_1030] {strides = array<i32>} : memref<240x128xf32, #tpu.memory_space<vmem>>, vector<1x16xf32>,
        %get3A_1032 = vector.shape_cast %get3A_1031 : vector<1x16xf32> to vector<16xf32>
        %mul3A_1033 = arith.mulf %get3A_1032, %gather3A_1013 : vector<16xf32>
        %swap3A_1034 = arith.index_cast %add3A_1018 : i32 to index
        %swap3A_1035 = arith.constant 16 : index
        %swap3A_1036 = tpu.vector_load %arg7[%swap3A_1034, %swap3A_1035] {strides = array<i32>} : memref<240x128xf32, #tpu.memory_space<vmem>>, vector<1x16xf32>,
        %swap3A_1037 = vector.shape_cast %swap3A_1036 : vector<1x16xf32> to vector<16xf32>
        %swap3A_1038 = vector.shape_cast %mul3A_1033 : vector<16xf32> to vector<1x16xf32>
        tpu.vector_store %arg7[%swap3A_1034, %swap3A_1035], %swap3A_1038 {strides = array<i32>} : memref<240x128xf32, #tpu.memory_space<vmem>>, vector<1x16xf32>,
        %get3A_1039 = arith.index_cast %add3A_1018 : i32 to index
        %get3A_1040 = arith.constant 32 : index
        %get3A_1041 = tpu.vector_load %arg7[%get3A_1039, %get3A_1040] {strides = array<i32>} : memref<240x128xf32, #tpu.memory_space<vmem>>, vector<1x16xf32>,
        %get3A_1042 = vector.shape_cast %get3A_1041 : vector<1x16xf32> to vector<16xf32>
        %mul3A_1043 = arith.mulf %get3A_1042, %gather3A_1013 : vector<16xf32>
        %swap3A_1044 = arith.index_cast %add3A_1018 : i32 to index
        %swap3A_1045 = arith.constant 32 : index
        %swap3A_1046 = tpu.vector_load %arg7[%swap3A_1044, %swap3A_1045] {strides = array<i32>} : memref<240x128xf32, #tpu.memory_space<vmem>>, vector<1x16xf32>,
        %swap3A_1047 = vector.shape_cast %swap3A_1046 : vector<1x16xf32> to vector<16xf32>
        %swap3A_1048 = vector.shape_cast %mul3A_1043 : vector<16xf32> to vector<1x16xf32>
        tpu.vector_store %arg7[%swap3A_1044, %swap3A_1045], %swap3A_1048 {strides = array<i32>} : memref<240x128xf32, #tpu.memory_space<vmem>>, vector<1x16xf32>,
        %get3A_1049 = arith.index_cast %add3A_1018 : i32 to index
        %get3A_1050 = arith.constant 48 : index
        %get3A_1051 = tpu.vector_load %arg7[%get3A_1049, %get3A_1050] {strides = array<i32>} : memref<240x128xf32, #tpu.memory_space<vmem>>, vector<1x16xf32>,
        %get3A_1052 = vector.shape_cast %get3A_1051 : vector<1x16xf32> to vector<16xf32>
        %mul3A_1053 = arith.mulf %get3A_1052, %gather3A_1013 : vector<16xf32>
        %swap3A_1054 = arith.index_cast %add3A_1018 : i32 to index
        %swap3A_1055 = arith.constant 48 : index
        %swap3A_1056 = tpu.vector_load %arg7[%swap3A_1054, %swap3A_1055] {strides = array<i32>} : memref<240x128xf32, #tpu.memory_space<vmem>>, vector<1x16xf32>,
        %swap3A_1057 = vector.shape_cast %swap3A_1056 : vector<1x16xf32> to vector<16xf32>
        %swap3A_1058 = vector.shape_cast %mul3A_1053 : vector<16xf32> to vector<1x16xf32>
        tpu.vector_store %arg7[%swap3A_1054, %swap3A_1055], %swap3A_1058 {strides = array<i32>} : memref<240x128xf32, #tpu.memory_space<vmem>>, vector<1x16xf32>,
        %get3A_1059 = arith.index_cast %add3A_1018 : i32 to index
        %get3A_1060 = arith.constant 64 : index
        %get3A_1061 = tpu.vector_load %arg7[%get3A_1059, %get3A_1060] {strides = array<i32>} : memref<240x128xf32, #tpu.memory_space<vmem>>, vector<1x16xf32>,
        %get3A_1062 = vector.shape_cast %get3A_1061 : vector<1x16xf32> to vector<16xf32>
        %mul3A_1063 = arith.mulf %get3A_1062, %gather3A_1013 : vector<16xf32>
        %swap3A_1064 = arith.index_cast %add3A_1018 : i32 to index
        %swap3A_1065 = arith.constant 64 : index
        %swap3A_1066 = tpu.vector_load %arg7[%swap3A_1064, %swap3A_1065] {strides = array<i32>} : memref<240x128xf32, #tpu.memory_space<vmem>>, vector<1x16xf32>,
        %swap3A_1067 = vector.shape_cast %swap3A_1066 : vector<1x16xf32> to vector<16xf32>
        %swap3A_1068 = vector.shape_cast %mul3A_1063 : vector<16xf32> to vector<1x16xf32>
        tpu.vector_store %arg7[%swap3A_1064, %swap3A_1065], %swap3A_1068 {strides = array<i32>} : memref<240x128xf32, #tpu.memory_space<vmem>>, vector<1x16xf32>,
        %get3A_1069 = arith.index_cast %add3A_1018 : i32 to index
        %get3A_1070 = arith.constant 80 : index
        %get3A_1071 = tpu.vector_load %arg7[%get3A_1069, %get3A_1070] {strides = array<i32>} : memref<240x128xf32, #tpu.memory_space<vmem>>, vector<1x16xf32>,
        %get3A_1072 = vector.shape_cast %get3A_1071 : vector<1x16xf32> to vector<16xf32>
        %mul3A_1073 = arith.mulf %get3A_1072, %gather3A_1013 : vector<16xf32>
        %swap3A_1074 = arith.index_cast %add3A_1018 : i32 to index
        %swap3A_1075 = arith.constant 80 : index
        %swap3A_1076 = tpu.vector_load %arg7[%swap3A_1074, %swap3A_1075] {strides = array<i32>} : memref<240x128xf32, #tpu.memory_space<vmem>>, vector<1x16xf32>,
        %swap3A_1077 = vector.shape_cast %swap3A_1076 : vector<1x16xf32> to vector<16xf32>
        %swap3A_1078 = vector.shape_cast %mul3A_1073 : vector<16xf32> to vector<1x16xf32>
        tpu.vector_store %arg7[%swap3A_1074, %swap3A_1075], %swap3A_1078 {strides = array<i32>} : memref<240x128xf32, #tpu.memory_space<vmem>>, vector<1x16xf32>,
        %get3A_1079 = arith.index_cast %add3A_1018 : i32 to index
        %get3A_1080 = arith.constant 96 : index
        %get3A_1081 = tpu.vector_load %arg7[%get3A_1079, %get3A_1080] {strides = array<i32>} : memref<240x128xf32, #tpu.memory_space<vmem>>, vector<1x16xf32>,
        %get3A_1082 = vector.shape_cast %get3A_1081 : vector<1x16xf32> to vector<16xf32>
        %mul3A_1083 = arith.mulf %get3A_1082, %gather3A_1013 : vector<16xf32>
        %swap3A_1084 = arith.index_cast %add3A_1018 : i32 to index
        %swap3A_1085 = arith.constant 96 : index
        %swap3A_1086 = tpu.vector_load %arg7[%swap3A_1084, %swap3A_1085] {strides = array<i32>} : memref<240x128xf32, #tpu.memory_space<vmem>>, vector<1x16xf32>,
        %swap3A_1087 = vector.shape_cast %swap3A_1086 : vector<1x16xf32> to vector<16xf32>
        %swap3A_1088 = vector.shape_cast %mul3A_1083 : vector<16xf32> to vector<1x16xf32>
        tpu.vector_store %arg7[%swap3A_1084, %swap3A_1085], %swap3A_1088 {strides = array<i32>} : memref<240x128xf32, #tpu.memory_space<vmem>>, vector<1x16xf32>,
        %get3A_1089 = arith.index_cast %add3A_1018 : i32 to index
        %get3A_1090 = arith.constant 112 : index
        %get3A_1091 = tpu.vector_load %arg7[%get3A_1089, %get3A_1090] {strides = array<i32>} : memref<240x128xf32, #tpu.memory_space<vmem>>, vector<1x16xf32>,
        %get3A_1092 = vector.shape_cast %get3A_1091 : vector<1x16xf32> to vector<16xf32>
        %mul3A_1093 = arith.mulf %get3A_1092, %gather3A_1013 : vector<16xf32>
        %swap3A_1094 = arith.index_cast %add3A_1018 : i32 to index
        %swap3A_1095 = arith.constant 112 : index
        %swap3A_1096 = tpu.vector_load %arg7[%swap3A_1094, %swap3A_1095] {strides = array<i32>} : memref<240x128xf32, #tpu.memory_space<vmem>>, vector<1x16xf32>,
        %swap3A_1097 = vector.shape_cast %swap3A_1096 : vector<1x16xf32> to vector<16xf32>
        %swap3A_1098 = vector.shape_cast %mul3A_1093 : vector<16xf32> to vector<1x16xf32>
        tpu.vector_store %arg7[%swap3A_1094, %swap3A_1095], %swap3A_1098 {strides = array<i32>} : memref<240x128xf32, #tpu.memory_space<vmem>>, vector<1x16xf32>,
        %broadcast_in_dim3A_1099 = arith.constant 6 : i32
        %broadcast_in_dim3A_1100 = vector.broadcast %broadcast_in_dim3A_1099 : i32 to vector<16x1xi32>
        %gather3A_1101 = vector.shape_cast %broadcast_in_dim3A_1100 : vector<16x1xi32> to vector<16xi32>
        %gather3A_1102 = tpu.dynamic_gather %get3A_567[%gather3A_1101] in [0] : vector<16xf32>, vector<16xi32> -> vector<16xf32>
        %mul3A_1103 = arith.constant 16 : i32
        %mul3A_1104 = arith.muli %scan3A_562, %mul3A_1103 : i32
        %add3A_1105 = arith.addi %mul3A_545, %mul3A_1104 : i32
        %add3A_1106 = arith.constant 6 : i32
        %add3A_1107 = arith.addi %add3A_1105, %add3A_1106 : i32
        %get3A_1108 = arith.index_cast %add3A_1107 : i32 to index
        %get3A_1109 = arith.constant 0 : index
        %get3A_1110 = tpu.vector_load %arg7[%get3A_1108, %get3A_1109] {strides = array<i32>} : memref<240x128xf32, #tpu.memory_space<vmem>>, vector<1x16xf32>,
        %get3A_1111 = vector.shape_cast %get3A_1110 : vector<1x16xf32> to vector<16xf32>
        %mul3A_1112 = arith.mulf %get3A_1111, %gather3A_1102 : vector<16xf32>
        %swap3A_1113 = arith.index_cast %add3A_1107 : i32 to index
        %swap3A_1114 = arith.constant 0 : index
        %swap3A_1115 = tpu.vector_load %arg7[%swap3A_1113, %swap3A_1114] {strides = array<i32>} : memref<240x128xf32, #tpu.memory_space<vmem>>, vector<1x16xf32>,
        %swap3A_1116 = vector.shape_cast %swap3A_1115 : vector<1x16xf32> to vector<16xf32>
        %swap3A_1117 = vector.shape_cast %mul3A_1112 : vector<16xf32> to vector<1x16xf32>
        tpu.vector_store %arg7[%swap3A_1113, %swap3A_1114], %swap3A_1117 {strides = array<i32>} : memref<240x128xf32, #tpu.memory_space<vmem>>, vector<1x16xf32>,
        %get3A_1118 = arith.index_cast %add3A_1107 : i32 to index
        %get3A_1119 = arith.constant 16 : index
        %get3A_1120 = tpu.vector_load %arg7[%get3A_1118, %get3A_1119] {strides = array<i32>} : memref<240x128xf32, #tpu.memory_space<vmem>>, vector<1x16xf32>,
        %get3A_1121 = vector.shape_cast %get3A_1120 : vector<1x16xf32> to vector<16xf32>
        %mul3A_1122 = arith.mulf %get3A_1121, %gather3A_1102 : vector<16xf32>
        %swap3A_1123 = arith.index_cast %add3A_1107 : i32 to index
        %swap3A_1124 = arith.constant 16 : index
        %swap3A_1125 = tpu.vector_load %arg7[%swap3A_1123, %swap3A_1124] {strides = array<i32>} : memref<240x128xf32, #tpu.memory_space<vmem>>, vector<1x16xf32>,
        %swap3A_1126 = vector.shape_cast %swap3A_1125 : vector<1x16xf32> to vector<16xf32>
        %swap3A_1127 = vector.shape_cast %mul3A_1122 : vector<16xf32> to vector<1x16xf32>
        tpu.vector_store %arg7[%swap3A_1123, %swap3A_1124], %swap3A_1127 {strides = array<i32>} : memref<240x128xf32, #tpu.memory_space<vmem>>, vector<1x16xf32>,
        %get3A_1128 = arith.index_cast %add3A_1107 : i32 to index
        %get3A_1129 = arith.constant 32 : index
        %get3A_1130 = tpu.vector_load %arg7[%get3A_1128, %get3A_1129] {strides = array<i32>} : memref<240x128xf32, #tpu.memory_space<vmem>>, vector<1x16xf32>,
        %get3A_1131 = vector.shape_cast %get3A_1130 : vector<1x16xf32> to vector<16xf32>
        %mul3A_1132 = arith.mulf %get3A_1131, %gather3A_1102 : vector<16xf32>
        %swap3A_1133 = arith.index_cast %add3A_1107 : i32 to index
        %swap3A_1134 = arith.constant 32 : index
        %swap3A_1135 = tpu.vector_load %arg7[%swap3A_1133, %swap3A_1134] {strides = array<i32>} : memref<240x128xf32, #tpu.memory_space<vmem>>, vector<1x16xf32>,
        %swap3A_1136 = vector.shape_cast %swap3A_1135 : vector<1x16xf32> to vector<16xf32>
        %swap3A_1137 = vector.shape_cast %mul3A_1132 : vector<16xf32> to vector<1x16xf32>
        tpu.vector_store %arg7[%swap3A_1133, %swap3A_1134], %swap3A_1137 {strides = array<i32>} : memref<240x128xf32, #tpu.memory_space<vmem>>, vector<1x16xf32>,
        %get3A_1138 = arith.index_cast %add3A_1107 : i32 to index
        %get3A_1139 = arith.constant 48 : index
        %get3A_1140 = tpu.vector_load %arg7[%get3A_1138, %get3A_1139] {strides = array<i32>} : memref<240x128xf32, #tpu.memory_space<vmem>>, vector<1x16xf32>,
        %get3A_1141 = vector.shape_cast %get3A_1140 : vector<1x16xf32> to vector<16xf32>
        %mul3A_1142 = arith.mulf %get3A_1141, %gather3A_1102 : vector<16xf32>
        %swap3A_1143 = arith.index_cast %add3A_1107 : i32 to index
        %swap3A_1144 = arith.constant 48 : index
        %swap3A_1145 = tpu.vector_load %arg7[%swap3A_1143, %swap3A_1144] {strides = array<i32>} : memref<240x128xf32, #tpu.memory_space<vmem>>, vector<1x16xf32>,
        %swap3A_1146 = vector.shape_cast %swap3A_1145 : vector<1x16xf32> to vector<16xf32>
        %swap3A_1147 = vector.shape_cast %mul3A_1142 : vector<16xf32> to vector<1x16xf32>
        tpu.vector_store %arg7[%swap3A_1143, %swap3A_1144], %swap3A_1147 {strides = array<i32>} : memref<240x128xf32, #tpu.memory_space<vmem>>, vector<1x16xf32>,
        %get3A_1148 = arith.index_cast %add3A_1107 : i32 to index
        %get3A_1149 = arith.constant 64 : index
        %get3A_1150 = tpu.vector_load %arg7[%get3A_1148, %get3A_1149] {strides = array<i32>} : memref<240x128xf32, #tpu.memory_space<vmem>>, vector<1x16xf32>,
        %get3A_1151 = vector.shape_cast %get3A_1150 : vector<1x16xf32> to vector<16xf32>
        %mul3A_1152 = arith.mulf %get3A_1151, %gather3A_1102 : vector<16xf32>
        %swap3A_1153 = arith.index_cast %add3A_1107 : i32 to index
        %swap3A_1154 = arith.constant 64 : index
        %swap3A_1155 = tpu.vector_load %arg7[%swap3A_1153, %swap3A_1154] {strides = array<i32>} : memref<240x128xf32, #tpu.memory_space<vmem>>, vector<1x16xf32>,
        %swap3A_1156 = vector.shape_cast %swap3A_1155 : vector<1x16xf32> to vector<16xf32>
        %swap3A_1157 = vector.shape_cast %mul3A_1152 : vector<16xf32> to vector<1x16xf32>
        tpu.vector_store %arg7[%swap3A_1153, %swap3A_1154], %swap3A_1157 {strides = array<i32>} : memref<240x128xf32, #tpu.memory_space<vmem>>, vector<1x16xf32>,
        %get3A_1158 = arith.index_cast %add3A_1107 : i32 to index
        %get3A_1159 = arith.constant 80 : index
        %get3A_1160 = tpu.vector_load %arg7[%get3A_1158, %get3A_1159] {strides = array<i32>} : memref<240x128xf32, #tpu.memory_space<vmem>>, vector<1x16xf32>,
        %get3A_1161 = vector.shape_cast %get3A_1160 : vector<1x16xf32> to vector<16xf32>
        %mul3A_1162 = arith.mulf %get3A_1161, %gather3A_1102 : vector<16xf32>
        %swap3A_1163 = arith.index_cast %add3A_1107 : i32 to index
        %swap3A_1164 = arith.constant 80 : index
        %swap3A_1165 = tpu.vector_load %arg7[%swap3A_1163, %swap3A_1164] {strides = array<i32>} : memref<240x128xf32, #tpu.memory_space<vmem>>, vector<1x16xf32>,
        %swap3A_1166 = vector.shape_cast %swap3A_1165 : vector<1x16xf32> to vector<16xf32>
        %swap3A_1167 = vector.shape_cast %mul3A_1162 : vector<16xf32> to vector<1x16xf32>
        tpu.vector_store %arg7[%swap3A_1163, %swap3A_1164], %swap3A_1167 {strides = array<i32>} : memref<240x128xf32, #tpu.memory_space<vmem>>, vector<1x16xf32>,
        %get3A_1168 = arith.index_cast %add3A_1107 : i32 to index
        %get3A_1169 = arith.constant 96 : index
        %get3A_1170 = tpu.vector_load %arg7[%get3A_1168, %get3A_1169] {strides = array<i32>} : memref<240x128xf32, #tpu.memory_space<vmem>>, vector<1x16xf32>,
        %get3A_1171 = vector.shape_cast %get3A_1170 : vector<1x16xf32> to vector<16xf32>
        %mul3A_1172 = arith.mulf %get3A_1171, %gather3A_1102 : vector<16xf32>
        %swap3A_1173 = arith.index_cast %add3A_1107 : i32 to index
        %swap3A_1174 = arith.constant 96 : index
        %swap3A_1175 = tpu.vector_load %arg7[%swap3A_1173, %swap3A_1174] {strides = array<i32>} : memref<240x128xf32, #tpu.memory_space<vmem>>, vector<1x16xf32>,
        %swap3A_1176 = vector.shape_cast %swap3A_1175 : vector<1x16xf32> to vector<16xf32>
        %swap3A_1177 = vector.shape_cast %mul3A_1172 : vector<16xf32> to vector<1x16xf32>
        tpu.vector_store %arg7[%swap3A_1173, %swap3A_1174], %swap3A_1177 {strides = array<i32>} : memref<240x128xf32, #tpu.memory_space<vmem>>, vector<1x16xf32>,
        %get3A_1178 = arith.index_cast %add3A_1107 : i32 to index
        %get3A_1179 = arith.constant 112 : index
        %get3A_1180 = tpu.vector_load %arg7[%get3A_1178, %get3A_1179] {strides = array<i32>} : memref<240x128xf32, #tpu.memory_space<vmem>>, vector<1x16xf32>,
        %get3A_1181 = vector.shape_cast %get3A_1180 : vector<1x16xf32> to vector<16xf32>
        %mul3A_1182 = arith.mulf %get3A_1181, %gather3A_1102 : vector<16xf32>
        %swap3A_1183 = arith.index_cast %add3A_1107 : i32 to index
        %swap3A_1184 = arith.constant 112 : index
        %swap3A_1185 = tpu.vector_load %arg7[%swap3A_1183, %swap3A_1184] {strides = array<i32>} : memref<240x128xf32, #tpu.memory_space<vmem>>, vector<1x16xf32>,
        %swap3A_1186 = vector.shape_cast %swap3A_1185 : vector<1x16xf32> to vector<16xf32>
        %swap3A_1187 = vector.shape_cast %mul3A_1182 : vector<16xf32> to vector<1x16xf32>
        tpu.vector_store %arg7[%swap3A_1183, %swap3A_1184], %swap3A_1187 {strides = array<i32>} : memref<240x128xf32, #tpu.memory_space<vmem>>, vector<1x16xf32>,
        %broadcast_in_dim3A_1188 = arith.constant 7 : i32
        %broadcast_in_dim3A_1189 = vector.broadcast %broadcast_in_dim3A_1188 : i32 to vector<16x1xi32>
        %gather3A_1190 = vector.shape_cast %broadcast_in_dim3A_1189 : vector<16x1xi32> to vector<16xi32>
        %gather3A_1191 = tpu.dynamic_gather %get3A_567[%gather3A_1190] in [0] : vector<16xf32>, vector<16xi32> -> vector<16xf32>
        %mul3A_1192 = arith.constant 16 : i32
        %mul3A_1193 = arith.muli %scan3A_562, %mul3A_1192 : i32
        %add3A_1194 = arith.addi %mul3A_545, %mul3A_1193 : i32
        %add3A_1195 = arith.constant 7 : i32
        %add3A_1196 = arith.addi %add3A_1194, %add3A_1195 : i32
        %get3A_1197 = arith.index_cast %add3A_1196 : i32 to index
        %get3A_1198 = arith.constant 0 : index
        %get3A_1199 = tpu.vector_load %arg7[%get3A_1197, %get3A_1198] {strides = array<i32>} : memref<240x128xf32, #tpu.memory_space<vmem>>, vector<1x16xf32>,
        %get3A_1200 = vector.shape_cast %get3A_1199 : vector<1x16xf32> to vector<16xf32>
        %mul3A_1201 = arith.mulf %get3A_1200, %gather3A_1191 : vector<16xf32>
        %swap3A_1202 = arith.index_cast %add3A_1196 : i32 to index
        %swap3A_1203 = arith.constant 0 : index
        %swap3A_1204 = tpu.vector_load %arg7[%swap3A_1202, %swap3A_1203] {strides = array<i32>} : memref<240x128xf32, #tpu.memory_space<vmem>>, vector<1x16xf32>,
        %swap3A_1205 = vector.shape_cast %swap3A_1204 : vector<1x16xf32> to vector<16xf32>
        %swap3A_1206 = vector.shape_cast %mul3A_1201 : vector<16xf32> to vector<1x16xf32>
        tpu.vector_store %arg7[%swap3A_1202, %swap3A_1203], %swap3A_1206 {strides = array<i32>} : memref<240x128xf32, #tpu.memory_space<vmem>>, vector<1x16xf32>,
        %get3A_1207 = arith.index_cast %add3A_1196 : i32 to index
        %get3A_1208 = arith.constant 16 : index
        %get3A_1209 = tpu.vector_load %arg7[%get3A_1207, %get3A_1208] {strides = array<i32>} : memref<240x128xf32, #tpu.memory_space<vmem>>, vector<1x16xf32>,
        %get3A_1210 = vector.shape_cast %get3A_1209 : vector<1x16xf32> to vector<16xf32>
        %mul3A_1211 = arith.mulf %get3A_1210, %gather3A_1191 : vector<16xf32>
        %swap3A_1212 = arith.index_cast %add3A_1196 : i32 to index
        %swap3A_1213 = arith.constant 16 : index
        %swap3A_1214 = tpu.vector_load %arg7[%swap3A_1212, %swap3A_1213] {strides = array<i32>} : memref<240x128xf32, #tpu.memory_space<vmem>>, vector<1x16xf32>,
        %swap3A_1215 = vector.shape_cast %swap3A_1214 : vector<1x16xf32> to vector<16xf32>
        %swap3A_1216 = vector.shape_cast %mul3A_1211 : vector<16xf32> to vector<1x16xf32>
        tpu.vector_store %arg7[%swap3A_1212, %swap3A_1213], %swap3A_1216 {strides = array<i32>} : memref<240x128xf32, #tpu.memory_space<vmem>>, vector<1x16xf32>,
        %get3A_1217 = arith.index_cast %add3A_1196 : i32 to index
        %get3A_1218 = arith.constant 32 : index
        %get3A_1219 = tpu.vector_load %arg7[%get3A_1217, %get3A_1218] {strides = array<i32>} : memref<240x128xf32, #tpu.memory_space<vmem>>, vector<1x16xf32>,
        %get3A_1220 = vector.shape_cast %get3A_1219 : vector<1x16xf32> to vector<16xf32>
        %mul3A_1221 = arith.mulf %get3A_1220, %gather3A_1191 : vector<16xf32>
        %swap3A_1222 = arith.index_cast %add3A_1196 : i32 to index
        %swap3A_1223 = arith.constant 32 : index
        %swap3A_1224 = tpu.vector_load %arg7[%swap3A_1222, %swap3A_1223] {strides = array<i32>} : memref<240x128xf32, #tpu.memory_space<vmem>>, vector<1x16xf32>,
        %swap3A_1225 = vector.shape_cast %swap3A_1224 : vector<1x16xf32> to vector<16xf32>
        %swap3A_1226 = vector.shape_cast %mul3A_1221 : vector<16xf32> to vector<1x16xf32>
        tpu.vector_store %arg7[%swap3A_1222, %swap3A_1223], %swap3A_1226 {strides = array<i32>} : memref<240x128xf32, #tpu.memory_space<vmem>>, vector<1x16xf32>,
        %get3A_1227 = arith.index_cast %add3A_1196 : i32 to index
        %get3A_1228 = arith.constant 48 : index
        %get3A_1229 = tpu.vector_load %arg7[%get3A_1227, %get3A_1228] {strides = array<i32>} : memref<240x128xf32, #tpu.memory_space<vmem>>, vector<1x16xf32>,
        %get3A_1230 = vector.shape_cast %get3A_1229 : vector<1x16xf32> to vector<16xf32>
        %mul3A_1231 = arith.mulf %get3A_1230, %gather3A_1191 : vector<16xf32>
        %swap3A_1232 = arith.index_cast %add3A_1196 : i32 to index
        %swap3A_1233 = arith.constant 48 : index
        %swap3A_1234 = tpu.vector_load %arg7[%swap3A_1232, %swap3A_1233] {strides = array<i32>} : memref<240x128xf32, #tpu.memory_space<vmem>>, vector<1x16xf32>,
        %swap3A_1235 = vector.shape_cast %swap3A_1234 : vector<1x16xf32> to vector<16xf32>
        %swap3A_1236 = vector.shape_cast %mul3A_1231 : vector<16xf32> to vector<1x16xf32>
        tpu.vector_store %arg7[%swap3A_1232, %swap3A_1233], %swap3A_1236 {strides = array<i32>} : memref<240x128xf32, #tpu.memory_space<vmem>>, vector<1x16xf32>,
        %get3A_1237 = arith.index_cast %add3A_1196 : i32 to index
        %get3A_1238 = arith.constant 64 : index
        %get3A_1239 = tpu.vector_load %arg7[%get3A_1237, %get3A_1238] {strides = array<i32>} : memref<240x128xf32, #tpu.memory_space<vmem>>, vector<1x16xf32>,
        %get3A_1240 = vector.shape_cast %get3A_1239 : vector<1x16xf32> to vector<16xf32>
        %mul3A_1241 = arith.mulf %get3A_1240, %gather3A_1191 : vector<16xf32>
        %swap3A_1242 = arith.index_cast %add3A_1196 : i32 to index
        %swap3A_1243 = arith.constant 64 : index
        %swap3A_1244 = tpu.vector_load %arg7[%swap3A_1242, %swap3A_1243] {strides = array<i32>} : memref<240x128xf32, #tpu.memory_space<vmem>>, vector<1x16xf32>,
        %swap3A_1245 = vector.shape_cast %swap3A_1244 : vector<1x16xf32> to vector<16xf32>
        %swap3A_1246 = vector.shape_cast %mul3A_1241 : vector<16xf32> to vector<1x16xf32>
        tpu.vector_store %arg7[%swap3A_1242, %swap3A_1243], %swap3A_1246 {strides = array<i32>} : memref<240x128xf32, #tpu.memory_space<vmem>>, vector<1x16xf32>,
        %get3A_1247 = arith.index_cast %add3A_1196 : i32 to index
        %get3A_1248 = arith.constant 80 : index
        %get3A_1249 = tpu.vector_load %arg7[%get3A_1247, %get3A_1248] {strides = array<i32>} : memref<240x128xf32, #tpu.memory_space<vmem>>, vector<1x16xf32>,
        %get3A_1250 = vector.shape_cast %get3A_1249 : vector<1x16xf32> to vector<16xf32>
        %mul3A_1251 = arith.mulf %get3A_1250, %gather3A_1191 : vector<16xf32>
        %swap3A_1252 = arith.index_cast %add3A_1196 : i32 to index
        %swap3A_1253 = arith.constant 80 : index
        %swap3A_1254 = tpu.vector_load %arg7[%swap3A_1252, %swap3A_1253] {strides = array<i32>} : memref<240x128xf32, #tpu.memory_space<vmem>>, vector<1x16xf32>,
        %swap3A_1255 = vector.shape_cast %swap3A_1254 : vector<1x16xf32> to vector<16xf32>
        %swap3A_1256 = vector.shape_cast %mul3A_1251 : vector<16xf32> to vector<1x16xf32>
        tpu.vector_store %arg7[%swap3A_1252, %swap3A_1253], %swap3A_1256 {strides = array<i32>} : memref<240x128xf32, #tpu.memory_space<vmem>>, vector<1x16xf32>,
        %get3A_1257 = arith.index_cast %add3A_1196 : i32 to index
        %get3A_1258 = arith.constant 96 : index
        %get3A_1259 = tpu.vector_load %arg7[%get3A_1257, %get3A_1258] {strides = array<i32>} : memref<240x128xf32, #tpu.memory_space<vmem>>, vector<1x16xf32>,
        %get3A_1260 = vector.shape_cast %get3A_1259 : vector<1x16xf32> to vector<16xf32>
        %mul3A_1261 = arith.mulf %get3A_1260, %gather3A_1191 : vector<16xf32>
        %swap3A_1262 = arith.index_cast %add3A_1196 : i32 to index
        %swap3A_1263 = arith.constant 96 : index
        %swap3A_1264 = tpu.vector_load %arg7[%swap3A_1262, %swap3A_1263] {strides = array<i32>} : memref<240x128xf32, #tpu.memory_space<vmem>>, vector<1x16xf32>,
        %swap3A_1265 = vector.shape_cast %swap3A_1264 : vector<1x16xf32> to vector<16xf32>
        %swap3A_1266 = vector.shape_cast %mul3A_1261 : vector<16xf32> to vector<1x16xf32>
        tpu.vector_store %arg7[%swap3A_1262, %swap3A_1263], %swap3A_1266 {strides = array<i32>} : memref<240x128xf32, #tpu.memory_space<vmem>>, vector<1x16xf32>,
        %get3A_1267 = arith.index_cast %add3A_1196 : i32 to index
        %get3A_1268 = arith.constant 112 : index
        %get3A_1269 = tpu.vector_load %arg7[%get3A_1267, %get3A_1268] {strides = array<i32>} : memref<240x128xf32, #tpu.memory_space<vmem>>, vector<1x16xf32>,
        %get3A_1270 = vector.shape_cast %get3A_1269 : vector<1x16xf32> to vector<16xf32>
        %mul3A_1271 = arith.mulf %get3A_1270, %gather3A_1191 : vector<16xf32>
        %swap3A_1272 = arith.index_cast %add3A_1196 : i32 to index
        %swap3A_1273 = arith.constant 112 : index
        %swap3A_1274 = tpu.vector_load %arg7[%swap3A_1272, %swap3A_1273] {strides = array<i32>} : memref<240x128xf32, #tpu.memory_space<vmem>>, vector<1x16xf32>,
        %swap3A_1275 = vector.shape_cast %swap3A_1274 : vector<1x16xf32> to vector<16xf32>
        %swap3A_1276 = vector.shape_cast %mul3A_1271 : vector<16xf32> to vector<1x16xf32>
        tpu.vector_store %arg7[%swap3A_1272, %swap3A_1273], %swap3A_1276 {strides = array<i32>} : memref<240x128xf32, #tpu.memory_space<vmem>>, vector<1x16xf32>,
        %broadcast_in_dim3A_1277 = arith.constant 8 : i32
        %broadcast_in_dim3A_1278 = vector.broadcast %broadcast_in_dim3A_1277 : i32 to vector<16x1xi32>
        %gather3A_1279 = vector.shape_cast %broadcast_in_dim3A_1278 : vector<16x1xi32> to vector<16xi32>
        %gather3A_1280 = tpu.dynamic_gather %get3A_567[%gather3A_1279] in [0] : vector<16xf32>, vector<16xi32> -> vector<16xf32>
        %mul3A_1281 = arith.constant 16 : i32
        %mul3A_1282 = arith.muli %scan3A_562, %mul3A_1281 : i32
        %add3A_1283 = arith.addi %mul3A_545, %mul3A_1282 : i32
        %add3A_1284 = arith.constant 8 : i32
        %add3A_1285 = arith.addi %add3A_1283, %add3A_1284 : i32
        %get3A_1286 = arith.index_cast %add3A_1285 : i32 to index
        %get3A_1287 = arith.constant 0 : index
        %get3A_1288 = tpu.vector_load %arg7[%get3A_1286, %get3A_1287] {strides = array<i32>} : memref<240x128xf32, #tpu.memory_space<vmem>>, vector<1x16xf32>,
        %get3A_1289 = vector.shape_cast %get3A_1288 : vector<1x16xf32> to vector<16xf32>
        %mul3A_1290 = arith.mulf %get3A_1289, %gather3A_1280 : vector<16xf32>
        %swap3A_1291 = arith.index_cast %add3A_1285 : i32 to index
        %swap3A_1292 = arith.constant 0 : index
        %swap3A_1293 = tpu.vector_load %arg7[%swap3A_1291, %swap3A_1292] {strides = array<i32>} : memref<240x128xf32, #tpu.memory_space<vmem>>, vector<1x16xf32>,
        %swap3A_1294 = vector.shape_cast %swap3A_1293 : vector<1x16xf32> to vector<16xf32>
        %swap3A_1295 = vector.shape_cast %mul3A_1290 : vector<16xf32> to vector<1x16xf32>
        tpu.vector_store %arg7[%swap3A_1291, %swap3A_1292], %swap3A_1295 {strides = array<i32>} : memref<240x128xf32, #tpu.memory_space<vmem>>, vector<1x16xf32>,
        %get3A_1296 = arith.index_cast %add3A_1285 : i32 to index
        %get3A_1297 = arith.constant 16 : index
        %get3A_1298 = tpu.vector_load %arg7[%get3A_1296, %get3A_1297] {strides = array<i32>} : memref<240x128xf32, #tpu.memory_space<vmem>>, vector<1x16xf32>,
        %get3A_1299 = vector.shape_cast %get3A_1298 : vector<1x16xf32> to vector<16xf32>
        %mul3A_1300 = arith.mulf %get3A_1299, %gather3A_1280 : vector<16xf32>
        %swap3A_1301 = arith.index_cast %add3A_1285 : i32 to index
        %swap3A_1302 = arith.constant 16 : index
        %swap3A_1303 = tpu.vector_load %arg7[%swap3A_1301, %swap3A_1302] {strides = array<i32>} : memref<240x128xf32, #tpu.memory_space<vmem>>, vector<1x16xf32>,
        %swap3A_1304 = vector.shape_cast %swap3A_1303 : vector<1x16xf32> to vector<16xf32>
        %swap3A_1305 = vector.shape_cast %mul3A_1300 : vector<16xf32> to vector<1x16xf32>
        tpu.vector_store %arg7[%swap3A_1301, %swap3A_1302], %swap3A_1305 {strides = array<i32>} : memref<240x128xf32, #tpu.memory_space<vmem>>, vector<1x16xf32>,
        %get3A_1306 = arith.index_cast %add3A_1285 : i32 to index
        %get3A_1307 = arith.constant 32 : index
        %get3A_1308 = tpu.vector_load %arg7[%get3A_1306, %get3A_1307] {strides = array<i32>} : memref<240x128xf32, #tpu.memory_space<vmem>>, vector<1x16xf32>,
        %get3A_1309 = vector.shape_cast %get3A_1308 : vector<1x16xf32> to vector<16xf32>
        %mul3A_1310 = arith.mulf %get3A_1309, %gather3A_1280 : vector<16xf32>
        %swap3A_1311 = arith.index_cast %add3A_1285 : i32 to index
        %swap3A_1312 = arith.constant 32 : index
        %swap3A_1313 = tpu.vector_load %arg7[%swap3A_1311, %swap3A_1312] {strides = array<i32>} : memref<240x128xf32, #tpu.memory_space<vmem>>, vector<1x16xf32>,
        %swap3A_1314 = vector.shape_cast %swap3A_1313 : vector<1x16xf32> to vector<16xf32>
        %swap3A_1315 = vector.shape_cast %mul3A_1310 : vector<16xf32> to vector<1x16xf32>
        tpu.vector_store %arg7[%swap3A_1311, %swap3A_1312], %swap3A_1315 {strides = array<i32>} : memref<240x128xf32, #tpu.memory_space<vmem>>, vector<1x16xf32>,
        %get3A_1316 = arith.index_cast %add3A_1285 : i32 to index
        %get3A_1317 = arith.constant 48 : index
        %get3A_1318 = tpu.vector_load %arg7[%get3A_1316, %get3A_1317] {strides = array<i32>} : memref<240x128xf32, #tpu.memory_space<vmem>>, vector<1x16xf32>,
        %get3A_1319 = vector.shape_cast %get3A_1318 : vector<1x16xf32> to vector<16xf32>
        %mul3A_1320 = arith.mulf %get3A_1319, %gather3A_1280 : vector<16xf32>
        %swap3A_1321 = arith.index_cast %add3A_1285 : i32 to index
        %swap3A_1322 = arith.constant 48 : index
        %swap3A_1323 = tpu.vector_load %arg7[%swap3A_1321, %swap3A_1322] {strides = array<i32>} : memref<240x128xf32, #tpu.memory_space<vmem>>, vector<1x16xf32>,
        %swap3A_1324 = vector.shape_cast %swap3A_1323 : vector<1x16xf32> to vector<16xf32>
        %swap3A_1325 = vector.shape_cast %mul3A_1320 : vector<16xf32> to vector<1x16xf32>
        tpu.vector_store %arg7[%swap3A_1321, %swap3A_1322], %swap3A_1325 {strides = array<i32>} : memref<240x128xf32, #tpu.memory_space<vmem>>, vector<1x16xf32>,
        %get3A_1326 = arith.index_cast %add3A_1285 : i32 to index
        %get3A_1327 = arith.constant 64 : index
        %get3A_1328 = tpu.vector_load %arg7[%get3A_1326, %get3A_1327] {strides = array<i32>} : memref<240x128xf32, #tpu.memory_space<vmem>>, vector<1x16xf32>,
        %get3A_1329 = vector.shape_cast %get3A_1328 : vector<1x16xf32> to vector<16xf32>
        %mul3A_1330 = arith.mulf %get3A_1329, %gather3A_1280 : vector<16xf32>
        %swap3A_1331 = arith.index_cast %add3A_1285 : i32 to index
        %swap3A_1332 = arith.constant 64 : index
        %swap3A_1333 = tpu.vector_load %arg7[%swap3A_1331, %swap3A_1332] {strides = array<i32>} : memref<240x128xf32, #tpu.memory_space<vmem>>, vector<1x16xf32>,
        %swap3A_1334 = vector.shape_cast %swap3A_1333 : vector<1x16xf32> to vector<16xf32>
        %swap3A_1335 = vector.shape_cast %mul3A_1330 : vector<16xf32> to vector<1x16xf32>
        tpu.vector_store %arg7[%swap3A_1331, %swap3A_1332], %swap3A_1335 {strides = array<i32>} : memref<240x128xf32, #tpu.memory_space<vmem>>, vector<1x16xf32>,
        %get3A_1336 = arith.index_cast %add3A_1285 : i32 to index
        %get3A_1337 = arith.constant 80 : index
        %get3A_1338 = tpu.vector_load %arg7[%get3A_1336, %get3A_1337] {strides = array<i32>} : memref<240x128xf32, #tpu.memory_space<vmem>>, vector<1x16xf32>,
        %get3A_1339 = vector.shape_cast %get3A_1338 : vector<1x16xf32> to vector<16xf32>
        %mul3A_1340 = arith.mulf %get3A_1339, %gather3A_1280 : vector<16xf32>
        %swap3A_1341 = arith.index_cast %add3A_1285 : i32 to index
        %swap3A_1342 = arith.constant 80 : index
        %swap3A_1343 = tpu.vector_load %arg7[%swap3A_1341, %swap3A_1342] {strides = array<i32>} : memref<240x128xf32, #tpu.memory_space<vmem>>, vector<1x16xf32>,
        %swap3A_1344 = vector.shape_cast %swap3A_1343 : vector<1x16xf32> to vector<16xf32>
        %swap3A_1345 = vector.shape_cast %mul3A_1340 : vector<16xf32> to vector<1x16xf32>
        tpu.vector_store %arg7[%swap3A_1341, %swap3A_1342], %swap3A_1345 {strides = array<i32>} : memref<240x128xf32, #tpu.memory_space<vmem>>, vector<1x16xf32>,
        %get3A_1346 = arith.index_cast %add3A_1285 : i32 to index
        %get3A_1347 = arith.constant 96 : index
        %get3A_1348 = tpu.vector_load %arg7[%get3A_1346, %get3A_1347] {strides = array<i32>} : memref<240x128xf32, #tpu.memory_space<vmem>>, vector<1x16xf32>,
        %get3A_1349 = vector.shape_cast %get3A_1348 : vector<1x16xf32> to vector<16xf32>
        %mul3A_1350 = arith.mulf %get3A_1349, %gather3A_1280 : vector<16xf32>
        %swap3A_1351 = arith.index_cast %add3A_1285 : i32 to index
        %swap3A_1352 = arith.constant 96 : index
        %swap3A_1353 = tpu.vector_load %arg7[%swap3A_1351, %swap3A_1352] {strides = array<i32>} : memref<240x128xf32, #tpu.memory_space<vmem>>, vector<1x16xf32>,
        %swap3A_1354 = vector.shape_cast %swap3A_1353 : vector<1x16xf32> to vector<16xf32>
        %swap3A_1355 = vector.shape_cast %mul3A_1350 : vector<16xf32> to vector<1x16xf32>
        tpu.vector_store %arg7[%swap3A_1351, %swap3A_1352], %swap3A_1355 {strides = array<i32>} : memref<240x128xf32, #tpu.memory_space<vmem>>, vector<1x16xf32>,
        %get3A_1356 = arith.index_cast %add3A_1285 : i32 to index
        %get3A_1357 = arith.constant 112 : index
        %get3A_1358 = tpu.vector_load %arg7[%get3A_1356, %get3A_1357] {strides = array<i32>} : memref<240x128xf32, #tpu.memory_space<vmem>>, vector<1x16xf32>,
        %get3A_1359 = vector.shape_cast %get3A_1358 : vector<1x16xf32> to vector<16xf32>
        %mul3A_1360 = arith.mulf %get3A_1359, %gather3A_1280 : vector<16xf32>
        %swap3A_1361 = arith.index_cast %add3A_1285 : i32 to index
        %swap3A_1362 = arith.constant 112 : index
        %swap3A_1363 = tpu.vector_load %arg7[%swap3A_1361, %swap3A_1362] {strides = array<i32>} : memref<240x128xf32, #tpu.memory_space<vmem>>, vector<1x16xf32>,
        %swap3A_1364 = vector.shape_cast %swap3A_1363 : vector<1x16xf32> to vector<16xf32>
        %swap3A_1365 = vector.shape_cast %mul3A_1360 : vector<16xf32> to vector<1x16xf32>
        tpu.vector_store %arg7[%swap3A_1361, %swap3A_1362], %swap3A_1365 {strides = array<i32>} : memref<240x128xf32, #tpu.memory_space<vmem>>, vector<1x16xf32>,
        %broadcast_in_dim3A_1366 = arith.constant 9 : i32
        %broadcast_in_dim3A_1367 = vector.broadcast %broadcast_in_dim3A_1366 : i32 to vector<16x1xi32>
        %gather3A_1368 = vector.shape_cast %broadcast_in_dim3A_1367 : vector<16x1xi32> to vector<16xi32>
        %gather3A_1369 = tpu.dynamic_gather %get3A_567[%gather3A_1368] in [0] : vector<16xf32>, vector<16xi32> -> vector<16xf32>
        %mul3A_1370 = arith.constant 16 : i32
        %mul3A_1371 = arith.muli %scan3A_562, %mul3A_1370 : i32
        %add3A_1372 = arith.addi %mul3A_545, %mul3A_1371 : i32
        %add3A_1373 = arith.constant 9 : i32
        %add3A_1374 = arith.addi %add3A_1372, %add3A_1373 : i32
        %get3A_1375 = arith.index_cast %add3A_1374 : i32 to index
        %get3A_1376 = arith.constant 0 : index
        %get3A_1377 = tpu.vector_load %arg7[%get3A_1375, %get3A_1376] {strides = array<i32>} : memref<240x128xf32, #tpu.memory_space<vmem>>, vector<1x16xf32>,
        %get3A_1378 = vector.shape_cast %get3A_1377 : vector<1x16xf32> to vector<16xf32>
        %mul3A_1379 = arith.mulf %get3A_1378, %gather3A_1369 : vector<16xf32>
        %swap3A_1380 = arith.index_cast %add3A_1374 : i32 to index
        %swap3A_1381 = arith.constant 0 : index
        %swap3A_1382 = tpu.vector_load %arg7[%swap3A_1380, %swap3A_1381] {strides = array<i32>} : memref<240x128xf32, #tpu.memory_space<vmem>>, vector<1x16xf32>,
        %swap3A_1383 = vector.shape_cast %swap3A_1382 : vector<1x16xf32> to vector<16xf32>
        %swap3A_1384 = vector.shape_cast %mul3A_1379 : vector<16xf32> to vector<1x16xf32>
        tpu.vector_store %arg7[%swap3A_1380, %swap3A_1381], %swap3A_1384 {strides = array<i32>} : memref<240x128xf32, #tpu.memory_space<vmem>>, vector<1x16xf32>,
        %get3A_1385 = arith.index_cast %add3A_1374 : i32 to index
        %get3A_1386 = arith.constant 16 : index
        %get3A_1387 = tpu.vector_load %arg7[%get3A_1385, %get3A_1386] {strides = array<i32>} : memref<240x128xf32, #tpu.memory_space<vmem>>, vector<1x16xf32>,
        %get3A_1388 = vector.shape_cast %get3A_1387 : vector<1x16xf32> to vector<16xf32>
        %mul3A_1389 = arith.mulf %get3A_1388, %gather3A_1369 : vector<16xf32>
        %swap3A_1390 = arith.index_cast %add3A_1374 : i32 to index
        %swap3A_1391 = arith.constant 16 : index
        %swap3A_1392 = tpu.vector_load %arg7[%swap3A_1390, %swap3A_1391] {strides = array<i32>} : memref<240x128xf32, #tpu.memory_space<vmem>>, vector<1x16xf32>,
        %swap3A_1393 = vector.shape_cast %swap3A_1392 : vector<1x16xf32> to vector<16xf32>
        %swap3A_1394 = vector.shape_cast %mul3A_1389 : vector<16xf32> to vector<1x16xf32>
        tpu.vector_store %arg7[%swap3A_1390, %swap3A_1391], %swap3A_1394 {strides = array<i32>} : memref<240x128xf32, #tpu.memory_space<vmem>>, vector<1x16xf32>,
        %get3A_1395 = arith.index_cast %add3A_1374 : i32 to index
        %get3A_1396 = arith.constant 32 : index
        %get3A_1397 = tpu.vector_load %arg7[%get3A_1395, %get3A_1396] {strides = array<i32>} : memref<240x128xf32, #tpu.memory_space<vmem>>, vector<1x16xf32>,
        %get3A_1398 = vector.shape_cast %get3A_1397 : vector<1x16xf32> to vector<16xf32>
        %mul3A_1399 = arith.mulf %get3A_1398, %gather3A_1369 : vector<16xf32>
        %swap3A_1400 = arith.index_cast %add3A_1374 : i32 to index
        %swap3A_1401 = arith.constant 32 : index
        %swap3A_1402 = tpu.vector_load %arg7[%swap3A_1400, %swap3A_1401] {strides = array<i32>} : memref<240x128xf32, #tpu.memory_space<vmem>>, vector<1x16xf32>,
        %swap3A_1403 = vector.shape_cast %swap3A_1402 : vector<1x16xf32> to vector<16xf32>
        %swap3A_1404 = vector.shape_cast %mul3A_1399 : vector<16xf32> to vector<1x16xf32>
        tpu.vector_store %arg7[%swap3A_1400, %swap3A_1401], %swap3A_1404 {strides = array<i32>} : memref<240x128xf32, #tpu.memory_space<vmem>>, vector<1x16xf32>,
        %get3A_1405 = arith.index_cast %add3A_1374 : i32 to index
        %get3A_1406 = arith.constant 48 : index
        %get3A_1407 = tpu.vector_load %arg7[%get3A_1405, %get3A_1406] {strides = array<i32>} : memref<240x128xf32, #tpu.memory_space<vmem>>, vector<1x16xf32>,
        %get3A_1408 = vector.shape_cast %get3A_1407 : vector<1x16xf32> to vector<16xf32>
        %mul3A_1409 = arith.mulf %get3A_1408, %gather3A_1369 : vector<16xf32>
        %swap3A_1410 = arith.index_cast %add3A_1374 : i32 to index
        %swap3A_1411 = arith.constant 48 : index
        %swap3A_1412 = tpu.vector_load %arg7[%swap3A_1410, %swap3A_1411] {strides = array<i32>} : memref<240x128xf32, #tpu.memory_space<vmem>>, vector<1x16xf32>,
        %swap3A_1413 = vector.shape_cast %swap3A_1412 : vector<1x16xf32> to vector<16xf32>
        %swap3A_1414 = vector.shape_cast %mul3A_1409 : vector<16xf32> to vector<1x16xf32>
        tpu.vector_store %arg7[%swap3A_1410, %swap3A_1411], %swap3A_1414 {strides = array<i32>} : memref<240x128xf32, #tpu.memory_space<vmem>>, vector<1x16xf32>,
        %get3A_1415 = arith.index_cast %add3A_1374 : i32 to index
        %get3A_1416 = arith.constant 64 : index
        %get3A_1417 = tpu.vector_load %arg7[%get3A_1415, %get3A_1416] {strides = array<i32>} : memref<240x128xf32, #tpu.memory_space<vmem>>, vector<1x16xf32>,
        %get3A_1418 = vector.shape_cast %get3A_1417 : vector<1x16xf32> to vector<16xf32>
        %mul3A_1419 = arith.mulf %get3A_1418, %gather3A_1369 : vector<16xf32>
        %swap3A_1420 = arith.index_cast %add3A_1374 : i32 to index
        %swap3A_1421 = arith.constant 64 : index
        %swap3A_1422 = tpu.vector_load %arg7[%swap3A_1420, %swap3A_1421] {strides = array<i32>} : memref<240x128xf32, #tpu.memory_space<vmem>>, vector<1x16xf32>,
        %swap3A_1423 = vector.shape_cast %swap3A_1422 : vector<1x16xf32> to vector<16xf32>
        %swap3A_1424 = vector.shape_cast %mul3A_1419 : vector<16xf32> to vector<1x16xf32>
        tpu.vector_store %arg7[%swap3A_1420, %swap3A_1421], %swap3A_1424 {strides = array<i32>} : memref<240x128xf32, #tpu.memory_space<vmem>>, vector<1x16xf32>,
        %get3A_1425 = arith.index_cast %add3A_1374 : i32 to index
        %get3A_1426 = arith.constant 80 : index
        %get3A_1427 = tpu.vector_load %arg7[%get3A_1425, %get3A_1426] {strides = array<i32>} : memref<240x128xf32, #tpu.memory_space<vmem>>, vector<1x16xf32>,
        %get3A_1428 = vector.shape_cast %get3A_1427 : vector<1x16xf32> to vector<16xf32>
        %mul3A_1429 = arith.mulf %get3A_1428, %gather3A_1369 : vector<16xf32>
        %swap3A_1430 = arith.index_cast %add3A_1374 : i32 to index
        %swap3A_1431 = arith.constant 80 : index
        %swap3A_1432 = tpu.vector_load %arg7[%swap3A_1430, %swap3A_1431] {strides = array<i32>} : memref<240x128xf32, #tpu.memory_space<vmem>>, vector<1x16xf32>,
        %swap3A_1433 = vector.shape_cast %swap3A_1432 : vector<1x16xf32> to vector<16xf32>
        %swap3A_1434 = vector.shape_cast %mul3A_1429 : vector<16xf32> to vector<1x16xf32>
        tpu.vector_store %arg7[%swap3A_1430, %swap3A_1431], %swap3A_1434 {strides = array<i32>} : memref<240x128xf32, #tpu.memory_space<vmem>>, vector<1x16xf32>,
        %get3A_1435 = arith.index_cast %add3A_1374 : i32 to index
        %get3A_1436 = arith.constant 96 : index
        %get3A_1437 = tpu.vector_load %arg7[%get3A_1435, %get3A_1436] {strides = array<i32>} : memref<240x128xf32, #tpu.memory_space<vmem>>, vector<1x16xf32>,
        %get3A_1438 = vector.shape_cast %get3A_1437 : vector<1x16xf32> to vector<16xf32>
        %mul3A_1439 = arith.mulf %get3A_1438, %gather3A_1369 : vector<16xf32>
        %swap3A_1440 = arith.index_cast %add3A_1374 : i32 to index
        %swap3A_1441 = arith.constant 96 : index
        %swap3A_1442 = tpu.vector_load %arg7[%swap3A_1440, %swap3A_1441] {strides = array<i32>} : memref<240x128xf32, #tpu.memory_space<vmem>>, vector<1x16xf32>,
        %swap3A_1443 = vector.shape_cast %swap3A_1442 : vector<1x16xf32> to vector<16xf32>
        %swap3A_1444 = vector.shape_cast %mul3A_1439 : vector<16xf32> to vector<1x16xf32>
        tpu.vector_store %arg7[%swap3A_1440, %swap3A_1441], %swap3A_1444 {strides = array<i32>} : memref<240x128xf32, #tpu.memory_space<vmem>>, vector<1x16xf32>,
        %get3A_1445 = arith.index_cast %add3A_1374 : i32 to index
        %get3A_1446 = arith.constant 112 : index
        %get3A_1447 = tpu.vector_load %arg7[%get3A_1445, %get3A_1446] {strides = array<i32>} : memref<240x128xf32, #tpu.memory_space<vmem>>, vector<1x16xf32>,
        %get3A_1448 = vector.shape_cast %get3A_1447 : vector<1x16xf32> to vector<16xf32>
        %mul3A_1449 = arith.mulf %get3A_1448, %gather3A_1369 : vector<16xf32>
        %swap3A_1450 = arith.index_cast %add3A_1374 : i32 to index
        %swap3A_1451 = arith.constant 112 : index
        %swap3A_1452 = tpu.vector_load %arg7[%swap3A_1450, %swap3A_1451] {strides = array<i32>} : memref<240x128xf32, #tpu.memory_space<vmem>>, vector<1x16xf32>,
        %swap3A_1453 = vector.shape_cast %swap3A_1452 : vector<1x16xf32> to vector<16xf32>
        %swap3A_1454 = vector.shape_cast %mul3A_1449 : vector<16xf32> to vector<1x16xf32>
        tpu.vector_store %arg7[%swap3A_1450, %swap3A_1451], %swap3A_1454 {strides = array<i32>} : memref<240x128xf32, #tpu.memory_space<vmem>>, vector<1x16xf32>,
        %broadcast_in_dim3A_1455 = arith.constant 10 : i32
        %broadcast_in_dim3A_1456 = vector.broadcast %broadcast_in_dim3A_1455 : i32 to vector<16x1xi32>
        %gather3A_1457 = vector.shape_cast %broadcast_in_dim3A_1456 : vector<16x1xi32> to vector<16xi32>
        %gather3A_1458 = tpu.dynamic_gather %get3A_567[%gather3A_1457] in [0] : vector<16xf32>, vector<16xi32> -> vector<16xf32>
        %mul3A_1459 = arith.constant 16 : i32
        %mul3A_1460 = arith.muli %scan3A_562, %mul3A_1459 : i32
        %add3A_1461 = arith.addi %mul3A_545, %mul3A_1460 : i32
        %add3A_1462 = arith.constant 10 : i32
        %add3A_1463 = arith.addi %add3A_1461, %add3A_1462 : i32
        %get3A_1464 = arith.index_cast %add3A_1463 : i32 to index
        %get3A_1465 = arith.constant 0 : index
        %get3A_1466 = tpu.vector_load %arg7[%get3A_1464, %get3A_1465] {strides = array<i32>} : memref<240x128xf32, #tpu.memory_space<vmem>>, vector<1x16xf32>,
        %get3A_1467 = vector.shape_cast %get3A_1466 : vector<1x16xf32> to vector<16xf32>
        %mul3A_1468 = arith.mulf %get3A_1467, %gather3A_1458 : vector<16xf32>
        %swap3A_1469 = arith.index_cast %add3A_1463 : i32 to index
        %swap3A_1470 = arith.constant 0 : index
        %swap3A_1471 = tpu.vector_load %arg7[%swap3A_1469, %swap3A_1470] {strides = array<i32>} : memref<240x128xf32, #tpu.memory_space<vmem>>, vector<1x16xf32>,
        %swap3A_1472 = vector.shape_cast %swap3A_1471 : vector<1x16xf32> to vector<16xf32>
        %swap3A_1473 = vector.shape_cast %mul3A_1468 : vector<16xf32> to vector<1x16xf32>
        tpu.vector_store %arg7[%swap3A_1469, %swap3A_1470], %swap3A_1473 {strides = array<i32>} : memref<240x128xf32, #tpu.memory_space<vmem>>, vector<1x16xf32>,
        %get3A_1474 = arith.index_cast %add3A_1463 : i32 to index
        %get3A_1475 = arith.constant 16 : index
        %get3A_1476 = tpu.vector_load %arg7[%get3A_1474, %get3A_1475] {strides = array<i32>} : memref<240x128xf32, #tpu.memory_space<vmem>>, vector<1x16xf32>,
        %get3A_1477 = vector.shape_cast %get3A_1476 : vector<1x16xf32> to vector<16xf32>
        %mul3A_1478 = arith.mulf %get3A_1477, %gather3A_1458 : vector<16xf32>
        %swap3A_1479 = arith.index_cast %add3A_1463 : i32 to index
        %swap3A_1480 = arith.constant 16 : index
        %swap3A_1481 = tpu.vector_load %arg7[%swap3A_1479, %swap3A_1480] {strides = array<i32>} : memref<240x128xf32, #tpu.memory_space<vmem>>, vector<1x16xf32>,
        %swap3A_1482 = vector.shape_cast %swap3A_1481 : vector<1x16xf32> to vector<16xf32>
        %swap3A_1483 = vector.shape_cast %mul3A_1478 : vector<16xf32> to vector<1x16xf32>
        tpu.vector_store %arg7[%swap3A_1479, %swap3A_1480], %swap3A_1483 {strides = array<i32>} : memref<240x128xf32, #tpu.memory_space<vmem>>, vector<1x16xf32>,
        %get3A_1484 = arith.index_cast %add3A_1463 : i32 to index
        %get3A_1485 = arith.constant 32 : index
        %get3A_1486 = tpu.vector_load %arg7[%get3A_1484, %get3A_1485] {strides = array<i32>} : memref<240x128xf32, #tpu.memory_space<vmem>>, vector<1x16xf32>,
        %get3A_1487 = vector.shape_cast %get3A_1486 : vector<1x16xf32> to vector<16xf32>
        %mul3A_1488 = arith.mulf %get3A_1487, %gather3A_1458 : vector<16xf32>
        %swap3A_1489 = arith.index_cast %add3A_1463 : i32 to index
        %swap3A_1490 = arith.constant 32 : index
        %swap3A_1491 = tpu.vector_load %arg7[%swap3A_1489, %swap3A_1490] {strides = array<i32>} : memref<240x128xf32, #tpu.memory_space<vmem>>, vector<1x16xf32>,
        %swap3A_1492 = vector.shape_cast %swap3A_1491 : vector<1x16xf32> to vector<16xf32>
        %swap3A_1493 = vector.shape_cast %mul3A_1488 : vector<16xf32> to vector<1x16xf32>
        tpu.vector_store %arg7[%swap3A_1489, %swap3A_1490], %swap3A_1493 {strides = array<i32>} : memref<240x128xf32, #tpu.memory_space<vmem>>, vector<1x16xf32>,
        %get3A_1494 = arith.index_cast %add3A_1463 : i32 to index
        %get3A_1495 = arith.constant 48 : index
        %get3A_1496 = tpu.vector_load %arg7[%get3A_1494, %get3A_1495] {strides = array<i32>} : memref<240x128xf32, #tpu.memory_space<vmem>>, vector<1x16xf32>,
        %get3A_1497 = vector.shape_cast %get3A_1496 : vector<1x16xf32> to vector<16xf32>
        %mul3A_1498 = arith.mulf %get3A_1497, %gather3A_1458 : vector<16xf32>
        %swap3A_1499 = arith.index_cast %add3A_1463 : i32 to index
        %swap3A_1500 = arith.constant 48 : index
        %swap3A_1501 = tpu.vector_load %arg7[%swap3A_1499, %swap3A_1500] {strides = array<i32>} : memref<240x128xf32, #tpu.memory_space<vmem>>, vector<1x16xf32>,
        %swap3A_1502 = vector.shape_cast %swap3A_1501 : vector<1x16xf32> to vector<16xf32>
        %swap3A_1503 = vector.shape_cast %mul3A_1498 : vector<16xf32> to vector<1x16xf32>
        tpu.vector_store %arg7[%swap3A_1499, %swap3A_1500], %swap3A_1503 {strides = array<i32>} : memref<240x128xf32, #tpu.memory_space<vmem>>, vector<1x16xf32>,
        %get3A_1504 = arith.index_cast %add3A_1463 : i32 to index
        %get3A_1505 = arith.constant 64 : index
        %get3A_1506 = tpu.vector_load %arg7[%get3A_1504, %get3A_1505] {strides = array<i32>} : memref<240x128xf32, #tpu.memory_space<vmem>>, vector<1x16xf32>,
        %get3A_1507 = vector.shape_cast %get3A_1506 : vector<1x16xf32> to vector<16xf32>
        %mul3A_1508 = arith.mulf %get3A_1507, %gather3A_1458 : vector<16xf32>
        %swap3A_1509 = arith.index_cast %add3A_1463 : i32 to index
        %swap3A_1510 = arith.constant 64 : index
        %swap3A_1511 = tpu.vector_load %arg7[%swap3A_1509, %swap3A_1510] {strides = array<i32>} : memref<240x128xf32, #tpu.memory_space<vmem>>, vector<1x16xf32>,
        %swap3A_1512 = vector.shape_cast %swap3A_1511 : vector<1x16xf32> to vector<16xf32>
        %swap3A_1513 = vector.shape_cast %mul3A_1508 : vector<16xf32> to vector<1x16xf32>
        tpu.vector_store %arg7[%swap3A_1509, %swap3A_1510], %swap3A_1513 {strides = array<i32>} : memref<240x128xf32, #tpu.memory_space<vmem>>, vector<1x16xf32>,
        %get3A_1514 = arith.index_cast %add3A_1463 : i32 to index
        %get3A_1515 = arith.constant 80 : index
        %get3A_1516 = tpu.vector_load %arg7[%get3A_1514, %get3A_1515] {strides = array<i32>} : memref<240x128xf32, #tpu.memory_space<vmem>>, vector<1x16xf32>,
        %get3A_1517 = vector.shape_cast %get3A_1516 : vector<1x16xf32> to vector<16xf32>
        %mul3A_1518 = arith.mulf %get3A_1517, %gather3A_1458 : vector<16xf32>
        %swap3A_1519 = arith.index_cast %add3A_1463 : i32 to index
        %swap3A_1520 = arith.constant 80 : index
        %swap3A_1521 = tpu.vector_load %arg7[%swap3A_1519, %swap3A_1520] {strides = array<i32>} : memref<240x128xf32, #tpu.memory_space<vmem>>, vector<1x16xf32>,
        %swap3A_1522 = vector.shape_cast %swap3A_1521 : vector<1x16xf32> to vector<16xf32>
        %swap3A_1523 = vector.shape_cast %mul3A_1518 : vector<16xf32> to vector<1x16xf32>
        tpu.vector_store %arg7[%swap3A_1519, %swap3A_1520], %swap3A_1523 {strides = array<i32>} : memref<240x128xf32, #tpu.memory_space<vmem>>, vector<1x16xf32>,
        %get3A_1524 = arith.index_cast %add3A_1463 : i32 to index
        %get3A_1525 = arith.constant 96 : index
        %get3A_1526 = tpu.vector_load %arg7[%get3A_1524, %get3A_1525] {strides = array<i32>} : memref<240x128xf32, #tpu.memory_space<vmem>>, vector<1x16xf32>,
        %get3A_1527 = vector.shape_cast %get3A_1526 : vector<1x16xf32> to vector<16xf32>
        %mul3A_1528 = arith.mulf %get3A_1527, %gather3A_1458 : vector<16xf32>
        %swap3A_1529 = arith.index_cast %add3A_1463 : i32 to index
        %swap3A_1530 = arith.constant 96 : index
        %swap3A_1531 = tpu.vector_load %arg7[%swap3A_1529, %swap3A_1530] {strides = array<i32>} : memref<240x128xf32, #tpu.memory_space<vmem>>, vector<1x16xf32>,
        %swap3A_1532 = vector.shape_cast %swap3A_1531 : vector<1x16xf32> to vector<16xf32>
        %swap3A_1533 = vector.shape_cast %mul3A_1528 : vector<16xf32> to vector<1x16xf32>
        tpu.vector_store %arg7[%swap3A_1529, %swap3A_1530], %swap3A_1533 {strides = array<i32>} : memref<240x128xf32, #tpu.memory_space<vmem>>, vector<1x16xf32>,
        %get3A_1534 = arith.index_cast %add3A_1463 : i32 to index
        %get3A_1535 = arith.constant 112 : index
        %get3A_1536 = tpu.vector_load %arg7[%get3A_1534, %get3A_1535] {strides = array<i32>} : memref<240x128xf32, #tpu.memory_space<vmem>>, vector<1x16xf32>,
        %get3A_1537 = vector.shape_cast %get3A_1536 : vector<1x16xf32> to vector<16xf32>
        %mul3A_1538 = arith.mulf %get3A_1537, %gather3A_1458 : vector<16xf32>
        %swap3A_1539 = arith.index_cast %add3A_1463 : i32 to index
        %swap3A_1540 = arith.constant 112 : index
        %swap3A_1541 = tpu.vector_load %arg7[%swap3A_1539, %swap3A_1540] {strides = array<i32>} : memref<240x128xf32, #tpu.memory_space<vmem>>, vector<1x16xf32>,
        %swap3A_1542 = vector.shape_cast %swap3A_1541 : vector<1x16xf32> to vector<16xf32>
        %swap3A_1543 = vector.shape_cast %mul3A_1538 : vector<16xf32> to vector<1x16xf32>
        tpu.vector_store %arg7[%swap3A_1539, %swap3A_1540], %swap3A_1543 {strides = array<i32>} : memref<240x128xf32, #tpu.memory_space<vmem>>, vector<1x16xf32>,
        %broadcast_in_dim3A_1544 = arith.constant 11 : i32
        %broadcast_in_dim3A_1545 = vector.broadcast %broadcast_in_dim3A_1544 : i32 to vector<16x1xi32>
        %gather3A_1546 = vector.shape_cast %broadcast_in_dim3A_1545 : vector<16x1xi32> to vector<16xi32>
        %gather3A_1547 = tpu.dynamic_gather %get3A_567[%gather3A_1546] in [0] : vector<16xf32>, vector<16xi32> -> vector<16xf32>
        %mul3A_1548 = arith.constant 16 : i32
        %mul3A_1549 = arith.muli %scan3A_562, %mul3A_1548 : i32
        %add3A_1550 = arith.addi %mul3A_545, %mul3A_1549 : i32
        %add3A_1551 = arith.constant 11 : i32
        %add3A_1552 = arith.addi %add3A_1550, %add3A_1551 : i32
        %get3A_1553 = arith.index_cast %add3A_1552 : i32 to index
        %get3A_1554 = arith.constant 0 : index
        %get3A_1555 = tpu.vector_load %arg7[%get3A_1553, %get3A_1554] {strides = array<i32>} : memref<240x128xf32, #tpu.memory_space<vmem>>, vector<1x16xf32>,
        %get3A_1556 = vector.shape_cast %get3A_1555 : vector<1x16xf32> to vector<16xf32>
        %mul3A_1557 = arith.mulf %get3A_1556, %gather3A_1547 : vector<16xf32>
        %swap3A_1558 = arith.index_cast %add3A_1552 : i32 to index
        %swap3A_1559 = arith.constant 0 : index
        %swap3A_1560 = tpu.vector_load %arg7[%swap3A_1558, %swap3A_1559] {strides = array<i32>} : memref<240x128xf32, #tpu.memory_space<vmem>>, vector<1x16xf32>,
        %swap3A_1561 = vector.shape_cast %swap3A_1560 : vector<1x16xf32> to vector<16xf32>
        %swap3A_1562 = vector.shape_cast %mul3A_1557 : vector<16xf32> to vector<1x16xf32>
        tpu.vector_store %arg7[%swap3A_1558, %swap3A_1559], %swap3A_1562 {strides = array<i32>} : memref<240x128xf32, #tpu.memory_space<vmem>>, vector<1x16xf32>,
        %get3A_1563 = arith.index_cast %add3A_1552 : i32 to index
        %get3A_1564 = arith.constant 16 : index
        %get3A_1565 = tpu.vector_load %arg7[%get3A_1563, %get3A_1564] {strides = array<i32>} : memref<240x128xf32, #tpu.memory_space<vmem>>, vector<1x16xf32>,
        %get3A_1566 = vector.shape_cast %get3A_1565 : vector<1x16xf32> to vector<16xf32>
        %mul3A_1567 = arith.mulf %get3A_1566, %gather3A_1547 : vector<16xf32>
        %swap3A_1568 = arith.index_cast %add3A_1552 : i32 to index
        %swap3A_1569 = arith.constant 16 : index
        %swap3A_1570 = tpu.vector_load %arg7[%swap3A_1568, %swap3A_1569] {strides = array<i32>} : memref<240x128xf32, #tpu.memory_space<vmem>>, vector<1x16xf32>,
        %swap3A_1571 = vector.shape_cast %swap3A_1570 : vector<1x16xf32> to vector<16xf32>
        %swap3A_1572 = vector.shape_cast %mul3A_1567 : vector<16xf32> to vector<1x16xf32>
        tpu.vector_store %arg7[%swap3A_1568, %swap3A_1569], %swap3A_1572 {strides = array<i32>} : memref<240x128xf32, #tpu.memory_space<vmem>>, vector<1x16xf32>,
        %get3A_1573 = arith.index_cast %add3A_1552 : i32 to index
        %get3A_1574 = arith.constant 32 : index
        %get3A_1575 = tpu.vector_load %arg7[%get3A_1573, %get3A_1574] {strides = array<i32>} : memref<240x128xf32, #tpu.memory_space<vmem>>, vector<1x16xf32>,
        %get3A_1576 = vector.shape_cast %get3A_1575 : vector<1x16xf32> to vector<16xf32>
        %mul3A_1577 = arith.mulf %get3A_1576, %gather3A_1547 : vector<16xf32>
        %swap3A_1578 = arith.index_cast %add3A_1552 : i32 to index
        %swap3A_1579 = arith.constant 32 : index
        %swap3A_1580 = tpu.vector_load %arg7[%swap3A_1578, %swap3A_1579] {strides = array<i32>} : memref<240x128xf32, #tpu.memory_space<vmem>>, vector<1x16xf32>,
        %swap3A_1581 = vector.shape_cast %swap3A_1580 : vector<1x16xf32> to vector<16xf32>
        %swap3A_1582 = vector.shape_cast %mul3A_1577 : vector<16xf32> to vector<1x16xf32>
        tpu.vector_store %arg7[%swap3A_1578, %swap3A_1579], %swap3A_1582 {strides = array<i32>} : memref<240x128xf32, #tpu.memory_space<vmem>>, vector<1x16xf32>,
        %get3A_1583 = arith.index_cast %add3A_1552 : i32 to index
        %get3A_1584 = arith.constant 48 : index
        %get3A_1585 = tpu.vector_load %arg7[%get3A_1583, %get3A_1584] {strides = array<i32>} : memref<240x128xf32, #tpu.memory_space<vmem>>, vector<1x16xf32>,
        %get3A_1586 = vector.shape_cast %get3A_1585 : vector<1x16xf32> to vector<16xf32>
        %mul3A_1587 = arith.mulf %get3A_1586, %gather3A_1547 : vector<16xf32>
        %swap3A_1588 = arith.index_cast %add3A_1552 : i32 to index
        %swap3A_1589 = arith.constant 48 : index
        %swap3A_1590 = tpu.vector_load %arg7[%swap3A_1588, %swap3A_1589] {strides = array<i32>} : memref<240x128xf32, #tpu.memory_space<vmem>>, vector<1x16xf32>,
        %swap3A_1591 = vector.shape_cast %swap3A_1590 : vector<1x16xf32> to vector<16xf32>
        %swap3A_1592 = vector.shape_cast %mul3A_1587 : vector<16xf32> to vector<1x16xf32>
        tpu.vector_store %arg7[%swap3A_1588, %swap3A_1589], %swap3A_1592 {strides = array<i32>} : memref<240x128xf32, #tpu.memory_space<vmem>>, vector<1x16xf32>,
        %get3A_1593 = arith.index_cast %add3A_1552 : i32 to index
        %get3A_1594 = arith.constant 64 : index
        %get3A_1595 = tpu.vector_load %arg7[%get3A_1593, %get3A_1594] {strides = array<i32>} : memref<240x128xf32, #tpu.memory_space<vmem>>, vector<1x16xf32>,
        %get3A_1596 = vector.shape_cast %get3A_1595 : vector<1x16xf32> to vector<16xf32>
        %mul3A_1597 = arith.mulf %get3A_1596, %gather3A_1547 : vector<16xf32>
        %swap3A_1598 = arith.index_cast %add3A_1552 : i32 to index
        %swap3A_1599 = arith.constant 64 : index
        %swap3A_1600 = tpu.vector_load %arg7[%swap3A_1598, %swap3A_1599] {strides = array<i32>} : memref<240x128xf32, #tpu.memory_space<vmem>>, vector<1x16xf32>,
        %swap3A_1601 = vector.shape_cast %swap3A_1600 : vector<1x16xf32> to vector<16xf32>
        %swap3A_1602 = vector.shape_cast %mul3A_1597 : vector<16xf32> to vector<1x16xf32>
        tpu.vector_store %arg7[%swap3A_1598, %swap3A_1599], %swap3A_1602 {strides = array<i32>} : memref<240x128xf32, #tpu.memory_space<vmem>>, vector<1x16xf32>,
        %get3A_1603 = arith.index_cast %add3A_1552 : i32 to index
        %get3A_1604 = arith.constant 80 : index
        %get3A_1605 = tpu.vector_load %arg7[%get3A_1603, %get3A_1604] {strides = array<i32>} : memref<240x128xf32, #tpu.memory_space<vmem>>, vector<1x16xf32>,
        %get3A_1606 = vector.shape_cast %get3A_1605 : vector<1x16xf32> to vector<16xf32>
        %mul3A_1607 = arith.mulf %get3A_1606, %gather3A_1547 : vector<16xf32>
        %swap3A_1608 = arith.index_cast %add3A_1552 : i32 to index
        %swap3A_1609 = arith.constant 80 : index
        %swap3A_1610 = tpu.vector_load %arg7[%swap3A_1608, %swap3A_1609] {strides = array<i32>} : memref<240x128xf32, #tpu.memory_space<vmem>>, vector<1x16xf32>,
        %swap3A_1611 = vector.shape_cast %swap3A_1610 : vector<1x16xf32> to vector<16xf32>
        %swap3A_1612 = vector.shape_cast %mul3A_1607 : vector<16xf32> to vector<1x16xf32>
        tpu.vector_store %arg7[%swap3A_1608, %swap3A_1609], %swap3A_1612 {strides = array<i32>} : memref<240x128xf32, #tpu.memory_space<vmem>>, vector<1x16xf32>,
        %get3A_1613 = arith.index_cast %add3A_1552 : i32 to index
        %get3A_1614 = arith.constant 96 : index
        %get3A_1615 = tpu.vector_load %arg7[%get3A_1613, %get3A_1614] {strides = array<i32>} : memref<240x128xf32, #tpu.memory_space<vmem>>, vector<1x16xf32>,
        %get3A_1616 = vector.shape_cast %get3A_1615 : vector<1x16xf32> to vector<16xf32>
        %mul3A_1617 = arith.mulf %get3A_1616, %gather3A_1547 : vector<16xf32>
        %swap3A_1618 = arith.index_cast %add3A_1552 : i32 to index
        %swap3A_1619 = arith.constant 96 : index
        %swap3A_1620 = tpu.vector_load %arg7[%swap3A_1618, %swap3A_1619] {strides = array<i32>} : memref<240x128xf32, #tpu.memory_space<vmem>>, vector<1x16xf32>,
        %swap3A_1621 = vector.shape_cast %swap3A_1620 : vector<1x16xf32> to vector<16xf32>
        %swap3A_1622 = vector.shape_cast %mul3A_1617 : vector<16xf32> to vector<1x16xf32>
        tpu.vector_store %arg7[%swap3A_1618, %swap3A_1619], %swap3A_1622 {strides = array<i32>} : memref<240x128xf32, #tpu.memory_space<vmem>>, vector<1x16xf32>,
        %get3A_1623 = arith.index_cast %add3A_1552 : i32 to index
        %get3A_1624 = arith.constant 112 : index
        %get3A_1625 = tpu.vector_load %arg7[%get3A_1623, %get3A_1624] {strides = array<i32>} : memref<240x128xf32, #tpu.memory_space<vmem>>, vector<1x16xf32>,
        %get3A_1626 = vector.shape_cast %get3A_1625 : vector<1x16xf32> to vector<16xf32>
        %mul3A_1627 = arith.mulf %get3A_1626, %gather3A_1547 : vector<16xf32>
        %swap3A_1628 = arith.index_cast %add3A_1552 : i32 to index
        %swap3A_1629 = arith.constant 112 : index
        %swap3A_1630 = tpu.vector_load %arg7[%swap3A_1628, %swap3A_1629] {strides = array<i32>} : memref<240x128xf32, #tpu.memory_space<vmem>>, vector<1x16xf32>,
        %swap3A_1631 = vector.shape_cast %swap3A_1630 : vector<1x16xf32> to vector<16xf32>
        %swap3A_1632 = vector.shape_cast %mul3A_1627 : vector<16xf32> to vector<1x16xf32>
        tpu.vector_store %arg7[%swap3A_1628, %swap3A_1629], %swap3A_1632 {strides = array<i32>} : memref<240x128xf32, #tpu.memory_space<vmem>>, vector<1x16xf32>,
        %broadcast_in_dim3A_1633 = arith.constant 12 : i32
        %broadcast_in_dim3A_1634 = vector.broadcast %broadcast_in_dim3A_1633 : i32 to vector<16x1xi32>
        %gather3A_1635 = vector.shape_cast %broadcast_in_dim3A_1634 : vector<16x1xi32> to vector<16xi32>
        %gather3A_1636 = tpu.dynamic_gather %get3A_567[%gather3A_1635] in [0] : vector<16xf32>, vector<16xi32> -> vector<16xf32>
        %mul3A_1637 = arith.constant 16 : i32
        %mul3A_1638 = arith.muli %scan3A_562, %mul3A_1637 : i32
        %add3A_1639 = arith.addi %mul3A_545, %mul3A_1638 : i32
        %add3A_1640 = arith.constant 12 : i32
        %add3A_1641 = arith.addi %add3A_1639, %add3A_1640 : i32
        %get3A_1642 = arith.index_cast %add3A_1641 : i32 to index
        %get3A_1643 = arith.constant 0 : index
        %get3A_1644 = tpu.vector_load %arg7[%get3A_1642, %get3A_1643] {strides = array<i32>} : memref<240x128xf32, #tpu.memory_space<vmem>>, vector<1x16xf32>,
        %get3A_1645 = vector.shape_cast %get3A_1644 : vector<1x16xf32> to vector<16xf32>
        %mul3A_1646 = arith.mulf %get3A_1645, %gather3A_1636 : vector<16xf32>
        %swap3A_1647 = arith.index_cast %add3A_1641 : i32 to index
        %swap3A_1648 = arith.constant 0 : index
        %swap3A_1649 = tpu.vector_load %arg7[%swap3A_1647, %swap3A_1648] {strides = array<i32>} : memref<240x128xf32, #tpu.memory_space<vmem>>, vector<1x16xf32>,
        %swap3A_1650 = vector.shape_cast %swap3A_1649 : vector<1x16xf32> to vector<16xf32>
        %swap3A_1651 = vector.shape_cast %mul3A_1646 : vector<16xf32> to vector<1x16xf32>
        tpu.vector_store %arg7[%swap3A_1647, %swap3A_1648], %swap3A_1651 {strides = array<i32>} : memref<240x128xf32, #tpu.memory_space<vmem>>, vector<1x16xf32>,
        %get3A_1652 = arith.index_cast %add3A_1641 : i32 to index
        %get3A_1653 = arith.constant 16 : index
        %get3A_1654 = tpu.vector_load %arg7[%get3A_1652, %get3A_1653] {strides = array<i32>} : memref<240x128xf32, #tpu.memory_space<vmem>>, vector<1x16xf32>,
        %get3A_1655 = vector.shape_cast %get3A_1654 : vector<1x16xf32> to vector<16xf32>
        %mul3A_1656 = arith.mulf %get3A_1655, %gather3A_1636 : vector<16xf32>
        %swap3A_1657 = arith.index_cast %add3A_1641 : i32 to index
        %swap3A_1658 = arith.constant 16 : index
        %swap3A_1659 = tpu.vector_load %arg7[%swap3A_1657, %swap3A_1658] {strides = array<i32>} : memref<240x128xf32, #tpu.memory_space<vmem>>, vector<1x16xf32>,
        %swap3A_1660 = vector.shape_cast %swap3A_1659 : vector<1x16xf32> to vector<16xf32>
        %swap3A_1661 = vector.shape_cast %mul3A_1656 : vector<16xf32> to vector<1x16xf32>
        tpu.vector_store %arg7[%swap3A_1657, %swap3A_1658], %swap3A_1661 {strides = array<i32>} : memref<240x128xf32, #tpu.memory_space<vmem>>, vector<1x16xf32>,
        %get3A_1662 = arith.index_cast %add3A_1641 : i32 to index
        %get3A_1663 = arith.constant 32 : index
        %get3A_1664 = tpu.vector_load %arg7[%get3A_1662, %get3A_1663] {strides = array<i32>} : memref<240x128xf32, #tpu.memory_space<vmem>>, vector<1x16xf32>,
        %get3A_1665 = vector.shape_cast %get3A_1664 : vector<1x16xf32> to vector<16xf32>
        %mul3A_1666 = arith.mulf %get3A_1665, %gather3A_1636 : vector<16xf32>
        %swap3A_1667 = arith.index_cast %add3A_1641 : i32 to index
        %swap3A_1668 = arith.constant 32 : index
        %swap3A_1669 = tpu.vector_load %arg7[%swap3A_1667, %swap3A_1668] {strides = array<i32>} : memref<240x128xf32, #tpu.memory_space<vmem>>, vector<1x16xf32>,
        %swap3A_1670 = vector.shape_cast %swap3A_1669 : vector<1x16xf32> to vector<16xf32>
        %swap3A_1671 = vector.shape_cast %mul3A_1666 : vector<16xf32> to vector<1x16xf32>
        tpu.vector_store %arg7[%swap3A_1667, %swap3A_1668], %swap3A_1671 {strides = array<i32>} : memref<240x128xf32, #tpu.memory_space<vmem>>, vector<1x16xf32>,
        %get3A_1672 = arith.index_cast %add3A_1641 : i32 to index
        %get3A_1673 = arith.constant 48 : index
        %get3A_1674 = tpu.vector_load %arg7[%get3A_1672, %get3A_1673] {strides = array<i32>} : memref<240x128xf32, #tpu.memory_space<vmem>>, vector<1x16xf32>,
        %get3A_1675 = vector.shape_cast %get3A_1674 : vector<1x16xf32> to vector<16xf32>
        %mul3A_1676 = arith.mulf %get3A_1675, %gather3A_1636 : vector<16xf32>
        %swap3A_1677 = arith.index_cast %add3A_1641 : i32 to index
        %swap3A_1678 = arith.constant 48 : index
        %swap3A_1679 = tpu.vector_load %arg7[%swap3A_1677, %swap3A_1678] {strides = array<i32>} : memref<240x128xf32, #tpu.memory_space<vmem>>, vector<1x16xf32>,
        %swap3A_1680 = vector.shape_cast %swap3A_1679 : vector<1x16xf32> to vector<16xf32>
        %swap3A_1681 = vector.shape_cast %mul3A_1676 : vector<16xf32> to vector<1x16xf32>
        tpu.vector_store %arg7[%swap3A_1677, %swap3A_1678], %swap3A_1681 {strides = array<i32>} : memref<240x128xf32, #tpu.memory_space<vmem>>, vector<1x16xf32>,
        %get3A_1682 = arith.index_cast %add3A_1641 : i32 to index
        %get3A_1683 = arith.constant 64 : index
        %get3A_1684 = tpu.vector_load %arg7[%get3A_1682, %get3A_1683] {strides = array<i32>} : memref<240x128xf32, #tpu.memory_space<vmem>>, vector<1x16xf32>,
        %get3A_1685 = vector.shape_cast %get3A_1684 : vector<1x16xf32> to vector<16xf32>
        %mul3A_1686 = arith.mulf %get3A_1685, %gather3A_1636 : vector<16xf32>
        %swap3A_1687 = arith.index_cast %add3A_1641 : i32 to index
        %swap3A_1688 = arith.constant 64 : index
        %swap3A_1689 = tpu.vector_load %arg7[%swap3A_1687, %swap3A_1688] {strides = array<i32>} : memref<240x128xf32, #tpu.memory_space<vmem>>, vector<1x16xf32>,
        %swap3A_1690 = vector.shape_cast %swap3A_1689 : vector<1x16xf32> to vector<16xf32>
        %swap3A_1691 = vector.shape_cast %mul3A_1686 : vector<16xf32> to vector<1x16xf32>
        tpu.vector_store %arg7[%swap3A_1687, %swap3A_1688], %swap3A_1691 {strides = array<i32>} : memref<240x128xf32, #tpu.memory_space<vmem>>, vector<1x16xf32>,
        %get3A_1692 = arith.index_cast %add3A_1641 : i32 to index
        %get3A_1693 = arith.constant 80 : index
        %get3A_1694 = tpu.vector_load %arg7[%get3A_1692, %get3A_1693] {strides = array<i32>} : memref<240x128xf32, #tpu.memory_space<vmem>>, vector<1x16xf32>,
        %get3A_1695 = vector.shape_cast %get3A_1694 : vector<1x16xf32> to vector<16xf32>
        %mul3A_1696 = arith.mulf %get3A_1695, %gather3A_1636 : vector<16xf32>
        %swap3A_1697 = arith.index_cast %add3A_1641 : i32 to index
        %swap3A_1698 = arith.constant 80 : index
        %swap3A_1699 = tpu.vector_load %arg7[%swap3A_1697, %swap3A_1698] {strides = array<i32>} : memref<240x128xf32, #tpu.memory_space<vmem>>, vector<1x16xf32>,
        %swap3A_1700 = vector.shape_cast %swap3A_1699 : vector<1x16xf32> to vector<16xf32>
        %swap3A_1701 = vector.shape_cast %mul3A_1696 : vector<16xf32> to vector<1x16xf32>
        tpu.vector_store %arg7[%swap3A_1697, %swap3A_1698], %swap3A_1701 {strides = array<i32>} : memref<240x128xf32, #tpu.memory_space<vmem>>, vector<1x16xf32>,
        %get3A_1702 = arith.index_cast %add3A_1641 : i32 to index
        %get3A_1703 = arith.constant 96 : index
        %get3A_1704 = tpu.vector_load %arg7[%get3A_1702, %get3A_1703] {strides = array<i32>} : memref<240x128xf32, #tpu.memory_space<vmem>>, vector<1x16xf32>,
        %get3A_1705 = vector.shape_cast %get3A_1704 : vector<1x16xf32> to vector<16xf32>
        %mul3A_1706 = arith.mulf %get3A_1705, %gather3A_1636 : vector<16xf32>
        %swap3A_1707 = arith.index_cast %add3A_1641 : i32 to index
        %swap3A_1708 = arith.constant 96 : index
        %swap3A_1709 = tpu.vector_load %arg7[%swap3A_1707, %swap3A_1708] {strides = array<i32>} : memref<240x128xf32, #tpu.memory_space<vmem>>, vector<1x16xf32>,
        %swap3A_1710 = vector.shape_cast %swap3A_1709 : vector<1x16xf32> to vector<16xf32>
        %swap3A_1711 = vector.shape_cast %mul3A_1706 : vector<16xf32> to vector<1x16xf32>
        tpu.vector_store %arg7[%swap3A_1707, %swap3A_1708], %swap3A_1711 {strides = array<i32>} : memref<240x128xf32, #tpu.memory_space<vmem>>, vector<1x16xf32>,
        %get3A_1712 = arith.index_cast %add3A_1641 : i32 to index
        %get3A_1713 = arith.constant 112 : index
        %get3A_1714 = tpu.vector_load %arg7[%get3A_1712, %get3A_1713] {strides = array<i32>} : memref<240x128xf32, #tpu.memory_space<vmem>>, vector<1x16xf32>,
        %get3A_1715 = vector.shape_cast %get3A_1714 : vector<1x16xf32> to vector<16xf32>
        %mul3A_1716 = arith.mulf %get3A_1715, %gather3A_1636 : vector<16xf32>
        %swap3A_1717 = arith.index_cast %add3A_1641 : i32 to index
        %swap3A_1718 = arith.constant 112 : index
        %swap3A_1719 = tpu.vector_load %arg7[%swap3A_1717, %swap3A_1718] {strides = array<i32>} : memref<240x128xf32, #tpu.memory_space<vmem>>, vector<1x16xf32>,
        %swap3A_1720 = vector.shape_cast %swap3A_1719 : vector<1x16xf32> to vector<16xf32>
        %swap3A_1721 = vector.shape_cast %mul3A_1716 : vector<16xf32> to vector<1x16xf32>
        tpu.vector_store %arg7[%swap3A_1717, %swap3A_1718], %swap3A_1721 {strides = array<i32>} : memref<240x128xf32, #tpu.memory_space<vmem>>, vector<1x16xf32>,
        %broadcast_in_dim3A_1722 = arith.constant 13 : i32
        %broadcast_in_dim3A_1723 = vector.broadcast %broadcast_in_dim3A_1722 : i32 to vector<16x1xi32>
        %gather3A_1724 = vector.shape_cast %broadcast_in_dim3A_1723 : vector<16x1xi32> to vector<16xi32>
        %gather3A_1725 = tpu.dynamic_gather %get3A_567[%gather3A_1724] in [0] : vector<16xf32>, vector<16xi32> -> vector<16xf32>
        %mul3A_1726 = arith.constant 16 : i32
        %mul3A_1727 = arith.muli %scan3A_562, %mul3A_1726 : i32
        %add3A_1728 = arith.addi %mul3A_545, %mul3A_1727 : i32
        %add3A_1729 = arith.constant 13 : i32
        %add3A_1730 = arith.addi %add3A_1728, %add3A_1729 : i32
        %get3A_1731 = arith.index_cast %add3A_1730 : i32 to index
        %get3A_1732 = arith.constant 0 : index
        %get3A_1733 = tpu.vector_load %arg7[%get3A_1731, %get3A_1732] {strides = array<i32>} : memref<240x128xf32, #tpu.memory_space<vmem>>, vector<1x16xf32>,
        %get3A_1734 = vector.shape_cast %get3A_1733 : vector<1x16xf32> to vector<16xf32>
        %mul3A_1735 = arith.mulf %get3A_1734, %gather3A_1725 : vector<16xf32>
        %swap3A_1736 = arith.index_cast %add3A_1730 : i32 to index
        %swap3A_1737 = arith.constant 0 : index
        %swap3A_1738 = tpu.vector_load %arg7[%swap3A_1736, %swap3A_1737] {strides = array<i32>} : memref<240x128xf32, #tpu.memory_space<vmem>>, vector<1x16xf32>,
        %swap3A_1739 = vector.shape_cast %swap3A_1738 : vector<1x16xf32> to vector<16xf32>
        %swap3A_1740 = vector.shape_cast %mul3A_1735 : vector<16xf32> to vector<1x16xf32>
        tpu.vector_store %arg7[%swap3A_1736, %swap3A_1737], %swap3A_1740 {strides = array<i32>} : memref<240x128xf32, #tpu.memory_space<vmem>>, vector<1x16xf32>,
        %get3A_1741 = arith.index_cast %add3A_1730 : i32 to index
        %get3A_1742 = arith.constant 16 : index
        %get3A_1743 = tpu.vector_load %arg7[%get3A_1741, %get3A_1742] {strides = array<i32>} : memref<240x128xf32, #tpu.memory_space<vmem>>, vector<1x16xf32>,
        %get3A_1744 = vector.shape_cast %get3A_1743 : vector<1x16xf32> to vector<16xf32>
        %mul3A_1745 = arith.mulf %get3A_1744, %gather3A_1725 : vector<16xf32>
        %swap3A_1746 = arith.index_cast %add3A_1730 : i32 to index
        %swap3A_1747 = arith.constant 16 : index
        %swap3A_1748 = tpu.vector_load %arg7[%swap3A_1746, %swap3A_1747] {strides = array<i32>} : memref<240x128xf32, #tpu.memory_space<vmem>>, vector<1x16xf32>,
        %swap3A_1749 = vector.shape_cast %swap3A_1748 : vector<1x16xf32> to vector<16xf32>
        %swap3A_1750 = vector.shape_cast %mul3A_1745 : vector<16xf32> to vector<1x16xf32>
        tpu.vector_store %arg7[%swap3A_1746, %swap3A_1747], %swap3A_1750 {strides = array<i32>} : memref<240x128xf32, #tpu.memory_space<vmem>>, vector<1x16xf32>,
        %get3A_1751 = arith.index_cast %add3A_1730 : i32 to index
        %get3A_1752 = arith.constant 32 : index
        %get3A_1753 = tpu.vector_load %arg7[%get3A_1751, %get3A_1752] {strides = array<i32>} : memref<240x128xf32, #tpu.memory_space<vmem>>, vector<1x16xf32>,
        %get3A_1754 = vector.shape_cast %get3A_1753 : vector<1x16xf32> to vector<16xf32>
        %mul3A_1755 = arith.mulf %get3A_1754, %gather3A_1725 : vector<16xf32>
        %swap3A_1756 = arith.index_cast %add3A_1730 : i32 to index
        %swap3A_1757 = arith.constant 32 : index
        %swap3A_1758 = tpu.vector_load %arg7[%swap3A_1756, %swap3A_1757] {strides = array<i32>} : memref<240x128xf32, #tpu.memory_space<vmem>>, vector<1x16xf32>,
        %swap3A_1759 = vector.shape_cast %swap3A_1758 : vector<1x16xf32> to vector<16xf32>
        %swap3A_1760 = vector.shape_cast %mul3A_1755 : vector<16xf32> to vector<1x16xf32>
        tpu.vector_store %arg7[%swap3A_1756, %swap3A_1757], %swap3A_1760 {strides = array<i32>} : memref<240x128xf32, #tpu.memory_space<vmem>>, vector<1x16xf32>,
        %get3A_1761 = arith.index_cast %add3A_1730 : i32 to index
        %get3A_1762 = arith.constant 48 : index
        %get3A_1763 = tpu.vector_load %arg7[%get3A_1761, %get3A_1762] {strides = array<i32>} : memref<240x128xf32, #tpu.memory_space<vmem>>, vector<1x16xf32>,
        %get3A_1764 = vector.shape_cast %get3A_1763 : vector<1x16xf32> to vector<16xf32>
        %mul3A_1765 = arith.mulf %get3A_1764, %gather3A_1725 : vector<16xf32>
        %swap3A_1766 = arith.index_cast %add3A_1730 : i32 to index
        %swap3A_1767 = arith.constant 48 : index
        %swap3A_1768 = tpu.vector_load %arg7[%swap3A_1766, %swap3A_1767] {strides = array<i32>} : memref<240x128xf32, #tpu.memory_space<vmem>>, vector<1x16xf32>,
        %swap3A_1769 = vector.shape_cast %swap3A_1768 : vector<1x16xf32> to vector<16xf32>
        %swap3A_1770 = vector.shape_cast %mul3A_1765 : vector<16xf32> to vector<1x16xf32>
        tpu.vector_store %arg7[%swap3A_1766, %swap3A_1767], %swap3A_1770 {strides = array<i32>} : memref<240x128xf32, #tpu.memory_space<vmem>>, vector<1x16xf32>,
        %get3A_1771 = arith.index_cast %add3A_1730 : i32 to index
        %get3A_1772 = arith.constant 64 : index
        %get3A_1773 = tpu.vector_load %arg7[%get3A_1771, %get3A_1772] {strides = array<i32>} : memref<240x128xf32, #tpu.memory_space<vmem>>, vector<1x16xf32>,
        %get3A_1774 = vector.shape_cast %get3A_1773 : vector<1x16xf32> to vector<16xf32>
        %mul3A_1775 = arith.mulf %get3A_1774, %gather3A_1725 : vector<16xf32>
        %swap3A_1776 = arith.index_cast %add3A_1730 : i32 to index
        %swap3A_1777 = arith.constant 64 : index
        %swap3A_1778 = tpu.vector_load %arg7[%swap3A_1776, %swap3A_1777] {strides = array<i32>} : memref<240x128xf32, #tpu.memory_space<vmem>>, vector<1x16xf32>,
        %swap3A_1779 = vector.shape_cast %swap3A_1778 : vector<1x16xf32> to vector<16xf32>
        %swap3A_1780 = vector.shape_cast %mul3A_1775 : vector<16xf32> to vector<1x16xf32>
        tpu.vector_store %arg7[%swap3A_1776, %swap3A_1777], %swap3A_1780 {strides = array<i32>} : memref<240x128xf32, #tpu.memory_space<vmem>>, vector<1x16xf32>,
        %get3A_1781 = arith.index_cast %add3A_1730 : i32 to index
        %get3A_1782 = arith.constant 80 : index
        %get3A_1783 = tpu.vector_load %arg7[%get3A_1781, %get3A_1782] {strides = array<i32>} : memref<240x128xf32, #tpu.memory_space<vmem>>, vector<1x16xf32>,
        %get3A_1784 = vector.shape_cast %get3A_1783 : vector<1x16xf32> to vector<16xf32>
        %mul3A_1785 = arith.mulf %get3A_1784, %gather3A_1725 : vector<16xf32>
        %swap3A_1786 = arith.index_cast %add3A_1730 : i32 to index
        %swap3A_1787 = arith.constant 80 : index
        %swap3A_1788 = tpu.vector_load %arg7[%swap3A_1786, %swap3A_1787] {strides = array<i32>} : memref<240x128xf32, #tpu.memory_space<vmem>>, vector<1x16xf32>,
        %swap3A_1789 = vector.shape_cast %swap3A_1788 : vector<1x16xf32> to vector<16xf32>
        %swap3A_1790 = vector.shape_cast %mul3A_1785 : vector<16xf32> to vector<1x16xf32>
        tpu.vector_store %arg7[%swap3A_1786, %swap3A_1787], %swap3A_1790 {strides = array<i32>} : memref<240x128xf32, #tpu.memory_space<vmem>>, vector<1x16xf32>,
        %get3A_1791 = arith.index_cast %add3A_1730 : i32 to index
        %get3A_1792 = arith.constant 96 : index
        %get3A_1793 = tpu.vector_load %arg7[%get3A_1791, %get3A_1792] {strides = array<i32>} : memref<240x128xf32, #tpu.memory_space<vmem>>, vector<1x16xf32>,
        %get3A_1794 = vector.shape_cast %get3A_1793 : vector<1x16xf32> to vector<16xf32>
        %mul3A_1795 = arith.mulf %get3A_1794, %gather3A_1725 : vector<16xf32>
        %swap3A_1796 = arith.index_cast %add3A_1730 : i32 to index
        %swap3A_1797 = arith.constant 96 : index
        %swap3A_1798 = tpu.vector_load %arg7[%swap3A_1796, %swap3A_1797] {strides = array<i32>} : memref<240x128xf32, #tpu.memory_space<vmem>>, vector<1x16xf32>,
        %swap3A_1799 = vector.shape_cast %swap3A_1798 : vector<1x16xf32> to vector<16xf32>
        %swap3A_1800 = vector.shape_cast %mul3A_1795 : vector<16xf32> to vector<1x16xf32>
        tpu.vector_store %arg7[%swap3A_1796, %swap3A_1797], %swap3A_1800 {strides = array<i32>} : memref<240x128xf32, #tpu.memory_space<vmem>>, vector<1x16xf32>,
        %get3A_1801 = arith.index_cast %add3A_1730 : i32 to index
        %get3A_1802 = arith.constant 112 : index
        %get3A_1803 = tpu.vector_load %arg7[%get3A_1801, %get3A_1802] {strides = array<i32>} : memref<240x128xf32, #tpu.memory_space<vmem>>, vector<1x16xf32>,
        %get3A_1804 = vector.shape_cast %get3A_1803 : vector<1x16xf32> to vector<16xf32>
        %mul3A_1805 = arith.mulf %get3A_1804, %gather3A_1725 : vector<16xf32>
        %swap3A_1806 = arith.index_cast %add3A_1730 : i32 to index
        %swap3A_1807 = arith.constant 112 : index
        %swap3A_1808 = tpu.vector_load %arg7[%swap3A_1806, %swap3A_1807] {strides = array<i32>} : memref<240x128xf32, #tpu.memory_space<vmem>>, vector<1x16xf32>,
        %swap3A_1809 = vector.shape_cast %swap3A_1808 : vector<1x16xf32> to vector<16xf32>
        %swap3A_1810 = vector.shape_cast %mul3A_1805 : vector<16xf32> to vector<1x16xf32>
        tpu.vector_store %arg7[%swap3A_1806, %swap3A_1807], %swap3A_1810 {strides = array<i32>} : memref<240x128xf32, #tpu.memory_space<vmem>>, vector<1x16xf32>,
        %broadcast_in_dim3A_1811 = arith.constant 14 : i32
        %broadcast_in_dim3A_1812 = vector.broadcast %broadcast_in_dim3A_1811 : i32 to vector<16x1xi32>
        %gather3A_1813 = vector.shape_cast %broadcast_in_dim3A_1812 : vector<16x1xi32> to vector<16xi32>
        %gather3A_1814 = tpu.dynamic_gather %get3A_567[%gather3A_1813] in [0] : vector<16xf32>, vector<16xi32> -> vector<16xf32>
        %mul3A_1815 = arith.constant 16 : i32
        %mul3A_1816 = arith.muli %scan3A_562, %mul3A_1815 : i32
        %add3A_1817 = arith.addi %mul3A_545, %mul3A_1816 : i32
        %add3A_1818 = arith.constant 14 : i32
        %add3A_1819 = arith.addi %add3A_1817, %add3A_1818 : i32
        %get3A_1820 = arith.index_cast %add3A_1819 : i32 to index
        %get3A_1821 = arith.constant 0 : index
        %get3A_1822 = tpu.vector_load %arg7[%get3A_1820, %get3A_1821] {strides = array<i32>} : memref<240x128xf32, #tpu.memory_space<vmem>>, vector<1x16xf32>,
        %get3A_1823 = vector.shape_cast %get3A_1822 : vector<1x16xf32> to vector<16xf32>
        %mul3A_1824 = arith.mulf %get3A_1823, %gather3A_1814 : vector<16xf32>
        %swap3A_1825 = arith.index_cast %add3A_1819 : i32 to index
        %swap3A_1826 = arith.constant 0 : index
        %swap3A_1827 = tpu.vector_load %arg7[%swap3A_1825, %swap3A_1826] {strides = array<i32>} : memref<240x128xf32, #tpu.memory_space<vmem>>, vector<1x16xf32>,
        %swap3A_1828 = vector.shape_cast %swap3A_1827 : vector<1x16xf32> to vector<16xf32>
        %swap3A_1829 = vector.shape_cast %mul3A_1824 : vector<16xf32> to vector<1x16xf32>
        tpu.vector_store %arg7[%swap3A_1825, %swap3A_1826], %swap3A_1829 {strides = array<i32>} : memref<240x128xf32, #tpu.memory_space<vmem>>, vector<1x16xf32>,
        %get3A_1830 = arith.index_cast %add3A_1819 : i32 to index
        %get3A_1831 = arith.constant 16 : index
        %get3A_1832 = tpu.vector_load %arg7[%get3A_1830, %get3A_1831] {strides = array<i32>} : memref<240x128xf32, #tpu.memory_space<vmem>>, vector<1x16xf32>,
        %get3A_1833 = vector.shape_cast %get3A_1832 : vector<1x16xf32> to vector<16xf32>
        %mul3A_1834 = arith.mulf %get3A_1833, %gather3A_1814 : vector<16xf32>
        %swap3A_1835 = arith.index_cast %add3A_1819 : i32 to index
        %swap3A_1836 = arith.constant 16 : index
        %swap3A_1837 = tpu.vector_load %arg7[%swap3A_1835, %swap3A_1836] {strides = array<i32>} : memref<240x128xf32, #tpu.memory_space<vmem>>, vector<1x16xf32>,
        %swap3A_1838 = vector.shape_cast %swap3A_1837 : vector<1x16xf32> to vector<16xf32>
        %swap3A_1839 = vector.shape_cast %mul3A_1834 : vector<16xf32> to vector<1x16xf32>
        tpu.vector_store %arg7[%swap3A_1835, %swap3A_1836], %swap3A_1839 {strides = array<i32>} : memref<240x128xf32, #tpu.memory_space<vmem>>, vector<1x16xf32>,
        %get3A_1840 = arith.index_cast %add3A_1819 : i32 to index
        %get3A_1841 = arith.constant 32 : index
        %get3A_1842 = tpu.vector_load %arg7[%get3A_1840, %get3A_1841] {strides = array<i32>} : memref<240x128xf32, #tpu.memory_space<vmem>>, vector<1x16xf32>,
        %get3A_1843 = vector.shape_cast %get3A_1842 : vector<1x16xf32> to vector<16xf32>
        %mul3A_1844 = arith.mulf %get3A_1843, %gather3A_1814 : vector<16xf32>
        %swap3A_1845 = arith.index_cast %add3A_1819 : i32 to index
        %swap3A_1846 = arith.constant 32 : index
        %swap3A_1847 = tpu.vector_load %arg7[%swap3A_1845, %swap3A_1846] {strides = array<i32>} : memref<240x128xf32, #tpu.memory_space<vmem>>, vector<1x16xf32>,
        %swap3A_1848 = vector.shape_cast %swap3A_1847 : vector<1x16xf32> to vector<16xf32>
        %swap3A_1849 = vector.shape_cast %mul3A_1844 : vector<16xf32> to vector<1x16xf32>
        tpu.vector_store %arg7[%swap3A_1845, %swap3A_1846], %swap3A_1849 {strides = array<i32>} : memref<240x128xf32, #tpu.memory_space<vmem>>, vector<1x16xf32>,
        %get3A_1850 = arith.index_cast %add3A_1819 : i32 to index
        %get3A_1851 = arith.constant 48 : index
        %get3A_1852 = tpu.vector_load %arg7[%get3A_1850, %get3A_1851] {strides = array<i32>} : memref<240x128xf32, #tpu.memory_space<vmem>>, vector<1x16xf32>,
        %get3A_1853 = vector.shape_cast %get3A_1852 : vector<1x16xf32> to vector<16xf32>
        %mul3A_1854 = arith.mulf %get3A_1853, %gather3A_1814 : vector<16xf32>
        %swap3A_1855 = arith.index_cast %add3A_1819 : i32 to index
        %swap3A_1856 = arith.constant 48 : index
        %swap3A_1857 = tpu.vector_load %arg7[%swap3A_1855, %swap3A_1856] {strides = array<i32>} : memref<240x128xf32, #tpu.memory_space<vmem>>, vector<1x16xf32>,
        %swap3A_1858 = vector.shape_cast %swap3A_1857 : vector<1x16xf32> to vector<16xf32>
        %swap3A_1859 = vector.shape_cast %mul3A_1854 : vector<16xf32> to vector<1x16xf32>
        tpu.vector_store %arg7[%swap3A_1855, %swap3A_1856], %swap3A_1859 {strides = array<i32>} : memref<240x128xf32, #tpu.memory_space<vmem>>, vector<1x16xf32>,
        %get3A_1860 = arith.index_cast %add3A_1819 : i32 to index
        %get3A_1861 = arith.constant 64 : index
        %get3A_1862 = tpu.vector_load %arg7[%get3A_1860, %get3A_1861] {strides = array<i32>} : memref<240x128xf32, #tpu.memory_space<vmem>>, vector<1x16xf32>,
        %get3A_1863 = vector.shape_cast %get3A_1862 : vector<1x16xf32> to vector<16xf32>
        %mul3A_1864 = arith.mulf %get3A_1863, %gather3A_1814 : vector<16xf32>
        %swap3A_1865 = arith.index_cast %add3A_1819 : i32 to index
        %swap3A_1866 = arith.constant 64 : index
        %swap3A_1867 = tpu.vector_load %arg7[%swap3A_1865, %swap3A_1866] {strides = array<i32>} : memref<240x128xf32, #tpu.memory_space<vmem>>, vector<1x16xf32>,
        %swap3A_1868 = vector.shape_cast %swap3A_1867 : vector<1x16xf32> to vector<16xf32>
        %swap3A_1869 = vector.shape_cast %mul3A_1864 : vector<16xf32> to vector<1x16xf32>
        tpu.vector_store %arg7[%swap3A_1865, %swap3A_1866], %swap3A_1869 {strides = array<i32>} : memref<240x128xf32, #tpu.memory_space<vmem>>, vector<1x16xf32>,
        %get3A_1870 = arith.index_cast %add3A_1819 : i32 to index
        %get3A_1871 = arith.constant 80 : index
        %get3A_1872 = tpu.vector_load %arg7[%get3A_1870, %get3A_1871] {strides = array<i32>} : memref<240x128xf32, #tpu.memory_space<vmem>>, vector<1x16xf32>,
        %get3A_1873 = vector.shape_cast %get3A_1872 : vector<1x16xf32> to vector<16xf32>
        %mul3A_1874 = arith.mulf %get3A_1873, %gather3A_1814 : vector<16xf32>
        %swap3A_1875 = arith.index_cast %add3A_1819 : i32 to index
        %swap3A_1876 = arith.constant 80 : index
        %swap3A_1877 = tpu.vector_load %arg7[%swap3A_1875, %swap3A_1876] {strides = array<i32>} : memref<240x128xf32, #tpu.memory_space<vmem>>, vector<1x16xf32>,
        %swap3A_1878 = vector.shape_cast %swap3A_1877 : vector<1x16xf32> to vector<16xf32>
        %swap3A_1879 = vector.shape_cast %mul3A_1874 : vector<16xf32> to vector<1x16xf32>
        tpu.vector_store %arg7[%swap3A_1875, %swap3A_1876], %swap3A_1879 {strides = array<i32>} : memref<240x128xf32, #tpu.memory_space<vmem>>, vector<1x16xf32>,
        %get3A_1880 = arith.index_cast %add3A_1819 : i32 to index
        %get3A_1881 = arith.constant 96 : index
        %get3A_1882 = tpu.vector_load %arg7[%get3A_1880, %get3A_1881] {strides = array<i32>} : memref<240x128xf32, #tpu.memory_space<vmem>>, vector<1x16xf32>,
        %get3A_1883 = vector.shape_cast %get3A_1882 : vector<1x16xf32> to vector<16xf32>
        %mul3A_1884 = arith.mulf %get3A_1883, %gather3A_1814 : vector<16xf32>
        %swap3A_1885 = arith.index_cast %add3A_1819 : i32 to index
        %swap3A_1886 = arith.constant 96 : index
        %swap3A_1887 = tpu.vector_load %arg7[%swap3A_1885, %swap3A_1886] {strides = array<i32>} : memref<240x128xf32, #tpu.memory_space<vmem>>, vector<1x16xf32>,
        %swap3A_1888 = vector.shape_cast %swap3A_1887 : vector<1x16xf32> to vector<16xf32>
        %swap3A_1889 = vector.shape_cast %mul3A_1884 : vector<16xf32> to vector<1x16xf32>
        tpu.vector_store %arg7[%swap3A_1885, %swap3A_1886], %swap3A_1889 {strides = array<i32>} : memref<240x128xf32, #tpu.memory_space<vmem>>, vector<1x16xf32>,
        %get3A_1890 = arith.index_cast %add3A_1819 : i32 to index
        %get3A_1891 = arith.constant 112 : index
        %get3A_1892 = tpu.vector_load %arg7[%get3A_1890, %get3A_1891] {strides = array<i32>} : memref<240x128xf32, #tpu.memory_space<vmem>>, vector<1x16xf32>,
        %get3A_1893 = vector.shape_cast %get3A_1892 : vector<1x16xf32> to vector<16xf32>
        %mul3A_1894 = arith.mulf %get3A_1893, %gather3A_1814 : vector<16xf32>
        %swap3A_1895 = arith.index_cast %add3A_1819 : i32 to index
        %swap3A_1896 = arith.constant 112 : index
        %swap3A_1897 = tpu.vector_load %arg7[%swap3A_1895, %swap3A_1896] {strides = array<i32>} : memref<240x128xf32, #tpu.memory_space<vmem>>, vector<1x16xf32>,
        %swap3A_1898 = vector.shape_cast %swap3A_1897 : vector<1x16xf32> to vector<16xf32>
        %swap3A_1899 = vector.shape_cast %mul3A_1894 : vector<16xf32> to vector<1x16xf32>
        tpu.vector_store %arg7[%swap3A_1895, %swap3A_1896], %swap3A_1899 {strides = array<i32>} : memref<240x128xf32, #tpu.memory_space<vmem>>, vector<1x16xf32>,
        %broadcast_in_dim3A_1900 = arith.constant 15 : i32
        %broadcast_in_dim3A_1901 = vector.broadcast %broadcast_in_dim3A_1900 : i32 to vector<16x1xi32>
        %gather3A_1902 = vector.shape_cast %broadcast_in_dim3A_1901 : vector<16x1xi32> to vector<16xi32>
        %gather3A_1903 = tpu.dynamic_gather %get3A_567[%gather3A_1902] in [0] : vector<16xf32>, vector<16xi32> -> vector<16xf32>
        %mul3A_1904 = arith.constant 16 : i32
        %mul3A_1905 = arith.muli %scan3A_562, %mul3A_1904 : i32
        %add3A_1906 = arith.addi %mul3A_545, %mul3A_1905 : i32
        %add3A_1907 = arith.constant 15 : i32
        %add3A_1908 = arith.addi %add3A_1906, %add3A_1907 : i32
        %get3A_1909 = arith.index_cast %add3A_1908 : i32 to index
        %get3A_1910 = arith.constant 0 : index
        %get3A_1911 = tpu.vector_load %arg7[%get3A_1909, %get3A_1910] {strides = array<i32>} : memref<240x128xf32, #tpu.memory_space<vmem>>, vector<1x16xf32>,
        %get3A_1912 = vector.shape_cast %get3A_1911 : vector<1x16xf32> to vector<16xf32>
        %mul3A_1913 = arith.mulf %get3A_1912, %gather3A_1903 : vector<16xf32>
        %swap3A_1914 = arith.index_cast %add3A_1908 : i32 to index
        %swap3A_1915 = arith.constant 0 : index
        %swap3A_1916 = tpu.vector_load %arg7[%swap3A_1914, %swap3A_1915] {strides = array<i32>} : memref<240x128xf32, #tpu.memory_space<vmem>>, vector<1x16xf32>,
        %swap3A_1917 = vector.shape_cast %swap3A_1916 : vector<1x16xf32> to vector<16xf32>
        %swap3A_1918 = vector.shape_cast %mul3A_1913 : vector<16xf32> to vector<1x16xf32>
        tpu.vector_store %arg7[%swap3A_1914, %swap3A_1915], %swap3A_1918 {strides = array<i32>} : memref<240x128xf32, #tpu.memory_space<vmem>>, vector<1x16xf32>,
        %get3A_1919 = arith.index_cast %add3A_1908 : i32 to index
        %get3A_1920 = arith.constant 16 : index
        %get3A_1921 = tpu.vector_load %arg7[%get3A_1919, %get3A_1920] {strides = array<i32>} : memref<240x128xf32, #tpu.memory_space<vmem>>, vector<1x16xf32>,
        %get3A_1922 = vector.shape_cast %get3A_1921 : vector<1x16xf32> to vector<16xf32>
        %mul3A_1923 = arith.mulf %get3A_1922, %gather3A_1903 : vector<16xf32>
        %swap3A_1924 = arith.index_cast %add3A_1908 : i32 to index
        %swap3A_1925 = arith.constant 16 : index
        %swap3A_1926 = tpu.vector_load %arg7[%swap3A_1924, %swap3A_1925] {strides = array<i32>} : memref<240x128xf32, #tpu.memory_space<vmem>>, vector<1x16xf32>,
        %swap3A_1927 = vector.shape_cast %swap3A_1926 : vector<1x16xf32> to vector<16xf32>
        %swap3A_1928 = vector.shape_cast %mul3A_1923 : vector<16xf32> to vector<1x16xf32>
        tpu.vector_store %arg7[%swap3A_1924, %swap3A_1925], %swap3A_1928 {strides = array<i32>} : memref<240x128xf32, #tpu.memory_space<vmem>>, vector<1x16xf32>,
        %get3A_1929 = arith.index_cast %add3A_1908 : i32 to index
        %get3A_1930 = arith.constant 32 : index
        %get3A_1931 = tpu.vector_load %arg7[%get3A_1929, %get3A_1930] {strides = array<i32>} : memref<240x128xf32, #tpu.memory_space<vmem>>, vector<1x16xf32>,
        %get3A_1932 = vector.shape_cast %get3A_1931 : vector<1x16xf32> to vector<16xf32>
        %mul3A_1933 = arith.mulf %get3A_1932, %gather3A_1903 : vector<16xf32>
        %swap3A_1934 = arith.index_cast %add3A_1908 : i32 to index
        %swap3A_1935 = arith.constant 32 : index
        %swap3A_1936 = tpu.vector_load %arg7[%swap3A_1934, %swap3A_1935] {strides = array<i32>} : memref<240x128xf32, #tpu.memory_space<vmem>>, vector<1x16xf32>,
        %swap3A_1937 = vector.shape_cast %swap3A_1936 : vector<1x16xf32> to vector<16xf32>
        %swap3A_1938 = vector.shape_cast %mul3A_1933 : vector<16xf32> to vector<1x16xf32>
        tpu.vector_store %arg7[%swap3A_1934, %swap3A_1935], %swap3A_1938 {strides = array<i32>} : memref<240x128xf32, #tpu.memory_space<vmem>>, vector<1x16xf32>,
        %get3A_1939 = arith.index_cast %add3A_1908 : i32 to index
        %get3A_1940 = arith.constant 48 : index
        %get3A_1941 = tpu.vector_load %arg7[%get3A_1939, %get3A_1940] {strides = array<i32>} : memref<240x128xf32, #tpu.memory_space<vmem>>, vector<1x16xf32>,
        %get3A_1942 = vector.shape_cast %get3A_1941 : vector<1x16xf32> to vector<16xf32>
        %mul3A_1943 = arith.mulf %get3A_1942, %gather3A_1903 : vector<16xf32>
        %swap3A_1944 = arith.index_cast %add3A_1908 : i32 to index
        %swap3A_1945 = arith.constant 48 : index
        %swap3A_1946 = tpu.vector_load %arg7[%swap3A_1944, %swap3A_1945] {strides = array<i32>} : memref<240x128xf32, #tpu.memory_space<vmem>>, vector<1x16xf32>,
        %swap3A_1947 = vector.shape_cast %swap3A_1946 : vector<1x16xf32> to vector<16xf32>
        %swap3A_1948 = vector.shape_cast %mul3A_1943 : vector<16xf32> to vector<1x16xf32>
        tpu.vector_store %arg7[%swap3A_1944, %swap3A_1945], %swap3A_1948 {strides = array<i32>} : memref<240x128xf32, #tpu.memory_space<vmem>>, vector<1x16xf32>,
        %get3A_1949 = arith.index_cast %add3A_1908 : i32 to index
        %get3A_1950 = arith.constant 64 : index
        %get3A_1951 = tpu.vector_load %arg7[%get3A_1949, %get3A_1950] {strides = array<i32>} : memref<240x128xf32, #tpu.memory_space<vmem>>, vector<1x16xf32>,
        %get3A_1952 = vector.shape_cast %get3A_1951 : vector<1x16xf32> to vector<16xf32>
        %mul3A_1953 = arith.mulf %get3A_1952, %gather3A_1903 : vector<16xf32>
        %swap3A_1954 = arith.index_cast %add3A_1908 : i32 to index
        %swap3A_1955 = arith.constant 64 : index
        %swap3A_1956 = tpu.vector_load %arg7[%swap3A_1954, %swap3A_1955] {strides = array<i32>} : memref<240x128xf32, #tpu.memory_space<vmem>>, vector<1x16xf32>,
        %swap3A_1957 = vector.shape_cast %swap3A_1956 : vector<1x16xf32> to vector<16xf32>
        %swap3A_1958 = vector.shape_cast %mul3A_1953 : vector<16xf32> to vector<1x16xf32>
        tpu.vector_store %arg7[%swap3A_1954, %swap3A_1955], %swap3A_1958 {strides = array<i32>} : memref<240x128xf32, #tpu.memory_space<vmem>>, vector<1x16xf32>,
        %get3A_1959 = arith.index_cast %add3A_1908 : i32 to index
        %get3A_1960 = arith.constant 80 : index
        %get3A_1961 = tpu.vector_load %arg7[%get3A_1959, %get3A_1960] {strides = array<i32>} : memref<240x128xf32, #tpu.memory_space<vmem>>, vector<1x16xf32>,
        %get3A_1962 = vector.shape_cast %get3A_1961 : vector<1x16xf32> to vector<16xf32>
        %mul3A_1963 = arith.mulf %get3A_1962, %gather3A_1903 : vector<16xf32>
        %swap3A_1964 = arith.index_cast %add3A_1908 : i32 to index
        %swap3A_1965 = arith.constant 80 : index
        %swap3A_1966 = tpu.vector_load %arg7[%swap3A_1964, %swap3A_1965] {strides = array<i32>} : memref<240x128xf32, #tpu.memory_space<vmem>>, vector<1x16xf32>,
        %swap3A_1967 = vector.shape_cast %swap3A_1966 : vector<1x16xf32> to vector<16xf32>
        %swap3A_1968 = vector.shape_cast %mul3A_1963 : vector<16xf32> to vector<1x16xf32>
        tpu.vector_store %arg7[%swap3A_1964, %swap3A_1965], %swap3A_1968 {strides = array<i32>} : memref<240x128xf32, #tpu.memory_space<vmem>>, vector<1x16xf32>,
        %get3A_1969 = arith.index_cast %add3A_1908 : i32 to index
        %get3A_1970 = arith.constant 96 : index
        %get3A_1971 = tpu.vector_load %arg7[%get3A_1969, %get3A_1970] {strides = array<i32>} : memref<240x128xf32, #tpu.memory_space<vmem>>, vector<1x16xf32>,
        %get3A_1972 = vector.shape_cast %get3A_1971 : vector<1x16xf32> to vector<16xf32>
        %mul3A_1973 = arith.mulf %get3A_1972, %gather3A_1903 : vector<16xf32>
        %swap3A_1974 = arith.index_cast %add3A_1908 : i32 to index
        %swap3A_1975 = arith.constant 96 : index
        %swap3A_1976 = tpu.vector_load %arg7[%swap3A_1974, %swap3A_1975] {strides = array<i32>} : memref<240x128xf32, #tpu.memory_space<vmem>>, vector<1x16xf32>,
        %swap3A_1977 = vector.shape_cast %swap3A_1976 : vector<1x16xf32> to vector<16xf32>
        %swap3A_1978 = vector.shape_cast %mul3A_1973 : vector<16xf32> to vector<1x16xf32>
        tpu.vector_store %arg7[%swap3A_1974, %swap3A_1975], %swap3A_1978 {strides = array<i32>} : memref<240x128xf32, #tpu.memory_space<vmem>>, vector<1x16xf32>,
        %get3A_1979 = arith.index_cast %add3A_1908 : i32 to index
        %get3A_1980 = arith.constant 112 : index
        %get3A_1981 = tpu.vector_load %arg7[%get3A_1979, %get3A_1980] {strides = array<i32>} : memref<240x128xf32, #tpu.memory_space<vmem>>, vector<1x16xf32>,
        %get3A_1982 = vector.shape_cast %get3A_1981 : vector<1x16xf32> to vector<16xf32>
        %mul3A_1983 = arith.mulf %get3A_1982, %gather3A_1903 : vector<16xf32>
        %swap3A_1984 = arith.index_cast %add3A_1908 : i32 to index
        %swap3A_1985 = arith.constant 112 : index
        %swap3A_1986 = tpu.vector_load %arg7[%swap3A_1984, %swap3A_1985] {strides = array<i32>} : memref<240x128xf32, #tpu.memory_space<vmem>>, vector<1x16xf32>,
        %swap3A_1987 = vector.shape_cast %swap3A_1986 : vector<1x16xf32> to vector<16xf32>
        %swap3A_1988 = vector.shape_cast %mul3A_1983 : vector<16xf32> to vector<1x16xf32>
        tpu.vector_store %arg7[%swap3A_1984, %swap3A_1985], %swap3A_1988 {strides = array<i32>} : memref<240x128xf32, #tpu.memory_space<vmem>>, vector<1x16xf32>,
      }
      %scan3A_555 = arith.constant 5 : i32
      %dma_start3A_556 = arith.constant 0 : i32
      %dma_start3A_557 = tpu.memref_slice %arg7[%mul3A_545, %dma_start3A_556] : memref<240x128xf32, #tpu.memory_space<vmem>> -> memref<80x128xf32, #tpu.memory_space<vmem>>
      %dma_start3A_558 = tpu.memref_slice %arg9[%mul3A_549] : memref<320xi32, #tpu.memory_space<vmem>> -> memref<80xi32, #tpu.memory_space<vmem>>
      %dma_start3A_559 = arith.constant 0 : i32
      %dma_start3A_560 = arith.constant 0 : i32
      %dma_start3A_561 = tpu.memref_slice %arg6[%dma_start3A_559, %dma_start3A_560] : memref<10240x128xf32, #tpu.memory_space<vmem_shared>> -> memref<10240x128xf32, #tpu.memory_space<vmem_shared>>
      tpu.enqueue_indirect_dma source(%dma_start3A_557 : memref<80x128xf32, #tpu.memory_space<vmem>>) target(%dma_start3A_561 : memref<10240x128xf32, #tpu.memory_space<vmem_shared>>) offsets(%dma_start3A_558 : memref<80xi32, #tpu.memory_space<vmem>>) semaphore(%arg14 : memref<!tpu.dma_semaphore, #tpu.memory_space<semaphore_mem>>) {add = true}
    }
    %scan3A_278 = arith.constant 125 : i32
    %rem3A_279 = arith.constant 123 : i32
    %rem3A_280 = arith.constant 3 : i32
    %rem3A_281 = arith.remsi %rem3A_279, %rem3A_280 : i32
    %mul3A_282 = arith.constant 80 : i32
    %mul3A_283 = arith.muli %rem3A_281, %mul3A_282 : i32
    %rem3A_284 = arith.constant 123 : i32
    %rem3A_285 = arith.constant 4 : i32
    %rem3A_286 = arith.remsi %rem3A_284, %rem3A_285 : i32
    %mul3A_287 = arith.constant 80 : i32
    %mul3A_288 = arith.muli %rem3A_286, %mul3A_287 : i32
    %dma_wait3A_289 = arith.constant 0 : i32
    %dma_wait3A_290 = tpu.memref_slice %arg7[%mul3A_283, %dma_wait3A_289] : memref<240x128xf32, #tpu.memory_space<vmem>> -> memref<80x128xf32, #tpu.memory_space<vmem>>
    %dma_wait3A_291 = tpu.memref_slice %arg9[%mul3A_288] : memref<320xi32, #tpu.memory_space<vmem>> -> memref<80xi32, #tpu.memory_space<vmem>>
    %dma_wait3A_292 = arith.constant 0 : i32
    %dma_wait3A_293 = arith.constant 0 : i32
    %dma_wait3A_294 = tpu.memref_slice %arg6[%dma_wait3A_292, %dma_wait3A_293] : memref<10240x128xf32, #tpu.memory_space<vmem_shared>> -> memref<10240x128xf32, #tpu.memory_space<vmem_shared>>
    tpu.wait_indirect_dma semaphore(%arg14 : memref<!tpu.dma_semaphore, #tpu.memory_space<semaphore_mem>>) src(%dma_wait3A_290 : memref<80x128xf32, #tpu.memory_space<vmem>>) dst(%dma_wait3A_294 : memref<10240x128xf32, #tpu.memory_space<vmem_shared>>)
    %rem3A_295 = arith.constant 124 : i32
    %rem3A_296 = arith.constant 3 : i32
    %rem3A_297 = arith.remsi %rem3A_295, %rem3A_296 : i32
    %mul3A_298 = arith.constant 80 : i32
    %mul3A_299 = arith.muli %rem3A_297, %mul3A_298 : i32
    %rem3A_300 = arith.constant 124 : i32
    %rem3A_301 = arith.constant 4 : i32
    %rem3A_302 = arith.remsi %rem3A_300, %rem3A_301 : i32
    %mul3A_303 = arith.constant 80 : i32
    %mul3A_304 = arith.muli %rem3A_302, %mul3A_303 : i32
    %dma_wait3A_305 = arith.constant 0 : i32
    %dma_wait3A_306 = tpu.memref_slice %arg7[%mul3A_299, %dma_wait3A_305] : memref<240x128xf32, #tpu.memory_space<vmem>> -> memref<80x128xf32, #tpu.memory_space<vmem>>
    %dma_wait3A_307 = tpu.memref_slice %arg9[%mul3A_304] : memref<320xi32, #tpu.memory_space<vmem>> -> memref<80xi32, #tpu.memory_space<vmem>>
    %dma_wait3A_308 = arith.constant 0 : i32
    %dma_wait3A_309 = arith.constant 0 : i32
    %dma_wait3A_310 = tpu.memref_slice %arg6[%dma_wait3A_308, %dma_wait3A_309] : memref<10240x128xf32, #tpu.memory_space<vmem_shared>> -> memref<10240x128xf32, #tpu.memory_space<vmem_shared>>
    tpu.wait_indirect_dma semaphore(%arg14 : memref<!tpu.dma_semaphore, #tpu.memory_space<semaphore_mem>>) src(%dma_wait3A_306 : memref<80x128xf32, #tpu.memory_space<vmem>>) dst(%dma_wait3A_310 : memref<10240x128xf32, #tpu.memory_space<vmem_shared>>)
    %rem3A_311 = arith.constant 125 : i32
    %rem3A_312 = arith.constant 4 : i32
    %rem3A_313 = arith.remsi %rem3A_311, %rem3A_312 : i32
    %mul3A_314 = arith.constant 80 : i32
    %mul3A_315 = arith.muli %rem3A_313, %mul3A_314 : i32
    %rem3A_316 = arith.constant 125 : i32
    %rem3A_317 = arith.constant 3 : i32
    %rem3A_318 = arith.remsi %rem3A_316, %rem3A_317 : i32
    %mul3A_319 = arith.constant 80 : i32
    %mul3A_320 = arith.muli %rem3A_318, %mul3A_319 : i32
    %dma_wait3A_321 = arith.constant 0 : i32
    %dma_wait3A_322 = tpu.memref_slice %arg7[%mul3A_320, %dma_wait3A_321] : memref<240x128xf32, #tpu.memory_space<vmem>> -> memref<80x128xf32, #tpu.memory_space<vmem>>
    %dma_wait3A_323 = tpu.memref_slice %arg8[%mul3A_315] : memref<320xi32, #tpu.memory_space<vmem>> -> memref<80xi32, #tpu.memory_space<vmem>>
    %dma_wait3A_324 = arith.constant 0 : i32
    %dma_wait3A_325 = arith.constant 0 : i32
    %dma_wait3A_326 = tpu.memref_slice %arg2[%dma_wait3A_324, %dma_wait3A_325] : memref<10000x128xf32, #tpu.memory_space<hbm>> -> memref<10000x128xf32, #tpu.memory_space<hbm>>
    tpu.wait_indirect_dma semaphore(%arg13 : memref<!tpu.dma_semaphore, #tpu.memory_space<semaphore_mem>>) src(%dma_wait3A_326 : memref<10000x128xf32, #tpu.memory_space<hbm>>) dst(%dma_wait3A_322 : memref<80x128xf32, #tpu.memory_space<vmem>>)
    %min3A_327 = arith.constant 126 : i32
    %min3A_328 = arith.constant 124 : i32
    %min3A_329 = arith.minsi %min3A_327, %min3A_328 : i32
    %mul3A_330 = arith.constant 80 : i32
    %mul3A_331 = arith.muli %min3A_329, %mul3A_330 : i32
    %add3A_332 = arith.addi %mul3A_2, %mul3A_331 : i32
    %rem3A_333 = arith.constant 126 : i32
    %rem3A_334 = arith.constant 4 : i32
    %rem3A_335 = arith.remsi %rem3A_333, %rem3A_334 : i32
    %mul3A_336 = arith.constant 80 : i32
    %mul3A_337 = arith.muli %rem3A_335, %mul3A_336 : i32
    %dma_wait3A_338 = tpu.memref_slice %arg8[%mul3A_337] : memref<320xi32, #tpu.memory_space<vmem>> -> memref<80xi32, #tpu.memory_space<vmem>>
    %dma_wait3A_339 = tpu.memref_slice %arg3[%add3A_332] : memref<640000xi32, #tpu.memory_space<hbm>> -> memref<80xi32, #tpu.memory_space<hbm>>
    %dma_wait3A_340 = tpu.memref_slice %arg8[%mul3A_337] : memref<320xi32, #tpu.memory_space<vmem>> -> memref<80xi32, #tpu.memory_space<vmem>>
    %dma_wait3A_341 = tpu.memref_slice %arg3[%add3A_332] : memref<640000xi32, #tpu.memory_space<hbm>> -> memref<80xi32, #tpu.memory_space<hbm>>
    tpu.wait_dma2 semaphore(%arg12 : memref<!tpu.dma_semaphore, #tpu.memory_space<semaphore_mem>>) src(%dma_wait3A_341 : memref<80xi32, #tpu.memory_space<hbm>>) dst(%dma_wait3A_340 : memref<80xi32, #tpu.memory_space<vmem>>)
    %min3A_342 = arith.constant 126 : i32
    %min3A_343 = arith.constant 124 : i32
    %min3A_344 = arith.minsi %min3A_342, %min3A_343 : i32
    %mul3A_345 = arith.constant 80 : i32
    %mul3A_346 = arith.muli %min3A_344, %mul3A_345 : i32
    %add3A_347 = arith.addi %mul3A_2, %mul3A_346 : i32
    %add3A_348 = arith.constant 320000 : i32
    %add3A_349 = arith.addi %add3A_348, %add3A_347 : i32
    %rem3A_350 = arith.constant 126 : i32
    %rem3A_351 = arith.constant 4 : i32
    %rem3A_352 = arith.remsi %rem3A_350, %rem3A_351 : i32
    %mul3A_353 = arith.constant 80 : i32
    %mul3A_354 = arith.muli %rem3A_352, %mul3A_353 : i32
    %dma_wait3A_355 = tpu.memref_slice %arg9[%mul3A_354] : memref<320xi32, #tpu.memory_space<vmem>> -> memref<80xi32, #tpu.memory_space<vmem>>
    %dma_wait3A_356 = tpu.memref_slice %arg3[%add3A_349] : memref<640000xi32, #tpu.memory_space<hbm>> -> memref<80xi32, #tpu.memory_space<hbm>>
    %dma_wait3A_357 = tpu.memref_slice %arg9[%mul3A_354] : memref<320xi32, #tpu.memory_space<vmem>> -> memref<80xi32, #tpu.memory_space<vmem>>
    %dma_wait3A_358 = tpu.memref_slice %arg3[%add3A_349] : memref<640000xi32, #tpu.memory_space<hbm>> -> memref<80xi32, #tpu.memory_space<hbm>>
    tpu.wait_dma2 semaphore(%arg12 : memref<!tpu.dma_semaphore, #tpu.memory_space<semaphore_mem>>) src(%dma_wait3A_358 : memref<80xi32, #tpu.memory_space<hbm>>) dst(%dma_wait3A_357 : memref<80xi32, #tpu.memory_space<vmem>>)
    %min3A_359 = arith.constant 126 : i32
    %min3A_360 = arith.constant 124 : i32
    %min3A_361 = arith.minsi %min3A_359, %min3A_360 : i32
    %mul3A_362 = arith.constant 80 : i32
    %mul3A_363 = arith.muli %min3A_361, %mul3A_362 : i32
    %add3A_364 = arith.addi %mul3A_2, %mul3A_363 : i32
    %rem3A_365 = arith.constant 126 : i32
    %rem3A_366 = arith.constant 4 : i32
    %rem3A_367 = arith.remsi %rem3A_365, %rem3A_366 : i32
    %mul3A_368 = arith.constant 80 : i32
    %mul3A_369 = arith.muli %rem3A_367, %mul3A_368 : i32
    %dma_wait3A_370 = tpu.memref_slice %arg10[%mul3A_369] : memref<320xf32, #tpu.memory_space<vmem>> -> memref<80xf32, #tpu.memory_space<vmem>>
    %dma_wait3A_371 = tpu.memref_slice %arg4[%add3A_364] : memref<320000xf32, #tpu.memory_space<hbm>> -> memref<80xf32, #tpu.memory_space<hbm>>
    %dma_wait3A_372 = tpu.memref_slice %arg10[%mul3A_369] : memref<320xf32, #tpu.memory_space<vmem>> -> memref<80xf32, #tpu.memory_space<vmem>>
    %dma_wait3A_373 = tpu.memref_slice %arg4[%add3A_364] : memref<320000xf32, #tpu.memory_space<hbm>> -> memref<80xf32, #tpu.memory_space<hbm>>
    tpu.wait_dma2 semaphore(%arg12 : memref<!tpu.dma_semaphore, #tpu.memory_space<semaphore_mem>>) src(%dma_wait3A_373 : memref<80xf32, #tpu.memory_space<hbm>>) dst(%dma_wait3A_372 : memref<80xf32, #tpu.memory_space<vmem>>)
    %barrier3A_374 = arith.constant 0 : index
    tpu.barrier barrier_id(%barrier3A_374)
    %mul3A_375 = arith.constant 640 : i32
    %mul3A_376 = arith.muli %arg1, %mul3A_375 : i32
    %add3A_377 = arith.constant 0 : i32
    %add3A_378 = arith.addi %mul3A_376, %add3A_377 : i32
    "tpu.region"() ({
      %run_scoped3A = tpu.sem_alloc : memref<!tpu.dma_semaphore, #tpu.memory_space<semaphore_mem>>
      %dma_start3A_407 = arith.constant 0 : i32
      %dma_start3A_408 = arith.constant 0 : i32
      %dma_start3A_409 = tpu.memref_slice %arg7[%dma_start3A_407, %dma_start3A_408] : memref<240x128xf32, #tpu.memory_space<vmem>> -> memref<160x128xf32, #tpu.memory_space<vmem>>
      %dma_start3A_410 = arith.constant 0 : i32
      %dma_start3A_411 = tpu.memref_slice %arg6[%add3A_378, %dma_start3A_410] : memref<10240x128xf32, #tpu.memory_space<vmem_shared>> -> memref<160x128xf32, #tpu.memory_space<vmem_shared>>
      %dma_start3A_412 = arith.constant 0 : i32
      %dma_start3A_413 = arith.constant 0 : i32
      %dma_start3A_414 = tpu.memref_slice %arg7[%dma_start3A_412, %dma_start3A_413] : memref<240x128xf32, #tpu.memory_space<vmem>> -> memref<160x128xf32, #tpu.memory_space<vmem>>
      %dma_start3A_415 = arith.constant 0 : i32
      %dma_start3A_416 = tpu.memref_slice %arg6[%add3A_378, %dma_start3A_415] : memref<10240x128xf32, #tpu.memory_space<vmem_shared>> -> memref<160x128xf32, #tpu.memory_space<vmem_shared>>
      tpu.enqueue_dma source(%dma_start3A_416 : memref<160x128xf32, #tpu.memory_space<vmem_shared>>) target(%dma_start3A_414 : memref<160x128xf32, #tpu.memory_space<vmem>>) target_semaphore(%run_scoped3A : memref<!tpu.dma_semaphore, #tpu.memory_space<semaphore_mem>>)
      %dma_wait3A_417 = arith.constant 0 : i32
      %dma_wait3A_418 = arith.constant 0 : i32
      %dma_wait3A_419 = tpu.memref_slice %arg7[%dma_wait3A_417, %dma_wait3A_418] : memref<240x128xf32, #tpu.memory_space<vmem>> -> memref<160x128xf32, #tpu.memory_space<vmem>>
      %dma_wait3A_420 = arith.constant 0 : i32
      %dma_wait3A_421 = tpu.memref_slice %arg6[%add3A_378, %dma_wait3A_420] : memref<10240x128xf32, #tpu.memory_space<vmem_shared>> -> memref<160x128xf32, #tpu.memory_space<vmem_shared>>
      %dma_wait3A_422 = arith.constant 0 : i32
      %dma_wait3A_423 = arith.constant 0 : i32
      %dma_wait3A_424 = tpu.memref_slice %arg7[%dma_wait3A_422, %dma_wait3A_423] : memref<240x128xf32, #tpu.memory_space<vmem>> -> memref<160x128xf32, #tpu.memory_space<vmem>>
      %dma_wait3A_425 = arith.constant 0 : i32
      %dma_wait3A_426 = tpu.memref_slice %arg6[%add3A_378, %dma_wait3A_425] : memref<10240x128xf32, #tpu.memory_space<vmem_shared>> -> memref<160x128xf32, #tpu.memory_space<vmem_shared>>
      tpu.wait_dma2 semaphore(%run_scoped3A : memref<!tpu.dma_semaphore, #tpu.memory_space<semaphore_mem>>) src(%dma_wait3A_426 : memref<160x128xf32, #tpu.memory_space<vmem_shared>>) dst(%dma_wait3A_424 : memref<160x128xf32, #tpu.memory_space<vmem>>)
      tpu.yield
    }) : () -> ()
    %mul3A_379 = arith.constant 640 : i32
    %mul3A_380 = arith.muli %arg1, %mul3A_379 : i32
    %add3A_381 = arith.constant 0 : i32
    %add3A_382 = arith.addi %mul3A_380, %add3A_381 : i32
    "tpu.region"() ({
      %run_scoped3A = tpu.sem_alloc : memref<!tpu.dma_semaphore, #tpu.memory_space<semaphore_mem>>
      %dma_start3A_407 = arith.constant 0 : i32
      %dma_start3A_408 = arith.constant 0 : i32
      %dma_start3A_409 = tpu.memref_slice %arg7[%dma_start3A_407, %dma_start3A_408] : memref<240x128xf32, #tpu.memory_space<vmem>> -> memref<160x128xf32, #tpu.memory_space<vmem>>
      %dma_start3A_410 = arith.constant 0 : i32
      %dma_start3A_411 = tpu.memref_slice %arg5[%arg0, %add3A_382, %dma_start3A_410] : memref<2x10240x128xf32, #tpu.memory_space<hbm>> -> memref<1x160x128xf32, #tpu.memory_space<hbm>>
      %dma_start3A_412 = tpu.memref_squeeze %dma_start3A_411 : memref<1x160x128xf32, #tpu.memory_space<hbm>> -> memref<160x128xf32, #tpu.memory_space<hbm>>
      %dma_start3A_413 = arith.constant 0 : i32
      %dma_start3A_414 = tpu.memref_slice %arg5[%arg0, %add3A_382, %dma_start3A_413] : memref<2x10240x128xf32, #tpu.memory_space<hbm>> -> memref<1x160x128xf32, #tpu.memory_space<hbm>>
      %dma_start3A_415 = tpu.memref_squeeze %dma_start3A_414 : memref<1x160x128xf32, #tpu.memory_space<hbm>> -> memref<160x128xf32, #tpu.memory_space<hbm>>
      %dma_start3A_416 = arith.constant 0 : i32
      %dma_start3A_417 = arith.constant 0 : i32
      %dma_start3A_418 = tpu.memref_slice %arg7[%dma_start3A_416, %dma_start3A_417] : memref<240x128xf32, #tpu.memory_space<vmem>> -> memref<160x128xf32, #tpu.memory_space<vmem>>
      tpu.enqueue_dma source(%dma_start3A_418 : memref<160x128xf32, #tpu.memory_space<vmem>>) target(%dma_start3A_415 : memref<160x128xf32, #tpu.memory_space<hbm>>) target_semaphore(%run_scoped3A : memref<!tpu.dma_semaphore, #tpu.memory_space<semaphore_mem>>)
      %dma_wait3A_419 = arith.constant 0 : i32
      %dma_wait3A_420 = arith.constant 0 : i32
      %dma_wait3A_421 = tpu.memref_slice %arg7[%dma_wait3A_419, %dma_wait3A_420] : memref<240x128xf32, #tpu.memory_space<vmem>> -> memref<160x128xf32, #tpu.memory_space<vmem>>
      %dma_wait3A_422 = arith.constant 0 : i32
      %dma_wait3A_423 = tpu.memref_slice %arg5[%arg0, %add3A_382, %dma_wait3A_422] : memref<2x10240x128xf32, #tpu.memory_space<hbm>> -> memref<1x160x128xf32, #tpu.memory_space<hbm>>
      %dma_wait3A_424 = tpu.memref_squeeze %dma_wait3A_423 : memref<1x160x128xf32, #tpu.memory_space<hbm>> -> memref<160x128xf32, #tpu.memory_space<hbm>>
      %dma_wait3A_425 = arith.constant 0 : i32
      %dma_wait3A_426 = tpu.memref_slice %arg5[%arg0, %add3A_382, %dma_wait3A_425] : memref<2x10240x128xf32, #tpu.memory_space<hbm>> -> memref<1x160x128xf32, #tpu.memory_space<hbm>>
      %dma_wait3A_427 = tpu.memref_squeeze %dma_wait3A_426 : memref<1x160x128xf32, #tpu.memory_space<hbm>> -> memref<160x128xf32, #tpu.memory_space<hbm>>
      %dma_wait3A_428 = arith.constant 0 : i32
      %dma_wait3A_429 = arith.constant 0 : i32
      %dma_wait3A_430 = tpu.memref_slice %arg7[%dma_wait3A_428, %dma_wait3A_429] : memref<240x128xf32, #tpu.memory_space<vmem>> -> memref<160x128xf32, #tpu.memory_space<vmem>>
      tpu.wait_dma2 semaphore(%run_scoped3A : memref<!tpu.dma_semaphore, #tpu.memory_space<semaphore_mem>>) src(%dma_wait3A_430 : memref<160x128xf32, #tpu.memory_space<vmem>>) dst(%dma_wait3A_427 : memref<160x128xf32, #tpu.memory_space<hbm>>)
      tpu.yield
    }) : () -> ()
    %mul3A_383 = arith.constant 640 : i32
    %mul3A_384 = arith.muli %arg1, %mul3A_383 : i32
    %add3A_385 = arith.constant 160 : i32
    %add3A_386 = arith.addi %mul3A_384, %add3A_385 : i32
    "tpu.region"() ({
      %run_scoped3A = tpu.sem_alloc : memref<!tpu.dma_semaphore, #tpu.memory_space<semaphore_mem>>
      %dma_start3A_407 = arith.constant 0 : i32
      %dma_start3A_408 = arith.constant 0 : i32
      %dma_start3A_409 = tpu.memref_slice %arg7[%dma_start3A_407, %dma_start3A_408] : memref<240x128xf32, #tpu.memory_space<vmem>> -> memref<160x128xf32, #tpu.memory_space<vmem>>
      %dma_start3A_410 = arith.constant 0 : i32
      %dma_start3A_411 = tpu.memref_slice %arg6[%add3A_386, %dma_start3A_410] : memref<10240x128xf32, #tpu.memory_space<vmem_shared>> -> memref<160x128xf32, #tpu.memory_space<vmem_shared>>
      %dma_start3A_412 = arith.constant 0 : i32
      %dma_start3A_413 = arith.constant 0 : i32
      %dma_start3A_414 = tpu.memref_slice %arg7[%dma_start3A_412, %dma_start3A_413] : memref<240x128xf32, #tpu.memory_space<vmem>> -> memref<160x128xf32, #tpu.memory_space<vmem>>
      %dma_start3A_415 = arith.constant 0 : i32
      %dma_start3A_416 = tpu.memref_slice %arg6[%add3A_386, %dma_start3A_415] : memref<10240x128xf32, #tpu.memory_space<vmem_shared>> -> memref<160x128xf32, #tpu.memory_space<vmem_shared>>
      tpu.enqueue_dma source(%dma_start3A_416 : memref<160x128xf32, #tpu.memory_space<vmem_shared>>) target(%dma_start3A_414 : memref<160x128xf32, #tpu.memory_space<vmem>>) target_semaphore(%run_scoped3A : memref<!tpu.dma_semaphore, #tpu.memory_space<semaphore_mem>>)
      %dma_wait3A_417 = arith.constant 0 : i32
      %dma_wait3A_418 = arith.constant 0 : i32
      %dma_wait3A_419 = tpu.memref_slice %arg7[%dma_wait3A_417, %dma_wait3A_418] : memref<240x128xf32, #tpu.memory_space<vmem>> -> memref<160x128xf32, #tpu.memory_space<vmem>>
      %dma_wait3A_420 = arith.constant 0 : i32
      %dma_wait3A_421 = tpu.memref_slice %arg6[%add3A_386, %dma_wait3A_420] : memref<10240x128xf32, #tpu.memory_space<vmem_shared>> -> memref<160x128xf32, #tpu.memory_space<vmem_shared>>
      %dma_wait3A_422 = arith.constant 0 : i32
      %dma_wait3A_423 = arith.constant 0 : i32
      %dma_wait3A_424 = tpu.memref_slice %arg7[%dma_wait3A_422, %dma_wait3A_423] : memref<240x128xf32, #tpu.memory_space<vmem>> -> memref<160x128xf32, #tpu.memory_space<vmem>>
      %dma_wait3A_425 = arith.constant 0 : i32
      %dma_wait3A_426 = tpu.memref_slice %arg6[%add3A_386, %dma_wait3A_425] : memref<10240x128xf32, #tpu.memory_space<vmem_shared>> -> memref<160x128xf32, #tpu.memory_space<vmem_shared>>
      tpu.wait_dma2 semaphore(%run_scoped3A : memref<!tpu.dma_semaphore, #tpu.memory_space<semaphore_mem>>) src(%dma_wait3A_426 : memref<160x128xf32, #tpu.memory_space<vmem_shared>>) dst(%dma_wait3A_424 : memref<160x128xf32, #tpu.memory_space<vmem>>)
      tpu.yield
    }) : () -> ()
    %mul3A_387 = arith.constant 640 : i32
    %mul3A_388 = arith.muli %arg1, %mul3A_387 : i32
    %add3A_389 = arith.constant 160 : i32
    %add3A_390 = arith.addi %mul3A_388, %add3A_389 : i32
    "tpu.region"() ({
      %run_scoped3A = tpu.sem_alloc : memref<!tpu.dma_semaphore, #tpu.memory_space<semaphore_mem>>
      %dma_start3A_407 = arith.constant 0 : i32
      %dma_start3A_408 = arith.constant 0 : i32
      %dma_start3A_409 = tpu.memref_slice %arg7[%dma_start3A_407, %dma_start3A_408] : memref<240x128xf32, #tpu.memory_space<vmem>> -> memref<160x128xf32, #tpu.memory_space<vmem>>
      %dma_start3A_410 = arith.constant 0 : i32
      %dma_start3A_411 = tpu.memref_slice %arg5[%arg0, %add3A_390, %dma_start3A_410] : memref<2x10240x128xf32, #tpu.memory_space<hbm>> -> memref<1x160x128xf32, #tpu.memory_space<hbm>>
      %dma_start3A_412 = tpu.memref_squeeze %dma_start3A_411 : memref<1x160x128xf32, #tpu.memory_space<hbm>> -> memref<160x128xf32, #tpu.memory_space<hbm>>
      %dma_start3A_413 = arith.constant 0 : i32
      %dma_start3A_414 = tpu.memref_slice %arg5[%arg0, %add3A_390, %dma_start3A_413] : memref<2x10240x128xf32, #tpu.memory_space<hbm>> -> memref<1x160x128xf32, #tpu.memory_space<hbm>>
      %dma_start3A_415 = tpu.memref_squeeze %dma_start3A_414 : memref<1x160x128xf32, #tpu.memory_space<hbm>> -> memref<160x128xf32, #tpu.memory_space<hbm>>
      %dma_start3A_416 = arith.constant 0 : i32
      %dma_start3A_417 = arith.constant 0 : i32
      %dma_start3A_418 = tpu.memref_slice %arg7[%dma_start3A_416, %dma_start3A_417] : memref<240x128xf32, #tpu.memory_space<vmem>> -> memref<160x128xf32, #tpu.memory_space<vmem>>
      tpu.enqueue_dma source(%dma_start3A_418 : memref<160x128xf32, #tpu.memory_space<vmem>>) target(%dma_start3A_415 : memref<160x128xf32, #tpu.memory_space<hbm>>) target_semaphore(%run_scoped3A : memref<!tpu.dma_semaphore, #tpu.memory_space<semaphore_mem>>)
      %dma_wait3A_419 = arith.constant 0 : i32
      %dma_wait3A_420 = arith.constant 0 : i32
      %dma_wait3A_421 = tpu.memref_slice %arg7[%dma_wait3A_419, %dma_wait3A_420] : memref<240x128xf32, #tpu.memory_space<vmem>> -> memref<160x128xf32, #tpu.memory_space<vmem>>
      %dma_wait3A_422 = arith.constant 0 : i32
      %dma_wait3A_423 = tpu.memref_slice %arg5[%arg0, %add3A_390, %dma_wait3A_422] : memref<2x10240x128xf32, #tpu.memory_space<hbm>> -> memref<1x160x128xf32, #tpu.memory_space<hbm>>
      %dma_wait3A_424 = tpu.memref_squeeze %dma_wait3A_423 : memref<1x160x128xf32, #tpu.memory_space<hbm>> -> memref<160x128xf32, #tpu.memory_space<hbm>>
      %dma_wait3A_425 = arith.constant 0 : i32
      %dma_wait3A_426 = tpu.memref_slice %arg5[%arg0, %add3A_390, %dma_wait3A_425] : memref<2x10240x128xf32, #tpu.memory_space<hbm>> -> memref<1x160x128xf32, #tpu.memory_space<hbm>>
      %dma_wait3A_427 = tpu.memref_squeeze %dma_wait3A_426 : memref<1x160x128xf32, #tpu.memory_space<hbm>> -> memref<160x128xf32, #tpu.memory_space<hbm>>
      %dma_wait3A_428 = arith.constant 0 : i32
      %dma_wait3A_429 = arith.constant 0 : i32
      %dma_wait3A_430 = tpu.memref_slice %arg7[%dma_wait3A_428, %dma_wait3A_429] : memref<240x128xf32, #tpu.memory_space<vmem>> -> memref<160x128xf32, #tpu.memory_space<vmem>>
      tpu.wait_dma2 semaphore(%run_scoped3A : memref<!tpu.dma_semaphore, #tpu.memory_space<semaphore_mem>>) src(%dma_wait3A_430 : memref<160x128xf32, #tpu.memory_space<vmem>>) dst(%dma_wait3A_427 : memref<160x128xf32, #tpu.memory_space<hbm>>)
      tpu.yield
    }) : () -> ()
    %mul3A_391 = arith.constant 640 : i32
    %mul3A_392 = arith.muli %arg1, %mul3A_391 : i32
    %add3A_393 = arith.constant 320 : i32
    %add3A_394 = arith.addi %mul3A_392, %add3A_393 : i32
    "tpu.region"() ({
      %run_scoped3A = tpu.sem_alloc : memref<!tpu.dma_semaphore, #tpu.memory_space<semaphore_mem>>
      %dma_start3A_407 = arith.constant 0 : i32
      %dma_start3A_408 = arith.constant 0 : i32
      %dma_start3A_409 = tpu.memref_slice %arg7[%dma_start3A_407, %dma_start3A_408] : memref<240x128xf32, #tpu.memory_space<vmem>> -> memref<160x128xf32, #tpu.memory_space<vmem>>
      %dma_start3A_410 = arith.constant 0 : i32
      %dma_start3A_411 = tpu.memref_slice %arg6[%add3A_394, %dma_start3A_410] : memref<10240x128xf32, #tpu.memory_space<vmem_shared>> -> memref<160x128xf32, #tpu.memory_space<vmem_shared>>
      %dma_start3A_412 = arith.constant 0 : i32
      %dma_start3A_413 = arith.constant 0 : i32
      %dma_start3A_414 = tpu.memref_slice %arg7[%dma_start3A_412, %dma_start3A_413] : memref<240x128xf32, #tpu.memory_space<vmem>> -> memref<160x128xf32, #tpu.memory_space<vmem>>
      %dma_start3A_415 = arith.constant 0 : i32
      %dma_start3A_416 = tpu.memref_slice %arg6[%add3A_394, %dma_start3A_415] : memref<10240x128xf32, #tpu.memory_space<vmem_shared>> -> memref<160x128xf32, #tpu.memory_space<vmem_shared>>
      tpu.enqueue_dma source(%dma_start3A_416 : memref<160x128xf32, #tpu.memory_space<vmem_shared>>) target(%dma_start3A_414 : memref<160x128xf32, #tpu.memory_space<vmem>>) target_semaphore(%run_scoped3A : memref<!tpu.dma_semaphore, #tpu.memory_space<semaphore_mem>>)
      %dma_wait3A_417 = arith.constant 0 : i32
      %dma_wait3A_418 = arith.constant 0 : i32
      %dma_wait3A_419 = tpu.memref_slice %arg7[%dma_wait3A_417, %dma_wait3A_418] : memref<240x128xf32, #tpu.memory_space<vmem>> -> memref<160x128xf32, #tpu.memory_space<vmem>>
      %dma_wait3A_420 = arith.constant 0 : i32
      %dma_wait3A_421 = tpu.memref_slice %arg6[%add3A_394, %dma_wait3A_420] : memref<10240x128xf32, #tpu.memory_space<vmem_shared>> -> memref<160x128xf32, #tpu.memory_space<vmem_shared>>
      %dma_wait3A_422 = arith.constant 0 : i32
      %dma_wait3A_423 = arith.constant 0 : i32
      %dma_wait3A_424 = tpu.memref_slice %arg7[%dma_wait3A_422, %dma_wait3A_423] : memref<240x128xf32, #tpu.memory_space<vmem>> -> memref<160x128xf32, #tpu.memory_space<vmem>>
      %dma_wait3A_425 = arith.constant 0 : i32
      %dma_wait3A_426 = tpu.memref_slice %arg6[%add3A_394, %dma_wait3A_425] : memref<10240x128xf32, #tpu.memory_space<vmem_shared>> -> memref<160x128xf32, #tpu.memory_space<vmem_shared>>
      tpu.wait_dma2 semaphore(%run_scoped3A : memref<!tpu.dma_semaphore, #tpu.memory_space<semaphore_mem>>) src(%dma_wait3A_426 : memref<160x128xf32, #tpu.memory_space<vmem_shared>>) dst(%dma_wait3A_424 : memref<160x128xf32, #tpu.memory_space<vmem>>)
      tpu.yield
    }) : () -> ()
    %mul3A_395 = arith.constant 640 : i32
    %mul3A_396 = arith.muli %arg1, %mul3A_395 : i32
    %add3A_397 = arith.constant 320 : i32
    %add3A_398 = arith.addi %mul3A_396, %add3A_397 : i32
    "tpu.region"() ({
      %run_scoped3A = tpu.sem_alloc : memref<!tpu.dma_semaphore, #tpu.memory_space<semaphore_mem>>
      %dma_start3A_407 = arith.constant 0 : i32
      %dma_start3A_408 = arith.constant 0 : i32
      %dma_start3A_409 = tpu.memref_slice %arg7[%dma_start3A_407, %dma_start3A_408] : memref<240x128xf32, #tpu.memory_space<vmem>> -> memref<160x128xf32, #tpu.memory_space<vmem>>
      %dma_start3A_410 = arith.constant 0 : i32
      %dma_start3A_411 = tpu.memref_slice %arg5[%arg0, %add3A_398, %dma_start3A_410] : memref<2x10240x128xf32, #tpu.memory_space<hbm>> -> memref<1x160x128xf32, #tpu.memory_space<hbm>>
      %dma_start3A_412 = tpu.memref_squeeze %dma_start3A_411 : memref<1x160x128xf32, #tpu.memory_space<hbm>> -> memref<160x128xf32, #tpu.memory_space<hbm>>
      %dma_start3A_413 = arith.constant 0 : i32
      %dma_start3A_414 = tpu.memref_slice %arg5[%arg0, %add3A_398, %dma_start3A_413] : memref<2x10240x128xf32, #tpu.memory_space<hbm>> -> memref<1x160x128xf32, #tpu.memory_space<hbm>>
      %dma_start3A_415 = tpu.memref_squeeze %dma_start3A_414 : memref<1x160x128xf32, #tpu.memory_space<hbm>> -> memref<160x128xf32, #tpu.memory_space<hbm>>
      %dma_start3A_416 = arith.constant 0 : i32
      %dma_start3A_417 = arith.constant 0 : i32
      %dma_start3A_418 = tpu.memref_slice %arg7[%dma_start3A_416, %dma_start3A_417] : memref<240x128xf32, #tpu.memory_space<vmem>> -> memref<160x128xf32, #tpu.memory_space<vmem>>
      tpu.enqueue_dma source(%dma_start3A_418 : memref<160x128xf32, #tpu.memory_space<vmem>>) target(%dma_start3A_415 : memref<160x128xf32, #tpu.memory_space<hbm>>) target_semaphore(%run_scoped3A : memref<!tpu.dma_semaphore, #tpu.memory_space<semaphore_mem>>)
      %dma_wait3A_419 = arith.constant 0 : i32
      %dma_wait3A_420 = arith.constant 0 : i32
      %dma_wait3A_421 = tpu.memref_slice %arg7[%dma_wait3A_419, %dma_wait3A_420] : memref<240x128xf32, #tpu.memory_space<vmem>> -> memref<160x128xf32, #tpu.memory_space<vmem>>
      %dma_wait3A_422 = arith.constant 0 : i32
      %dma_wait3A_423 = tpu.memref_slice %arg5[%arg0, %add3A_398, %dma_wait3A_422] : memref<2x10240x128xf32, #tpu.memory_space<hbm>> -> memref<1x160x128xf32, #tpu.memory_space<hbm>>
      %dma_wait3A_424 = tpu.memref_squeeze %dma_wait3A_423 : memref<1x160x128xf32, #tpu.memory_space<hbm>> -> memref<160x128xf32, #tpu.memory_space<hbm>>
      %dma_wait3A_425 = arith.constant 0 : i32
      %dma_wait3A_426 = tpu.memref_slice %arg5[%arg0, %add3A_398, %dma_wait3A_425] : memref<2x10240x128xf32, #tpu.memory_space<hbm>> -> memref<1x160x128xf32, #tpu.memory_space<hbm>>
      %dma_wait3A_427 = tpu.memref_squeeze %dma_wait3A_426 : memref<1x160x128xf32, #tpu.memory_space<hbm>> -> memref<160x128xf32, #tpu.memory_space<hbm>>
      %dma_wait3A_428 = arith.constant 0 : i32
      %dma_wait3A_429 = arith.constant 0 : i32
      %dma_wait3A_430 = tpu.memref_slice %arg7[%dma_wait3A_428, %dma_wait3A_429] : memref<240x128xf32, #tpu.memory_space<vmem>> -> memref<160x128xf32, #tpu.memory_space<vmem>>
      tpu.wait_dma2 semaphore(%run_scoped3A : memref<!tpu.dma_semaphore, #tpu.memory_space<semaphore_mem>>) src(%dma_wait3A_430 : memref<160x128xf32, #tpu.memory_space<vmem>>) dst(%dma_wait3A_427 : memref<160x128xf32, #tpu.memory_space<hbm>>)
      tpu.yield
    }) : () -> ()
    %mul3A_399 = arith.constant 640 : i32
    %mul3A_400 = arith.muli %arg1, %mul3A_399 : i32
    %add3A_401 = arith.constant 480 : i32
    %add3A_402 = arith.addi %mul3A_400, %add3A_401 : i32
    "tpu.region"() ({
      %run_scoped3A = tpu.sem_alloc : memref<!tpu.dma_semaphore, #tpu.memory_space<semaphore_mem>>
      %dma_start3A_407 = arith.constant 0 : i32
      %dma_start3A_408 = arith.constant 0 : i32
      %dma_start3A_409 = tpu.memref_slice %arg7[%dma_start3A_407, %dma_start3A_408] : memref<240x128xf32, #tpu.memory_space<vmem>> -> memref<160x128xf32, #tpu.memory_space<vmem>>
      %dma_start3A_410 = arith.constant 0 : i32
      %dma_start3A_411 = tpu.memref_slice %arg6[%add3A_402, %dma_start3A_410] : memref<10240x128xf32, #tpu.memory_space<vmem_shared>> -> memref<160x128xf32, #tpu.memory_space<vmem_shared>>
      %dma_start3A_412 = arith.constant 0 : i32
      %dma_start3A_413 = arith.constant 0 : i32
      %dma_start3A_414 = tpu.memref_slice %arg7[%dma_start3A_412, %dma_start3A_413] : memref<240x128xf32, #tpu.memory_space<vmem>> -> memref<160x128xf32, #tpu.memory_space<vmem>>
      %dma_start3A_415 = arith.constant 0 : i32
      %dma_start3A_416 = tpu.memref_slice %arg6[%add3A_402, %dma_start3A_415] : memref<10240x128xf32, #tpu.memory_space<vmem_shared>> -> memref<160x128xf32, #tpu.memory_space<vmem_shared>>
      tpu.enqueue_dma source(%dma_start3A_416 : memref<160x128xf32, #tpu.memory_space<vmem_shared>>) target(%dma_start3A_414 : memref<160x128xf32, #tpu.memory_space<vmem>>) target_semaphore(%run_scoped3A : memref<!tpu.dma_semaphore, #tpu.memory_space<semaphore_mem>>)
      %dma_wait3A_417 = arith.constant 0 : i32
      %dma_wait3A_418 = arith.constant 0 : i32
      %dma_wait3A_419 = tpu.memref_slice %arg7[%dma_wait3A_417, %dma_wait3A_418] : memref<240x128xf32, #tpu.memory_space<vmem>> -> memref<160x128xf32, #tpu.memory_space<vmem>>
      %dma_wait3A_420 = arith.constant 0 : i32
      %dma_wait3A_421 = tpu.memref_slice %arg6[%add3A_402, %dma_wait3A_420] : memref<10240x128xf32, #tpu.memory_space<vmem_shared>> -> memref<160x128xf32, #tpu.memory_space<vmem_shared>>
      %dma_wait3A_422 = arith.constant 0 : i32
      %dma_wait3A_423 = arith.constant 0 : i32
      %dma_wait3A_424 = tpu.memref_slice %arg7[%dma_wait3A_422, %dma_wait3A_423] : memref<240x128xf32, #tpu.memory_space<vmem>> -> memref<160x128xf32, #tpu.memory_space<vmem>>
      %dma_wait3A_425 = arith.constant 0 : i32
      %dma_wait3A_426 = tpu.memref_slice %arg6[%add3A_402, %dma_wait3A_425] : memref<10240x128xf32, #tpu.memory_space<vmem_shared>> -> memref<160x128xf32, #tpu.memory_space<vmem_shared>>
      tpu.wait_dma2 semaphore(%run_scoped3A : memref<!tpu.dma_semaphore, #tpu.memory_space<semaphore_mem>>) src(%dma_wait3A_426 : memref<160x128xf32, #tpu.memory_space<vmem_shared>>) dst(%dma_wait3A_424 : memref<160x128xf32, #tpu.memory_space<vmem>>)
      tpu.yield
    }) : () -> ()
    %mul3A_403 = arith.constant 640 : i32
    %mul3A_404 = arith.muli %arg1, %mul3A_403 : i32
    %add3A_405 = arith.constant 480 : i32
    %add3A_406 = arith.addi %mul3A_404, %add3A_405 : i32
    "tpu.region"() ({
      %run_scoped3A = tpu.sem_alloc : memref<!tpu.dma_semaphore, #tpu.memory_space<semaphore_mem>>
      %dma_start3A_407 = arith.constant 0 : i32
      %dma_start3A_408 = arith.constant 0 : i32
      %dma_start3A_409 = tpu.memref_slice %arg7[%dma_start3A_407, %dma_start3A_408] : memref<240x128xf32, #tpu.memory_space<vmem>> -> memref<160x128xf32, #tpu.memory_space<vmem>>
      %dma_start3A_410 = arith.constant 0 : i32
      %dma_start3A_411 = tpu.memref_slice %arg5[%arg0, %add3A_406, %dma_start3A_410] : memref<2x10240x128xf32, #tpu.memory_space<hbm>> -> memref<1x160x128xf32, #tpu.memory_space<hbm>>
      %dma_start3A_412 = tpu.memref_squeeze %dma_start3A_411 : memref<1x160x128xf32, #tpu.memory_space<hbm>> -> memref<160x128xf32, #tpu.memory_space<hbm>>
      %dma_start3A_413 = arith.constant 0 : i32
      %dma_start3A_414 = tpu.memref_slice %arg5[%arg0, %add3A_406, %dma_start3A_413] : memref<2x10240x128xf32, #tpu.memory_space<hbm>> -> memref<1x160x128xf32, #tpu.memory_space<hbm>>
      %dma_start3A_415 = tpu.memref_squeeze %dma_start3A_414 : memref<1x160x128xf32, #tpu.memory_space<hbm>> -> memref<160x128xf32, #tpu.memory_space<hbm>>
      %dma_start3A_416 = arith.constant 0 : i32
      %dma_start3A_417 = arith.constant 0 : i32
      %dma_start3A_418 = tpu.memref_slice %arg7[%dma_start3A_416, %dma_start3A_417] : memref<240x128xf32, #tpu.memory_space<vmem>> -> memref<160x128xf32, #tpu.memory_space<vmem>>
      tpu.enqueue_dma source(%dma_start3A_418 : memref<160x128xf32, #tpu.memory_space<vmem>>) target(%dma_start3A_415 : memref<160x128xf32, #tpu.memory_space<hbm>>) target_semaphore(%run_scoped3A : memref<!tpu.dma_semaphore, #tpu.memory_space<semaphore_mem>>)
      %dma_wait3A_419 = arith.constant 0 : i32
      %dma_wait3A_420 = arith.constant 0 : i32
      %dma_wait3A_421 = tpu.memref_slice %arg7[%dma_wait3A_419, %dma_wait3A_420] : memref<240x128xf32, #tpu.memory_space<vmem>> -> memref<160x128xf32, #tpu.memory_space<vmem>>
      %dma_wait3A_422 = arith.constant 0 : i32
      %dma_wait3A_423 = tpu.memref_slice %arg5[%arg0, %add3A_406, %dma_wait3A_422] : memref<2x10240x128xf32, #tpu.memory_space<hbm>> -> memref<1x160x128xf32, #tpu.memory_space<hbm>>
      %dma_wait3A_424 = tpu.memref_squeeze %dma_wait3A_423 : memref<1x160x128xf32, #tpu.memory_space<hbm>> -> memref<160x128xf32, #tpu.memory_space<hbm>>
      %dma_wait3A_425 = arith.constant 0 : i32
      %dma_wait3A_426 = tpu.memref_slice %arg5[%arg0, %add3A_406, %dma_wait3A_425] : memref<2x10240x128xf32, #tpu.memory_space<hbm>> -> memref<1x160x128xf32, #tpu.memory_space<hbm>>
      %dma_wait3A_427 = tpu.memref_squeeze %dma_wait3A_426 : memref<1x160x128xf32, #tpu.memory_space<hbm>> -> memref<160x128xf32, #tpu.memory_space<hbm>>
      %dma_wait3A_428 = arith.constant 0 : i32
      %dma_wait3A_429 = arith.constant 0 : i32
      %dma_wait3A_430 = tpu.memref_slice %arg7[%dma_wait3A_428, %dma_wait3A_429] : memref<240x128xf32, #tpu.memory_space<vmem>> -> memref<160x128xf32, #tpu.memory_space<vmem>>
      tpu.wait_dma2 semaphore(%run_scoped3A : memref<!tpu.dma_semaphore, #tpu.memory_space<semaphore_mem>>) src(%dma_wait3A_430 : memref<160x128xf32, #tpu.memory_space<vmem>>) dst(%dma_wait3A_427 : memref<160x128xf32, #tpu.memory_space<hbm>>)
      tpu.yield
    }) : () -> ()
    return
  }
}

#map = affine_map<(d0, d1) -> (0)>
module attributes {stable_mosaic.version = 14 : i64} {
  func.func @k(%arg0: i32, %arg1: i32, %arg2: memref<640000xi32, #tpu.memory_space<hbm>>, %arg3: memref<20480xf32, #tpu.memory_space<hbm>>, %arg4: memref<20480xf32, #tpu.memory_space<hbm>>, %arg5: memref<10240xf32, #tpu.memory_space<vmem_shared>>, %arg6: memref<10240xf32, #tpu.memory_space<vmem_shared>>, %arg7: memref<80xf32, #tpu.memory_space<vmem>>, %arg8: memref<80xf32, #tpu.memory_space<vmem>>, %arg9: memref<320xi32, #tpu.memory_space<vmem>>, %arg10: memref<320xi32, #tpu.memory_space<vmem>>, %arg11: memref<640xf32, #tpu.memory_space<vmem>>, %arg12: memref<!tpu.dma_semaphore, #tpu.memory_space<semaphore_mem>>, %arg13: memref<!tpu.dma_semaphore, #tpu.memory_space<semaphore_mem>>) attributes {dimension_semantics = [#tpu.dimension_semantics<core_parallel>, #tpu.dimension_semantics<subcore_parallel>], iteration_bounds = array<i64: 2, 16>, scalar_prefetch = 0 : i64, scratch_operands = 9 : i64, tpu.core_type = #tpu.core_type<sc_vector_subcore>, window_params = [{transform_indices = #map}, {transform_indices = #map}, {transform_indices = #map}]} {
    %mul3A = arith.constant 2 : i32
    %mul3A_0 = arith.muli %arg1, %mul3A : i32
    %add3A = arith.addi %mul3A_0, %arg0 : i32
    %mul3A_1 = arith.constant 10000 : i32
    %mul3A_2 = arith.muli %add3A, %mul3A_1 : i32
    %scan3A = arith.constant 0 : i32
    %scan3A_3 = arith.constant 0 : i32
    %scan3A_4 = arith.constant 5 : i32
    %scan3A_5 = arith.addi %scan3A_3, %scan3A_4 : i32
    %scan3A_6 = arith.constant 1 : i32
    scf.for %scan3A_217 = %scan3A_3 to %scan3A_5 step %scan3A_6  : i32 {
      %broadcast_in_dim3A = arith.constant 1.000000e+00 : f32
      %broadcast_in_dim3A_218 = vector.broadcast %broadcast_in_dim3A : f32 to vector<16xf32>
      %mul3A_219 = arith.constant 16 : i32
      %mul3A_220 = arith.muli %scan3A_217, %mul3A_219 : i32
      %swap3A = arith.index_cast %mul3A_220 : i32 to index
      %swap3A_221 = tpu.vector_load %arg7[%swap3A] {strides = array<i32>} : memref<80xf32, #tpu.memory_space<vmem>>, vector<16xf32>,
      %swap3A_222 = vector.shape_cast %swap3A_221 : vector<16xf32> to vector<16xf32>
      %swap3A_223 = vector.shape_cast %broadcast_in_dim3A_218 : vector<16xf32> to vector<16xf32>
      tpu.vector_store %arg7[%swap3A], %swap3A_223 {strides = array<i32>} : memref<80xf32, #tpu.memory_space<vmem>>, vector<16xf32>,
      %broadcast_in_dim3A_224 = arith.constant 0.000000e+00 : f32
      %broadcast_in_dim3A_225 = vector.broadcast %broadcast_in_dim3A_224 : f32 to vector<16xf32>
      %mul3A_226 = arith.constant 16 : i32
      %mul3A_227 = arith.muli %scan3A_217, %mul3A_226 : i32
      %swap3A_228 = arith.index_cast %mul3A_227 : i32 to index
      %swap3A_229 = tpu.vector_load %arg8[%swap3A_228] {strides = array<i32>} : memref<80xf32, #tpu.memory_space<vmem>>, vector<16xf32>,
      %swap3A_230 = vector.shape_cast %swap3A_229 : vector<16xf32> to vector<16xf32>
      %swap3A_231 = vector.shape_cast %broadcast_in_dim3A_225 : vector<16xf32> to vector<16xf32>
      tpu.vector_store %arg8[%swap3A_228], %swap3A_231 {strides = array<i32>} : memref<80xf32, #tpu.memory_space<vmem>>, vector<16xf32>,
    }
    %scan3A_7 = arith.constant 5 : i32
    %scan3A_8 = arith.constant 0 : i32
    %scan3A_9 = arith.constant 0 : i32
    %scan3A_10 = arith.constant 20 : i32
    %scan3A_11 = arith.addi %scan3A_9, %scan3A_10 : i32
    %scan3A_12 = arith.constant 1 : i32
    scf.for %scan3A_217 = %scan3A_9 to %scan3A_11 step %scan3A_12  : i32 {
      %broadcast_in_dim3A = arith.constant 0 : i32
      %broadcast_in_dim3A_218 = vector.broadcast %broadcast_in_dim3A : i32 to vector<16xi32>
      %mul3A_219 = arith.constant 16 : i32
      %mul3A_220 = arith.muli %scan3A_217, %mul3A_219 : i32
      %swap3A = arith.index_cast %mul3A_220 : i32 to index
      %swap3A_221 = tpu.vector_load %arg9[%swap3A] {strides = array<i32>} : memref<320xi32, #tpu.memory_space<vmem>>, vector<16xi32>,
      %swap3A_222 = vector.shape_cast %swap3A_221 : vector<16xi32> to vector<16xi32>
      %swap3A_223 = vector.shape_cast %broadcast_in_dim3A_218 : vector<16xi32> to vector<16xi32>
      tpu.vector_store %arg9[%swap3A], %swap3A_223 {strides = array<i32>} : memref<320xi32, #tpu.memory_space<vmem>>, vector<16xi32>,
      %broadcast_in_dim3A_224 = arith.constant 0 : i32
      %broadcast_in_dim3A_225 = vector.broadcast %broadcast_in_dim3A_224 : i32 to vector<16xi32>
      %mul3A_226 = arith.constant 16 : i32
      %mul3A_227 = arith.muli %scan3A_217, %mul3A_226 : i32
      %swap3A_228 = arith.index_cast %mul3A_227 : i32 to index
      %swap3A_229 = tpu.vector_load %arg10[%swap3A_228] {strides = array<i32>} : memref<320xi32, #tpu.memory_space<vmem>>, vector<16xi32>,
      %swap3A_230 = vector.shape_cast %swap3A_229 : vector<16xi32> to vector<16xi32>
      %swap3A_231 = vector.shape_cast %broadcast_in_dim3A_225 : vector<16xi32> to vector<16xi32>
      tpu.vector_store %arg10[%swap3A_228], %swap3A_231 {strides = array<i32>} : memref<320xi32, #tpu.memory_space<vmem>>, vector<16xi32>,
    }
    %scan3A_13 = arith.constant 20 : i32
    %scan3A_14 = arith.constant 0 : i32
    %scan3A_15 = arith.constant 0 : i32
    %scan3A_16 = arith.constant 40 : i32
    %scan3A_17 = arith.addi %scan3A_15, %scan3A_16 : i32
    %scan3A_18 = arith.constant 1 : i32
    scf.for %scan3A_217 = %scan3A_15 to %scan3A_17 step %scan3A_18  : i32 {
      %broadcast_in_dim3A = arith.constant 0.000000e+00 : f32
      %broadcast_in_dim3A_218 = vector.broadcast %broadcast_in_dim3A : f32 to vector<16xf32>
      %mul3A_219 = arith.constant 16 : i32
      %mul3A_220 = arith.muli %scan3A_217, %mul3A_219 : i32
      %swap3A = arith.index_cast %mul3A_220 : i32 to index
      %swap3A_221 = tpu.vector_load %arg11[%swap3A] {strides = array<i32>} : memref<640xf32, #tpu.memory_space<vmem>>, vector<16xf32>,
      %swap3A_222 = vector.shape_cast %swap3A_221 : vector<16xf32> to vector<16xf32>
      %swap3A_223 = vector.shape_cast %broadcast_in_dim3A_218 : vector<16xf32> to vector<16xf32>
      tpu.vector_store %arg11[%swap3A], %swap3A_223 {strides = array<i32>} : memref<640xf32, #tpu.memory_space<vmem>>, vector<16xf32>,
    }
    %scan3A_19 = arith.constant 40 : i32
    %mul3A_20 = arith.constant 640 : i32
    %mul3A_21 = arith.muli %arg1, %mul3A_20 : i32
    "tpu.region"() ({
      %run_scoped3A = tpu.sem_alloc : memref<!tpu.dma_semaphore, #tpu.memory_space<semaphore_mem>>
      %dma_start3A_217 = tpu.memref_slice %arg5[%mul3A_21] : memref<10240xf32, #tpu.memory_space<vmem_shared>> -> memref<640xf32, #tpu.memory_space<vmem_shared>>
      %dma_start3A_218 = tpu.memref_slice %arg5[%mul3A_21] : memref<10240xf32, #tpu.memory_space<vmem_shared>> -> memref<640xf32, #tpu.memory_space<vmem_shared>>
      tpu.enqueue_dma source(%arg11 : memref<640xf32, #tpu.memory_space<vmem>>) target(%dma_start3A_218 : memref<640xf32, #tpu.memory_space<vmem_shared>>) target_semaphore(%run_scoped3A : memref<!tpu.dma_semaphore, #tpu.memory_space<semaphore_mem>>)
      %dma_wait3A_219 = tpu.memref_slice %arg5[%mul3A_21] : memref<10240xf32, #tpu.memory_space<vmem_shared>> -> memref<640xf32, #tpu.memory_space<vmem_shared>>
      %dma_wait3A_220 = tpu.memref_slice %arg5[%mul3A_21] : memref<10240xf32, #tpu.memory_space<vmem_shared>> -> memref<640xf32, #tpu.memory_space<vmem_shared>>
      tpu.wait_dma2 semaphore(%run_scoped3A : memref<!tpu.dma_semaphore, #tpu.memory_space<semaphore_mem>>) src(%arg11 : memref<640xf32, #tpu.memory_space<vmem>>) dst(%dma_wait3A_220 : memref<640xf32, #tpu.memory_space<vmem_shared>>)
      tpu.yield
    }) : () -> ()
    %mul3A_22 = arith.constant 640 : i32
    %mul3A_23 = arith.muli %arg1, %mul3A_22 : i32
    "tpu.region"() ({
      %run_scoped3A = tpu.sem_alloc : memref<!tpu.dma_semaphore, #tpu.memory_space<semaphore_mem>>
      %dma_start3A_217 = tpu.memref_slice %arg6[%mul3A_23] : memref<10240xf32, #tpu.memory_space<vmem_shared>> -> memref<640xf32, #tpu.memory_space<vmem_shared>>
      %dma_start3A_218 = tpu.memref_slice %arg6[%mul3A_23] : memref<10240xf32, #tpu.memory_space<vmem_shared>> -> memref<640xf32, #tpu.memory_space<vmem_shared>>
      tpu.enqueue_dma source(%arg11 : memref<640xf32, #tpu.memory_space<vmem>>) target(%dma_start3A_218 : memref<640xf32, #tpu.memory_space<vmem_shared>>) target_semaphore(%run_scoped3A : memref<!tpu.dma_semaphore, #tpu.memory_space<semaphore_mem>>)
      %dma_wait3A_219 = tpu.memref_slice %arg6[%mul3A_23] : memref<10240xf32, #tpu.memory_space<vmem_shared>> -> memref<640xf32, #tpu.memory_space<vmem_shared>>
      %dma_wait3A_220 = tpu.memref_slice %arg6[%mul3A_23] : memref<10240xf32, #tpu.memory_space<vmem_shared>> -> memref<640xf32, #tpu.memory_space<vmem_shared>>
      tpu.wait_dma2 semaphore(%run_scoped3A : memref<!tpu.dma_semaphore, #tpu.memory_space<semaphore_mem>>) src(%arg11 : memref<640xf32, #tpu.memory_space<vmem>>) dst(%dma_wait3A_220 : memref<640xf32, #tpu.memory_space<vmem_shared>>)
      tpu.yield
    }) : () -> ()
    %barrier3A = arith.constant 0 : index
    tpu.barrier barrier_id(%barrier3A)
    %dma_start3A = arith.constant 160 : i32
    %dma_start3A_24 = tpu.memref_slice %arg9[%dma_start3A] : memref<320xi32, #tpu.memory_space<vmem>> -> memref<80xi32, #tpu.memory_space<vmem>>
    %dma_start3A_25 = arith.constant 0 : i32
    %dma_start3A_26 = tpu.memref_slice %arg5[%dma_start3A_25] : memref<10240xf32, #tpu.memory_space<vmem_shared>> -> memref<10240xf32, #tpu.memory_space<vmem_shared>>
    tpu.enqueue_indirect_dma source(%arg8 : memref<80xf32, #tpu.memory_space<vmem>>) target(%dma_start3A_26 : memref<10240xf32, #tpu.memory_space<vmem_shared>>) offsets(%dma_start3A_24 : memref<80xi32, #tpu.memory_space<vmem>>) semaphore(%arg13 : memref<!tpu.dma_semaphore, #tpu.memory_space<semaphore_mem>>) {add = true}
    %dma_start3A_27 = arith.constant 160 : i32
    %dma_start3A_28 = tpu.memref_slice %arg10[%dma_start3A_27] : memref<320xi32, #tpu.memory_space<vmem>> -> memref<80xi32, #tpu.memory_space<vmem>>
    %dma_start3A_29 = arith.constant 0 : i32
    %dma_start3A_30 = tpu.memref_slice %arg6[%dma_start3A_29] : memref<10240xf32, #tpu.memory_space<vmem_shared>> -> memref<10240xf32, #tpu.memory_space<vmem_shared>>
    tpu.enqueue_indirect_dma source(%arg8 : memref<80xf32, #tpu.memory_space<vmem>>) target(%dma_start3A_30 : memref<10240xf32, #tpu.memory_space<vmem_shared>>) offsets(%dma_start3A_28 : memref<80xi32, #tpu.memory_space<vmem>>) semaphore(%arg13 : memref<!tpu.dma_semaphore, #tpu.memory_space<semaphore_mem>>) {add = true}
    %dma_start3A_31 = arith.constant 240 : i32
    %dma_start3A_32 = tpu.memref_slice %arg9[%dma_start3A_31] : memref<320xi32, #tpu.memory_space<vmem>> -> memref<80xi32, #tpu.memory_space<vmem>>
    %dma_start3A_33 = arith.constant 0 : i32
    %dma_start3A_34 = tpu.memref_slice %arg5[%dma_start3A_33] : memref<10240xf32, #tpu.memory_space<vmem_shared>> -> memref<10240xf32, #tpu.memory_space<vmem_shared>>
    tpu.enqueue_indirect_dma source(%arg8 : memref<80xf32, #tpu.memory_space<vmem>>) target(%dma_start3A_34 : memref<10240xf32, #tpu.memory_space<vmem_shared>>) offsets(%dma_start3A_32 : memref<80xi32, #tpu.memory_space<vmem>>) semaphore(%arg13 : memref<!tpu.dma_semaphore, #tpu.memory_space<semaphore_mem>>) {add = true}
    %dma_start3A_35 = arith.constant 240 : i32
    %dma_start3A_36 = tpu.memref_slice %arg10[%dma_start3A_35] : memref<320xi32, #tpu.memory_space<vmem>> -> memref<80xi32, #tpu.memory_space<vmem>>
    %dma_start3A_37 = arith.constant 0 : i32
    %dma_start3A_38 = tpu.memref_slice %arg6[%dma_start3A_37] : memref<10240xf32, #tpu.memory_space<vmem_shared>> -> memref<10240xf32, #tpu.memory_space<vmem_shared>>
    tpu.enqueue_indirect_dma source(%arg8 : memref<80xf32, #tpu.memory_space<vmem>>) target(%dma_start3A_38 : memref<10240xf32, #tpu.memory_space<vmem_shared>>) offsets(%dma_start3A_36 : memref<80xi32, #tpu.memory_space<vmem>>) semaphore(%arg13 : memref<!tpu.dma_semaphore, #tpu.memory_space<semaphore_mem>>) {add = true}
    %min3A = arith.constant 0 : i32
    %min3A_39 = arith.constant 124 : i32
    %min3A_40 = arith.minsi %min3A, %min3A_39 : i32
    %mul3A_41 = arith.constant 80 : i32
    %mul3A_42 = arith.muli %min3A_40, %mul3A_41 : i32
    %add3A_43 = arith.addi %mul3A_2, %mul3A_42 : i32
    %rem3A = arith.constant 0 : i32
    %rem3A_44 = arith.constant 4 : i32
    %rem3A_45 = arith.remsi %rem3A, %rem3A_44 : i32
    %mul3A_46 = arith.constant 80 : i32
    %mul3A_47 = arith.muli %rem3A_45, %mul3A_46 : i32
    %dma_start3A_48 = tpu.memref_slice %arg9[%mul3A_47] : memref<320xi32, #tpu.memory_space<vmem>> -> memref<80xi32, #tpu.memory_space<vmem>>
    %dma_start3A_49 = tpu.memref_slice %arg2[%add3A_43] : memref<640000xi32, #tpu.memory_space<hbm>> -> memref<80xi32, #tpu.memory_space<hbm>>
    %dma_start3A_50 = tpu.memref_slice %arg9[%mul3A_47] : memref<320xi32, #tpu.memory_space<vmem>> -> memref<80xi32, #tpu.memory_space<vmem>>
    %dma_start3A_51 = tpu.memref_slice %arg2[%add3A_43] : memref<640000xi32, #tpu.memory_space<hbm>> -> memref<80xi32, #tpu.memory_space<hbm>>
    tpu.enqueue_dma source(%dma_start3A_51 : memref<80xi32, #tpu.memory_space<hbm>>) target(%dma_start3A_50 : memref<80xi32, #tpu.memory_space<vmem>>) target_semaphore(%arg12 : memref<!tpu.dma_semaphore, #tpu.memory_space<semaphore_mem>>)
    %min3A_52 = arith.constant 0 : i32
    %min3A_53 = arith.constant 124 : i32
    %min3A_54 = arith.minsi %min3A_52, %min3A_53 : i32
    %mul3A_55 = arith.constant 80 : i32
    %mul3A_56 = arith.muli %min3A_54, %mul3A_55 : i32
    %add3A_57 = arith.addi %mul3A_2, %mul3A_56 : i32
    %add3A_58 = arith.constant 320000 : i32
    %add3A_59 = arith.addi %add3A_58, %add3A_57 : i32
    %rem3A_60 = arith.constant 0 : i32
    %rem3A_61 = arith.constant 4 : i32
    %rem3A_62 = arith.remsi %rem3A_60, %rem3A_61 : i32
    %mul3A_63 = arith.constant 80 : i32
    %mul3A_64 = arith.muli %rem3A_62, %mul3A_63 : i32
    %dma_start3A_65 = tpu.memref_slice %arg10[%mul3A_64] : memref<320xi32, #tpu.memory_space<vmem>> -> memref<80xi32, #tpu.memory_space<vmem>>
    %dma_start3A_66 = tpu.memref_slice %arg2[%add3A_59] : memref<640000xi32, #tpu.memory_space<hbm>> -> memref<80xi32, #tpu.memory_space<hbm>>
    %dma_start3A_67 = tpu.memref_slice %arg10[%mul3A_64] : memref<320xi32, #tpu.memory_space<vmem>> -> memref<80xi32, #tpu.memory_space<vmem>>
    %dma_start3A_68 = tpu.memref_slice %arg2[%add3A_59] : memref<640000xi32, #tpu.memory_space<hbm>> -> memref<80xi32, #tpu.memory_space<hbm>>
    tpu.enqueue_dma source(%dma_start3A_68 : memref<80xi32, #tpu.memory_space<hbm>>) target(%dma_start3A_67 : memref<80xi32, #tpu.memory_space<vmem>>) target_semaphore(%arg12 : memref<!tpu.dma_semaphore, #tpu.memory_space<semaphore_mem>>)
    %min3A_69 = arith.constant 1 : i32
    %min3A_70 = arith.constant 124 : i32
    %min3A_71 = arith.minsi %min3A_69, %min3A_70 : i32
    %mul3A_72 = arith.constant 80 : i32
    %mul3A_73 = arith.muli %min3A_71, %mul3A_72 : i32
    %add3A_74 = arith.addi %mul3A_2, %mul3A_73 : i32
    %rem3A_75 = arith.constant 1 : i32
    %rem3A_76 = arith.constant 4 : i32
    %rem3A_77 = arith.remsi %rem3A_75, %rem3A_76 : i32
    %mul3A_78 = arith.constant 80 : i32
    %mul3A_79 = arith.muli %rem3A_77, %mul3A_78 : i32
    %dma_start3A_80 = tpu.memref_slice %arg9[%mul3A_79] : memref<320xi32, #tpu.memory_space<vmem>> -> memref<80xi32, #tpu.memory_space<vmem>>
    %dma_start3A_81 = tpu.memref_slice %arg2[%add3A_74] : memref<640000xi32, #tpu.memory_space<hbm>> -> memref<80xi32, #tpu.memory_space<hbm>>
    %dma_start3A_82 = tpu.memref_slice %arg9[%mul3A_79] : memref<320xi32, #tpu.memory_space<vmem>> -> memref<80xi32, #tpu.memory_space<vmem>>
    %dma_start3A_83 = tpu.memref_slice %arg2[%add3A_74] : memref<640000xi32, #tpu.memory_space<hbm>> -> memref<80xi32, #tpu.memory_space<hbm>>
    tpu.enqueue_dma source(%dma_start3A_83 : memref<80xi32, #tpu.memory_space<hbm>>) target(%dma_start3A_82 : memref<80xi32, #tpu.memory_space<vmem>>) target_semaphore(%arg12 : memref<!tpu.dma_semaphore, #tpu.memory_space<semaphore_mem>>)
    %min3A_84 = arith.constant 1 : i32
    %min3A_85 = arith.constant 124 : i32
    %min3A_86 = arith.minsi %min3A_84, %min3A_85 : i32
    %mul3A_87 = arith.constant 80 : i32
    %mul3A_88 = arith.muli %min3A_86, %mul3A_87 : i32
    %add3A_89 = arith.addi %mul3A_2, %mul3A_88 : i32
    %add3A_90 = arith.constant 320000 : i32
    %add3A_91 = arith.addi %add3A_90, %add3A_89 : i32
    %rem3A_92 = arith.constant 1 : i32
    %rem3A_93 = arith.constant 4 : i32
    %rem3A_94 = arith.remsi %rem3A_92, %rem3A_93 : i32
    %mul3A_95 = arith.constant 80 : i32
    %mul3A_96 = arith.muli %rem3A_94, %mul3A_95 : i32
    %dma_start3A_97 = tpu.memref_slice %arg10[%mul3A_96] : memref<320xi32, #tpu.memory_space<vmem>> -> memref<80xi32, #tpu.memory_space<vmem>>
    %dma_start3A_98 = tpu.memref_slice %arg2[%add3A_91] : memref<640000xi32, #tpu.memory_space<hbm>> -> memref<80xi32, #tpu.memory_space<hbm>>
    %dma_start3A_99 = tpu.memref_slice %arg10[%mul3A_96] : memref<320xi32, #tpu.memory_space<vmem>> -> memref<80xi32, #tpu.memory_space<vmem>>
    %dma_start3A_100 = tpu.memref_slice %arg2[%add3A_91] : memref<640000xi32, #tpu.memory_space<hbm>> -> memref<80xi32, #tpu.memory_space<hbm>>
    tpu.enqueue_dma source(%dma_start3A_100 : memref<80xi32, #tpu.memory_space<hbm>>) target(%dma_start3A_99 : memref<80xi32, #tpu.memory_space<vmem>>) target_semaphore(%arg12 : memref<!tpu.dma_semaphore, #tpu.memory_space<semaphore_mem>>)
    %scan3A_101 = arith.constant 0 : i32
    %scan3A_102 = arith.constant 0 : i32
    %scan3A_103 = arith.constant 125 : i32
    %scan3A_104 = arith.addi %scan3A_102, %scan3A_103 : i32
    %scan3A_105 = arith.constant 1 : i32
    scf.for %scan3A_217 = %scan3A_102 to %scan3A_104 step %scan3A_105  : i32 {
      %add3A_218 = arith.constant 2 : i32
      %add3A_219 = arith.addi %scan3A_217, %add3A_218 : i32
      %rem3A_220 = arith.constant 4 : i32
      %rem3A_221 = arith.remsi %add3A_219, %rem3A_220 : i32
      %mul3A_222 = arith.constant 80 : i32
      %mul3A_223 = arith.muli %rem3A_221, %mul3A_222 : i32
      %dma_wait3A_224 = tpu.memref_slice %arg9[%mul3A_223] : memref<320xi32, #tpu.memory_space<vmem>> -> memref<80xi32, #tpu.memory_space<vmem>>
      %dma_wait3A_225 = arith.constant 0 : i32
      %dma_wait3A_226 = tpu.memref_slice %arg5[%dma_wait3A_225] : memref<10240xf32, #tpu.memory_space<vmem_shared>> -> memref<10240xf32, #tpu.memory_space<vmem_shared>>
      tpu.wait_indirect_dma semaphore(%arg13 : memref<!tpu.dma_semaphore, #tpu.memory_space<semaphore_mem>>) src(%arg7 : memref<80xf32, #tpu.memory_space<vmem>>) dst(%dma_wait3A_226 : memref<10240xf32, #tpu.memory_space<vmem_shared>>)
      %rem3A_227 = arith.constant 4 : i32
      %rem3A_228 = arith.remsi %add3A_219, %rem3A_227 : i32
      %mul3A_229 = arith.constant 80 : i32
      %mul3A_230 = arith.muli %rem3A_228, %mul3A_229 : i32
      %dma_wait3A_231 = tpu.memref_slice %arg10[%mul3A_230] : memref<320xi32, #tpu.memory_space<vmem>> -> memref<80xi32, #tpu.memory_space<vmem>>
      %dma_wait3A_232 = arith.constant 0 : i32
      %dma_wait3A_233 = tpu.memref_slice %arg6[%dma_wait3A_232] : memref<10240xf32, #tpu.memory_space<vmem_shared>> -> memref<10240xf32, #tpu.memory_space<vmem_shared>>
      tpu.wait_indirect_dma semaphore(%arg13 : memref<!tpu.dma_semaphore, #tpu.memory_space<semaphore_mem>>) src(%arg7 : memref<80xf32, #tpu.memory_space<vmem>>) dst(%dma_wait3A_233 : memref<10240xf32, #tpu.memory_space<vmem_shared>>)
      %add3A_234 = arith.constant 2 : i32
      %add3A_235 = arith.addi %scan3A_217, %add3A_234 : i32
      %min3A_236 = arith.constant 124 : i32
      %min3A_237 = arith.minsi %add3A_235, %min3A_236 : i32
      %mul3A_238 = arith.constant 80 : i32
      %mul3A_239 = arith.muli %min3A_237, %mul3A_238 : i32
      %add3A_240 = arith.addi %mul3A_2, %mul3A_239 : i32
      %rem3A_241 = arith.constant 4 : i32
      %rem3A_242 = arith.remsi %add3A_235, %rem3A_241 : i32
      %mul3A_243 = arith.constant 80 : i32
      %mul3A_244 = arith.muli %rem3A_242, %mul3A_243 : i32
      %dma_start3A_245 = tpu.memref_slice %arg9[%mul3A_244] : memref<320xi32, #tpu.memory_space<vmem>> -> memref<80xi32, #tpu.memory_space<vmem>>
      %dma_start3A_246 = tpu.memref_slice %arg2[%add3A_240] : memref<640000xi32, #tpu.memory_space<hbm>> -> memref<80xi32, #tpu.memory_space<hbm>>
      %dma_start3A_247 = tpu.memref_slice %arg9[%mul3A_244] : memref<320xi32, #tpu.memory_space<vmem>> -> memref<80xi32, #tpu.memory_space<vmem>>
      %dma_start3A_248 = tpu.memref_slice %arg2[%add3A_240] : memref<640000xi32, #tpu.memory_space<hbm>> -> memref<80xi32, #tpu.memory_space<hbm>>
      tpu.enqueue_dma source(%dma_start3A_248 : memref<80xi32, #tpu.memory_space<hbm>>) target(%dma_start3A_247 : memref<80xi32, #tpu.memory_space<vmem>>) target_semaphore(%arg12 : memref<!tpu.dma_semaphore, #tpu.memory_space<semaphore_mem>>)
      %min3A_249 = arith.constant 124 : i32
      %min3A_250 = arith.minsi %add3A_235, %min3A_249 : i32
      %mul3A_251 = arith.constant 80 : i32
      %mul3A_252 = arith.muli %min3A_250, %mul3A_251 : i32
      %add3A_253 = arith.addi %mul3A_2, %mul3A_252 : i32
      %add3A_254 = arith.constant 320000 : i32
      %add3A_255 = arith.addi %add3A_254, %add3A_253 : i32
      %rem3A_256 = arith.constant 4 : i32
      %rem3A_257 = arith.remsi %add3A_235, %rem3A_256 : i32
      %mul3A_258 = arith.constant 80 : i32
      %mul3A_259 = arith.muli %rem3A_257, %mul3A_258 : i32
      %dma_start3A_260 = tpu.memref_slice %arg10[%mul3A_259] : memref<320xi32, #tpu.memory_space<vmem>> -> memref<80xi32, #tpu.memory_space<vmem>>
      %dma_start3A_261 = tpu.memref_slice %arg2[%add3A_255] : memref<640000xi32, #tpu.memory_space<hbm>> -> memref<80xi32, #tpu.memory_space<hbm>>
      %dma_start3A_262 = tpu.memref_slice %arg10[%mul3A_259] : memref<320xi32, #tpu.memory_space<vmem>> -> memref<80xi32, #tpu.memory_space<vmem>>
      %dma_start3A_263 = tpu.memref_slice %arg2[%add3A_255] : memref<640000xi32, #tpu.memory_space<hbm>> -> memref<80xi32, #tpu.memory_space<hbm>>
      tpu.enqueue_dma source(%dma_start3A_263 : memref<80xi32, #tpu.memory_space<hbm>>) target(%dma_start3A_262 : memref<80xi32, #tpu.memory_space<vmem>>) target_semaphore(%arg12 : memref<!tpu.dma_semaphore, #tpu.memory_space<semaphore_mem>>)
      %min3A_264 = arith.constant 124 : i32
      %min3A_265 = arith.minsi %scan3A_217, %min3A_264 : i32
      %mul3A_266 = arith.constant 80 : i32
      %mul3A_267 = arith.muli %min3A_265, %mul3A_266 : i32
      %add3A_268 = arith.addi %mul3A_2, %mul3A_267 : i32
      %rem3A_269 = arith.constant 4 : i32
      %rem3A_270 = arith.remsi %scan3A_217, %rem3A_269 : i32
      %mul3A_271 = arith.constant 80 : i32
      %mul3A_272 = arith.muli %rem3A_270, %mul3A_271 : i32
      %dma_wait3A_273 = tpu.memref_slice %arg9[%mul3A_272] : memref<320xi32, #tpu.memory_space<vmem>> -> memref<80xi32, #tpu.memory_space<vmem>>
      %dma_wait3A_274 = tpu.memref_slice %arg2[%add3A_268] : memref<640000xi32, #tpu.memory_space<hbm>> -> memref<80xi32, #tpu.memory_space<hbm>>
      %dma_wait3A_275 = tpu.memref_slice %arg9[%mul3A_272] : memref<320xi32, #tpu.memory_space<vmem>> -> memref<80xi32, #tpu.memory_space<vmem>>
      %dma_wait3A_276 = tpu.memref_slice %arg2[%add3A_268] : memref<640000xi32, #tpu.memory_space<hbm>> -> memref<80xi32, #tpu.memory_space<hbm>>
      tpu.wait_dma2 semaphore(%arg12 : memref<!tpu.dma_semaphore, #tpu.memory_space<semaphore_mem>>) src(%dma_wait3A_276 : memref<80xi32, #tpu.memory_space<hbm>>) dst(%dma_wait3A_275 : memref<80xi32, #tpu.memory_space<vmem>>)
      %min3A_277 = arith.constant 124 : i32
      %min3A_278 = arith.minsi %scan3A_217, %min3A_277 : i32
      %mul3A_279 = arith.constant 80 : i32
      %mul3A_280 = arith.muli %min3A_278, %mul3A_279 : i32
      %add3A_281 = arith.addi %mul3A_2, %mul3A_280 : i32
      %add3A_282 = arith.constant 320000 : i32
      %add3A_283 = arith.addi %add3A_282, %add3A_281 : i32
      %rem3A_284 = arith.constant 4 : i32
      %rem3A_285 = arith.remsi %scan3A_217, %rem3A_284 : i32
      %mul3A_286 = arith.constant 80 : i32
      %mul3A_287 = arith.muli %rem3A_285, %mul3A_286 : i32
      %dma_wait3A_288 = tpu.memref_slice %arg10[%mul3A_287] : memref<320xi32, #tpu.memory_space<vmem>> -> memref<80xi32, #tpu.memory_space<vmem>>
      %dma_wait3A_289 = tpu.memref_slice %arg2[%add3A_283] : memref<640000xi32, #tpu.memory_space<hbm>> -> memref<80xi32, #tpu.memory_space<hbm>>
      %dma_wait3A_290 = tpu.memref_slice %arg10[%mul3A_287] : memref<320xi32, #tpu.memory_space<vmem>> -> memref<80xi32, #tpu.memory_space<vmem>>
      %dma_wait3A_291 = tpu.memref_slice %arg2[%add3A_283] : memref<640000xi32, #tpu.memory_space<hbm>> -> memref<80xi32, #tpu.memory_space<hbm>>
      tpu.wait_dma2 semaphore(%arg12 : memref<!tpu.dma_semaphore, #tpu.memory_space<semaphore_mem>>) src(%dma_wait3A_291 : memref<80xi32, #tpu.memory_space<hbm>>) dst(%dma_wait3A_290 : memref<80xi32, #tpu.memory_space<vmem>>)
      %rem3A_292 = arith.constant 4 : i32
      %rem3A_293 = arith.remsi %scan3A_217, %rem3A_292 : i32
      %mul3A_294 = arith.constant 80 : i32
      %mul3A_295 = arith.muli %rem3A_293, %mul3A_294 : i32
      %dma_start3A_296 = tpu.memref_slice %arg9[%mul3A_295] : memref<320xi32, #tpu.memory_space<vmem>> -> memref<80xi32, #tpu.memory_space<vmem>>
      %dma_start3A_297 = arith.constant 0 : i32
      %dma_start3A_298 = tpu.memref_slice %arg5[%dma_start3A_297] : memref<10240xf32, #tpu.memory_space<vmem_shared>> -> memref<10240xf32, #tpu.memory_space<vmem_shared>>
      tpu.enqueue_indirect_dma source(%arg7 : memref<80xf32, #tpu.memory_space<vmem>>) target(%dma_start3A_298 : memref<10240xf32, #tpu.memory_space<vmem_shared>>) offsets(%dma_start3A_296 : memref<80xi32, #tpu.memory_space<vmem>>) semaphore(%arg13 : memref<!tpu.dma_semaphore, #tpu.memory_space<semaphore_mem>>) {add = true}
      %dma_start3A_299 = tpu.memref_slice %arg10[%mul3A_295] : memref<320xi32, #tpu.memory_space<vmem>> -> memref<80xi32, #tpu.memory_space<vmem>>
      %dma_start3A_300 = arith.constant 0 : i32
      %dma_start3A_301 = tpu.memref_slice %arg6[%dma_start3A_300] : memref<10240xf32, #tpu.memory_space<vmem_shared>> -> memref<10240xf32, #tpu.memory_space<vmem_shared>>
      tpu.enqueue_indirect_dma source(%arg7 : memref<80xf32, #tpu.memory_space<vmem>>) target(%dma_start3A_301 : memref<10240xf32, #tpu.memory_space<vmem_shared>>) offsets(%dma_start3A_299 : memref<80xi32, #tpu.memory_space<vmem>>) semaphore(%arg13 : memref<!tpu.dma_semaphore, #tpu.memory_space<semaphore_mem>>) {add = true}
    }
    %scan3A_106 = arith.constant 125 : i32
    %rem3A_107 = arith.constant 123 : i32
    %rem3A_108 = arith.constant 4 : i32
    %rem3A_109 = arith.remsi %rem3A_107, %rem3A_108 : i32
    %mul3A_110 = arith.constant 80 : i32
    %mul3A_111 = arith.muli %rem3A_109, %mul3A_110 : i32
    %dma_wait3A = tpu.memref_slice %arg9[%mul3A_111] : memref<320xi32, #tpu.memory_space<vmem>> -> memref<80xi32, #tpu.memory_space<vmem>>
    %dma_wait3A_112 = arith.constant 0 : i32
    %dma_wait3A_113 = tpu.memref_slice %arg5[%dma_wait3A_112] : memref<10240xf32, #tpu.memory_space<vmem_shared>> -> memref<10240xf32, #tpu.memory_space<vmem_shared>>
    tpu.wait_indirect_dma semaphore(%arg13 : memref<!tpu.dma_semaphore, #tpu.memory_space<semaphore_mem>>) src(%arg7 : memref<80xf32, #tpu.memory_space<vmem>>) dst(%dma_wait3A_113 : memref<10240xf32, #tpu.memory_space<vmem_shared>>)
    %rem3A_114 = arith.constant 123 : i32
    %rem3A_115 = arith.constant 4 : i32
    %rem3A_116 = arith.remsi %rem3A_114, %rem3A_115 : i32
    %mul3A_117 = arith.constant 80 : i32
    %mul3A_118 = arith.muli %rem3A_116, %mul3A_117 : i32
    %dma_wait3A_119 = tpu.memref_slice %arg10[%mul3A_118] : memref<320xi32, #tpu.memory_space<vmem>> -> memref<80xi32, #tpu.memory_space<vmem>>
    %dma_wait3A_120 = arith.constant 0 : i32
    %dma_wait3A_121 = tpu.memref_slice %arg6[%dma_wait3A_120] : memref<10240xf32, #tpu.memory_space<vmem_shared>> -> memref<10240xf32, #tpu.memory_space<vmem_shared>>
    tpu.wait_indirect_dma semaphore(%arg13 : memref<!tpu.dma_semaphore, #tpu.memory_space<semaphore_mem>>) src(%arg7 : memref<80xf32, #tpu.memory_space<vmem>>) dst(%dma_wait3A_121 : memref<10240xf32, #tpu.memory_space<vmem_shared>>)
    %rem3A_122 = arith.constant 124 : i32
    %rem3A_123 = arith.constant 4 : i32
    %rem3A_124 = arith.remsi %rem3A_122, %rem3A_123 : i32
    %mul3A_125 = arith.constant 80 : i32
    %mul3A_126 = arith.muli %rem3A_124, %mul3A_125 : i32
    %dma_wait3A_127 = tpu.memref_slice %arg9[%mul3A_126] : memref<320xi32, #tpu.memory_space<vmem>> -> memref<80xi32, #tpu.memory_space<vmem>>
    %dma_wait3A_128 = arith.constant 0 : i32
    %dma_wait3A_129 = tpu.memref_slice %arg5[%dma_wait3A_128] : memref<10240xf32, #tpu.memory_space<vmem_shared>> -> memref<10240xf32, #tpu.memory_space<vmem_shared>>
    tpu.wait_indirect_dma semaphore(%arg13 : memref<!tpu.dma_semaphore, #tpu.memory_space<semaphore_mem>>) src(%arg7 : memref<80xf32, #tpu.memory_space<vmem>>) dst(%dma_wait3A_129 : memref<10240xf32, #tpu.memory_space<vmem_shared>>)
    %rem3A_130 = arith.constant 124 : i32
    %rem3A_131 = arith.constant 4 : i32
    %rem3A_132 = arith.remsi %rem3A_130, %rem3A_131 : i32
    %mul3A_133 = arith.constant 80 : i32
    %mul3A_134 = arith.muli %rem3A_132, %mul3A_133 : i32
    %dma_wait3A_135 = tpu.memref_slice %arg10[%mul3A_134] : memref<320xi32, #tpu.memory_space<vmem>> -> memref<80xi32, #tpu.memory_space<vmem>>
    %dma_wait3A_136 = arith.constant 0 : i32
    %dma_wait3A_137 = tpu.memref_slice %arg6[%dma_wait3A_136] : memref<10240xf32, #tpu.memory_space<vmem_shared>> -> memref<10240xf32, #tpu.memory_space<vmem_shared>>
    tpu.wait_indirect_dma semaphore(%arg13 : memref<!tpu.dma_semaphore, #tpu.memory_space<semaphore_mem>>) src(%arg7 : memref<80xf32, #tpu.memory_space<vmem>>) dst(%dma_wait3A_137 : memref<10240xf32, #tpu.memory_space<vmem_shared>>)
    %min3A_138 = arith.constant 125 : i32
    %min3A_139 = arith.constant 124 : i32
    %min3A_140 = arith.minsi %min3A_138, %min3A_139 : i32
    %mul3A_141 = arith.constant 80 : i32
    %mul3A_142 = arith.muli %min3A_140, %mul3A_141 : i32
    %add3A_143 = arith.addi %mul3A_2, %mul3A_142 : i32
    %rem3A_144 = arith.constant 125 : i32
    %rem3A_145 = arith.constant 4 : i32
    %rem3A_146 = arith.remsi %rem3A_144, %rem3A_145 : i32
    %mul3A_147 = arith.constant 80 : i32
    %mul3A_148 = arith.muli %rem3A_146, %mul3A_147 : i32
    %dma_wait3A_149 = tpu.memref_slice %arg9[%mul3A_148] : memref<320xi32, #tpu.memory_space<vmem>> -> memref<80xi32, #tpu.memory_space<vmem>>
    %dma_wait3A_150 = tpu.memref_slice %arg2[%add3A_143] : memref<640000xi32, #tpu.memory_space<hbm>> -> memref<80xi32, #tpu.memory_space<hbm>>
    %dma_wait3A_151 = tpu.memref_slice %arg9[%mul3A_148] : memref<320xi32, #tpu.memory_space<vmem>> -> memref<80xi32, #tpu.memory_space<vmem>>
    %dma_wait3A_152 = tpu.memref_slice %arg2[%add3A_143] : memref<640000xi32, #tpu.memory_space<hbm>> -> memref<80xi32, #tpu.memory_space<hbm>>
    tpu.wait_dma2 semaphore(%arg12 : memref<!tpu.dma_semaphore, #tpu.memory_space<semaphore_mem>>) src(%dma_wait3A_152 : memref<80xi32, #tpu.memory_space<hbm>>) dst(%dma_wait3A_151 : memref<80xi32, #tpu.memory_space<vmem>>)
    %min3A_153 = arith.constant 125 : i32
    %min3A_154 = arith.constant 124 : i32
    %min3A_155 = arith.minsi %min3A_153, %min3A_154 : i32
    %mul3A_156 = arith.constant 80 : i32
    %mul3A_157 = arith.muli %min3A_155, %mul3A_156 : i32
    %add3A_158 = arith.addi %mul3A_2, %mul3A_157 : i32
    %add3A_159 = arith.constant 320000 : i32
    %add3A_160 = arith.addi %add3A_159, %add3A_158 : i32
    %rem3A_161 = arith.constant 125 : i32
    %rem3A_162 = arith.constant 4 : i32
    %rem3A_163 = arith.remsi %rem3A_161, %rem3A_162 : i32
    %mul3A_164 = arith.constant 80 : i32
    %mul3A_165 = arith.muli %rem3A_163, %mul3A_164 : i32
    %dma_wait3A_166 = tpu.memref_slice %arg10[%mul3A_165] : memref<320xi32, #tpu.memory_space<vmem>> -> memref<80xi32, #tpu.memory_space<vmem>>
    %dma_wait3A_167 = tpu.memref_slice %arg2[%add3A_160] : memref<640000xi32, #tpu.memory_space<hbm>> -> memref<80xi32, #tpu.memory_space<hbm>>
    %dma_wait3A_168 = tpu.memref_slice %arg10[%mul3A_165] : memref<320xi32, #tpu.memory_space<vmem>> -> memref<80xi32, #tpu.memory_space<vmem>>
    %dma_wait3A_169 = tpu.memref_slice %arg2[%add3A_160] : memref<640000xi32, #tpu.memory_space<hbm>> -> memref<80xi32, #tpu.memory_space<hbm>>
    tpu.wait_dma2 semaphore(%arg12 : memref<!tpu.dma_semaphore, #tpu.memory_space<semaphore_mem>>) src(%dma_wait3A_169 : memref<80xi32, #tpu.memory_space<hbm>>) dst(%dma_wait3A_168 : memref<80xi32, #tpu.memory_space<vmem>>)
    %min3A_170 = arith.constant 126 : i32
    %min3A_171 = arith.constant 124 : i32
    %min3A_172 = arith.minsi %min3A_170, %min3A_171 : i32
    %mul3A_173 = arith.constant 80 : i32
    %mul3A_174 = arith.muli %min3A_172, %mul3A_173 : i32
    %add3A_175 = arith.addi %mul3A_2, %mul3A_174 : i32
    %rem3A_176 = arith.constant 126 : i32
    %rem3A_177 = arith.constant 4 : i32
    %rem3A_178 = arith.remsi %rem3A_176, %rem3A_177 : i32
    %mul3A_179 = arith.constant 80 : i32
    %mul3A_180 = arith.muli %rem3A_178, %mul3A_179 : i32
    %dma_wait3A_181 = tpu.memref_slice %arg9[%mul3A_180] : memref<320xi32, #tpu.memory_space<vmem>> -> memref<80xi32, #tpu.memory_space<vmem>>
    %dma_wait3A_182 = tpu.memref_slice %arg2[%add3A_175] : memref<640000xi32, #tpu.memory_space<hbm>> -> memref<80xi32, #tpu.memory_space<hbm>>
    %dma_wait3A_183 = tpu.memref_slice %arg9[%mul3A_180] : memref<320xi32, #tpu.memory_space<vmem>> -> memref<80xi32, #tpu.memory_space<vmem>>
    %dma_wait3A_184 = tpu.memref_slice %arg2[%add3A_175] : memref<640000xi32, #tpu.memory_space<hbm>> -> memref<80xi32, #tpu.memory_space<hbm>>
    tpu.wait_dma2 semaphore(%arg12 : memref<!tpu.dma_semaphore, #tpu.memory_space<semaphore_mem>>) src(%dma_wait3A_184 : memref<80xi32, #tpu.memory_space<hbm>>) dst(%dma_wait3A_183 : memref<80xi32, #tpu.memory_space<vmem>>)
    %min3A_185 = arith.constant 126 : i32
    %min3A_186 = arith.constant 124 : i32
    %min3A_187 = arith.minsi %min3A_185, %min3A_186 : i32
    %mul3A_188 = arith.constant 80 : i32
    %mul3A_189 = arith.muli %min3A_187, %mul3A_188 : i32
    %add3A_190 = arith.addi %mul3A_2, %mul3A_189 : i32
    %add3A_191 = arith.constant 320000 : i32
    %add3A_192 = arith.addi %add3A_191, %add3A_190 : i32
    %rem3A_193 = arith.constant 126 : i32
    %rem3A_194 = arith.constant 4 : i32
    %rem3A_195 = arith.remsi %rem3A_193, %rem3A_194 : i32
    %mul3A_196 = arith.constant 80 : i32
    %mul3A_197 = arith.muli %rem3A_195, %mul3A_196 : i32
    %dma_wait3A_198 = tpu.memref_slice %arg10[%mul3A_197] : memref<320xi32, #tpu.memory_space<vmem>> -> memref<80xi32, #tpu.memory_space<vmem>>
    %dma_wait3A_199 = tpu.memref_slice %arg2[%add3A_192] : memref<640000xi32, #tpu.memory_space<hbm>> -> memref<80xi32, #tpu.memory_space<hbm>>
    %dma_wait3A_200 = tpu.memref_slice %arg10[%mul3A_197] : memref<320xi32, #tpu.memory_space<vmem>> -> memref<80xi32, #tpu.memory_space<vmem>>
    %dma_wait3A_201 = tpu.memref_slice %arg2[%add3A_192] : memref<640000xi32, #tpu.memory_space<hbm>> -> memref<80xi32, #tpu.memory_space<hbm>>
    tpu.wait_dma2 semaphore(%arg12 : memref<!tpu.dma_semaphore, #tpu.memory_space<semaphore_mem>>) src(%dma_wait3A_201 : memref<80xi32, #tpu.memory_space<hbm>>) dst(%dma_wait3A_200 : memref<80xi32, #tpu.memory_space<vmem>>)
    %barrier3A_202 = arith.constant 0 : index
    tpu.barrier barrier_id(%barrier3A_202)
    %mul3A_203 = arith.constant 640 : i32
    %mul3A_204 = arith.muli %arg1, %mul3A_203 : i32
    "tpu.region"() ({
      %run_scoped3A = tpu.sem_alloc : memref<!tpu.dma_semaphore, #tpu.memory_space<semaphore_mem>>
      %dma_start3A_217 = tpu.memref_slice %arg5[%mul3A_204] : memref<10240xf32, #tpu.memory_space<vmem_shared>> -> memref<640xf32, #tpu.memory_space<vmem_shared>>
      %dma_start3A_218 = tpu.memref_slice %arg5[%mul3A_204] : memref<10240xf32, #tpu.memory_space<vmem_shared>> -> memref<640xf32, #tpu.memory_space<vmem_shared>>
      tpu.enqueue_dma source(%dma_start3A_218 : memref<640xf32, #tpu.memory_space<vmem_shared>>) target(%arg11 : memref<640xf32, #tpu.memory_space<vmem>>) target_semaphore(%run_scoped3A : memref<!tpu.dma_semaphore, #tpu.memory_space<semaphore_mem>>)
      %dma_wait3A_219 = tpu.memref_slice %arg5[%mul3A_204] : memref<10240xf32, #tpu.memory_space<vmem_shared>> -> memref<640xf32, #tpu.memory_space<vmem_shared>>
      %dma_wait3A_220 = tpu.memref_slice %arg5[%mul3A_204] : memref<10240xf32, #tpu.memory_space<vmem_shared>> -> memref<640xf32, #tpu.memory_space<vmem_shared>>
      tpu.wait_dma2 semaphore(%run_scoped3A : memref<!tpu.dma_semaphore, #tpu.memory_space<semaphore_mem>>) src(%dma_wait3A_220 : memref<640xf32, #tpu.memory_space<vmem_shared>>) dst(%arg11 : memref<640xf32, #tpu.memory_space<vmem>>)
      tpu.yield
    }) : () -> ()
    %mul3A_205 = arith.constant 10240 : i32
    %mul3A_206 = arith.muli %arg0, %mul3A_205 : i32
    %mul3A_207 = arith.constant 640 : i32
    %mul3A_208 = arith.muli %arg1, %mul3A_207 : i32
    %add3A_209 = arith.addi %mul3A_206, %mul3A_208 : i32
    "tpu.region"() ({
      %run_scoped3A = tpu.sem_alloc : memref<!tpu.dma_semaphore, #tpu.memory_space<semaphore_mem>>
      %dma_start3A_217 = tpu.memref_slice %arg3[%add3A_209] : memref<20480xf32, #tpu.memory_space<hbm>> -> memref<640xf32, #tpu.memory_space<hbm>>
      %dma_start3A_218 = tpu.memref_slice %arg3[%add3A_209] : memref<20480xf32, #tpu.memory_space<hbm>> -> memref<640xf32, #tpu.memory_space<hbm>>
      tpu.enqueue_dma source(%arg11 : memref<640xf32, #tpu.memory_space<vmem>>) target(%dma_start3A_218 : memref<640xf32, #tpu.memory_space<hbm>>) target_semaphore(%run_scoped3A : memref<!tpu.dma_semaphore, #tpu.memory_space<semaphore_mem>>)
      %dma_wait3A_219 = tpu.memref_slice %arg3[%add3A_209] : memref<20480xf32, #tpu.memory_space<hbm>> -> memref<640xf32, #tpu.memory_space<hbm>>
      %dma_wait3A_220 = tpu.memref_slice %arg3[%add3A_209] : memref<20480xf32, #tpu.memory_space<hbm>> -> memref<640xf32, #tpu.memory_space<hbm>>
      tpu.wait_dma2 semaphore(%run_scoped3A : memref<!tpu.dma_semaphore, #tpu.memory_space<semaphore_mem>>) src(%arg11 : memref<640xf32, #tpu.memory_space<vmem>>) dst(%dma_wait3A_220 : memref<640xf32, #tpu.memory_space<hbm>>)
      tpu.yield
    }) : () -> ()
    %mul3A_210 = arith.constant 640 : i32
    %mul3A_211 = arith.muli %arg1, %mul3A_210 : i32
    "tpu.region"() ({
      %run_scoped3A = tpu.sem_alloc : memref<!tpu.dma_semaphore, #tpu.memory_space<semaphore_mem>>
      %dma_start3A_217 = tpu.memref_slice %arg6[%mul3A_211] : memref<10240xf32, #tpu.memory_space<vmem_shared>> -> memref<640xf32, #tpu.memory_space<vmem_shared>>
      %dma_start3A_218 = tpu.memref_slice %arg6[%mul3A_211] : memref<10240xf32, #tpu.memory_space<vmem_shared>> -> memref<640xf32, #tpu.memory_space<vmem_shared>>
      tpu.enqueue_dma source(%dma_start3A_218 : memref<640xf32, #tpu.memory_space<vmem_shared>>) target(%arg11 : memref<640xf32, #tpu.memory_space<vmem>>) target_semaphore(%run_scoped3A : memref<!tpu.dma_semaphore, #tpu.memory_space<semaphore_mem>>)
      %dma_wait3A_219 = tpu.memref_slice %arg6[%mul3A_211] : memref<10240xf32, #tpu.memory_space<vmem_shared>> -> memref<640xf32, #tpu.memory_space<vmem_shared>>
      %dma_wait3A_220 = tpu.memref_slice %arg6[%mul3A_211] : memref<10240xf32, #tpu.memory_space<vmem_shared>> -> memref<640xf32, #tpu.memory_space<vmem_shared>>
      tpu.wait_dma2 semaphore(%run_scoped3A : memref<!tpu.dma_semaphore, #tpu.memory_space<semaphore_mem>>) src(%dma_wait3A_220 : memref<640xf32, #tpu.memory_space<vmem_shared>>) dst(%arg11 : memref<640xf32, #tpu.memory_space<vmem>>)
      tpu.yield
    }) : () -> ()
    %mul3A_212 = arith.constant 10240 : i32
    %mul3A_213 = arith.muli %arg0, %mul3A_212 : i32
    %mul3A_214 = arith.constant 640 : i32
    %mul3A_215 = arith.muli %arg1, %mul3A_214 : i32
    %add3A_216 = arith.addi %mul3A_213, %mul3A_215 : i32
    "tpu.region"() ({
      %run_scoped3A = tpu.sem_alloc : memref<!tpu.dma_semaphore, #tpu.memory_space<semaphore_mem>>
      %dma_start3A_217 = tpu.memref_slice %arg4[%add3A_216] : memref<20480xf32, #tpu.memory_space<hbm>> -> memref<640xf32, #tpu.memory_space<hbm>>
      %dma_start3A_218 = tpu.memref_slice %arg4[%add3A_216] : memref<20480xf32, #tpu.memory_space<hbm>> -> memref<640xf32, #tpu.memory_space<hbm>>
      tpu.enqueue_dma source(%arg11 : memref<640xf32, #tpu.memory_space<vmem>>) target(%dma_start3A_218 : memref<640xf32, #tpu.memory_space<hbm>>) target_semaphore(%run_scoped3A : memref<!tpu.dma_semaphore, #tpu.memory_space<semaphore_mem>>)
      %dma_wait3A_219 = tpu.memref_slice %arg4[%add3A_216] : memref<20480xf32, #tpu.memory_space<hbm>> -> memref<640xf32, #tpu.memory_space<hbm>>
      %dma_wait3A_220 = tpu.memref_slice %arg4[%add3A_216] : memref<20480xf32, #tpu.memory_space<hbm>> -> memref<640xf32, #tpu.memory_space<hbm>>
      tpu.wait_dma2 semaphore(%run_scoped3A : memref<!tpu.dma_semaphore, #tpu.memory_space<semaphore_mem>>) src(%arg11 : memref<640xf32, #tpu.memory_space<vmem>>) dst(%dma_wait3A_220 : memref<640xf32, #tpu.memory_space<hbm>>)
      tpu.yield
    }) : () -> ()
    return
  }
}

module attributes {stable_mosaic.version = 14 : i64} {
  func.func @body(%arg0: i32, %arg1: memref<1000x128xf32, #tpu.memory_space<vmem>>, %arg2: memref<128x128xf32, #tpu.memory_space<vmem>>, %arg3: memref<1000x128xf32, #tpu.memory_space<vmem>>) attributes {dimension_semantics = [#tpu.dimension_semantics<arbitrary>], iteration_bounds = array<i64: 10>, scalar_prefetch = 0 : i64, scratch_operands = 0 : i64, tpu.core_type = #tpu.core_type<tc>, window_params = [{transform_indices = @transform_0, window_bounds = array<i64: 1000, 128>}, {pipeline_mode = #tpu.pipeline_mode<synchronous>, transform_indices = @transform_1, window_bounds = array<i64: 128, 128>}, {transform_indices = @transform_2, window_bounds = array<i64: 1000, 128>}]} {
    %get3A = arith.constant 0 : index
    %get3A_0 = arith.constant 0 : index
    %get3A_1 = vector.load %arg1[%get3A, %get3A_0] : memref<1000x128xf32, #tpu.memory_space<vmem>>, vector<1000x128xf32>
    %get3A_2 = arith.constant 0 : index
    %get3A_3 = arith.constant 0 : index
    %get3A_4 = vector.load %arg2[%get3A_2, %get3A_3] : memref<128x128xf32, #tpu.memory_space<vmem>>, vector<128x128xf32>
    %dot_general3A = arith.constant dense<0.000000e+00> : vector<1000x128xf32>
    %dot_general3A_5 = tpu.matmul %get3A_1, %get3A_4, %dot_general3A {dimension_numbers = #tpu.dot_dimension_numbers<[1], [0], [0], [1], [0, 0, 1, 1], [], []>, transpose_lhs_hint = false} : vector<1000x128xf32>, vector<128x128xf32>, vector<1000x128xf32> -> vector<1000x128xf32>
    %swap3A = arith.constant 0 : index
    %swap3A_6 = arith.constant 0 : index
    %swap3A_7 = vector.load %arg3[%swap3A, %swap3A_6] : memref<1000x128xf32, #tpu.memory_space<vmem>>, vector<1000x128xf32>
    tpu.vector_store %arg3[%swap3A, %swap3A_6], %dot_general3A_5 {strides = array<i32>} : memref<1000x128xf32, #tpu.memory_space<vmem>>, vector<1000x128xf32>,
    return
  }
  func.func @transform_0(%arg0: i32) -> (i32, i32) {
    %c0_i32 = arith.constant 0 : i32
    %c0_i32_0 = arith.constant 0 : i32
    return %arg0, %c0_i32 : i32, i32
  }
  func.func @transform_1(%arg0: i32) -> (i32, i32) {
    %c0_i32 = arith.constant 0 : i32
    %c0_i32_0 = arith.constant 0 : i32
    %c0_i32_1 = arith.constant 0 : i32
    return %c0_i32, %c0_i32_0 : i32, i32
  }
  func.func @transform_2(%arg0: i32) -> (i32, i32) {
    %c0_i32 = arith.constant 0 : i32
    %c0_i32_0 = arith.constant 0 : i32
    return %arg0, %c0_i32 : i32, i32
  }
}

module attributes {stable_mosaic.version = 14 : i64} {
  func.func @body(%arg0: memref<20480xf32, #tpu.memory_space<vmem>>, %arg1: memref<20480xf32, #tpu.memory_space<vmem>>, %arg2: memref<10240x128xf32, #tpu.memory_space<vmem>>, %arg3: memref<10240x128xf32, #tpu.memory_space<vmem>>) attributes {dimension_semantics = [], scalar_prefetch = 0 : i64, scratch_operands = 0 : i64, tpu.core_type = #tpu.core_type<tc>} {
    %get3A = arith.constant 0 : index
    %get3A_0 = vector.load %arg0[%get3A] : memref<20480xf32, #tpu.memory_space<vmem>>, vector<10240xf32>
    %get3A_1 = arith.constant 10240 : index
    %get3A_2 = vector.load %arg0[%get3A_1] : memref<20480xf32, #tpu.memory_space<vmem>>, vector<10240xf32>
    %add3A = arith.addf %get3A_0, %get3A_2 : vector<10240xf32>
    %get3A_3 = arith.constant 0 : index
    %get3A_4 = vector.load %arg1[%get3A_3] : memref<20480xf32, #tpu.memory_space<vmem>>, vector<10240xf32>
    %get3A_5 = arith.constant 10240 : index
    %get3A_6 = vector.load %arg1[%get3A_5] : memref<20480xf32, #tpu.memory_space<vmem>>, vector<10240xf32>
    %add3A_7 = arith.addf %get3A_4, %get3A_6 : vector<10240xf32>
    %max3A = arith.constant 1.000000e+00 : f32
    %max3A_8 = vector.broadcast %max3A : f32 to vector<10240xf32>
    %max3A_9 = arith.maximumf %add3A, %max3A_8 : vector<10240xf32>
    %rsqrt3A = math.rsqrt %max3A_9 : vector<10240xf32>
    %max3A_10 = arith.constant 1.000000e+00 : f32
    %max3A_11 = vector.broadcast %max3A_10 : f32 to vector<10240xf32>
    %max3A_12 = arith.maximumf %add3A_7, %max3A_11 : vector<10240xf32>
    %rsqrt3A_13 = math.rsqrt %max3A_12 : vector<10240xf32>
    %broadcast_in_dim3A = vector.shape_cast %rsqrt3A : vector<10240xf32> to vector<10240x1xf32>
    %broadcast_in_dim3A_14 = vector.shape_cast %broadcast_in_dim3A : vector<10240x1xf32> to vector<10240x1xf32>
    %broadcast_in_dim3A_15 = vector.broadcast %broadcast_in_dim3A_14 : vector<10240x1xf32> to vector<10240x128xf32>
    %swap3A = arith.constant 0 : index
    %swap3A_16 = arith.constant 0 : index
    %swap3A_17 = vector.load %arg2[%swap3A, %swap3A_16] : memref<10240x128xf32, #tpu.memory_space<vmem>>, vector<10240x128xf32>
    tpu.vector_store %arg2[%swap3A, %swap3A_16], %broadcast_in_dim3A_15 {strides = array<i32>} : memref<10240x128xf32, #tpu.memory_space<vmem>>, vector<10240x128xf32>,
    %broadcast_in_dim3A_18 = vector.shape_cast %rsqrt3A_13 : vector<10240xf32> to vector<10240x1xf32>
    %broadcast_in_dim3A_19 = vector.shape_cast %broadcast_in_dim3A_18 : vector<10240x1xf32> to vector<10240x1xf32>
    %broadcast_in_dim3A_20 = vector.broadcast %broadcast_in_dim3A_19 : vector<10240x1xf32> to vector<10240x128xf32>
    %swap3A_21 = arith.constant 0 : index
    %swap3A_22 = arith.constant 0 : index
    %swap3A_23 = vector.load %arg3[%swap3A_21, %swap3A_22] : memref<10240x128xf32, #tpu.memory_space<vmem>>, vector<10240x128xf32>
    tpu.vector_store %arg3[%swap3A_21, %swap3A_22], %broadcast_in_dim3A_20 {strides = array<i32>} : memref<10240x128xf32, #tpu.memory_space<vmem>>, vector<10240x128xf32>,
    return
  }
}

module attributes {stable_mosaic.version = 14 : i64} {
  func.func @body(%arg0: i32, %arg1: memref<1000x128xf32, #tpu.memory_space<vmem>>, %arg2: memref<1000x128xf32, #tpu.memory_space<vmem>>, %arg3: memref<1000x128xf32, #tpu.memory_space<vmem>>) attributes {dimension_semantics = [#tpu.dimension_semantics<arbitrary>], iteration_bounds = array<i64: 10>, scalar_prefetch = 0 : i64, scratch_operands = 0 : i64, tpu.core_type = #tpu.core_type<tc>, window_params = [{transform_indices = @transform_0, window_bounds = array<i64: 1000, 128>}, {transform_indices = @transform_1, window_bounds = array<i64: 1000, 128>}, {transform_indices = @transform_2, window_bounds = array<i64: 1000, 128>}]} {
    %get3A = arith.constant 0 : index
    %get3A_0 = arith.constant 0 : index
    %get3A_1 = vector.load %arg1[%get3A, %get3A_0] : memref<1000x128xf32, #tpu.memory_space<vmem>>, vector<1000x128xf32>
    %get3A_2 = arith.constant 0 : index
    %get3A_3 = arith.constant 0 : index
    %get3A_4 = vector.load %arg2[%get3A_2, %get3A_3] : memref<1000x128xf32, #tpu.memory_space<vmem>>, vector<1000x128xf32>
    %mul3A = arith.mulf %get3A_1, %get3A_4 : vector<1000x128xf32>
    %swap3A = arith.constant 0 : index
    %swap3A_5 = arith.constant 0 : index
    %swap3A_6 = vector.load %arg3[%swap3A, %swap3A_5] : memref<1000x128xf32, #tpu.memory_space<vmem>>, vector<1000x128xf32>
    tpu.vector_store %arg3[%swap3A, %swap3A_5], %mul3A {strides = array<i32>} : memref<1000x128xf32, #tpu.memory_space<vmem>>, vector<1000x128xf32>,
    return
  }
  func.func @transform_0(%arg0: i32) -> (i32, i32) {
    %c0_i32 = arith.constant 0 : i32
    %c0_i32_0 = arith.constant 0 : i32
    return %arg0, %c0_i32 : i32, i32
  }
  func.func @transform_1(%arg0: i32) -> (i32, i32) {
    %c0_i32 = arith.constant 0 : i32
    %c0_i32_0 = arith.constant 0 : i32
    return %arg0, %c0_i32 : i32, i32
  }
  func.func @transform_2(%arg0: i32) -> (i32, i32) {
    %c0_i32 = arith.constant 0 : i32
    %c0_i32_0 = arith.constant 0 : i32
    return %arg0, %c0_i32 : i32, i32
  }
}

module attributes {stable_mosaic.version = 14 : i64} {
  func.func @body(%arg0: i32, %arg1: memref<2x1000x128xf32, #tpu.memory_space<vmem>>, %arg2: memref<1000x128xf32, #tpu.memory_space<vmem>>, %arg3: memref<1x128xf32, #tpu.memory_space<vmem>>, %arg4: memref<1000x128xf32, #tpu.memory_space<vmem>>) attributes {dimension_semantics = [#tpu.dimension_semantics<arbitrary>], iteration_bounds = array<i64: 10>, scalar_prefetch = 0 : i64, scratch_operands = 0 : i64, tpu.core_type = #tpu.core_type<tc>, window_params = [{transform_indices = @transform_0, window_bounds = array<i64: 2, 1000, 128>}, {transform_indices = @transform_1, window_bounds = array<i64: 1000, 128>}, {pipeline_mode = #tpu.pipeline_mode<synchronous>, transform_indices = @transform_2, window_bounds = array<i64: 1, 128>}, {transform_indices = @transform_3, window_bounds = array<i64: 1000, 128>}]} {
    %get3A = arith.constant 0 : index
    %get3A_0 = arith.constant 0 : index
    %get3A_1 = arith.constant 0 : index
    %get3A_2 = vector.load %arg1[%get3A, %get3A_0, %get3A_1] : memref<2x1000x128xf32, #tpu.memory_space<vmem>>, vector<1x1000x128xf32>
    %get3A_3 = vector.shape_cast %get3A_2 : vector<1x1000x128xf32> to vector<1000x128xf32>
    %get3A_4 = arith.constant 1 : index
    %get3A_5 = arith.constant 0 : index
    %get3A_6 = arith.constant 0 : index
    %get3A_7 = vector.load %arg1[%get3A_4, %get3A_5, %get3A_6] : memref<2x1000x128xf32, #tpu.memory_space<vmem>>, vector<1x1000x128xf32>
    %get3A_8 = vector.shape_cast %get3A_7 : vector<1x1000x128xf32> to vector<1000x128xf32>
    %add3A = arith.addf %get3A_3, %get3A_8 : vector<1000x128xf32>
    %get3A_9 = arith.constant 0 : index
    %get3A_10 = arith.constant 0 : index
    %get3A_11 = vector.load %arg2[%get3A_9, %get3A_10] : memref<1000x128xf32, #tpu.memory_space<vmem>>, vector<1000x128xf32>
    %mul3A = arith.mulf %add3A, %get3A_11 : vector<1000x128xf32>
    %get3A_12 = arith.constant 0 : index
    %get3A_13 = arith.constant 0 : index
    %get3A_14 = vector.load %arg3[%get3A_12, %get3A_13] : memref<1x128xf32, #tpu.memory_space<vmem>>, vector<1x128xf32>
    %add3A_15 = vector.broadcast %get3A_14 : vector<1x128xf32> to vector<1000x128xf32>
    %add3A_16 = arith.addf %mul3A, %add3A_15 : vector<1000x128xf32>
    %swap3A = arith.constant 0 : index
    %swap3A_17 = arith.constant 0 : index
    %swap3A_18 = vector.load %arg4[%swap3A, %swap3A_17] : memref<1000x128xf32, #tpu.memory_space<vmem>>, vector<1000x128xf32>
    tpu.vector_store %arg4[%swap3A, %swap3A_17], %add3A_16 {strides = array<i32>} : memref<1000x128xf32, #tpu.memory_space<vmem>>, vector<1000x128xf32>,
    return
  }
  func.func @transform_0(%arg0: i32) -> (i32, i32, i32) {
    %c0_i32 = arith.constant 0 : i32
    %c0_i32_0 = arith.constant 0 : i32
    %c0_i32_1 = arith.constant 0 : i32
    return %c0_i32, %arg0, %c0_i32_0 : i32, i32, i32
  }
  func.func @transform_1(%arg0: i32) -> (i32, i32) {
    %c0_i32 = arith.constant 0 : i32
    %c0_i32_0 = arith.constant 0 : i32
    return %arg0, %c0_i32 : i32, i32
  }
  func.func @transform_2(%arg0: i32) -> (i32, i32) {
    %c0_i32 = arith.constant 0 : i32
    %c0_i32_0 = arith.constant 0 : i32
    %c0_i32_1 = arith.constant 0 : i32
    return %c0_i32, %c0_i32_0 : i32, i32
  }
  func.func @transform_3(%arg0: i32) -> (i32, i32) {
    %c0_i32 = arith.constant 0 : i32
    %c0_i32_0 = arith.constant 0 : i32
    return %arg0, %c0_i32 : i32, i32
  }
}

</mosaic_0001>

<sc_bundles>
// kernel: kernel.11.cloned.1.call-start
scs
__scs_entry_jumppad:
0x0: {  	(pc) =	sbr.rel $0x88, $3  }
0x1: {  	(tag) =	ssettag $0x0;
	lr =	simm.s32 $0x1  }
0x2: {  	[smem:$0x3F9C] =	sst lr;
	_ =	strace $0xD0000000  }
0x3: {  	_ = 	snop  }
0x4: {  	_ = 	snop  }
0x5: {  	_ = 	snop  }
0x6: {  	_ = 	snop  }
0x7: {  	_ = 	snop  }
__scs_overlays_trampoline_lowered:
0x8: {  	[smem:$0x3FAB] =	sst s0  }
0x9: {  	[smem:$0x3FAC] =	sst s1  }
0xa: {  	[smem:$0x3FAD] =	sst s2  }
0xb: {  	[smem:$0x3FAE] =	sst s3  }
0xc: {  	[smem:$0x3FAF] =	sst s4  }
0xd: {  	[smem:$0x3FB0] =	sst s5  }
0xe: {  	[smem:$0x3FB1] =	sst s6  }
0xf: {  	[smem:$0x3FB2] =	sst s7  }
0x10: {  	[smem:$0x3FB3] =	sst s8  }
0x11: {  	[smem:$0x3FB4] =	sst s9;
	s0 =	simm.s32 @!p0 $0x0  }
0x12: {  	s1 =	sld [smem:$0x3F9A];
	s0 =	simm.s32 @p0 $0x1  }
0x13: {  	[smem:$0x3FB5] =	sst s0;
	s0 =	simm.s32 @!p1 $0x0  }
0x14: {  	s2 =	sld [smem:$0x3F99];
	s0 =	simm.s32 @p1 $0x1  }
0x15: {  	[smem:$0x3FB6] =	sst s0;
	s0 =	simm.s32 @!p2 $0x0  }
0x16: {  	s3 =	sld [smem:$0x3FDB];
	s0 =	simm.s32 @p2 $0x1  }
0x17: {  	s4 =	simm.s32 $0x1BF5;
	[smem:$0x3FB8] =	sst s0  }
0x18: {  	s0 =	sld [smem:$0x3F9B];
	_ =	swait.ge [sflag:s4], $0x0  }
0x19: {  	s7 =	sld [smem:$0x3F9C]  }
0x1a: {  	s8 =	sadd.s32 $0xFFFFE003, lr  }
0x1b: {  	s9 =	sadd.s32 $0xFFFFFEF7, lr;
	s5 =	simm.s32 $0xFFFFFFFF;
	p2 =	slt.u32 s8, $0xFFFFF086  }
0x1c: {  	p1 =	slt.u32 s9, $0xF7A;
	s5 =	simm.s32 @!p2 $0x0  }
0x1d: {  	s5 =	simm.s32 @p1 $0x1;
	p0 =	seq.s32 s7, s2  }
0x1e: {  	s7 =	smul.u32 @!p0 $0xF7A, s2;
	p2 =	seq.s32 @!p0 s5, $0x0  }
0x1f: {  	s9 =	smul.u32 $0xF7A, s1;
	s8 =	simm.s32 @!p0 $0x1BF5;
	p2 =	por !p2, p0  }
0x20: {  	[sflag:s8] =	ssyncset.s32 @!p0 $0xFFFFF086;
	s6 =	sadd.s32 @!p0 s3, s7;
	s7 =	simm.s32 @!p0 $0x108  }
0x21: {  	s3 =	sadd.s32 s3, s9;
	s6 =	sadd.s32 @!p0 $0x88, s6;
	s7 =	simm.s32 @p2 $0x1082  }
0x22: {  	[simem:s7], [sflag:s8] =	dma.local @!p0 [hbm:s6], $0xF7A  }
0x23: {  	s9 =	sor.u32 $0xD0000000, s2;
	s6 =	simm.s32 $0x108;
	_ =	swait.ge @!p0 [sflag:s8], $0x0  }
0x24: {  	s3 =	sadd.s32 $0x88, s3;
	s6 =	simm.s32 @!p1 $0x1082;
	[sflag:s4] =	ssyncset.s32 $0xFFFFF086  }
0x25: {  	[simem:s6], [sflag:s4] =	dma.local [hbm:s3], $0xF7A  }
0x26: {  	[smem:$0x3F9C] =	sst s1;
	(tag) =	ssettag s2;
	_ =	strace s9  }
0x27: {  	s1 =	sld [smem:$0x3FAC]  }
0x28: {  	s2 =	sld [smem:$0x3FAD]  }
0x29: {  	s4 =	sld [smem:$0x3FAF]  }
0x2a: {  	p0 =	seq.s32 s5, $0x0;
	s5 =	sld [smem:$0x3FB0]  }
0x2b: {  	s6 =	sld [smem:$0x3FB1]  }
0x2c: {  	s7 =	sld [smem:$0x3FB2]  }
0x2d: {  	s3 =	simm.s32 $0x108;
	s8 =	sld [smem:$0x3FB3]  }
0x2e: {  	s3 =	simm.s32 @!p0 $0x1082;
	s9 =	sld [smem:$0x3FB4]  }
0x2f: {  	lr =	sadd.s32 s0, s3;
	s0 =	sld [smem:$0x3FAB]  }
0x30: {  	s3 =	sld [smem:$0x3FAE]  }
0x31: {  	[smem:$0x3FB7] =	sst s10  }
0x32: {  	s10 =	sld [smem:$0x3FB5];
	_ =	sdelay $0x3  }
0x33: {  	p0 =	seq.s32 s10, $0x1;
	s10 =	sld [smem:$0x3FB7];
	_ =	sdelay $0x3  }
0x34: {  	[smem:$0x3FB7] =	sst s10  }
0x35: {  	s10 =	sld [smem:$0x3FB6];
	_ =	sdelay $0x3  }
0x36: {  	p1 =	seq.s32 s10, $0x1;
	s10 =	sld [smem:$0x3FB7];
	_ =	sdelay $0x3  }
0x37: {  	[smem:$0x3FB7] =	sst s10  }
0x38: {  	s10 =	sld [smem:$0x3FB8]  }
0x39: {  	_ = 	snop;
	(pc) =	sbr.ind lr, $3  }
0x3a: {  	_ = 	snop  }
0x3b: {  	_ = 	snop  }
0x3c: {  	p2 =	seq.s32 s10, $0x1;
	s10 =	sld [smem:$0x3FB7]  }
0x3d: {  	_ =	shalt  }
0x3e: {  	_ =	shalt  }
0x3f: {  	_ =	shalt  }
0x40: {  	_ =	shalt  }
0x41: {  	_ =	shalt  }
0x42: {  	_ =	shalt  }
0x43: {  	_ =	shalt  }
0x44: {  	_ =	shalt  }
0x45: {  	_ =	shalt  }
0x46: {  	_ =	shalt  }
0x47: {  	_ =	shalt  }
0x48: {  	_ =	shalt  }
0x49: {  	_ =	shalt  }
0x4a: {  	_ =	shalt  }
0x4b: {  	_ =	shalt  }
0x4c: {  	_ =	shalt  }
0x4d: {  	_ =	shalt  }
0x4e: {  	_ =	shalt  }
0x4f: {  	_ =	shalt  }
0x50: {  	_ =	shalt  }
0x51: {  	_ =	shalt  }
0x52: {  	_ =	shalt  }
0x53: {  	_ =	shalt  }
0x54: {  	_ =	shalt  }
0x55: {  	_ =	shalt  }
0x56: {  	_ =	shalt  }
0x57: {  	_ =	shalt  }
0x58: {  	_ =	shalt  }
0x59: {  	_ =	shalt  }
0x5a: {  	_ =	shalt  }
0x5b: {  	_ =	shalt  }
0x5c: {  	_ =	shalt  }
0x5d: {  	_ =	shalt  }
0x5e: {  	_ =	shalt  }
0x5f: {  	_ =	shalt  }
0x60: {  	_ =	shalt  }
0x61: {  	_ =	shalt  }
0x62: {  	_ =	shalt  }
0x63: {  	_ =	shalt  }
0x64: {  	_ =	shalt  }
0x65: {  	_ =	shalt  }
0x66: {  	_ =	shalt  }
0x67: {  	_ =	shalt  }
0x68: {  	_ =	shalt  }
0x69: {  	_ =	shalt  }
0x6a: {  	_ =	shalt  }
0x6b: {  	_ =	shalt  }
0x6c: {  	_ =	shalt  }
0x6d: {  	_ =	shalt  }
0x6e: {  	_ =	shalt  }
0x6f: {  	_ =	shalt  }
0x70: {  	_ =	shalt  }
0x71: {  	_ =	shalt  }
0x72: {  	_ =	shalt  }
0x73: {  	_ =	shalt  }
0x74: {  	_ =	shalt  }
0x75: {  	_ =	shalt  }
0x76: {  	_ =	shalt  }
0x77: {  	_ =	shalt  }
0x78: {  	_ =	shalt  }
0x79: {  	_ =	shalt  }
0x7a: {  	_ =	shalt  }
0x7b: {  	_ =	shalt  }
0x7c: {  	_ =	shalt  }
0x7d: {  	_ =	shalt  }
0x7e: {  	_ =	shalt  }
0x7f: {  	_ =	shalt  }
0x80: {  	_ =	shalt  }
0x81: {  	_ =	shalt  }
0x82: {  	_ =	shalt  }
0x83: {  	_ =	shalt  }
0x84: {  	_ =	shalt  }
0x85: {  	_ =	shalt  }
0x86: {  	_ =	shalt  }
0x87: {  	_ =	shalt  }
.Lfunc_end0:
.L_simem_size_0:
called_computation.1_lowered:
.L_overlay_start_0:
0x88: {  	s2 =	sld [smem:$0x3FD9]  }
0x89: {  	s3 =	sld [smem:$0x3FFE];
	_ =	sdelay $0x1  }
0x8a: {  	s1 =	srdreg.scid  }
0x8b: {  	s0 =	sand.u32 $0x1, s1  }
0x8c: {  	s17 =	sshll.u32 s0, $0xA;
	s2 =	sadd.s32 s3, s2  }
0x8d: {  	s2 =	sadd.s32 s2, s17  }
0x8e: {  	[smem:$0x3FC3] =	sst s2  }
0x8f: {  	_ = 	snop  }
0x90: {  	s2 =	sld [smem:$0x3FC7]  }
0x91: {  	s18 =	sld [smem:$0x3FD0];
	(tm) =	ssettm $0x1  }
0x92: {  	s4 =	sld [smem:$0x3FFB];
	_ =	sdelay $0x3  }
0x93: {  	_ =	strace s4  }
0x94: {  	s4 =	sld [smem:$0x3FFC];
	_ =	sdelay $0x3  }
0x95: {  	_ =	strace s4  }
0x96: {  	s4 =	sld [smem:$0x3FFD];
	_ =	sdelay $0x3  }
0x97: {  	_ =	strace s4  }
0x98: {  	_ =	strace $0x8FFFFFFF  }
0x99: {  	s19 =	sld [smem:$0x3FDB];
	_ =	sdelay $0x1  }
0x9a: {  	s5 =	simm.s32 $_scs_section_size  }
0x9b: {  	s6 =	simm.s32 $_size__tile_overlayer_lowered;
	s7 =	simm.s32 $_tile_overlayer_lowered  }
0x9c: {  	s22 =	simm.s32 $0x1BFF;
	s21 =	sshll.u32 s7, $0x1;
	s4 =	sadd.s32 s5, s19  }
0x9d: {  	s8 =	simm.s32 $0x0;
	s20 =	sshll.u32 s6, $0x1;
	s6 =	sadd.s32 s21, s4  }
0x9e: {  	[timem:s8], [sflag:s22] =	dma.local [hbm:s6], s20  }
0x9f: {  	_ =	swait.ge [sflag:s22], s20  }
0xa0: {  	s5 =	ssub.s32 $0x0, s20;
	[sflag:s22] =	ssyncset.done $0x0  }
0xa1: {  	[sflag:s22] =	ssyncadd.s32 s5;
	_ =	sdelay $0x1  }
0xa2: {  	s23 =	simm.s32 $0x1B8B  }
0xa3: {  	_ =	swait.ge [sflag:s23], $0x1  }
0xa4: {  	[sflag:s23] =	ssyncset.done $0x0  }
0xa5: {  	s25 =	simm.s32 $0x1B8E;
	s24 =	sld [smem:$0x3FFE];
	[sflag:s23] =	ssyncadd.s32 $0xFFFFFFFF  }
0xa6: {  	s26 =	simm.s32 $execute0_lowered;
	[smem:$0x3FD2] =	sst s25  }
0xa7: {  	s6 =	sshll.u32 s26, $0x1;
	_ =	strace $0x80000049;
	[dreg:$0x1] =	wrdreg $0xFFFFFFFF  }
0xa8: {  	s28 =	simm.s32 $_size_execute0_lowered;
	s4 =	sadd.s32 s4, s6;
	[dreg:$0x0] =	wrdreg $0x0  }
0xa9: {  	s6 =	sshll.u32 s28, $0x1;
	[dreg:$0x2] =	wrdreg s4  }
0xaa: {  	[dreg:$0x3] =	wrdreg s6  }
0xab: {  	[dreg:$0x4] =	wrdreg $0xC0  }
0xac: {  	_ =	task [dreg:s8], $0x5FFFF  }
0xad: {  	[dreg:$0x1] =	wrdreg $0xFFFFFFFF  }
0xae: {  	[dreg:$0x0] =	wrdreg $0x60  }
0xaf: {  	[dreg:$0x2] =	wrdreg s18  }
0xb0: {  	[dreg:$0x3] =	wrdreg s24  }
0xb1: {  	[dreg:$0x4] =	wrdreg s2  }
0xb2: {  	[dreg:$0x5] =	wrdreg $0x0  }
0xb3: {  	[dreg:$0x6] =	wrdreg $0x9  }
0xb4: {  	_ =	task.clear_ibuf [dreg:s8], $0x7FFFF;
	_ =	strace $0x90000049  }
0xb5: {  	s29 =	simm.s32 $0x9;
	_ =	strace $0x8000004B  }
0xb6: {  	_ =	swait.ge [sflag:s29], $0x1  }
0xb7: {  	[sflag:s29] =	ssyncadd.s32 $0xFFFFFFFF  }
0xb8: {  	_ =	strace $0x9000004B  }
0xb9: {  	_ =	sfence  }
0xba: {  	s30 =	sld [smem:$0x0];
	_ =	sdelay $0x2  }
0xbb: {  	s31 =	sshll.u32 s1, $0xD;
	s1 =	sshrl.u32 s1, $0x2  }
0xbc: {  	s3 =	sand.u32 $0x4000, s31;
	s1 =	sadd.s32 s1, s30  }
0xbd: {  	s0 =	sor.u32 s3, s0;
	s1 =	sshll.u32 s1, $0x11  }
0xbe: {  	s0 =	sor.u32 s1, s0  }
0xbf: {  	s0 =	sadd.s32 $0x8F2B, s0  }
0xc0: {  	[sflag:s0] =	ssyncadd.remote.s32 $0x1  }
0xc1: {  	_ =	sfence.sel $0xFFFF  }
0xc2: {  	[dreg:$0x0] =	wrdreg $0xFFFFFFFF;
	(pc) =	sbr.abs _section_cstart, $3  }
0xc3: {  	[dreg:$0x1] =	wrdreg $0xFFFFFFFF  }
0xc4: {  	_ =	task.clear_ibuf [dreg:s8], $0x2FFFF;
	_ =	strace $0x9FFFFFFF  }
0xc5: {  	(tm) =	ssettm $0x7FFFFFFF  }
tec
execute0_lowered:
.L_overlay_start_1:
0x0: {  	(tag) =	ssettag $0x1  }
0x1: {  	s1 =	rddreg [dreg:$0x0]  }
0x2: {  	s0 =	rddreg [dreg:$0x1]  }
0x3: {  	s2 =	rddreg [dreg:$0x2]  }
0x4: {  	s3 =	rddreg [dreg:$0x3];
	s5 =	simm.s32 $0x0;
	s4 =	srdreg.scid  }
0x5: {  	s11 =	stileid.u32;
	s28 =	simm.s32 $0x1BC80;
	s29 =	simm.s32 $0x1  }
0x6: {  	s30 =	simm.s32 $0x50;
	s31 =	simm.s32 $0x3;
	[smem:$0x7FF] =	sst s5  }
0x7: {  	s4 =	sand.u32 $0x1, s4;
	s6 =	sadd.s32 $0x2200, s0;
	s8 =	smul.u32 $0x50000, s11  }
0x8: {  	s0 =	sadd.s32 $0x15C00, s0;
	s10 =	sshll.u32 s11, $0x1;
	s11 =	smul.u32 $0x14000, s11  }
0x9: {  	_ =	strace $0x8000004A;
	s7 =	ssub.s32 $0x2, s4;
	s10 =	sor.u32 s4, s10  }
0xa: {  	s4 =	smul.u32 $0x140000, s4;
	s9 =	sshrl.u32 s7, $0x1;
	s8 =	sshrl.u32 s8, $0x2  }
0xb: {  	s13 =	sadd.s32 $0x5000, s11;
	s16 =	sadd.s32 $0xA000, s11;
	s17 =	sadd.s32 $0xF000, s11  }
0xc: {  	s9 =	ssub.s32 s7, s9;
	s7 =	smul.u32 $0x2710, s10;
	s8 =	sadd.s32 s8, s3  }
0xd: {  	s10 =	sadd.s32 s13, s3;
	s11 =	sadd.s32 s11, s4;
	s13 =	sadd.s32 s4, s13  }
0xe: {  	s19 =	sadd.s32 $0x2800, s8;
	s12 =	sadd.s32 $0x7800, s8;
	s14 =	sadd.s32 $0xC800, s8  }
0xf: {  	s11 =	sshrl.u32 s11, $0x3;
	s24 =	sshrl.u32 s13, $0x3;
	[dreg:$0x5] =	wrdreg s19  }
0x10: {  	s13 =	simm.s32 $0x0;
	[dreg:$0x6] =	wrdreg s12;
	s12 =	sadd.s32 s16, s3  }
0x11: {  	s18 =	sshrl.u32 s7, $0x3;
	[dreg:$0x7] =	wrdreg s14;
	s14 =	sadd.s32 s17, s3  }
0x12: {  	s19 =	sadd.s32 $0x11800, s8;
	s16 =	sadd.s32 s4, s16;
	s4 =	sadd.s32 s4, s17  }
0x13: {  	s11 =	sadd.s32 s0, s11;
	s15 =	sadd.s32 s6, s18;
	[dreg:$0x8] =	wrdreg s19  }
0x14: {  	s21 =	sadd.s32 s2, s18;
	s22 =	sadd.s32 $0xA, s18;
	[dreg:$0xb] =	wrdreg s11  }
0x15: {  	v0 =	vimm.f32 $0.0e+00;
	v1 =	vimm.s32 $0x0;
	s25 =	sshrl.u32 s16, $0x3;
	s11 =	sadd.s32 s0, s24;
	[dreg:$0xa] =	wrdreg s21  }
0x16: {  	v2 =	vimm.s32 $0x1;
	v3 =	vimm.s32 $0x2;
	v4 =	vimm.s32 $0x3;
	s4 =	sshrl.u32 s4, $0x3;
	s20 =	sadd.s32 $0x9C40, s15;
	[dreg:$0xc] =	wrdreg s11  }
0x17: {  	v5 =	vimm.s32 $0x4;
	v6 =	vimm.s32 $0x5;
	v7 =	vimm.s32 $0x6;
	s26 =	sadd.s32 s0, s25;
	s0 =	sadd.s32 s0, s4;
	s23 =	sadd.s32 s6, s22  }
0x18: {  	v8 =	vimm.s32 $0x7;
	v9 =	vimm.s32 $0x8;
	v10 =	vimm.s32 $0x9;
	s24 =	sadd.s32 s2, s22;
	s25 =	smax.u32 s9, $0x1;
	[dreg:$0x9] =	wrdreg s20  }
0x19: {  	v11 =	vimm.s32 $0xA;
	v12 =	vimm.s32 $0xB;
	v13 =	vimm.s32 $0xC;
	s9 =	simm.s32 $0x2;
	s11 =	simm.s32 $0x4;
	[dreg:$0xd] =	wrdreg s26  }
0x1a: {  	v14 =	vimm.s32 $0xD;
	v15 =	vimm.s32 $0xE;
	v16 =	vimm.s32 $0xF;
	[dreg:$0xe] =	wrdreg s0;
	s26 =	sadd.s32 $0x9C4A, s15;
	s0 =	simm.s32 $0x14000  }
.LBB2_1:
0x1b: {  	s4 =	simm.s32 $0x0;
	s16 =	simm.s32 $0x200  }
.LBB2_2:
0x1c: {  	p0 =	sne.s32 s16, $0x9E00;
	[tilespmem:s4+$0x1BCF0] =	vst v0  }
0x1d: {  	[tilespmem:s4+$0x1BC80] =	vst v0  }
0x1e: {  	[tilespmem:s4+$0x1BC90] =	vst v0  }
.Ltmp0:
0x1f: {  	[tilespmem:s4+$0x1BCA0] =	vst v0;
	(pc) =	sbr.rel @p0 .LBB2_2-.Ltmp0, $4  }
0x20: {  	[tilespmem:s4+$0x1BCB0] =	vst v0  }
0x21: {  	[tilespmem:s4+$0x1BCC0] =	vst v0  }
0x22: {  	[tilespmem:s4+$0x1BCD0] =	vst v0  }
0x23: {  	[tilespmem:s4+$0x1BCE0] =	vst v0;
	s4 =	sshra.s32 s16, $0x2;
	s16 =	sadd.s32 $0x200, s16  }
0x24: {  	[tilespmem:s4+$0x1BCF0] =	vst v0  }
0x25: {  	[tilespmem:s4+$0x1BC80] =	vst v0  }
0x26: {  	[tilespmem:s4+$0x1BC90] =	vst v0  }
0x27: {  	[tilespmem:s4+$0x1BCA0] =	vst v0  }
0x28: {  	[tilespmem:s4+$0x1BCB0] =	vst v0  }
0x29: {  	[tilespmem:s4+$0x1BCC0] =	vst v0  }
0x2a: {  	[tilespmem:s4+$0x1BCD0] =	vst v0  }
0x2b: {  	[tilespmem:s4+$0x1BCE0] =	vst v0  }
0x2c: {  	[tilespmem:$0x1B800] =	vst v1  }
0x2d: {  	[tilespmem:$0x1B980] =	vst v1  }
0x2e: {  	[tilespmem:$0x1B810] =	vst v1  }
0x2f: {  	[tilespmem:$0x1B990] =	vst v1  }
0x30: {  	[tilespmem:$0x1B820] =	vst v1  }
0x31: {  	[tilespmem:$0x1B9A0] =	vst v1  }
0x32: {  	[tilespmem:$0x1B830] =	vst v1  }
0x33: {  	[tilespmem:$0x1B9B0] =	vst v1  }
0x34: {  	[tilespmem:$0x1B840] =	vst v1  }
0x35: {  	[tilespmem:$0x1B9C0] =	vst v1  }
0x36: {  	[tilespmem:$0x1B850] =	vst v1  }
0x37: {  	[tilespmem:$0x1B9D0] =	vst v1  }
0x38: {  	[tilespmem:$0x1B860] =	vst v1  }
0x39: {  	[tilespmem:$0x1B9E0] =	vst v1  }
0x3a: {  	[tilespmem:$0x1B870] =	vst v1  }
0x3b: {  	[tilespmem:$0x1B9F0] =	vst v1  }
0x3c: {  	[tilespmem:$0x1B880] =	vst v1  }
0x3d: {  	[tilespmem:$0x1BA00] =	vst v1  }
0x3e: {  	[tilespmem:$0x1B890] =	vst v1  }
0x3f: {  	[tilespmem:$0x1BA10] =	vst v1  }
0x40: {  	[tilespmem:$0x1B8A0] =	vst v1  }
0x41: {  	[tilespmem:$0x1BA20] =	vst v1  }
0x42: {  	[tilespmem:$0x1B8B0] =	vst v1  }
0x43: {  	[tilespmem:$0x1BA30] =	vst v1  }
0x44: {  	[tilespmem:$0x1B8C0] =	vst v1  }
0x45: {  	[tilespmem:$0x1BA40] =	vst v1  }
0x46: {  	[tilespmem:$0x1B8D0] =	vst v1  }
0x47: {  	[tilespmem:$0x1BA50] =	vst v1  }
0x48: {  	[tilespmem:$0x1B8E0] =	vst v1  }
0x49: {  	[tilespmem:$0x1BA60] =	vst v1  }
0x4a: {  	[tilespmem:$0x1B8F0] =	vst v1  }
0x4b: {  	[tilespmem:$0x1BA70] =	vst v1  }
0x4c: {  	[tilespmem:$0x1B900] =	vst v1  }
0x4d: {  	[tilespmem:$0x1BA80] =	vst v1  }
0x4e: {  	[tilespmem:$0x1B910] =	vst v1  }
0x4f: {  	[tilespmem:$0x1BA90] =	vst v1  }
0x50: {  	[tilespmem:$0x1B920] =	vst v1  }
0x51: {  	[tilespmem:$0x1BAA0] =	vst v1  }
0x52: {  	[tilespmem:$0x1B930] =	vst v1  }
0x53: {  	[tilespmem:$0x1BAB0] =	vst v1  }
0x54: {  	[spmem:s8] =	stream.linear.scatter [tilespmem:s28], [sflag:$0x1], $0x2800, $0x38;
	[tilespmem:$0x1E480] =	vst v63  }
0x55: {  	s16 =	rddreg [dreg:$0x5]  }
0x56: {  	[spmem:s16] =	stream.linear.scatter [tilespmem:s28], [sflag:$0x1], $0x2800, $0x38;
	[tilespmem:$0x1E480] =	vst v63  }
0x57: {  	_ = 	snop  }
0x58: {  	[spmem:s10] =	stream.linear.scatter [tilespmem:s28], [sflag:$0x1], $0x2800, $0x38;
	[tilespmem:$0x1E480] =	vst v63  }
0x59: {  	s17 =	rddreg [dreg:$0x6]  }
0x5a: {  	[spmem:s17] =	stream.linear.scatter [tilespmem:s28], [sflag:$0x1], $0x2800, $0x38;
	[tilespmem:$0x1E480] =	vst v63  }
0x5b: {  	_ = 	snop  }
0x5c: {  	[spmem:s12] =	stream.linear.scatter [tilespmem:s28], [sflag:$0x1], $0x2800, $0x38;
	[tilespmem:$0x1E480] =	vst v63  }
0x5d: {  	s18 =	rddreg [dreg:$0x7]  }
0x5e: {  	[spmem:s18] =	stream.linear.scatter [tilespmem:s28], [sflag:$0x1], $0x2800, $0x38;
	[tilespmem:$0x1E480] =	vst v63  }
0x5f: {  	_ = 	snop  }
0x60: {  	[spmem:s14] =	stream.linear.scatter [tilespmem:s28], [sflag:$0x1], $0x2800, $0x38;
	[tilespmem:$0x1E480] =	vst v63  }
0x61: {  	s19 =	rddreg [dreg:$0x8]  }
0x62: {  	[spmem:s19] =	stream.linear.scatter [tilespmem:s28], [sflag:$0x1], $0x2800, $0x38;
	[tilespmem:$0x1E480] =	vst v63  }
0x63: {  	_ =	swait.ge [sflag:s29], $0x2800  }
0x64: {  	[sflag:s29] =	ssyncset.done $0x0  }
0x65: {  	[sflag:s29] =	ssyncadd.s32 $0xFFFFD800  }
0x66: {  	_ =	swait.ge [sflag:s29], $0x2800  }
0x67: {  	[sflag:s29] =	ssyncset.done $0x0  }
0x68: {  	[sflag:s29] =	ssyncadd.s32 $0xFFFFD800  }
0x69: {  	_ =	swait.ge [sflag:s29], $0x2800  }
0x6a: {  	[sflag:s29] =	ssyncset.done $0x0  }
0x6b: {  	[sflag:s29] =	ssyncadd.s32 $0xFFFFD800  }
0x6c: {  	_ =	swait.ge [sflag:s29], $0x2800  }
0x6d: {  	[sflag:s29] =	ssyncset.done $0x0  }
0x6e: {  	[sflag:s29] =	ssyncadd.s32 $0xFFFFD800  }
0x6f: {  	_ =	swait.ge [sflag:s29], $0x2800  }
0x70: {  	[sflag:s29] =	ssyncset.done $0x0  }
0x71: {  	[sflag:s29] =	ssyncadd.s32 $0xFFFFD800  }
0x72: {  	_ =	swait.ge [sflag:s29], $0x2800  }
0x73: {  	[sflag:s29] =	ssyncset.done $0x0  }
0x74: {  	[sflag:s29] =	ssyncadd.s32 $0xFFFFD800  }
0x75: {  	_ =	swait.ge [sflag:s29], $0x2800  }
0x76: {  	[sflag:s29] =	ssyncset.done $0x0  }
0x77: {  	[sflag:s29] =	ssyncadd.s32 $0xFFFFD800  }
0x78: {  	_ =	swait.ge [sflag:s29], $0x2800  }
0x79: {  	[sflag:s29] =	ssyncset.done $0x0  }
0x7a: {  	[sflag:s29] =	ssyncadd.s32 $0xFFFFD800  }
0x7b: {  	s20 =	simm.s32 $0x1BA20;
	[bflag:$0x0] =	sbarrier.arrive $0xFFFF  }
0x7c: {  	[spmem:s3] =	stream.indirect.scatter.add.f32 [tilespmem:s28], [sflag:$0x3], $0x80, s20, s30, $0xb8;
	[tilespmem:$0x1E480] =	vst v63  }
0x7d: {  	s21 =	simm.s32 $0x1BA70  }
0x7e: {  	[spmem:s3] =	stream.indirect.scatter.add.f32 [tilespmem:s28], [sflag:$0x3], $0x80, s21, s30, $0xb8;
	[tilespmem:$0x1E480] =	vst v63  }
0x7f: {  	s16 =	simm.s32 $0x0;
	s17 =	simm.s32 $0x1B800  }
0x80: {  	[tilespmem:s17], [sflag:$0x1] =	stream.linear.gather [hbm4b:s15+s16], $0x50, $0x38;
	[tilespmem:$0x1E480] =	vst v63  }
0x81: {  	s18 =	simm.s32 $0x1B980;
	s22 =	rddreg [dreg:$0x9]  }
0x82: {  	[tilespmem:s18], [sflag:$0x1] =	stream.linear.gather [hbm4b:s22+s16], $0x50, $0x38;
	[tilespmem:$0x1E480] =	vst v63  }
0x83: {  	s19 =	simm.s32 $0x1BB00;
	s18 =	rddreg [dreg:$0xa]  }
0x84: {  	[tilespmem:s19], [sflag:$0x1] =	stream.linear.gather [hbm4b:s18+s16], $0x50, $0x38;
	[tilespmem:$0x1E480] =	vst v63  }
0x85: {  	s20 =	simm.s32 $0x1B850  }
0x86: {  	[tilespmem:s20], [sflag:$0x1] =	stream.linear.gather [hbm4b:s23+s16], $0x50, $0x38;
	[tilespmem:$0x1E480] =	vst v63  }
0x87: {  	s21 =	simm.s32 $0x1B9D0  }
0x88: {  	[tilespmem:s21], [sflag:$0x1] =	stream.linear.gather [hbm4b:s26+s16], $0x50, $0x38;
	[tilespmem:$0x1E480] =	vst v63  }
0x89: {  	s22 =	simm.s32 $0x1BB50  }
0x8a: {  	[tilespmem:s22], [sflag:$0x1] =	stream.linear.gather [hbm4b:s24+s16], $0x50, $0x38;
	[tilespmem:$0x1E480] =	vst v63  }
0x8b: {  	_ =	swait.ge [sflag:s29], $0x50  }
0x8c: {  	[sflag:s29] =	ssyncset.done $0x0  }
0x8d: {  	[sflag:s29] =	ssyncadd.s32 $0xFFFFFFB0  }
0x8e: {  	_ =	swait.ge [sflag:s29], $0x50  }
0x8f: {  	[sflag:s29] =	ssyncset.done $0x0  }
0x90: {  	[sflag:s29] =	ssyncadd.s32 $0xFFFFFFB0  }
0x91: {  	_ =	swait.ge [sflag:s29], $0x50  }
0x92: {  	[sflag:s29] =	ssyncset.done $0x0  }
0x93: {  	[sflag:s29] =	ssyncadd.s32 $0xFFFFFFB0  }
0x94: {  	[tilespmem:s0], [sflag:$0x2] =	stream.indirect.gather [hbm4b:s1+s30], $0x80, s17, s30, $0xb8;
	[tilespmem:$0x1E480] =	vst v63  }
0x95: {  	s17 =	simm.s32 $0x0  }
.LBB2_4:
0x96: {  	s18 =	smul.u32 $0xAB, s17  }
0x97: {  	_ =	swait.ge [sflag:s31], $0x2800  }
0x98: {  	s4 =	smov.u32 s17;
	[sflag:s31] =	ssyncset.done $0x0;
	s17 =	sadd.s32 $0xAB, s18  }
0x99: {  	[sflag:s31] =	ssyncadd.s32 $0xFFFFD800;
	s17 =	sshrl.u32 s17, $0x9  }
0x9a: {  	_ =	swait.ge [sflag:s29], $0x50;
	s17 =	sand.u32 $0x7F, s17  }
0x9b: {  	[sflag:s29] =	ssyncset.done $0x0;
	s19 =	smul.u32 $0x3, s17  }
0x9c: {  	s17 =	sadd.s32 $0x1, s4;
	[sflag:s29] =	ssyncadd.s32 $0xFFFFFFB0  }
0x9d: {  	_ =	swait.ge [sflag:s29], $0x50;
	s20 =	sand.u32 $0x3, s17;
	s19 =	ssub.s32 s17, s19  }
0x9e: {  	[sflag:s29] =	ssyncset.done $0x0;
	s20 =	smul.u32 $0x140, s20;
	s19 =	sand.u32 $0xFF, s19  }
0x9f: {  	s22 =	sadd.s32 $0x2, s4;
	[sflag:s29] =	ssyncadd.s32 $0xFFFFFFB0;
	s19 =	smul.u32 $0xA000, s19  }
0xa0: {  	s21 =	smin.u32 s22, $0x7C;
	_ =	swait.ge [sflag:s29], $0x50  }
0xa1: {  	s20 =	sshrl.u32 s20, $0x2;
	[sflag:s29] =	ssyncset.done $0x0;
	s19 =	sshrl.u32 s19, $0x2  }
0xa2: {  	s20 =	sor.u32 $0x1B800, s20;
	[sflag:s29] =	ssyncadd.s32 $0xFFFFFFB0;
	s19 =	sadd.s32 $0x14000, s19  }
0xa3: {  	[tilespmem:s19], [sflag:$0x2] =	stream.indirect.gather [hbm4b:s1+s30], $0x80, s20, s30, $0xb8;
	[tilespmem:$0x1E480] =	vst v63  }
0xa4: {  	s20 =	smul.u32 $0x50, s21  }
0xa5: {  	s19 =	sand.u32 $0x3, s22  }
0xa6: {  	s19 =	smul.u32 $0x50, s19;
	s20 =	sadd.s32 s7, s20  }
0xa7: {  	s20 =	sshrl.u32 s20, $0x3  }
0xa8: {  	s18 =	sshrl.u32 s18, $0x9;
	s21 =	sor.u32 $0x1B800, s19;
	s22 =	sadd.s32 s6, s20  }
0xa9: {  	[tilespmem:s21], [sflag:$0x1] =	stream.linear.gather [hbm4b:s22+s16], $0x50, $0x38;
	[tilespmem:$0x1E480] =	vst v63  }
0xaa: {  	s18 =	sand.u32 $0x7F, s18;
	s21 =	sadd.s32 $0x1B980, s19;
	s22 =	sadd.s32 $0x9C40, s22  }
0xab: {  	[tilespmem:s21], [sflag:$0x1] =	stream.linear.gather [hbm4b:s22+s16], $0x50, $0x38;
	[tilespmem:$0x1E480] =	vst v63  }
0xac: {  	s21 =	smul.u32 $0x3, s18;
	s22 =	sand.u32 $0x3, s4  }
0xad: {  	s20 =	sadd.s32 s2, s20;
	s19 =	sor.u32 $0x1BB00, s19;
	s18 =	smul.u32 $0x50, s22  }
0xae: {  	[tilespmem:s19], [sflag:$0x1] =	stream.linear.gather [hbm4b:s20+s16], $0x50, $0x38;
	[tilespmem:$0x1E480] =	vst v63  }
0xaf: {  	s22 =	sor.u32 $0x1BB00, s18  }
0xb0: {  	s4 =	ssub.s32 s4, s21;
	v17 =	vmov s22  }
0xb1: {  	s19 =	sand.u32 $0xFF, s4  }
0xb2: {  	_ =	swait.ge [sflag:s9], $0x2800;
	s20 =	smul.u32 $0x50, s19  }
0xb3: {  	[sflag:s9] =	ssyncset.done $0x0  }
0xb4: {  	s22 =	simm.s32 $0x0;
	[sflag:s9] =	ssyncadd.s32 $0xFFFFD800;
	s21 =	sadd.s32 $0x0, s20  }
0xb5: {  	s4 =	sshll.u32 s21, $0x7;
	v20 =	vld.idx.msk [tilespmem:v17+s22+$0x0 ss:$0x1], $0xffff  }
0xb6: {  	s21 =	sand.u32 $0x3FFFFF80, s4  }
0xb7: {  	v22 =	vld [tilespmem:s21+$0x14020]  }
0xb8: {  	v24 =	vld [tilespmem:s21+$0x14030]  }
0xb9: {  	v25 =	vld [tilespmem:s21+$0x14040]  }
0xba: {  	v21 =	vld [tilespmem:s21+$0x14000];
	v18 =	vperm.xlane v20, v1  }
0xbb: {  	v26 =	vld [tilespmem:s21+$0x14060]  }
0xbc: {  	v23 =	vld [tilespmem:s21+$0x14010];
	v22 =	vmul.f32 v22, v18  }
0xbd: {  	v27 =	vld [tilespmem:s21+$0x14070];
	v24 =	vmul.f32 v24, v18  }
0xbe: {  	v36 =	vld [tilespmem:s21+$0x14140];
	v56 =	vmul.f32 v25, v18;
	[tilespmem:s21+$0x14020] =	vst v22  }
0xbf: {  	v28 =	vld [tilespmem:s21+$0x14080];
	v21 =	vmul.f32 v21, v18;
	[tilespmem:s21+$0x14030] =	vst v24  }
0xc0: {  	v29 =	vld [tilespmem:s21+$0x14090];
	v59 =	vmul.f32 v26, v18;
	[tilespmem:s21+$0x14040] =	vst v56  }
0xc1: {  	v57 =	vld [tilespmem:s21+$0x140A0];
	v30 =	vperm.xlane v20, v3;
	v23 =	vmul.f32 v23, v18;
	[tilespmem:s21+$0x14000] =	vst v21  }
0xc2: {  	v58 =	vld [tilespmem:s21+$0x140B0];
	v27 =	vmul.f32 v27, v18;
	v21 =	vperm.xlane v20, v2;
	[tilespmem:s21+$0x14060] =	vst v59  }
0xc3: {  	v60 =	vld [tilespmem:s21+$0x140C0];
	[tilespmem:s21+$0x14010] =	vst v23;
	v23 =	vmul.f32 v36, v30  }
0xc4: {  	v61 =	vld [tilespmem:s21+$0x140E0];
	[tilespmem:s21+$0x14070] =	vst v27;
	v28 =	vmul.f32 v28, v21  }
0xc5: {  	v43 =	vld [tilespmem:s21+$0x141B0];
	v29 =	vmul.f32 v29, v21;
	[tilespmem:s21+$0x14140] =	vst v23  }
0xc6: {  	v62 =	vld [tilespmem:s21+$0x140F0];
	v24 =	vmul.f32 v57, v21;
	[tilespmem:s21+$0x14080] =	vst v28  }
0xc7: {  	v63 =	vld [tilespmem:s21+$0x14100];
	v25 =	vmul.f32 v58, v21;
	[tilespmem:s21+$0x14090] =	vst v29  }
0xc8: {  	v33 =	vld [tilespmem:s21+$0x14110];
	v45 =	vperm.xlane v20, v4;
	v26 =	vmul.f32 v60, v21;
	[tilespmem:s21+$0x140A0] =	vst v24  }
0xc9: {  	v34 =	vld [tilespmem:s21+$0x14120];
	v27 =	vmul.f32 v61, v21;
	[tilespmem:s21+$0x140B0] =	vst v25  }
0xca: {  	v35 =	vld [tilespmem:s21+$0x14130];
	v23 =	vmul.f32 v43, v45;
	[tilespmem:s21+$0x140C0] =	vst v26  }
0xcb: {  	v37 =	vld [tilespmem:s21+$0x14150];
	v28 =	vmul.f32 v62, v21;
	[tilespmem:s21+$0x140E0] =	vst v27  }
0xcc: {  	v51 =	vld [tilespmem:s21+$0x14220];
	v29 =	vmul.f32 v63, v30;
	[tilespmem:s21+$0x141B0] =	vst v23  }
0xcd: {  	v38 =	vld [tilespmem:s21+$0x14160];
	v24 =	vmul.f32 v33, v30;
	[tilespmem:s21+$0x140F0] =	vst v28  }
0xce: {  	v39 =	vld [tilespmem:s21+$0x14170];
	v25 =	vmul.f32 v34, v30;
	[tilespmem:s21+$0x14100] =	vst v29  }
0xcf: {  	v40 =	vld [tilespmem:s21+$0x14180];
	v54 =	vperm.xlane v20, v5;
	v26 =	vmul.f32 v35, v30;
	[tilespmem:s21+$0x14110] =	vst v24  }
0xd0: {  	v41 =	vld [tilespmem:s21+$0x14190];
	v27 =	vmul.f32 v37, v30;
	[tilespmem:s21+$0x14120] =	vst v25  }
0xd1: {  	v42 =	vld [tilespmem:s21+$0x141A0];
	v23 =	vmul.f32 v51, v54;
	[tilespmem:s21+$0x14130] =	vst v26  }
0xd2: {  	v44 =	vld [tilespmem:s21+$0x141C0];
	v28 =	vmul.f32 v38, v30;
	[tilespmem:s21+$0x14150] =	vst v27  }
0xd3: {  	v59 =	vld [tilespmem:s21+$0x14290];
	v29 =	vmul.f32 v39, v30;
	[tilespmem:s21+$0x14220] =	vst v23  }
0xd4: {  	v46 =	vld [tilespmem:s21+$0x141D0];
	v24 =	vmul.f32 v40, v45;
	[tilespmem:s21+$0x14160] =	vst v28  }
0xd5: {  	v47 =	vld [tilespmem:s21+$0x141E0];
	v25 =	vmul.f32 v41, v45;
	[tilespmem:s21+$0x14170] =	vst v29  }
0xd6: {  	v48 =	vld [tilespmem:s21+$0x141F0];
	v63 =	vperm.xlane v20, v6;
	v26 =	vmul.f32 v42, v45;
	[tilespmem:s21+$0x14180] =	vst v24  }
0xd7: {  	v49 =	vld [tilespmem:s21+$0x14200];
	v27 =	vmul.f32 v44, v45;
	[tilespmem:s21+$0x14190] =	vst v25  }
0xd8: {  	v50 =	vld [tilespmem:s21+$0x14210];
	v23 =	vmul.f32 v59, v63;
	[tilespmem:s21+$0x141A0] =	vst v26  }
0xd9: {  	v52 =	vld [tilespmem:s21+$0x14230];
	v28 =	vmul.f32 v46, v45;
	[tilespmem:s21+$0x141C0] =	vst v27  }
0xda: {  	v36 =	vld [tilespmem:s21+$0x14300];
	v29 =	vmul.f32 v47, v45;
	[tilespmem:s21+$0x14290] =	vst v23  }
0xdb: {  	v53 =	vld [tilespmem:s21+$0x14240];
	v24 =	vmul.f32 v48, v45;
	[tilespmem:s21+$0x141D0] =	vst v28  }
0xdc: {  	v55 =	vld [tilespmem:s21+$0x14250];
	v25 =	vmul.f32 v49, v54;
	[tilespmem:s21+$0x141E0] =	vst v29  }
0xdd: {  	v56 =	vld [tilespmem:s21+$0x14260];
	v41 =	vperm.xlane v20, v7;
	v26 =	vmul.f32 v50, v54;
	[tilespmem:s21+$0x141F0] =	vst v24  }
0xde: {  	v57 =	vld [tilespmem:s21+$0x14270];
	v27 =	vmul.f32 v52, v54;
	[tilespmem:s21+$0x14200] =	vst v25  }
0xdf: {  	v58 =	vld [tilespmem:s21+$0x14280];
	v23 =	vmul.f32 v36, v41;
	[tilespmem:s21+$0x14210] =	vst v26  }
0xe0: {  	v60 =	vld [tilespmem:s21+$0x142A0];
	v28 =	vmul.f32 v53, v54;
	[tilespmem:s21+$0x14230] =	vst v27  }
0xe1: {  	v44 =	vld [tilespmem:s21+$0x14370];
	v29 =	vmul.f32 v55, v54;
	[tilespmem:s21+$0x14300] =	vst v23  }
0xe2: {  	v22 =	vld [tilespmem:s21+$0x140D0];
	v24 =	vmul.f32 v56, v54;
	[tilespmem:s21+$0x14240] =	vst v28  }
0xe3: {  	v19 =	vld [tilespmem:s21+$0x14050];
	v25 =	vmul.f32 v57, v54;
	[tilespmem:s21+$0x14250] =	vst v29  }
0xe4: {  	v61 =	vld [tilespmem:s21+$0x142B0];
	v26 =	vmul.f32 v58, v63;
	[tilespmem:s21+$0x14260] =	vst v24  }
0xe5: {  	v62 =	vld [tilespmem:s21+$0x142C0];
	v27 =	vmul.f32 v60, v63;
	[tilespmem:s21+$0x14270] =	vst v25  }
0xe6: {  	v33 =	vld [tilespmem:s21+$0x142D0];
	v23 =	vmul.f32 v44, v41;
	[tilespmem:s21+$0x14280] =	vst v26  }
0xe7: {  	v34 =	vld [tilespmem:s21+$0x142E0];
	v21 =	vmul.f32 v22, v21;
	[tilespmem:s21+$0x142A0] =	vst v27  }
0xe8: {  	v18 =	vmul.f32 v19, v18;
	v35 =	vld [tilespmem:s21+$0x142F0];
	[tilespmem:s21+$0x14370] =	vst v23  }
0xe9: {  	v37 =	vld [tilespmem:s21+$0x14310];
	v28 =	vmul.f32 v61, v63;
	[tilespmem:s21+$0x140D0] =	vst v21  }
0xea: {  	v52 =	vld [tilespmem:s21+$0x143E0];
	v29 =	vmul.f32 v62, v63;
	[tilespmem:s21+$0x14050] =	vst v18  }
0xeb: {  	v38 =	vld [tilespmem:s21+$0x14320];
	v24 =	vmul.f32 v33, v63;
	[tilespmem:s21+$0x142B0] =	vst v28  }
0xec: {  	v39 =	vld [tilespmem:s21+$0x14330];
	v25 =	vmul.f32 v34, v63;
	[tilespmem:s21+$0x142C0] =	vst v29  }
0xed: {  	v40 =	vld [tilespmem:s21+$0x14340];
	v50 =	vperm.xlane v20, v8;
	v26 =	vmul.f32 v35, v63;
	[tilespmem:s21+$0x142D0] =	vst v24  }
0xee: {  	v42 =	vld [tilespmem:s21+$0x14350];
	v27 =	vmul.f32 v37, v41;
	[tilespmem:s21+$0x142E0] =	vst v25  }
0xef: {  	v43 =	vld [tilespmem:s21+$0x14360];
	v23 =	vmul.f32 v52, v50;
	[tilespmem:s21+$0x142F0] =	vst v26  }
0xf0: {  	v45 =	vld [tilespmem:s21+$0x14380];
	v28 =	vmul.f32 v38, v41;
	[tilespmem:s21+$0x14310] =	vst v27  }
0xf1: {  	v60 =	vld [tilespmem:s21+$0x14450];
	v29 =	vmul.f32 v39, v41;
	[tilespmem:s21+$0x143E0] =	vst v23  }
0xf2: {  	v46 =	vld [tilespmem:s21+$0x14390];
	v24 =	vmul.f32 v40, v41;
	[tilespmem:s21+$0x14320] =	vst v28  }
0xf3: {  	v47 =	vld [tilespmem:s21+$0x143A0];
	v25 =	vmul.f32 v42, v41;
	[tilespmem:s21+$0x14330] =	vst v29  }
0xf4: {  	v59 =	vperm.xlane v20, v9;
	v48 =	vld [tilespmem:s21+$0x143B0];
	v26 =	vmul.f32 v43, v41;
	[tilespmem:s21+$0x14340] =	vst v24  }
0xf5: {  	v49 =	vld [tilespmem:s21+$0x143C0];
	v27 =	vmul.f32 v45, v50;
	[tilespmem:s21+$0x14350] =	vst v25  }
0xf6: {  	v51 =	vld [tilespmem:s21+$0x143D0];
	v23 =	vmul.f32 v60, v59;
	[tilespmem:s21+$0x14360] =	vst v26  }
0xf7: {  	v53 =	vld [tilespmem:s21+$0x143F0];
	v28 =	vmul.f32 v46, v50;
	[tilespmem:s21+$0x14380] =	vst v27  }
0xf8: {  	v36 =	vld [tilespmem:s21+$0x144C0];
	v29 =	vmul.f32 v47, v50;
	[tilespmem:s21+$0x14450] =	vst v23  }
0xf9: {  	v54 =	vld [tilespmem:s21+$0x14400];
	v24 =	vmul.f32 v48, v50;
	[tilespmem:s21+$0x14390] =	vst v28  }
0xfa: {  	v55 =	vld [tilespmem:s21+$0x14410];
	v25 =	vmul.f32 v49, v50;
	[tilespmem:s21+$0x143A0] =	vst v29  }
0xfb: {  	v56 =	vld [tilespmem:s21+$0x14420];
	v37 =	vperm.xlane v20, v10;
	v26 =	vmul.f32 v51, v50;
	[tilespmem:s21+$0x143B0] =	vst v24  }
0xfc: {  	v57 =	vld [tilespmem:s21+$0x14430];
	v27 =	vmul.f32 v53, v50;
	[tilespmem:s21+$0x143C0] =	vst v25  }
0xfd: {  	v58 =	vld [tilespmem:s21+$0x14440];
	v23 =	vmul.f32 v36, v37;
	[tilespmem:s21+$0x143D0] =	vst v26  }
0xfe: {  	v61 =	vld [tilespmem:s21+$0x14460];
	v28 =	vmul.f32 v54, v59;
	[tilespmem:s21+$0x143F0] =	vst v27  }
0xff: {  	v44 =	vld [tilespmem:s21+$0x14530];
	v29 =	vmul.f32 v55, v59;
	[tilespmem:s21+$0x144C0] =	vst v23  }
0x100: {  	v62 =	vld [tilespmem:s21+$0x14470];
	v24 =	vmul.f32 v56, v59;
	[tilespmem:s21+$0x14400] =	vst v28  }
0x101: {  	v63 =	vld [tilespmem:s21+$0x14480];
	v25 =	vmul.f32 v57, v59;
	[tilespmem:s21+$0x14410] =	vst v29  }
0x102: {  	v33 =	vld [tilespmem:s21+$0x14490];
	v46 =	vperm.xlane v20, v11;
	v26 =	vmul.f32 v58, v59;
	[tilespmem:s21+$0x14420] =	vst v24  }
0x103: {  	v34 =	vld [tilespmem:s21+$0x144A0];
	v27 =	vmul.f32 v61, v59;
	[tilespmem:s21+$0x14430] =	vst v25  }
0x104: {  	v35 =	vld [tilespmem:s21+$0x144B0];
	v23 =	vmul.f32 v44, v46;
	[tilespmem:s21+$0x14440] =	vst v26  }
0x105: {  	v38 =	vld [tilespmem:s21+$0x144D0];
	v28 =	vmul.f32 v62, v59;
	[tilespmem:s21+$0x14460] =	vst v27  }
0x106: {  	v52 =	vld [tilespmem:s21+$0x145A0];
	v29 =	vmul.f32 v63, v37;
	[tilespmem:s21+$0x14530] =	vst v23  }
0x107: {  	v39 =	vld [tilespmem:s21+$0x144E0];
	v24 =	vmul.f32 v33, v37;
	[tilespmem:s21+$0x14470] =	vst v28  }
0x108: {  	v40 =	vld [tilespmem:s21+$0x144F0];
	v25 =	vmul.f32 v34, v37;
	[tilespmem:s21+$0x14480] =	vst v29  }
0x109: {  	v41 =	vld [tilespmem:s21+$0x14500];
	v55 =	vperm.xlane v20, v12;
	v26 =	vmul.f32 v35, v37;
	[tilespmem:s21+$0x14490] =	vst v24  }
0x10a: {  	v42 =	vld [tilespmem:s21+$0x14510];
	v27 =	vmul.f32 v38, v37;
	[tilespmem:s21+$0x144A0] =	vst v25  }
0x10b: {  	v43 =	vld [tilespmem:s21+$0x14520];
	v23 =	vmul.f32 v52, v55;
	[tilespmem:s21+$0x144B0] =	vst v26  }
0x10c: {  	v45 =	vld [tilespmem:s21+$0x14540];
	v28 =	vmul.f32 v39, v37;
	[tilespmem:s21+$0x144D0] =	vst v27  }
0x10d: {  	v60 =	vld [tilespmem:s21+$0x14610];
	v29 =	vmul.f32 v40, v37;
	[tilespmem:s21+$0x145A0] =	vst v23  }
0x10e: {  	v47 =	vld [tilespmem:s21+$0x14550];
	v24 =	vmul.f32 v41, v46;
	[tilespmem:s21+$0x144E0] =	vst v28  }
0x10f: {  	v48 =	vld [tilespmem:s21+$0x14560];
	v25 =	vmul.f32 v42, v46;
	[tilespmem:s21+$0x144F0] =	vst v29  }
0x110: {  	v49 =	vld [tilespmem:s21+$0x14570];
	v33 =	vperm.xlane v20, v13;
	v26 =	vmul.f32 v43, v46;
	[tilespmem:s21+$0x14500] =	vst v24  }
0x111: {  	v50 =	vld [tilespmem:s21+$0x14580];
	v27 =	vmul.f32 v45, v46;
	[tilespmem:s21+$0x14510] =	vst v25  }
0x112: {  	v51 =	vld [tilespmem:s21+$0x14590];
	v23 =	vmul.f32 v60, v33;
	[tilespmem:s21+$0x14520] =	vst v26  }
0x113: {  	v53 =	vld [tilespmem:s21+$0x145B0];
	v28 =	vmul.f32 v47, v46;
	[tilespmem:s21+$0x14540] =	vst v27  }
0x114: {  	v54 =	vld [tilespmem:s21+$0x145C0];
	v29 =	vmul.f32 v48, v46;
	[tilespmem:s21+$0x14610] =	vst v23  }
0x115: {  	v56 =	vld [tilespmem:s21+$0x145D0];
	v24 =	vmul.f32 v49, v46;
	[tilespmem:s21+$0x14550] =	vst v28  }
0x116: {  	v57 =	vld [tilespmem:s21+$0x145E0];
	v25 =	vmul.f32 v50, v55;
	[tilespmem:s21+$0x14560] =	vst v29  }
0x117: {  	v58 =	vld [tilespmem:s21+$0x145F0];
	v26 =	vmul.f32 v51, v55;
	[tilespmem:s21+$0x14570] =	vst v24  }
0x118: {  	v59 =	vld [tilespmem:s21+$0x14600];
	v27 =	vmul.f32 v53, v55;
	[tilespmem:s21+$0x14580] =	vst v25  }
0x119: {  	v61 =	vld [tilespmem:s21+$0x14620];
	[tilespmem:s21+$0x14590] =	vst v26;
	v28 =	vmul.f32 v54, v55  }
0x11a: {  	v37 =	vld [tilespmem:s21+$0x14680];
	[tilespmem:s21+$0x145B0] =	vst v27;
	v29 =	vmul.f32 v56, v55  }
0x11b: {  	v62 =	vld [tilespmem:s21+$0x14630];
	v24 =	vmul.f32 v57, v55;
	[tilespmem:s21+$0x145C0] =	vst v28  }
0x11c: {  	v63 =	vld [tilespmem:s21+$0x14640];
	v25 =	vmul.f32 v58, v55;
	[tilespmem:s21+$0x145D0] =	vst v29  }
0x11d: {  	v34 =	vld [tilespmem:s21+$0x14650];
	v42 =	vperm.xlane v20, v14;
	v26 =	vmul.f32 v59, v33;
	[tilespmem:s21+$0x145E0] =	vst v24  }
0x11e: {  	v35 =	vld [tilespmem:s21+$0x14660];
	v27 =	vmul.f32 v61, v33;
	[tilespmem:s21+$0x145F0] =	vst v25  }
0x11f: {  	v36 =	vld [tilespmem:s21+$0x14670];
	v23 =	vmul.f32 v37, v42;
	[tilespmem:s21+$0x14600] =	vst v26  }
0x120: {  	v38 =	vld [tilespmem:s21+$0x14690];
	v28 =	vmul.f32 v62, v33;
	[tilespmem:s21+$0x14620] =	vst v27  }
0x121: {  	v45 =	vld [tilespmem:s21+$0x146F0];
	v29 =	vmul.f32 v63, v33;
	[tilespmem:s21+$0x14680] =	vst v23  }
0x122: {  	v39 =	vld [tilespmem:s21+$0x146A0];
	v24 =	vmul.f32 v34, v33;
	[tilespmem:s21+$0x14630] =	vst v28  }
0x123: {  	v40 =	vld [tilespmem:s21+$0x146B0];
	v25 =	vmul.f32 v35, v33;
	[tilespmem:s21+$0x14640] =	vst v29  }
0x124: {  	v41 =	vld [tilespmem:s21+$0x146C0];
	v26 =	vmul.f32 v36, v33;
	[tilespmem:s21+$0x14650] =	vst v24  }
0x125: {  	v43 =	vld [tilespmem:s21+$0x146D0];
	v27 =	vmul.f32 v38, v42;
	[tilespmem:s21+$0x14660] =	vst v25  }
0x126: {  	v44 =	vld [tilespmem:s21+$0x146E0];
	v23 =	vmul.f32 v45, v42;
	[tilespmem:s21+$0x14670] =	vst v26  }
0x127: {  	v46 =	vld [tilespmem:s21+$0x14700];
	v28 =	vmul.f32 v39, v42;
	[tilespmem:s21+$0x14690] =	vst v27  }
0x128: {  	v53 =	vld [tilespmem:s21+$0x14760];
	v29 =	vmul.f32 v40, v42;
	[tilespmem:s21+$0x146F0] =	vst v23  }
0x129: {  	v58 =	vld [tilespmem:s21+$0x147B0];
	v24 =	vmul.f32 v41, v42;
	[tilespmem:s21+$0x146A0] =	vst v28  }
0x12a: {  	v51 =	vperm.xlane v20, v15;
	v59 =	vld [tilespmem:s21+$0x147C0];
	v25 =	vmul.f32 v43, v42;
	[tilespmem:s21+$0x146B0] =	vst v29  }
0x12b: {  	v57 =	vld [tilespmem:s21+$0x147A0];
	v26 =	vmul.f32 v44, v42;
	[tilespmem:s21+$0x146C0] =	vst v24  }
0x12c: {  	v47 =	vld [tilespmem:s21+$0x14710];
	v20 =	vperm.xlane v20, v16;
	v27 =	vmul.f32 v46, v51;
	[tilespmem:s21+$0x146D0] =	vst v25  }
0x12d: {  	v48 =	vld [tilespmem:s21+$0x14720];
	v23 =	vmul.f32 v53, v51;
	[tilespmem:s21+$0x146E0] =	vst v26  }
0x12e: {  	v49 =	vld [tilespmem:s21+$0x14730];
	v19 =	vmul.f32 v58, v20;
	[tilespmem:s21+$0x14700] =	vst v27  }
0x12f: {  	v50 =	vld [tilespmem:s21+$0x14740];
	v18 =	vmul.f32 v59, v20;
	[tilespmem:s21+$0x14760] =	vst v23  }
0x130: {  	v52 =	vld [tilespmem:s21+$0x14750];
	v63 =	vmul.f32 v57, v20;
	[tilespmem:s21+$0x147B0] =	vst v19  }
0x131: {  	v54 =	vld [tilespmem:s21+$0x14770];
	v28 =	vmul.f32 v47, v51;
	[tilespmem:s21+$0x147C0] =	vst v18  }
0x132: {  	v60 =	vld [tilespmem:s21+$0x147D0];
	v29 =	vmul.f32 v48, v51;
	[tilespmem:s21+$0x147A0] =	vst v63  }
0x133: {  	v55 =	vld [tilespmem:s21+$0x14780];
	v24 =	vmul.f32 v49, v51;
	[tilespmem:s21+$0x14710] =	vst v28  }
0x134: {  	v56 =	vld [tilespmem:s21+$0x14790];
	v25 =	vmul.f32 v50, v51;
	[tilespmem:s21+$0x14720] =	vst v29  }
0x135: {  	v61 =	vld [tilespmem:s21+$0x147E0];
	v26 =	vmul.f32 v52, v51;
	[tilespmem:s21+$0x14730] =	vst v24  }
0x136: {  	v62 =	vld [tilespmem:s21+$0x147F0];
	v27 =	vmul.f32 v54, v51;
	[tilespmem:s21+$0x14740] =	vst v25  }
0x137: {  	v19 =	vmul.f32 v60, v20;
	[tilespmem:s21+$0x14750] =	vst v26  }
0x138: {  	v28 =	vmul.f32 v55, v20;
	[tilespmem:s21+$0x14770] =	vst v27  }
0x139: {  	v29 =	vmul.f32 v56, v20;
	[tilespmem:s21+$0x147D0] =	vst v19  }
0x13a: {  	v19 =	vmul.f32 v61, v20;
	[tilespmem:s21+$0x14780] =	vst v28  }
0x13b: {  	v18 =	vmul.f32 v62, v20;
	[tilespmem:s21+$0x14790] =	vst v29  }
0x13c: {  	s4 =	simm.s32 $0x1;
	[tilespmem:s21+$0x147E0] =	vst v19  }
.LBB2_5:
0x13d: {  	s22 =	sshll.u32 s4, $0x4;
	p0 =	sne.s32 s4, $0x4;
	s4 =	sadd.s32 $0x1, s4;
	[tilespmem:s21+$0x147F0] =	vst v18  }
0x13e: {  	v18 =	vld.idx.msk [tilespmem:v17+s22+$0x0 ss:$0x1], $0xffff;
	s21 =	sadd.s32 s20, s22  }
0x13f: {  	s21 =	sshll.u32 s21, $0x7  }
0x140: {  	s21 =	sand.u32 $0x3FFFFF80, s21  }
0x141: {  	v19 =	vld [tilespmem:s21+$0x14000]  }
0x142: {  	v20 =	vld [tilespmem:s21+$0x14010]  }
0x143: {  	v21 =	vld [tilespmem:s21+$0x14020]  }
0x144: {  	v23 =	vperm.xlane v18, v2;
	v24 =	vperm.xlane v18, v4;
	v22 =	vld [tilespmem:s21+$0x14030]  }
0x145: {  	v25 =	vld [tilespmem:s21+$0x14040]  }
0x146: {  	v26 =	vperm.xlane v18, v1;
	v27 =	vld [tilespmem:s21+$0x14050]  }
0x147: {  	v28 =	vld [tilespmem:s21+$0x14060]  }
0x148: {  	v29 =	vmul.f32 v19, v26;
	v19 =	vmul.f32 v21, v26;
	v21 =	vld [tilespmem:s21+$0x14070]  }
0x149: {  	v30 =	vmul.f32 v20, v26;
	v20 =	vmul.f32 v22, v26;
	v22 =	vld [tilespmem:s21+$0x14080]  }
0x14a: {  	[tilespmem:s21+$0x14020] =	vst v19;
	v25 =	vmul.f32 v25, v26;
	v31 =	vld [tilespmem:s21+$0x14090]  }
0x14b: {  	[tilespmem:s21+$0x14030] =	vst v20;
	v19 =	vmul.f32 v27, v26;
	v20 =	vld [tilespmem:s21+$0x140A0]  }
0x14c: {  	[tilespmem:s21+$0x14040] =	vst v25;
	v25 =	vmul.f32 v28, v26;
	v27 =	vld [tilespmem:s21+$0x140B0]  }
0x14d: {  	[tilespmem:s21+$0x14000] =	vst v29;
	v21 =	vmul.f32 v21, v26;
	v26 =	vld [tilespmem:s21+$0x140C0]  }
0x14e: {  	[tilespmem:s21+$0x14060] =	vst v25;
	v22 =	vmul.f32 v22, v23;
	v25 =	vld [tilespmem:s21+$0x140D0]  }
0x14f: {  	[tilespmem:s21+$0x14070] =	vst v21;
	v21 =	vmul.f32 v31, v23;
	v28 =	vld [tilespmem:s21+$0x140E0]  }
0x150: {  	[tilespmem:s21+$0x14080] =	vst v22;
	v20 =	vmul.f32 v20, v23;
	v22 =	vld [tilespmem:s21+$0x140F0]  }
0x151: {  	[tilespmem:s21+$0x14090] =	vst v21;
	v21 =	vmul.f32 v27, v23;
	v27 =	vld [tilespmem:s21+$0x14100]  }
0x152: {  	[tilespmem:s21+$0x140A0] =	vst v20;
	v26 =	vmul.f32 v26, v23;
	v29 =	vld [tilespmem:s21+$0x14110]  }
0x153: {  	[tilespmem:s21+$0x140B0] =	vst v21;
	v20 =	vmul.f32 v25, v23;
	v21 =	vld [tilespmem:s21+$0x14120]  }
0x154: {  	[tilespmem:s21+$0x140C0] =	vst v26;
	v25 =	vmul.f32 v28, v23;
	v26 =	vperm.xlane v18, v3;
	v28 =	vld [tilespmem:s21+$0x14130]  }
0x155: {  	[tilespmem:s21+$0x14010] =	vst v30;
	v22 =	vmul.f32 v22, v23;
	v23 =	vld [tilespmem:s21+$0x14140]  }
0x156: {  	[tilespmem:s21+$0x140E0] =	vst v25;
	v25 =	vmul.f32 v27, v26;
	v27 =	vld [tilespmem:s21+$0x14150]  }
0x157: {  	[tilespmem:s21+$0x140F0] =	vst v22;
	v22 =	vmul.f32 v29, v26;
	v29 =	vld [tilespmem:s21+$0x14160]  }
0x158: {  	[tilespmem:s21+$0x14100] =	vst v25;
	v21 =	vmul.f32 v21, v26;
	v25 =	vld [tilespmem:s21+$0x14170]  }
0x159: {  	[tilespmem:s21+$0x14110] =	vst v22;
	v22 =	vmul.f32 v28, v26;
	v28 =	vld [tilespmem:s21+$0x14180]  }
0x15a: {  	[tilespmem:s21+$0x14120] =	vst v21;
	v21 =	vmul.f32 v23, v26;
	v23 =	vld [tilespmem:s21+$0x14190]  }
0x15b: {  	[tilespmem:s21+$0x14130] =	vst v22;
	v22 =	vmul.f32 v27, v26;
	v27 =	vld [tilespmem:s21+$0x141A0]  }
0x15c: {  	[tilespmem:s21+$0x14140] =	vst v21;
	v21 =	vmul.f32 v29, v26;
	v29 =	vld [tilespmem:s21+$0x141B0]  }
0x15d: {  	[tilespmem:s21+$0x14150] =	vst v22;
	v22 =	vmul.f32 v25, v26;
	v25 =	vld [tilespmem:s21+$0x141C0]  }
0x15e: {  	[tilespmem:s21+$0x14160] =	vst v21;
	v21 =	vmul.f32 v28, v24;
	v26 =	vld [tilespmem:s21+$0x141D0]  }
0x15f: {  	[tilespmem:s21+$0x14170] =	vst v22;
	v22 =	vmul.f32 v23, v24;
	v23 =	vld [tilespmem:s21+$0x141E0]  }
0x160: {  	[tilespmem:s21+$0x14180] =	vst v21;
	v21 =	vmul.f32 v27, v24;
	v27 =	vld [tilespmem:s21+$0x141F0]  }
0x161: {  	[tilespmem:s21+$0x14190] =	vst v22;
	v22 =	vmul.f32 v29, v24;
	v28 =	vld [tilespmem:s21+$0x14200]  }
0x162: {  	[tilespmem:s21+$0x141A0] =	vst v21;
	v21 =	vmul.f32 v25, v24;
	v25 =	vld [tilespmem:s21+$0x14210]  }
0x163: {  	[tilespmem:s21+$0x141B0] =	vst v22;
	v22 =	vmul.f32 v26, v24;
	v26 =	vld [tilespmem:s21+$0x14220]  }
0x164: {  	[tilespmem:s21+$0x141C0] =	vst v21;
	v21 =	vmul.f32 v23, v24;
	v23 =	vperm.xlane v18, v5;
	v29 =	vld [tilespmem:s21+$0x14230]  }
0x165: {  	[tilespmem:s21+$0x141D0] =	vst v22;
	v22 =	vmul.f32 v27, v24;
	v24 =	vld [tilespmem:s21+$0x14240]  }
0x166: {  	[tilespmem:s21+$0x141E0] =	vst v21;
	v21 =	vmul.f32 v28, v23;
	v27 =	vld [tilespmem:s21+$0x14250]  }
0x167: {  	[tilespmem:s21+$0x141F0] =	vst v22;
	v22 =	vmul.f32 v25, v23;
	v25 =	vld [tilespmem:s21+$0x14260]  }
0x168: {  	[tilespmem:s21+$0x14200] =	vst v21;
	v21 =	vmul.f32 v26, v23;
	v26 =	vld [tilespmem:s21+$0x14270]  }
0x169: {  	[tilespmem:s21+$0x14210] =	vst v22;
	v22 =	vmul.f32 v29, v23;
	v28 =	vld [tilespmem:s21+$0x14280]  }
0x16a: {  	[tilespmem:s21+$0x14220] =	vst v21;
	v21 =	vmul.f32 v24, v23;
	v24 =	vld [tilespmem:s21+$0x14290]  }
0x16b: {  	[tilespmem:s21+$0x14230] =	vst v22;
	v22 =	vmul.f32 v27, v23;
	v27 =	vld [tilespmem:s21+$0x142A0]  }
0x16c: {  	[tilespmem:s21+$0x14240] =	vst v21;
	v21 =	vmul.f32 v25, v23;
	v25 =	vperm.xlane v18, v6;
	v29 =	vld [tilespmem:s21+$0x142B0]  }
0x16d: {  	[tilespmem:s21+$0x14250] =	vst v22;
	v22 =	vmul.f32 v26, v23;
	v23 =	vld [tilespmem:s21+$0x142C0]  }
0x16e: {  	[tilespmem:s21+$0x14260] =	vst v21;
	v21 =	vmul.f32 v28, v25;
	v26 =	vld [tilespmem:s21+$0x142D0]  }
0x16f: {  	[tilespmem:s21+$0x14270] =	vst v22;
	v22 =	vmul.f32 v24, v25;
	v24 =	vld [tilespmem:s21+$0x142E0]  }
0x170: {  	[tilespmem:s21+$0x14280] =	vst v21;
	v21 =	vmul.f32 v27, v25;
	v27 =	vld [tilespmem:s21+$0x142F0]  }
0x171: {  	[tilespmem:s21+$0x14290] =	vst v22;
	v22 =	vmul.f32 v29, v25;
	v28 =	vld [tilespmem:s21+$0x14300]  }
0x172: {  	[tilespmem:s21+$0x142A0] =	vst v21;
	v21 =	vmul.f32 v23, v25;
	v23 =	vld [tilespmem:s21+$0x14310]  }
0x173: {  	[tilespmem:s21+$0x142B0] =	vst v22;
	v22 =	vmul.f32 v26, v25;
	v26 =	vld [tilespmem:s21+$0x14320]  }
0x174: {  	[tilespmem:s21+$0x142C0] =	vst v21;
	v21 =	vmul.f32 v24, v25;
	v24 =	vperm.xlane v18, v7;
	v29 =	vld [tilespmem:s21+$0x14330]  }
0x175: {  	[tilespmem:s21+$0x142D0] =	vst v22;
	v22 =	vmul.f32 v27, v25;
	v25 =	vld [tilespmem:s21+$0x14340]  }
0x176: {  	[tilespmem:s21+$0x142E0] =	vst v21;
	v21 =	vmul.f32 v28, v24;
	v27 =	vld [tilespmem:s21+$0x14350]  }
0x177: {  	[tilespmem:s21+$0x142F0] =	vst v22;
	v22 =	vmul.f32 v23, v24;
	v23 =	vld [tilespmem:s21+$0x14360]  }
0x178: {  	[tilespmem:s21+$0x14300] =	vst v21;
	v21 =	vmul.f32 v26, v24;
	v26 =	vld [tilespmem:s21+$0x14370]  }
0x179: {  	[tilespmem:s21+$0x14310] =	vst v22;
	v22 =	vmul.f32 v29, v24;
	v28 =	vld [tilespmem:s21+$0x14380]  }
0x17a: {  	[tilespmem:s21+$0x14320] =	vst v21;
	v21 =	vmul.f32 v25, v24;
	v25 =	vld [tilespmem:s21+$0x14390]  }
0x17b: {  	[tilespmem:s21+$0x14330] =	vst v22;
	v22 =	vmul.f32 v27, v24;
	v27 =	vld [tilespmem:s21+$0x143A0]  }
0x17c: {  	[tilespmem:s21+$0x14340] =	vst v21;
	v21 =	vmul.f32 v23, v24;
	v23 =	vperm.xlane v18, v8;
	v29 =	vld [tilespmem:s21+$0x143B0]  }
0x17d: {  	[tilespmem:s21+$0x14350] =	vst v22;
	v22 =	vmul.f32 v26, v24;
	v24 =	vld [tilespmem:s21+$0x143C0]  }
0x17e: {  	[tilespmem:s21+$0x14360] =	vst v21;
	v21 =	vmul.f32 v28, v23;
	v26 =	vld [tilespmem:s21+$0x143D0]  }
0x17f: {  	[tilespmem:s21+$0x14370] =	vst v22;
	v22 =	vmul.f32 v25, v23;
	v25 =	vld [tilespmem:s21+$0x143E0]  }
0x180: {  	[tilespmem:s21+$0x14380] =	vst v21;
	v21 =	vmul.f32 v27, v23;
	v27 =	vld [tilespmem:s21+$0x143F0]  }
0x181: {  	[tilespmem:s21+$0x14390] =	vst v22;
	v22 =	vmul.f32 v29, v23;
	v28 =	vld [tilespmem:s21+$0x14400]  }
0x182: {  	[tilespmem:s21+$0x143A0] =	vst v21;
	v21 =	vmul.f32 v24, v23;
	v24 =	vld [tilespmem:s21+$0x14410]  }
0x183: {  	[tilespmem:s21+$0x143B0] =	vst v22;
	v22 =	vmul.f32 v26, v23;
	v26 =	vld [tilespmem:s21+$0x14420]  }
0x184: {  	[tilespmem:s21+$0x143C0] =	vst v21;
	v21 =	vmul.f32 v25, v23;
	v25 =	vperm.xlane v18, v9;
	v29 =	vld [tilespmem:s21+$0x14430]  }
0x185: {  	[tilespmem:s21+$0x143D0] =	vst v22;
	v22 =	vmul.f32 v27, v23;
	v23 =	vld [tilespmem:s21+$0x14440]  }
0x186: {  	[tilespmem:s21+$0x143E0] =	vst v21;
	v21 =	vmul.f32 v28, v25;
	v27 =	vld [tilespmem:s21+$0x14450]  }
0x187: {  	[tilespmem:s21+$0x143F0] =	vst v22;
	v22 =	vmul.f32 v24, v25;
	v24 =	vld [tilespmem:s21+$0x14460]  }
0x188: {  	[tilespmem:s21+$0x14400] =	vst v21;
	v21 =	vmul.f32 v26, v25;
	v26 =	vld [tilespmem:s21+$0x14470]  }
0x189: {  	[tilespmem:s21+$0x14410] =	vst v22;
	v22 =	vmul.f32 v29, v25;
	v28 =	vld [tilespmem:s21+$0x14480]  }
0x18a: {  	[tilespmem:s21+$0x14420] =	vst v21;
	v21 =	vmul.f32 v23, v25;
	v23 =	vld [tilespmem:s21+$0x14490]  }
0x18b: {  	[tilespmem:s21+$0x14430] =	vst v22;
	v22 =	vmul.f32 v27, v25;
	v27 =	vld [tilespmem:s21+$0x144A0]  }
0x18c: {  	[tilespmem:s21+$0x14440] =	vst v21;
	v21 =	vmul.f32 v24, v25;
	v24 =	vperm.xlane v18, v10;
	v29 =	vld [tilespmem:s21+$0x144B0]  }
0x18d: {  	[tilespmem:s21+$0x14450] =	vst v22;
	v22 =	vmul.f32 v26, v25;
	v25 =	vld [tilespmem:s21+$0x144C0]  }
0x18e: {  	[tilespmem:s21+$0x14460] =	vst v21;
	v21 =	vmul.f32 v28, v24;
	v26 =	vld [tilespmem:s21+$0x144D0]  }
0x18f: {  	[tilespmem:s21+$0x14470] =	vst v22;
	v22 =	vmul.f32 v23, v24;
	v23 =	vld [tilespmem:s21+$0x144E0]  }
0x190: {  	[tilespmem:s21+$0x14480] =	vst v21;
	v21 =	vmul.f32 v27, v24;
	v27 =	vld [tilespmem:s21+$0x144F0]  }
0x191: {  	[tilespmem:s21+$0x14490] =	vst v22;
	v22 =	vmul.f32 v29, v24;
	v28 =	vld [tilespmem:s21+$0x14500]  }
0x192: {  	[tilespmem:s21+$0x144A0] =	vst v21;
	v21 =	vmul.f32 v25, v24;
	v25 =	vld [tilespmem:s21+$0x14510]  }
0x193: {  	[tilespmem:s21+$0x144B0] =	vst v22;
	v22 =	vmul.f32 v26, v24;
	v26 =	vld [tilespmem:s21+$0x14520]  }
0x194: {  	[tilespmem:s21+$0x144C0] =	vst v21;
	v21 =	vmul.f32 v23, v24;
	v23 =	vperm.xlane v18, v11;
	v29 =	vld [tilespmem:s21+$0x14530]  }
0x195: {  	[tilespmem:s21+$0x144D0] =	vst v22;
	v22 =	vmul.f32 v27, v24;
	v24 =	vld [tilespmem:s21+$0x14540]  }
0x196: {  	[tilespmem:s21+$0x144E0] =	vst v21;
	v21 =	vmul.f32 v28, v23;
	v27 =	vld [tilespmem:s21+$0x14550]  }
0x197: {  	[tilespmem:s21+$0x144F0] =	vst v22;
	v22 =	vmul.f32 v25, v23;
	v25 =	vld [tilespmem:s21+$0x14560]  }
0x198: {  	[tilespmem:s21+$0x14500] =	vst v21;
	v21 =	vmul.f32 v26, v23;
	v26 =	vld [tilespmem:s21+$0x14570]  }
0x199: {  	[tilespmem:s21+$0x14510] =	vst v22;
	v22 =	vmul.f32 v29, v23;
	v28 =	vld [tilespmem:s21+$0x14580]  }
0x19a: {  	[tilespmem:s21+$0x14520] =	vst v21;
	v21 =	vmul.f32 v24, v23;
	v24 =	vld [tilespmem:s21+$0x14590]  }
0x19b: {  	[tilespmem:s21+$0x14530] =	vst v22;
	v22 =	vmul.f32 v27, v23;
	v27 =	vld [tilespmem:s21+$0x145A0]  }
0x19c: {  	[tilespmem:s21+$0x14540] =	vst v21;
	v21 =	vmul.f32 v25, v23;
	v25 =	vperm.xlane v18, v12;
	v29 =	vld [tilespmem:s21+$0x145B0]  }
0x19d: {  	[tilespmem:s21+$0x14550] =	vst v22;
	v22 =	vmul.f32 v26, v23;
	v23 =	vld [tilespmem:s21+$0x145C0]  }
0x19e: {  	[tilespmem:s21+$0x14560] =	vst v21;
	v21 =	vmul.f32 v28, v25;
	v26 =	vld [tilespmem:s21+$0x145D0]  }
0x19f: {  	[tilespmem:s21+$0x14570] =	vst v22;
	v22 =	vmul.f32 v24, v25;
	v24 =	vld [tilespmem:s21+$0x145E0]  }
0x1a0: {  	[tilespmem:s21+$0x14580] =	vst v21;
	v21 =	vmul.f32 v27, v25;
	v27 =	vld [tilespmem:s21+$0x145F0]  }
0x1a1: {  	[tilespmem:s21+$0x14590] =	vst v22;
	v22 =	vmul.f32 v29, v25;
	v28 =	vld [tilespmem:s21+$0x14600]  }
0x1a2: {  	[tilespmem:s21+$0x145A0] =	vst v21;
	v21 =	vmul.f32 v23, v25;
	v23 =	vld [tilespmem:s21+$0x14610]  }
0x1a3: {  	[tilespmem:s21+$0x145B0] =	vst v22;
	v22 =	vmul.f32 v26, v25;
	v26 =	vld [tilespmem:s21+$0x14620]  }
0x1a4: {  	[tilespmem:s21+$0x145C0] =	vst v21;
	v21 =	vmul.f32 v24, v25;
	v24 =	vperm.xlane v18, v13;
	v29 =	vld [tilespmem:s21+$0x14630]  }
0x1a5: {  	[tilespmem:s21+$0x145D0] =	vst v22;
	v22 =	vmul.f32 v27, v25;
	v25 =	vld [tilespmem:s21+$0x14640]  }
0x1a6: {  	[tilespmem:s21+$0x145E0] =	vst v21;
	v21 =	vmul.f32 v28, v24;
	v27 =	vld [tilespmem:s21+$0x14650]  }
0x1a7: {  	[tilespmem:s21+$0x145F0] =	vst v22;
	v22 =	vmul.f32 v23, v24;
	v23 =	vld [tilespmem:s21+$0x14660]  }
0x1a8: {  	[tilespmem:s21+$0x14600] =	vst v21;
	v21 =	vmul.f32 v26, v24;
	v26 =	vld [tilespmem:s21+$0x14670]  }
0x1a9: {  	[tilespmem:s21+$0x14610] =	vst v22;
	v22 =	vmul.f32 v29, v24;
	v28 =	vld [tilespmem:s21+$0x14680]  }
0x1aa: {  	[tilespmem:s21+$0x14620] =	vst v21;
	v21 =	vmul.f32 v25, v24;
	v25 =	vld [tilespmem:s21+$0x14690]  }
0x1ab: {  	[tilespmem:s21+$0x14630] =	vst v22;
	v22 =	vmul.f32 v27, v24;
	v27 =	vld [tilespmem:s21+$0x146A0]  }
0x1ac: {  	[tilespmem:s21+$0x14640] =	vst v21;
	v21 =	vmul.f32 v23, v24;
	v23 =	vperm.xlane v18, v14;
	v29 =	vld [tilespmem:s21+$0x146B0]  }
0x1ad: {  	[tilespmem:s21+$0x14650] =	vst v22;
	v22 =	vmul.f32 v26, v24;
	v24 =	vld [tilespmem:s21+$0x146C0]  }
0x1ae: {  	[tilespmem:s21+$0x14660] =	vst v21;
	v21 =	vmul.f32 v28, v23;
	v26 =	vld [tilespmem:s21+$0x146D0]  }
0x1af: {  	[tilespmem:s21+$0x14670] =	vst v22;
	v22 =	vmul.f32 v25, v23;
	v25 =	vld [tilespmem:s21+$0x146E0]  }
0x1b0: {  	[tilespmem:s21+$0x14680] =	vst v21;
	v21 =	vmul.f32 v27, v23;
	v27 =	vld [tilespmem:s21+$0x146F0]  }
0x1b1: {  	[tilespmem:s21+$0x14690] =	vst v22;
	v22 =	vmul.f32 v29, v23;
	v28 =	vld [tilespmem:s21+$0x14700]  }
0x1b2: {  	[tilespmem:s21+$0x146A0] =	vst v21;
	v21 =	vmul.f32 v24, v23;
	v24 =	vld [tilespmem:s21+$0x14710]  }
0x1b3: {  	[tilespmem:s21+$0x146B0] =	vst v22;
	v22 =	vmul.f32 v26, v23;
	v26 =	vld [tilespmem:s21+$0x14720]  }
0x1b4: {  	[tilespmem:s21+$0x146C0] =	vst v21;
	v21 =	vmul.f32 v25, v23;
	v25 =	vperm.xlane v18, v15;
	v29 =	vld [tilespmem:s21+$0x14730]  }
0x1b5: {  	[tilespmem:s21+$0x146D0] =	vst v22;
	v22 =	vmul.f32 v27, v23;
	v23 =	vld [tilespmem:s21+$0x14740]  }
0x1b6: {  	[tilespmem:s21+$0x146E0] =	vst v21;
	v21 =	vmul.f32 v28, v25;
	v27 =	vld [tilespmem:s21+$0x14750]  }
0x1b7: {  	[tilespmem:s21+$0x146F0] =	vst v22;
	v22 =	vmul.f32 v24, v25;
	v24 =	vld [tilespmem:s21+$0x14760]  }
0x1b8: {  	[tilespmem:s21+$0x14700] =	vst v21;
	v21 =	vmul.f32 v26, v25;
	v26 =	vld [tilespmem:s21+$0x14770]  }
0x1b9: {  	[tilespmem:s21+$0x14710] =	vst v22;
	v22 =	vmul.f32 v29, v25;
	v28 =	vld [tilespmem:s21+$0x14780]  }
0x1ba: {  	[tilespmem:s21+$0x14720] =	vst v21;
	v21 =	vmul.f32 v23, v25;
	v23 =	vld [tilespmem:s21+$0x14790]  }
0x1bb: {  	[tilespmem:s21+$0x14730] =	vst v22;
	v22 =	vmul.f32 v27, v25;
	v27 =	vld [tilespmem:s21+$0x147A0]  }
0x1bc: {  	v18 =	vperm.xlane v18, v16;
	[tilespmem:s21+$0x14740] =	vst v21;
	v21 =	vmul.f32 v24, v25;
	v24 =	vld [tilespmem:s21+$0x147B0]  }
0x1bd: {  	[tilespmem:s21+$0x14750] =	vst v22;
	v22 =	vmul.f32 v26, v25;
	v25 =	vld [tilespmem:s21+$0x147C0]  }
0x1be: {  	[tilespmem:s21+$0x14760] =	vst v21;
	v21 =	vmul.f32 v28, v18;
	v26 =	vld [tilespmem:s21+$0x147D0]  }
0x1bf: {  	[tilespmem:s21+$0x14770] =	vst v22;
	v22 =	vmul.f32 v23, v18;
	v23 =	vld [tilespmem:s21+$0x147E0]  }
0x1c0: {  	[tilespmem:s21+$0x14780] =	vst v21;
	v21 =	vld [tilespmem:s21+$0x147F0]  }
0x1c1: {  	[tilespmem:s21+$0x14790] =	vst v22  }
0x1c2: {  	[tilespmem:s21+$0x140D0] =	vst v20;
	v20 =	vmul.f32 v24, v18  }
0x1c3: {  	[tilespmem:s21+$0x14050] =	vst v19;
	v19 =	vmul.f32 v25, v18  }
.Ltmp1:
0x1c4: {  	[tilespmem:s21+$0x147B0] =	vst v20;
	v20 =	vmul.f32 v26, v18;
	(pc) =	sbr.rel @p0 .LBB2_5-.Ltmp1, $4  }
0x1c5: {  	v22 =	vmul.f32 v27, v18;
	[tilespmem:s21+$0x147C0] =	vst v19  }
0x1c6: {  	v19 =	vmul.f32 v23, v18;
	[tilespmem:s21+$0x147D0] =	vst v20  }
0x1c7: {  	v18 =	vmul.f32 v21, v18;
	[tilespmem:s21+$0x147A0] =	vst v22  }
0x1c8: {  	[tilespmem:s21+$0x147E0] =	vst v19  }
0x1c9: {  	s4 =	smul.u32 $0xA000, s19;
	p0 =	sne.s32 s17, $0x7D  }
.Ltmp2:
0x1ca: {  	_ = 	snop;
	(pc) =	sbr.rel @p0 .LBB2_4-.Ltmp2, $4  }
0x1cb: {  	_ = 	snop  }
0x1cc: {  	s4 =	sshrl.u32 s4, $0x2  }
0x1cd: {  	[tilespmem:s21+$0x147F0] =	vst v18;
	s18 =	sadd.s32 $0x1B980, s18;
	s4 =	sadd.s32 $0x14000, s4  }
0x1ce: {  	[spmem:s3] =	stream.indirect.scatter.add.f32 [tilespmem:s4], [sflag:$0x3], $0x80, s18, s30, $0xb8;
	[tilespmem:$0x1E480] =	vst v63  }
0x1cf: {  	_ =	swait.ge [sflag:s31], $0x2800  }
0x1d0: {  	[sflag:s31] =	ssyncset.done $0x0  }
0x1d1: {  	[sflag:s31] =	ssyncadd.s32 $0xFFFFD800  }
0x1d2: {  	_ =	swait.ge [sflag:s31], $0x2800  }
0x1d3: {  	[sflag:s31] =	ssyncset.done $0x0  }
0x1d4: {  	[sflag:s31] =	ssyncadd.s32 $0xFFFFD800  }
0x1d5: {  	_ =	swait.ge [sflag:s9], $0x2800  }
0x1d6: {  	[sflag:s9] =	ssyncset.done $0x0  }
0x1d7: {  	[sflag:s9] =	ssyncadd.s32 $0xFFFFD800  }
0x1d8: {  	_ =	swait.ge [sflag:s29], $0x50  }
0x1d9: {  	[sflag:s29] =	ssyncset.done $0x0  }
0x1da: {  	[sflag:s29] =	ssyncadd.s32 $0xFFFFFFB0  }
0x1db: {  	_ =	swait.ge [sflag:s29], $0x50  }
0x1dc: {  	[sflag:s29] =	ssyncset.done $0x0  }
0x1dd: {  	[sflag:s29] =	ssyncadd.s32 $0xFFFFFFB0  }
0x1de: {  	_ =	swait.ge [sflag:s29], $0x50  }
0x1df: {  	[sflag:s29] =	ssyncset.done $0x0  }
0x1e0: {  	[sflag:s29] =	ssyncadd.s32 $0xFFFFFFB0  }
0x1e1: {  	[bflag:$0x0] =	sbarrier.arrive $0xFFFF  }
0x1e2: {  	[tilespmem:s0], [sflag:$0x4] =	stream.linear.gather [spmem:s8], $0x5000, $0x38;
	[tilespmem:$0x1E480] =	vst v63  }
0x1e3: {  	_ =	swait.ge [sflag:s11], $0x5000  }
0x1e4: {  	[sflag:s11] =	ssyncset.done $0x0  }
0x1e5: {  	s4 =	rddreg [dreg:$0xb];
	[sflag:s11] =	ssyncadd.s32 $0xFFFFB000  }
0x1e6: {  	[hbm4b:s4+s5] =	stream.linear.scatter [tilespmem:s0], [sflag:$0x4], $0x5000, $0x38;
	[tilespmem:$0x1E480] =	vst v63  }
0x1e7: {  	_ =	swait.ge [sflag:s11], $0x5000  }
0x1e8: {  	[sflag:s11] =	ssyncset.done $0x0  }
0x1e9: {  	[sflag:s11] =	ssyncadd.s32 $0xFFFFB000  }
0x1ea: {  	[tilespmem:s0], [sflag:$0x4] =	stream.linear.gather [spmem:s10], $0x5000, $0x38;
	[tilespmem:$0x1E480] =	vst v63  }
0x1eb: {  	_ =	swait.ge [sflag:s11], $0x5000  }
0x1ec: {  	[sflag:s11] =	ssyncset.done $0x0  }
0x1ed: {  	s20 =	rddreg [dreg:$0xc];
	[sflag:s11] =	ssyncadd.s32 $0xFFFFB000  }
0x1ee: {  	[hbm4b:s20+s5] =	stream.linear.scatter [tilespmem:s0], [sflag:$0x4], $0x5000, $0x38;
	[tilespmem:$0x1E480] =	vst v63  }
0x1ef: {  	_ =	swait.ge [sflag:s11], $0x5000  }
0x1f0: {  	[sflag:s11] =	ssyncset.done $0x0  }
0x1f1: {  	[sflag:s11] =	ssyncadd.s32 $0xFFFFB000  }
0x1f2: {  	[tilespmem:s0], [sflag:$0x4] =	stream.linear.gather [spmem:s12], $0x5000, $0x38;
	[tilespmem:$0x1E480] =	vst v63  }
0x1f3: {  	_ =	swait.ge [sflag:s11], $0x5000  }
0x1f4: {  	[sflag:s11] =	ssyncset.done $0x0  }
0x1f5: {  	s21 =	rddreg [dreg:$0xd];
	[sflag:s11] =	ssyncadd.s32 $0xFFFFB000  }
0x1f6: {  	[hbm4b:s21+s5] =	stream.linear.scatter [tilespmem:s0], [sflag:$0x4], $0x5000, $0x38;
	[tilespmem:$0x1E480] =	vst v63  }
0x1f7: {  	_ =	swait.ge [sflag:s11], $0x5000  }
0x1f8: {  	[sflag:s11] =	ssyncset.done $0x0  }
0x1f9: {  	[sflag:s11] =	ssyncadd.s32 $0xFFFFB000  }
0x1fa: {  	[tilespmem:s0], [sflag:$0x4] =	stream.linear.gather [spmem:s14], $0x5000, $0x38;
	[tilespmem:$0x1E480] =	vst v63  }
0x1fb: {  	s13 =	sadd.s32 $0x1, s13;
	_ =	swait.ge [sflag:s11], $0x5000  }
0x1fc: {  	p0 =	sne.s32 s13, s25;
	[sflag:s11] =	ssyncset.done $0x0  }
.Ltmp3:
0x1fd: {  	s22 =	rddreg [dreg:$0xe];
	[sflag:s11] =	ssyncadd.s32 $0xFFFFB000;
	(pc) =	sbr.rel @p0 .LBB2_1-.Ltmp3, $4  }
0x1fe: {  	[hbm4b:s22+s5] =	stream.linear.scatter [tilespmem:s0], [sflag:$0x4], $0x5000, $0x38;
	[tilespmem:$0x1E480] =	vst v63  }
0x1ff: {  	_ =	swait.ge [sflag:s11], $0x5000  }
0x200: {  	[sflag:s11] =	ssyncset.done $0x0  }
0x201: {  	[sflag:s11] =	ssyncadd.s32 $0xFFFFB000  }
0x202: {  	_ =	sfence.sel $0x180000  }
0x203: {  	[bflag:$0x0] =	sbarrier.arrive $0xFFFF  }
0x204: {  	_ =	strace $0x9000004A  }
0x205: {  	s0 =	stileid.u32;
	[bflag:$0x2] =	sbarrier.arrive $0xFFFF  }
0x206: {  	p0 =	sne.s32 s0, $0x0;
	s0 =	rddreg [dreg:$0x4]  }
0x207: {  	s0 =	sadd.s32 @!p0 $0x100000, s0  }
0x208: {  	[sflag:s0] =	ssyncadd.tile.s32 @!p0 $0x1;
	_ =	shalt  }
.Lfunc_end2:
_tile_overlayer_lowered:
.L_overlay_start_2:
0x209: {  	(tag) =	ssettag $0x2  }
0x20a: {  	s0 =	rddreg [dreg:$0x0];
	s2 =	stileid.u32  }
0x20b: {  	s1 =	rddreg [dreg:$0x1];
	p0 =	sne.s32 s2, $0x0  }
0x20c: {  	s3 =	rddreg [dreg:$0x2];
	[bflag:$0x3] =	sbarrier.arrive $0xFFFF;
	s2 =	simm.s32 @!p0 $0x1C04  }
0x20d: {  	[timem:s3], [sflag:s2] =	dma.local @!p0 [hbm:s0], s1  }
0x20e: {  	s0 =	simm.s32 @!p0 $0x4  }
0x20f: {  	_ =	swait.ge @!p0 [sflag:s0], s1  }
0x210: {  	s1 =	ssub.s32 @!p0 $0x0, s1;
	[sflag:s0] =	ssyncset.done @!p0 $0x0  }
0x211: {  	[sflag:s0] =	ssyncadd.s32 @!p0 s1  }
0x212: {  	[bflag:$0x3] =	sbarrier.arrive $0xFFFF  }
0x213: {  	_ =	shalt  }

// kernel: kernel.8.cloned.1.call-start
scs
__scs_entry_jumppad:
0x0: {  	(pc) =	sbr.rel $0x88, $3  }
0x1: {  	(tag) =	ssettag $0x0;
	lr =	simm.s32 $0x1  }
0x2: {  	[smem:$0x3F9C] =	sst lr;
	_ =	strace $0xD0000000  }
0x3: {  	_ = 	snop  }
0x4: {  	_ = 	snop  }
0x5: {  	_ = 	snop  }
0x6: {  	_ = 	snop  }
0x7: {  	_ = 	snop  }
__scs_overlays_trampoline_lowered:
0x8: {  	[smem:$0x3FAB] =	sst s0  }
0x9: {  	[smem:$0x3FAC] =	sst s1  }
0xa: {  	[smem:$0x3FAD] =	sst s2  }
0xb: {  	[smem:$0x3FAE] =	sst s3  }
0xc: {  	[smem:$0x3FAF] =	sst s4  }
0xd: {  	[smem:$0x3FB0] =	sst s5  }
0xe: {  	[smem:$0x3FB1] =	sst s6  }
0xf: {  	[smem:$0x3FB2] =	sst s7  }
0x10: {  	[smem:$0x3FB3] =	sst s8  }
0x11: {  	[smem:$0x3FB4] =	sst s9;
	s0 =	simm.s32 @!p0 $0x0  }
0x12: {  	s1 =	sld [smem:$0x3F9A];
	s0 =	simm.s32 @p0 $0x1  }
0x13: {  	[smem:$0x3FB5] =	sst s0;
	s0 =	simm.s32 @!p1 $0x0  }
0x14: {  	s2 =	sld [smem:$0x3F99];
	s0 =	simm.s32 @p1 $0x1  }
0x15: {  	[smem:$0x3FB6] =	sst s0;
	s0 =	simm.s32 @!p2 $0x0  }
0x16: {  	s3 =	sld [smem:$0x3FDB];
	s0 =	simm.s32 @p2 $0x1  }
0x17: {  	s4 =	simm.s32 $0x1BF5;
	[smem:$0x3FB8] =	sst s0  }
0x18: {  	s0 =	sld [smem:$0x3F9B];
	_ =	swait.ge [sflag:s4], $0x0  }
0x19: {  	s7 =	sld [smem:$0x3F9C]  }
0x1a: {  	s8 =	sadd.s32 $0xFFFFE003, lr  }
0x1b: {  	s9 =	sadd.s32 $0xFFFFFEF7, lr;
	s5 =	simm.s32 $0xFFFFFFFF;
	p2 =	slt.u32 s8, $0xFFFFF086  }
0x1c: {  	p1 =	slt.u32 s9, $0xF7A;
	s5 =	simm.s32 @!p2 $0x0  }
0x1d: {  	s5 =	simm.s32 @p1 $0x1;
	p0 =	seq.s32 s7, s2  }
0x1e: {  	s7 =	smul.u32 @!p0 $0xF7A, s2;
	p2 =	seq.s32 @!p0 s5, $0x0  }
0x1f: {  	s9 =	smul.u32 $0xF7A, s1;
	s8 =	simm.s32 @!p0 $0x1BF5;
	p2 =	por !p2, p0  }
0x20: {  	[sflag:s8] =	ssyncset.s32 @!p0 $0xFFFFF086;
	s6 =	sadd.s32 @!p0 s3, s7;
	s7 =	simm.s32 @!p0 $0x108  }
0x21: {  	s3 =	sadd.s32 s3, s9;
	s6 =	sadd.s32 @!p0 $0x88, s6;
	s7 =	simm.s32 @p2 $0x1082  }
0x22: {  	[simem:s7], [sflag:s8] =	dma.local @!p0 [hbm:s6], $0xF7A  }
0x23: {  	s9 =	sor.u32 $0xD0000000, s2;
	s6 =	simm.s32 $0x108;
	_ =	swait.ge @!p0 [sflag:s8], $0x0  }
0x24: {  	s3 =	sadd.s32 $0x88, s3;
	s6 =	simm.s32 @!p1 $0x1082;
	[sflag:s4] =	ssyncset.s32 $0xFFFFF086  }
0x25: {  	[simem:s6], [sflag:s4] =	dma.local [hbm:s3], $0xF7A  }
0x26: {  	[smem:$0x3F9C] =	sst s1;
	(tag) =	ssettag s2;
	_ =	strace s9  }
0x27: {  	s1 =	sld [smem:$0x3FAC]  }
0x28: {  	s2 =	sld [smem:$0x3FAD]  }
0x29: {  	s4 =	sld [smem:$0x3FAF]  }
0x2a: {  	p0 =	seq.s32 s5, $0x0;
	s5 =	sld [smem:$0x3FB0]  }
0x2b: {  	s6 =	sld [smem:$0x3FB1]  }
0x2c: {  	s7 =	sld [smem:$0x3FB2]  }
0x2d: {  	s3 =	simm.s32 $0x108;
	s8 =	sld [smem:$0x3FB3]  }
0x2e: {  	s3 =	simm.s32 @!p0 $0x1082;
	s9 =	sld [smem:$0x3FB4]  }
0x2f: {  	lr =	sadd.s32 s0, s3;
	s0 =	sld [smem:$0x3FAB]  }
0x30: {  	s3 =	sld [smem:$0x3FAE]  }
0x31: {  	[smem:$0x3FB7] =	sst s10  }
0x32: {  	s10 =	sld [smem:$0x3FB5];
	_ =	sdelay $0x3  }
0x33: {  	p0 =	seq.s32 s10, $0x1;
	s10 =	sld [smem:$0x3FB7];
	_ =	sdelay $0x3  }
0x34: {  	[smem:$0x3FB7] =	sst s10  }
0x35: {  	s10 =	sld [smem:$0x3FB6];
	_ =	sdelay $0x3  }
0x36: {  	p1 =	seq.s32 s10, $0x1;
	s10 =	sld [smem:$0x3FB7];
	_ =	sdelay $0x3  }
0x37: {  	[smem:$0x3FB7] =	sst s10  }
0x38: {  	s10 =	sld [smem:$0x3FB8]  }
0x39: {  	_ = 	snop;
	(pc) =	sbr.ind lr, $3  }
0x3a: {  	_ = 	snop  }
0x3b: {  	_ = 	snop  }
0x3c: {  	p2 =	seq.s32 s10, $0x1;
	s10 =	sld [smem:$0x3FB7]  }
0x3d: {  	_ =	shalt  }
0x3e: {  	_ =	shalt  }
0x3f: {  	_ =	shalt  }
0x40: {  	_ =	shalt  }
0x41: {  	_ =	shalt  }
0x42: {  	_ =	shalt  }
0x43: {  	_ =	shalt  }
0x44: {  	_ =	shalt  }
0x45: {  	_ =	shalt  }
0x46: {  	_ =	shalt  }
0x47: {  	_ =	shalt  }
0x48: {  	_ =	shalt  }
0x49: {  	_ =	shalt  }
0x4a: {  	_ =	shalt  }
0x4b: {  	_ =	shalt  }
0x4c: {  	_ =	shalt  }
0x4d: {  	_ =	shalt  }
0x4e: {  	_ =	shalt  }
0x4f: {  	_ =	shalt  }
0x50: {  	_ =	shalt  }
0x51: {  	_ =	shalt  }
0x52: {  	_ =	shalt  }
0x53: {  	_ =	shalt  }
0x54: {  	_ =	shalt  }
0x55: {  	_ =	shalt  }
0x56: {  	_ =	shalt  }
0x57: {  	_ =	shalt  }
0x58: {  	_ =	shalt  }
0x59: {  	_ =	shalt  }
0x5a: {  	_ =	shalt  }
0x5b: {  	_ =	shalt  }
0x5c: {  	_ =	shalt  }
0x5d: {  	_ =	shalt  }
0x5e: {  	_ =	shalt  }
0x5f: {  	_ =	shalt  }
0x60: {  	_ =	shalt  }
0x61: {  	_ =	shalt  }
0x62: {  	_ =	shalt  }
0x63: {  	_ =	shalt  }
0x64: {  	_ =	shalt  }
0x65: {  	_ =	shalt  }
0x66: {  	_ =	shalt  }
0x67: {  	_ =	shalt  }
0x68: {  	_ =	shalt  }
0x69: {  	_ =	shalt  }
0x6a: {  	_ =	shalt  }
0x6b: {  	_ =	shalt  }
0x6c: {  	_ =	shalt  }
0x6d: {  	_ =	shalt  }
0x6e: {  	_ =	shalt  }
0x6f: {  	_ =	shalt  }
0x70: {  	_ =	shalt  }
0x71: {  	_ =	shalt  }
0x72: {  	_ =	shalt  }
0x73: {  	_ =	shalt  }
0x74: {  	_ =	shalt  }
0x75: {  	_ =	shalt  }
0x76: {  	_ =	shalt  }
0x77: {  	_ =	shalt  }
0x78: {  	_ =	shalt  }
0x79: {  	_ =	shalt  }
0x7a: {  	_ =	shalt  }
0x7b: {  	_ =	shalt  }
0x7c: {  	_ =	shalt  }
0x7d: {  	_ =	shalt  }
0x7e: {  	_ =	shalt  }
0x7f: {  	_ =	shalt  }
0x80: {  	_ =	shalt  }
0x81: {  	_ =	shalt  }
0x82: {  	_ =	shalt  }
0x83: {  	_ =	shalt  }
0x84: {  	_ =	shalt  }
0x85: {  	_ =	shalt  }
0x86: {  	_ =	shalt  }
0x87: {  	_ =	shalt  }
.Lfunc_end0:
.L_simem_size_0:
called_computation_lowered:
.L_overlay_start_0:
0x88: {  	s2 =	sld [smem:$0x3FD9]  }
0x89: {  	s3 =	sld [smem:$0x3FFE];
	_ =	sdelay $0x1  }
0x8a: {  	s1 =	srdreg.scid  }
0x8b: {  	s0 =	sand.u32 $0x1, s1  }
0x8c: {  	s17 =	sshll.u32 s0, $0xA;
	s2 =	sadd.s32 s3, s2  }
0x8d: {  	s2 =	sadd.s32 s2, s17  }
0x8e: {  	[smem:$0x3FC3] =	sst s2  }
0x8f: {  	_ = 	snop  }
0x90: {  	s2 =	sld [smem:$0x3FD0];
	(tm) =	ssettm $0x1  }
0x91: {  	s18 =	sld [smem:$0x3FFB];
	_ =	sdelay $0x3  }
0x92: {  	_ =	strace s18  }
0x93: {  	s3 =	sld [smem:$0x3FFC];
	_ =	sdelay $0x3  }
0x94: {  	_ =	strace s3  }
0x95: {  	s3 =	sld [smem:$0x3FFD];
	_ =	sdelay $0x3  }
0x96: {  	_ =	strace s3  }
0x97: {  	_ =	strace $0x8FFFFFFF  }
0x98: {  	s19 =	sld [smem:$0x3FDB];
	_ =	sdelay $0x1  }
0x99: {  	s4 =	simm.s32 $_scs_section_size  }
0x9a: {  	s5 =	simm.s32 $_size__tile_overlayer_lowered;
	s6 =	simm.s32 $_tile_overlayer_lowered  }
0x9b: {  	s22 =	simm.s32 $0x1BFF;
	s21 =	sshll.u32 s6, $0x1;
	s3 =	sadd.s32 s4, s19  }
0x9c: {  	s7 =	simm.s32 $0x0;
	s20 =	sshll.u32 s5, $0x1;
	s5 =	sadd.s32 s21, s3  }
0x9d: {  	[timem:s7], [sflag:s22] =	dma.local [hbm:s5], s20  }
0x9e: {  	_ =	swait.ge [sflag:s22], s20  }
0x9f: {  	s4 =	ssub.s32 $0x0, s20;
	[sflag:s22] =	ssyncset.done $0x0  }
0xa0: {  	[sflag:s22] =	ssyncadd.s32 s4;
	_ =	sdelay $0x1  }
0xa1: {  	s23 =	simm.s32 $0x1B8B  }
0xa2: {  	_ =	swait.ge [sflag:s23], $0x1  }
0xa3: {  	[sflag:s23] =	ssyncset.done $0x0  }
0xa4: {  	s25 =	simm.s32 $0x1B8E;
	s24 =	sld [smem:$0x3FFE];
	[sflag:s23] =	ssyncadd.s32 $0xFFFFFFFF  }
0xa5: {  	s26 =	simm.s32 $execute0_lowered;
	[smem:$0x3FD2] =	sst s25  }
0xa6: {  	s5 =	sshll.u32 s26, $0x1;
	_ =	strace $0x80000046;
	[dreg:$0x1] =	wrdreg $0xFFFFFFFF  }
0xa7: {  	s28 =	simm.s32 $_size_execute0_lowered;
	s3 =	sadd.s32 s3, s5;
	[dreg:$0x0] =	wrdreg $0x0  }
0xa8: {  	s5 =	sshll.u32 s28, $0x1;
	[dreg:$0x2] =	wrdreg s3  }
0xa9: {  	[dreg:$0x3] =	wrdreg s5  }
0xaa: {  	[dreg:$0x4] =	wrdreg $0xC0  }
0xab: {  	_ =	task [dreg:s7], $0x5FFFF  }
0xac: {  	[dreg:$0x1] =	wrdreg $0xFFFFFFFF  }
0xad: {  	[dreg:$0x0] =	wrdreg $0x60  }
0xae: {  	[dreg:$0x2] =	wrdreg s24  }
0xaf: {  	[dreg:$0x3] =	wrdreg s2  }
0xb0: {  	[dreg:$0x4] =	wrdreg $0x0  }
0xb1: {  	[dreg:$0x5] =	wrdreg $0x2800  }
0xb2: {  	[dreg:$0x6] =	wrdreg $0x9  }
0xb3: {  	_ =	task.clear_ibuf [dreg:s7], $0x7FFFF;
	_ =	strace $0x90000046  }
0xb4: {  	s29 =	simm.s32 $0x9;
	_ =	strace $0x80000048  }
0xb5: {  	_ =	swait.ge [sflag:s29], $0x1  }
0xb6: {  	[sflag:s29] =	ssyncadd.s32 $0xFFFFFFFF  }
0xb7: {  	_ =	strace $0x90000048  }
0xb8: {  	_ =	sfence  }
0xb9: {  	s30 =	sld [smem:$0x0];
	_ =	sdelay $0x2  }
0xba: {  	s31 =	sshll.u32 s1, $0xD;
	s1 =	sshrl.u32 s1, $0x2  }
0xbb: {  	s3 =	sand.u32 $0x4000, s31;
	s1 =	sadd.s32 s1, s30  }
0xbc: {  	s0 =	sor.u32 s3, s0;
	s1 =	sshll.u32 s1, $0x11  }
0xbd: {  	s0 =	sor.u32 s1, s0  }
0xbe: {  	s0 =	sadd.s32 $0x8F2B, s0  }
0xbf: {  	[sflag:s0] =	ssyncadd.remote.s32 $0x1  }
0xc0: {  	_ =	sfence.sel $0xFFFF  }
0xc1: {  	[dreg:$0x0] =	wrdreg $0xFFFFFFFF;
	(pc) =	sbr.abs _section_cstart, $3  }
0xc2: {  	[dreg:$0x1] =	wrdreg $0xFFFFFFFF  }
0xc3: {  	_ =	task.clear_ibuf [dreg:s7], $0x2FFFF;
	_ =	strace $0x9FFFFFFF  }
0xc4: {  	(tm) =	ssettm $0x7FFFFFFF  }
0xc5: {  	_ =	shalt  }
tec
execute0_lowered:
.L_overlay_start_1:
0x0: {  	(tag) =	ssettag $0x1  }
0x1: {  	s0 =	rddreg [dreg:$0x0]  }
0x2: {  	s2 =	rddreg [dreg:$0x1]  }
0x3: {  	s1 =	rddreg [dreg:$0x2]  }
0x4: {  	s3 =	rddreg [dreg:$0x3];
	s4 =	simm.s32 $0x0  }
0x5: {  	s5 =	srdreg.scid;
	s6 =	stileid.u32;
	s16 =	simm.s32 $0x900  }
0x6: {  	s17 =	simm.s32 $0x3;
	s18 =	simm.s32 $0x50;
	s20 =	simm.s32 $0x580  }
0x7: {  	s24 =	simm.s32 $0x600;
	s28 =	simm.s32 $0x7D0;
	s29 =	simm.s32 $0x2  }
0x8: {  	s30 =	simm.s32 $0x1;
	s31 =	simm.s32 $0x500;
	s7 =	sand.u32 $0x1, s5  }
0x9: {  	s9 =	smul.u32 $0x280, s6;
	s25 =	sshll.u32 s6, $0x1;
	[smem:$0x7FF] =	sst s4  }
0xa: {  	s6 =	sadd.s32 $0x2200, s0;
	s8 =	smul.u32 $0x2800, s7;
	s5 =	sor.u32 s7, s25  }
0xb: {  	_ =	strace $0x80000047;
	s7 =	ssub.s32 $0x2, s7;
	s25 =	simm.s32 $0x780  }
0xc: {  	s5 =	smul.u32 $0x2710, s5;
	s26 =	sshrl.u32 s7, $0x1;
	s8 =	sadd.s32 s9, s8  }
0xd: {  	s15 =	ssub.s32 s7, s26;
	s26 =	simm.s32 $0x650;
	s13 =	sshrl.u32 s8, $0x3  }
0xe: {  	s10 =	sshrl.u32 s5, $0x3;
	s8 =	sadd.s32 s9, s1;
	s9 =	sadd.s32 s9, s3  }
0xf: {  	s15 =	smax.u32 s15, $0x1;
	s0 =	sadd.s32 s13, s0;
	s7 =	sadd.s32 s6, s10  }
0x10: {  	s13 =	sadd.s32 s2, s13;
	s10 =	sadd.s32 $0x9C40, s7;
	s11 =	sadd.s32 $0xA, s7  }
0x11: {  	v0 =	vimm.f32 $1.000000000e+00;
	v1 =	vimm.f32 $0.0e+00;
	v2 =	vimm.s32 $0x0;
	s12 =	sadd.s32 $0x9C4A, s7;
	s14 =	sadd.s32 $0x15C00, s0;
	s0 =	simm.s32 $0x0  }
.LBB2_1:
0x12: {  	[tilespmem:$0x500] =	vst v0  }
0x13: {  	[tilespmem:$0x580] =	vst v1  }
0x14: {  	[tilespmem:$0x510] =	vst v0  }
0x15: {  	[tilespmem:$0x590] =	vst v1  }
0x16: {  	[tilespmem:$0x520] =	vst v0  }
0x17: {  	[tilespmem:$0x5A0] =	vst v1  }
0x18: {  	[tilespmem:$0x530] =	vst v0  }
0x19: {  	[tilespmem:$0x5B0] =	vst v1  }
0x1a: {  	[tilespmem:$0x540] =	vst v0  }
0x1b: {  	[tilespmem:$0x5C0] =	vst v1  }
0x1c: {  	[tilespmem:$0x600] =	vst v2  }
0x1d: {  	[tilespmem:$0x780] =	vst v2  }
0x1e: {  	[tilespmem:$0x610] =	vst v2  }
0x1f: {  	[tilespmem:$0x790] =	vst v2  }
0x20: {  	[tilespmem:$0x620] =	vst v2  }
0x21: {  	[tilespmem:$0x7A0] =	vst v2  }
0x22: {  	[tilespmem:$0x630] =	vst v2  }
0x23: {  	[tilespmem:$0x7B0] =	vst v2  }
0x24: {  	[tilespmem:$0x640] =	vst v2  }
0x25: {  	[tilespmem:$0x7C0] =	vst v2  }
0x26: {  	[tilespmem:$0x650] =	vst v2  }
0x27: {  	[tilespmem:$0x7D0] =	vst v2  }
0x28: {  	[tilespmem:$0x660] =	vst v2  }
0x29: {  	[tilespmem:$0x7E0] =	vst v2  }
0x2a: {  	[tilespmem:$0x670] =	vst v2  }
0x2b: {  	[tilespmem:$0x7F0] =	vst v2  }
0x2c: {  	[tilespmem:$0x680] =	vst v2  }
0x2d: {  	[tilespmem:$0x800] =	vst v2  }
0x2e: {  	[tilespmem:$0x690] =	vst v2  }
0x2f: {  	[tilespmem:$0x810] =	vst v2  }
0x30: {  	[tilespmem:$0x6A0] =	vst v2  }
0x31: {  	[tilespmem:$0x820] =	vst v2  }
0x32: {  	[tilespmem:$0x6B0] =	vst v2  }
0x33: {  	[tilespmem:$0x830] =	vst v2  }
0x34: {  	[tilespmem:$0x6C0] =	vst v2  }
0x35: {  	[tilespmem:$0x840] =	vst v2  }
0x36: {  	[tilespmem:$0x6D0] =	vst v2  }
0x37: {  	[tilespmem:$0x850] =	vst v2  }
0x38: {  	[tilespmem:$0x6E0] =	vst v2  }
0x39: {  	[tilespmem:$0x860] =	vst v2  }
0x3a: {  	[tilespmem:$0x6F0] =	vst v2  }
0x3b: {  	[tilespmem:$0x870] =	vst v2  }
0x3c: {  	[tilespmem:$0x700] =	vst v2  }
0x3d: {  	[tilespmem:$0x880] =	vst v2  }
0x3e: {  	[tilespmem:$0x710] =	vst v2  }
0x3f: {  	[tilespmem:$0x890] =	vst v2  }
0x40: {  	[tilespmem:$0x720] =	vst v2  }
0x41: {  	[tilespmem:$0x8A0] =	vst v2  }
0x42: {  	[tilespmem:$0x730] =	vst v2  }
0x43: {  	[tilespmem:$0x8B0] =	vst v2  }
0x44: {  	[tilespmem:$0x900] =	vst v1  }
0x45: {  	[tilespmem:$0x910] =	vst v1  }
0x46: {  	[tilespmem:$0x920] =	vst v1  }
0x47: {  	[tilespmem:$0x930] =	vst v1  }
0x48: {  	[tilespmem:$0x940] =	vst v1  }
0x49: {  	[tilespmem:$0x950] =	vst v1  }
0x4a: {  	[tilespmem:$0x960] =	vst v1  }
0x4b: {  	[tilespmem:$0x970] =	vst v1  }
0x4c: {  	[tilespmem:$0x980] =	vst v1  }
0x4d: {  	[tilespmem:$0x990] =	vst v1  }
0x4e: {  	[tilespmem:$0x9A0] =	vst v1  }
0x4f: {  	[tilespmem:$0x9B0] =	vst v1  }
0x50: {  	[tilespmem:$0x9C0] =	vst v1  }
0x51: {  	[tilespmem:$0x9D0] =	vst v1  }
0x52: {  	[tilespmem:$0x9E0] =	vst v1  }
0x53: {  	[tilespmem:$0x9F0] =	vst v1  }
0x54: {  	[tilespmem:$0xA00] =	vst v1  }
0x55: {  	[tilespmem:$0xA10] =	vst v1  }
0x56: {  	[tilespmem:$0xA20] =	vst v1  }
0x57: {  	[tilespmem:$0xA30] =	vst v1  }
0x58: {  	[tilespmem:$0xA40] =	vst v1  }
0x59: {  	[tilespmem:$0xA50] =	vst v1  }
0x5a: {  	[tilespmem:$0xA60] =	vst v1  }
0x5b: {  	[tilespmem:$0xA70] =	vst v1  }
0x5c: {  	[tilespmem:$0xA80] =	vst v1  }
0x5d: {  	[tilespmem:$0xA90] =	vst v1  }
0x5e: {  	[tilespmem:$0xAA0] =	vst v1  }
0x5f: {  	[tilespmem:$0xAB0] =	vst v1  }
0x60: {  	[tilespmem:$0xAC0] =	vst v1  }
0x61: {  	[tilespmem:$0xAD0] =	vst v1  }
0x62: {  	[tilespmem:$0xAE0] =	vst v1  }
0x63: {  	[tilespmem:$0xAF0] =	vst v1  }
0x64: {  	[tilespmem:$0xB00] =	vst v1  }
0x65: {  	[tilespmem:$0xB10] =	vst v1  }
0x66: {  	[tilespmem:$0xB20] =	vst v1  }
0x67: {  	[tilespmem:$0xB30] =	vst v1  }
0x68: {  	[tilespmem:$0xB40] =	vst v1  }
0x69: {  	[tilespmem:$0xB50] =	vst v1  }
0x6a: {  	[tilespmem:$0xB60] =	vst v1  }
0x6b: {  	[tilespmem:$0xB70] =	vst v1  }
0x6c: {  	[spmem:s8] =	stream.linear.scatter [tilespmem:s16], [sflag:$0x3], $0x280, $0x38;
	[tilespmem:$0xB80] =	vst v63  }
0x6d: {  	_ =	swait.ge [sflag:s17], $0x280  }
0x6e: {  	[sflag:s17] =	ssyncset.done $0x0  }
0x6f: {  	[sflag:s17] =	ssyncadd.s32 $0xFFFFFD80  }
0x70: {  	[spmem:s9] =	stream.linear.scatter [tilespmem:s16], [sflag:$0x3], $0x280, $0x38;
	[tilespmem:$0xB80] =	vst v63  }
0x71: {  	_ =	swait.ge [sflag:s17], $0x280  }
0x72: {  	[sflag:s17] =	ssyncset.done $0x0  }
0x73: {  	[sflag:s17] =	ssyncadd.s32 $0xFFFFFD80  }
0x74: {  	s2 =	simm.s32 $0x6A0;
	[bflag:$0x0] =	sbarrier.arrive $0xFFFF  }
0x75: {  	[spmem:s1] =	stream.indirect.scatter.add.f32 [tilespmem:s20], [sflag:$0x2], $0x1, s2, s18, $0xb8;
	[tilespmem:$0xB80] =	vst v63  }
0x76: {  	s22 =	simm.s32 $0x820  }
0x77: {  	[spmem:s3] =	stream.indirect.scatter.add.f32 [tilespmem:s20], [sflag:$0x2], $0x1, s22, s18, $0xb8;
	[tilespmem:$0xB80] =	vst v63  }
0x78: {  	s23 =	simm.s32 $0x6F0  }
0x79: {  	[spmem:s1] =	stream.indirect.scatter.add.f32 [tilespmem:s20], [sflag:$0x2], $0x1, s23, s18, $0xb8;
	[tilespmem:$0xB80] =	vst v63  }
0x7a: {  	s19 =	simm.s32 $0x870  }
0x7b: {  	[spmem:s3] =	stream.indirect.scatter.add.f32 [tilespmem:s20], [sflag:$0x2], $0x1, s19, s18, $0xb8;
	[tilespmem:$0xB80] =	vst v63  }
0x7c: {  	_ = 	snop  }
0x7d: {  	[tilespmem:s24], [sflag:$0x1] =	stream.linear.gather [hbm4b:s7+s4], $0x50, $0x38;
	[tilespmem:$0xB80] =	vst v63  }
0x7e: {  	_ = 	snop  }
0x7f: {  	[tilespmem:s25], [sflag:$0x1] =	stream.linear.gather [hbm4b:s10+s4], $0x50, $0x38;
	[tilespmem:$0xB80] =	vst v63  }
0x80: {  	_ = 	snop  }
0x81: {  	[tilespmem:s26], [sflag:$0x1] =	stream.linear.gather [hbm4b:s11+s4], $0x50, $0x38;
	[tilespmem:$0xB80] =	vst v63  }
0x82: {  	_ = 	snop  }
0x83: {  	[tilespmem:s28], [sflag:$0x1] =	stream.linear.gather [hbm4b:s12+s4], $0x50, $0x38;
	[tilespmem:$0xB80] =	vst v63  }
0x84: {  	s21 =	smin.u32 s29, $0x7C;
	_ =	swait.ge [sflag:s29], $0x50  }
0x85: {  	s2 =	smul.u32 $0x50, s21;
	[sflag:s29] =	ssyncset.done $0x0  }
0x86: {  	s19 =	sand.u32 $0x3, s29;
	[sflag:s29] =	ssyncadd.s32 $0xFFFFFFB0  }
0x87: {  	s2 =	sadd.s32 s5, s2;
	s19 =	smul.u32 $0x50, s19;
	_ =	swait.ge [sflag:s29], $0x50  }
0x88: {  	s2 =	sshrl.u32 s2, $0x3;
	[sflag:s29] =	ssyncset.done $0x0  }
0x89: {  	s2 =	sadd.s32 s6, s2;
	s21 =	sor.u32 $0x600, s19;
	[sflag:s29] =	ssyncadd.s32 $0xFFFFFFB0  }
0x8a: {  	[tilespmem:s21], [sflag:$0x1] =	stream.linear.gather [hbm4b:s2+s4], $0x50, $0x38;
	[tilespmem:$0xB80] =	vst v63  }
0x8b: {  	s19 =	sadd.s32 $0x780, s19;
	s2 =	sadd.s32 $0x9C40, s2  }
0x8c: {  	[tilespmem:s19], [sflag:$0x1] =	stream.linear.gather [hbm4b:s2+s4], $0x50, $0x38;
	[tilespmem:$0xB80] =	vst v63  }
0x8d: {  	_ =	swait.ge [sflag:s30], $0x50  }
0x8e: {  	s22 =	simm.s32 $0x0;
	[sflag:s30] =	ssyncset.done $0x0  }
0x8f: {  	s2 =	sand.u32 $0x3, s22;
	[sflag:s30] =	ssyncadd.s32 $0xFFFFFFB0  }
0x90: {  	s23 =	smul.u32 $0x50, s2;
	_ =	swait.ge [sflag:s30], $0x50  }
0x91: {  	[sflag:s30] =	ssyncset.done $0x0  }
0x92: {  	s2 =	sor.u32 $0x600, s23;
	[sflag:s30] =	ssyncadd.s32 $0xFFFFFFB0  }
0x93: {  	[spmem:s1] =	stream.indirect.scatter.add.f32 [tilespmem:s31], [sflag:$0x2], $0x1, s2, s18, $0xb8;
	[tilespmem:$0xB80] =	vst v63  }
0x94: {  	s19 =	sadd.s32 $0x780, s23;
	s2 =	simm.s32 $0x3  }
.LBB2_2:
0x95: {  	[spmem:s3] =	stream.indirect.scatter.add.f32 [tilespmem:s31], [sflag:$0x2], $0x1, s19, s18, $0xb8;
	[tilespmem:$0xB80] =	vst v63  }
0x96: {  	p0 =	sne.s32 s2, $0x7E;
	s19 =	smov.u32 s2;
	s2 =	sadd.s32 $0x1, s2  }
0x97: {  	s21 =	smin.u32 s19, $0x7C;
	_ =	swait.ge [sflag:s29], $0x50  }
0x98: {  	s21 =	smul.u32 $0x50, s21;
	[sflag:s29] =	ssyncset.done $0x0  }
0x99: {  	s22 =	sand.u32 $0x3, s19;
	[sflag:s29] =	ssyncadd.s32 $0xFFFFFFB0  }
0x9a: {  	s22 =	smul.u32 $0x50, s22;
	s21 =	sadd.s32 s5, s21;
	_ =	swait.ge [sflag:s29], $0x50  }
0x9b: {  	s21 =	sshrl.u32 s21, $0x3;
	[sflag:s29] =	ssyncset.done $0x0  }
0x9c: {  	s23 =	sor.u32 $0x600, s22;
	s21 =	sadd.s32 s6, s21;
	[sflag:s29] =	ssyncadd.s32 $0xFFFFFFB0  }
0x9d: {  	[tilespmem:s23], [sflag:$0x1] =	stream.linear.gather [hbm4b:s21+s4], $0x50, $0x38;
	[tilespmem:$0xB80] =	vst v63  }
0x9e: {  	s22 =	sadd.s32 $0x780, s22;
	s21 =	sadd.s32 $0x9C40, s21  }
0x9f: {  	[tilespmem:s22], [sflag:$0x1] =	stream.linear.gather [hbm4b:s21+s4], $0x50, $0x38;
	[tilespmem:$0xB80] =	vst v63  }
0xa0: {  	s19 =	sadd.s32 $0xFFFFFFFE, s19;
	_ =	swait.ge [sflag:s30], $0x50  }
0xa1: {  	s19 =	sand.u32 $0x3, s19;
	[sflag:s30] =	ssyncset.done $0x0  }
0xa2: {  	s19 =	smul.u32 $0x50, s19;
	[sflag:s30] =	ssyncadd.s32 $0xFFFFFFB0  }
.Ltmp0:
0xa3: {  	_ =	swait.ge [sflag:s30], $0x50;
	(pc) =	sbr.rel @p0 .LBB2_2-.Ltmp0, $4  }
0xa4: {  	[sflag:s30] =	ssyncset.done $0x0  }
0xa5: {  	s21 =	sor.u32 $0x600, s19;
	[sflag:s30] =	ssyncadd.s32 $0xFFFFFFB0  }
0xa6: {  	[spmem:s1] =	stream.indirect.scatter.add.f32 [tilespmem:s31], [sflag:$0x2], $0x1, s21, s18, $0xb8;
	[tilespmem:$0xB80] =	vst v63  }
0xa7: {  	s19 =	sadd.s32 $0x780, s19  }
0xa8: {  	[spmem:s3] =	stream.indirect.scatter.add.f32 [tilespmem:s31], [sflag:$0x2], $0x1, s19, s18, $0xb8;
	[tilespmem:$0xB80] =	vst v63  }
0xa9: {  	_ =	swait.ge [sflag:s29], $0x50  }
0xaa: {  	[sflag:s29] =	ssyncset.done $0x0  }
0xab: {  	[sflag:s29] =	ssyncadd.s32 $0xFFFFFFB0  }
0xac: {  	_ =	swait.ge [sflag:s29], $0x50  }
0xad: {  	[sflag:s29] =	ssyncset.done $0x0  }
0xae: {  	[sflag:s29] =	ssyncadd.s32 $0xFFFFFFB0  }
0xaf: {  	_ =	swait.ge [sflag:s29], $0x50  }
0xb0: {  	[sflag:s29] =	ssyncset.done $0x0  }
0xb1: {  	[sflag:s29] =	ssyncadd.s32 $0xFFFFFFB0  }
0xb2: {  	_ =	swait.ge [sflag:s29], $0x50  }
0xb3: {  	[sflag:s29] =	ssyncset.done $0x0  }
0xb4: {  	[sflag:s29] =	ssyncadd.s32 $0xFFFFFFB0  }
0xb5: {  	_ =	swait.ge [sflag:s30], $0x50  }
0xb6: {  	[sflag:s30] =	ssyncset.done $0x0  }
0xb7: {  	[sflag:s30] =	ssyncadd.s32 $0xFFFFFFB0  }
0xb8: {  	_ =	swait.ge [sflag:s30], $0x50  }
0xb9: {  	[sflag:s30] =	ssyncset.done $0x0  }
0xba: {  	[sflag:s30] =	ssyncadd.s32 $0xFFFFFFB0  }
0xbb: {  	_ =	swait.ge [sflag:s30], $0x50  }
0xbc: {  	[sflag:s30] =	ssyncset.done $0x0  }
0xbd: {  	[sflag:s30] =	ssyncadd.s32 $0xFFFFFFB0  }
0xbe: {  	_ =	swait.ge [sflag:s30], $0x50  }
0xbf: {  	[sflag:s30] =	ssyncset.done $0x0  }
0xc0: {  	[sflag:s30] =	ssyncadd.s32 $0xFFFFFFB0  }
0xc1: {  	[bflag:$0x0] =	sbarrier.arrive $0xFFFF  }
0xc2: {  	[tilespmem:s16], [sflag:$0x3] =	stream.linear.gather [spmem:s8], $0x280, $0x38;
	[tilespmem:$0xB80] =	vst v63  }
0xc3: {  	_ =	swait.ge [sflag:s17], $0x280  }
0xc4: {  	[sflag:s17] =	ssyncset.done $0x0  }
0xc5: {  	[sflag:s17] =	ssyncadd.s32 $0xFFFFFD80  }
0xc6: {  	[hbm4b:s13+s4] =	stream.linear.scatter [tilespmem:s16], [sflag:$0x3], $0x280, $0x38;
	[tilespmem:$0xB80] =	vst v63  }
0xc7: {  	_ =	swait.ge [sflag:s17], $0x280  }
0xc8: {  	[sflag:s17] =	ssyncset.done $0x0  }
0xc9: {  	[sflag:s17] =	ssyncadd.s32 $0xFFFFFD80  }
0xca: {  	[tilespmem:s16], [sflag:$0x3] =	stream.linear.gather [spmem:s9], $0x280, $0x38;
	[tilespmem:$0xB80] =	vst v63  }
0xcb: {  	s0 =	sadd.s32 $0x1, s0;
	_ =	swait.ge [sflag:s17], $0x280  }
0xcc: {  	p0 =	sne.s32 s0, s15;
	[sflag:s17] =	ssyncset.done $0x0  }
.Ltmp1:
0xcd: {  	[sflag:s17] =	ssyncadd.s32 $0xFFFFFD80;
	(pc) =	sbr.rel @p0 .LBB2_1-.Ltmp1, $4  }
0xce: {  	[hbm4b:s14+s4] =	stream.linear.scatter [tilespmem:s16], [sflag:$0x3], $0x280, $0x38;
	[tilespmem:$0xB80] =	vst v63  }
0xcf: {  	_ =	swait.ge [sflag:s17], $0x280  }
0xd0: {  	[sflag:s17] =	ssyncset.done $0x0  }
0xd1: {  	[sflag:s17] =	ssyncadd.s32 $0xFFFFFD80  }
0xd2: {  	_ =	sfence.sel $0x180000  }
0xd3: {  	[bflag:$0x0] =	sbarrier.arrive $0xFFFF  }
0xd4: {  	_ =	strace $0x90000047  }
0xd5: {  	s0 =	stileid.u32;
	[bflag:$0x2] =	sbarrier.arrive $0xFFFF  }
0xd6: {  	p0 =	sne.s32 s0, $0x0;
	s0 =	rddreg [dreg:$0x4]  }
0xd7: {  	s0 =	sadd.s32 @!p0 $0x100000, s0  }
0xd8: {  	[sflag:s0] =	ssyncadd.tile.s32 @!p0 $0x1;
	_ =	shalt  }
.Lfunc_end2:
_tile_overlayer_lowered:
.L_overlay_start_2:
0xd9: {  	(tag) =	ssettag $0x2  }
0xda: {  	s0 =	rddreg [dreg:$0x0];
	s2 =	stileid.u32  }
0xdb: {  	s1 =	rddreg [dreg:$0x1];
	p0 =	sne.s32 s2, $0x0  }
0xdc: {  	s3 =	rddreg [dreg:$0x2];
	[bflag:$0x3] =	sbarrier.arrive $0xFFFF;
	s2 =	simm.s32 @!p0 $0x1C03  }
0xdd: {  	[timem:s3], [sflag:s2] =	dma.local @!p0 [hbm:s0], s1  }
0xde: {  	s0 =	simm.s32 @!p0 $0x3  }
0xdf: {  	_ =	swait.ge @!p0 [sflag:s0], s1  }
0xe0: {  	s1 =	ssub.s32 @!p0 $0x0, s1;
	[sflag:s0] =	ssyncset.done @!p0 $0x0  }
0xe1: {  	[sflag:s0] =	ssyncadd.s32 @!p0 s1  }
0xe2: {  	[bflag:$0x3] =	sbarrier.arrive $0xFFFF  }
0xe3: {  	_ =	shalt  }

</sc_bundles>
